<compile_context>
chip_gen: v7x
topology: tpu7x:2x2x1
jax: 0.10.2.dev20260603
libtpu: 0.0.44.dev20260713+nightly
codegen_flags: <defaults>
</compile_context>

<pallas_src>
import functools

import jax
import jax.numpy as jnp
from jax import lax
from jax.experimental import pallas as pl
from jax.experimental.pallas import tpu as pltpu
from jax.experimental.pallas import tpu_sc as plsc

_N = 10000
_D = 128
_E = 320000
_NC = 2
_NS = 16
_EPT = _E // (_NC * _NS)
_CHUNK = 112
_NCHUNK = 90
_EPTP = _CHUNK * _NCHUNK
_NACC = 10008
_PIECE = 80
_NPIECE = _N // _PIECE
_NBUF = 3
_NGRP = _NCHUNK // _NBUF


def _agg_body(x_hbm, idx_hbm, out_hbm, acc_sh, pk_b, rows_v, gsems, isems,
              ssems):
    c = lax.axis_index("c")
    s = lax.axis_index("s")
    w = c * _NS + s
    cbase = w * _NCHUNK
    npiece_mine = (_NPIECE + _NS - 1 - s) // _NS

    def idx_start(i, d):
        pltpu.async_copy(idx_hbm.at[cbase + i], pk_b[d], isems[d])

    def idx_wait(i, d):
        pltpu.make_async_copy(idx_hbm.at[cbase + i], pk_b[d], isems[d]).wait()

    def gather_start(b, d):
        pltpu.async_copy(x_hbm.at[pk_b[d].at[0]], rows_v[b], gsems[b])

    def gather_wait(b, d):
        pltpu.make_async_copy(x_hbm.at[pk_b[d].at[0]], rows_v[b],
                              gsems[b]).wait()

    def scatter_start(b, d):
        pltpu.async_copy(rows_v[b], acc_sh.at[pk_b[d].at[1]], ssems[b],
                         add=True)

    def scatter_wait(b, d):
        pltpu.make_async_copy(rows_v[b], acc_sh.at[pk_b[d].at[1]],
                              ssems[b]).wait()

    for i in range(_NBUF):
        idx_start(i, i)
    for i in range(_NBUF - 1):
        idx_wait(i, i)
        gather_start(i, i)

    stage = rows_v[2].at[pl.ds(0, _PIECE)]

    def _zstore(i, _):
        for j in range(_D // 16):
            rows_v[2][i, pl.ds(j * 16, 16)] = jnp.zeros((16,), jnp.float32)
        return 0

    lax.fori_loop(0, _PIECE, _zstore, 0)

    def _zpiece(i, _):
        row = (s + i * _NS) * _PIECE
        pltpu.sync_copy(stage, acc_sh.at[pl.ds(row, _PIECE)])
        return 0

    lax.fori_loop(0, npiece_mine, _zpiece, 0)
    plsc.subcore_barrier()

    def _stepk(i, k, first=False):
        b = k % _NBUF
        gather_wait(b, k)
        scatter_start(b, k)
        idx_start(i + 3, (k + 3) % 6)
        idx_wait(i + 2, (k + 2) % 6)
        if not first:
            scatter_wait((k + 2) % _NBUF, (k + 5) % 6)
        gather_start((k + 2) % _NBUF, (k + 2) % 6)

    for k in range(6):
        _stepk(k, k, first=(k == 0))

    def _sgroup(G, _):
        for k in range(6):
            _stepk(G * 6 + k, k)
        return 0

    _NSG = _NCHUNK // 6
    lax.fori_loop(1, _NSG - 1, _sgroup, 0)

    i0 = _NCHUNK - 6
    for k in range(3):
        _stepk(i0 + k, k)
    gather_wait(0, 3)
    scatter_start(0, 3)
    idx_wait(_NCHUNK - 1, 5)
    scatter_wait(2, 2)
    gather_start(2, 5)
    gather_wait(1, 4)
    scatter_start(1, 4)
    scatter_wait(0, 3)
    gather_wait(2, 5)
    scatter_start(2, 5)
    scatter_wait(1, 4)
    scatter_wait(2, 5)

    plsc.subcore_barrier()

    def _wpiece(i, _):
        row = (s + i * _NS) * _PIECE
        pltpu.async_copy(acc_sh.at[pl.ds(row, _PIECE)],
                         out_hbm.at[pl.ds(c * _N + row, _PIECE)], gsems[0])
        return 0

    lax.fori_loop(0, npiece_mine, _wpiece, 0)

    def _wdrain(i, _):
        row = (s + i * _NS) * _PIECE
        pltpu.make_async_copy(acc_sh.at[pl.ds(row, _PIECE)],
                              out_hbm.at[pl.ds(c * _N + row, _PIECE)],
                              gsems[0]).wait()
        return 0

    lax.fori_loop(0, npiece_mine, _wdrain, 0)


_agg = pl.kernel(
    _agg_body,
    out_type=jax.ShapeDtypeStruct((_NC * _N, _D), jnp.float32),
    mesh=plsc.VectorSubcoreMesh(core_axis_name="c", subcore_axis_name="s"),
    scratch_types=[
        pltpu.VMEM_SHARED((_NACC, _D), jnp.float32),
        [pltpu.VMEM((2, _CHUNK), jnp.int32) for _ in range(2 * _NBUF)],
        [pltpu.VMEM((_CHUNK, _D), jnp.float32) for _ in range(_NBUF)],
        [pltpu.SemaphoreType.DMA for _ in range(_NBUF)],
        [pltpu.SemaphoreType.DMA for _ in range(2 * _NBUF)],
        [pltpu.SemaphoreType.DMA for _ in range(_NBUF)],
    ],
)


def _mm_body(relu, p0_ref, p1_ref, x_ref, wrelT_ref, wrootT_ref, b_ref, o_ref):
    agg = p0_ref[...] + p1_ref[...]
    out = jnp.dot(agg, wrelT_ref[...],
                  preferred_element_type=jnp.float32,
                  precision=lax.Precision.HIGHEST)
    out = out + jnp.dot(x_ref[...], wrootT_ref[...],
                        preferred_element_type=jnp.float32,
                        precision=lax.Precision.HIGHEST)
    out = out + b_ref[...]
    if relu:
        out = jnp.maximum(out, 0.0)
    o_ref[...] = out


def _mm(p, x, wrelT, wrootT, b2d, relu):
    blk = 2000
    return pl.pallas_call(
        functools.partial(_mm_body, relu),
        grid=(_N // blk,),
        in_specs=[
            pl.BlockSpec((blk, _D), lambda i: (i, 0)),
            pl.BlockSpec((blk, _D), lambda i: (i + _N // 2000, 0)),
            pl.BlockSpec((blk, _D), lambda i: (i, 0)),
            pl.BlockSpec((_D, _D), lambda i: (0, 0)),
            pl.BlockSpec((_D, _D), lambda i: (0, 0)),
            pl.BlockSpec((1, _D), lambda i: (0, 0)),
        ],
        out_specs=pl.BlockSpec((blk, _D), lambda i: (i, 0)),
        out_shape=jax.ShapeDtypeStruct((_N, _D), jnp.float32),
    )(p, p, x, wrelT, wrootT, b2d)


def kernel(x, edge_index, W1_rel, W1_root, b1, W2_rel, W2_root, b2):
    nw = _NC * _NS
    pad = _EPTP - _EPT
    src = jnp.concatenate(
        [edge_index[0].reshape(nw, _EPT),
         jnp.zeros((nw, pad), jnp.int32)], axis=1)
    dst = jnp.concatenate(
        [edge_index[1].reshape(nw, _EPT),
         jnp.full((nw, pad), _N, jnp.int32)], axis=1)
    idx = jnp.stack(
        [src.reshape(nw, _NCHUNK, _CHUNK), dst.reshape(nw, _NCHUNK, _CHUNK)],
        axis=2).reshape(nw * _NCHUNK, 2, _CHUNK)
    p = _agg(x, idx)
    h = _mm(p, x, W1_rel.T, W1_root.T, b1.reshape(1, _D), True)
    p = _agg(h, idx)
    return _mm(p, h, W2_rel.T, W2_root.T, b2.reshape(1, _D), False)

# --- scband reference (transcript-rebuilt; emitter-appended) ---
"""Pipeline reference for scband-brain-gnn-68959994904998 (READ-ONLY COPY).

The authoritative reference and input builder live on the scoring server;
editing this copy changes nothing except your own understanding.
"""

import jax, jax.numpy as jnp
import numpy as np

N = 10000
E = 320000
D = 128


def setup_inputs(seed: int = 0) -> dict:
    key = jax.random.key(seed)
    ks = jax.random.split(key, 10)
    x = jax.random.normal(ks[0], (N, D), dtype=jnp.float32)
    edge_index = jax.random.randint(ks[1], (2, E), 0, N, dtype=jnp.int32)
    s = 1.0 / np.sqrt(D)
    W1_rel = jax.random.uniform(ks[2], (D, D), minval=-s, maxval=s, dtype=jnp.float32)
    W1_root = jax.random.uniform(ks[3], (D, D), minval=-s, maxval=s, dtype=jnp.float32)
    b1 = jax.random.uniform(ks[4], (D,), minval=-s, maxval=s, dtype=jnp.float32)
    W2_rel = jax.random.uniform(ks[5], (D, D), minval=-s, maxval=s, dtype=jnp.float32)
    W2_root = jax.random.uniform(ks[6], (D, D), minval=-s, maxval=s, dtype=jnp.float32)
    b2 = jax.random.uniform(ks[7], (D,), minval=-s, maxval=s, dtype=jnp.float32)
    return {
        "x": x,
        "edge_index": edge_index,
        "W1_rel": W1_rel,
        "W1_root": W1_root,
        "b1": b1,
        "W2_rel": W2_rel,
        "W2_root": W2_root,
        "b2": b2,
    }


def graph_conv(x, edge_index, W_rel, W_root, b):
    # PyG GraphConv with aggr='add':
    #   out_i = lin_rel( sum_{j in N(i)} x_j ) + lin_root(x_i)
    src = edge_index[0]
    dst = edge_index[1]
    msgs = jnp.take(x, src, axis=0)                      # gather [E, D]
    agg = jax.ops.segment_sum(msgs, dst, num_segments=x.shape[0])  # scatter-add [N, D]
    return agg @ W_rel.T + x @ W_root.T + b


def reference(x, edge_index, W1_rel, W1_root, b1, W2_rel, W2_root, b2):
    h = graph_conv(x, edge_index, W1_rel, W1_root, b1)
    h = jax.nn.relu(h)
    out = graph_conv(h, edge_index, W2_rel, W2_root, b2)
    return out

if __name__ == "__main__":
    import jax
    _d = setup_inputs()
    print(jax.jit(kernel)(*tuple(_d.values())))

</pallas_src>

<mosaic_0001>
#map = affine_map<(d0, d1) -> (0, 0)>
#map1 = affine_map<(d0, d1) -> (0, 0, 0)>
module attributes {stable_mosaic.version = 14 : i64} {
  func.func @_agg_body(%arg0: i32, %arg1: i32, %arg2: memref<10000x128xf32, #tpu.memory_space<hbm>>, %arg3: memref<2880x2x112xi32, #tpu.memory_space<hbm>>, %arg4: memref<20000x128xf32, #tpu.memory_space<hbm>>, %arg5: memref<10008x128xf32, #tpu.memory_space<vmem_shared>>, %arg6: memref<2x112xi32, #tpu.memory_space<vmem>>, %arg7: memref<2x112xi32, #tpu.memory_space<vmem>>, %arg8: memref<2x112xi32, #tpu.memory_space<vmem>>, %arg9: memref<2x112xi32, #tpu.memory_space<vmem>>, %arg10: memref<2x112xi32, #tpu.memory_space<vmem>>, %arg11: memref<2x112xi32, #tpu.memory_space<vmem>>, %arg12: memref<112x128xf32, #tpu.memory_space<vmem>>, %arg13: memref<112x128xf32, #tpu.memory_space<vmem>>, %arg14: memref<112x128xf32, #tpu.memory_space<vmem>>, %arg15: memref<!tpu.dma_semaphore, #tpu.memory_space<semaphore_mem>>, %arg16: memref<!tpu.dma_semaphore, #tpu.memory_space<semaphore_mem>>, %arg17: memref<!tpu.dma_semaphore, #tpu.memory_space<semaphore_mem>>, %arg18: memref<!tpu.dma_semaphore, #tpu.memory_space<semaphore_mem>>, %arg19: memref<!tpu.dma_semaphore, #tpu.memory_space<semaphore_mem>>, %arg20: memref<!tpu.dma_semaphore, #tpu.memory_space<semaphore_mem>>, %arg21: memref<!tpu.dma_semaphore, #tpu.memory_space<semaphore_mem>>, %arg22: memref<!tpu.dma_semaphore, #tpu.memory_space<semaphore_mem>>, %arg23: memref<!tpu.dma_semaphore, #tpu.memory_space<semaphore_mem>>, %arg24: memref<!tpu.dma_semaphore, #tpu.memory_space<semaphore_mem>>, %arg25: memref<!tpu.dma_semaphore, #tpu.memory_space<semaphore_mem>>, %arg26: memref<!tpu.dma_semaphore, #tpu.memory_space<semaphore_mem>>) attributes {dimension_semantics = [#tpu.dimension_semantics<core_parallel>, #tpu.dimension_semantics<subcore_parallel>], iteration_bounds = array<i64: 2, 16>, scalar_prefetch = 0 : i64, scratch_operands = 22 : i64, tpu.core_type = #tpu.core_type<sc_vector_subcore>, window_params = [{transform_indices = #map}, {transform_indices = #map1}, {transform_indices = #map}]} {
    %mul3A = arith.constant 16 : i32
    %mul3A_0 = arith.muli %arg0, %mul3A : i32
    %add3A = arith.addi %mul3A_0, %arg1 : i32
    %mul3A_1 = arith.constant 90 : i32
    %mul3A_2 = arith.muli %add3A, %mul3A_1 : i32
    %sub3A = arith.constant 140 : i32
    %sub3A_3 = arith.subi %sub3A, %arg1 : i32
    %jit3A = arith.constant 16 : i32
    %div3A = arith.divsi %sub3A_3, %jit3A : i32
    %sign3A = arith.constant 0 : i32
    %sign3A_4 = arith.cmpi sgt, %sub3A_3, %sign3A : i32
    %sign3A_5 = arith.extui %sign3A_4 : i1 to i32
    %sign3A_6 = arith.constant 0 : i32
    %sign3A_7 = arith.cmpi slt, %sub3A_3, %sign3A_6 : i32
    %sign3A_8 = arith.extui %sign3A_7 : i1 to i32
    %sign3A_9 = arith.subi %sign3A_5, %sign3A_8 : i32
    %sign3A_10 = arith.constant 0 : i32
    %sign3A_11 = arith.cmpi sgt, %jit3A, %sign3A_10 : i32
    %sign3A_12 = arith.extui %sign3A_11 : i1 to i32
    %sign3A_13 = arith.constant 0 : i32
    %sign3A_14 = arith.cmpi slt, %jit3A, %sign3A_13 : i32
    %sign3A_15 = arith.extui %sign3A_14 : i1 to i32
    %sign3A_16 = arith.subi %sign3A_12, %sign3A_15 : i32
    %ne3A = arith.cmpi ne, %sign3A_9, %sign3A_16 : i32
    %rem3A = arith.remsi %sub3A_3, %jit3A : i32
    %ne3A_17 = arith.constant 0 : i32
    %ne3A_18 = arith.cmpi ne, %rem3A, %ne3A_17 : i32
    %and3A = arith.andi %ne3A, %ne3A_18 : i1
    %sub3A_19 = arith.constant 1 : i32
    %sub3A_20 = arith.subi %div3A, %sub3A_19 : i32
    %select_n3A = arith.select %and3A, %sub3A_20, %div3A : i32
    %add3A_21 = arith.constant 0 : i32
    %add3A_22 = arith.addi %mul3A_2, %add3A_21 : i32
    %dma_start3A = arith.constant 0 : i32
    %dma_start3A_23 = arith.constant 0 : i32
    %dma_start3A_24 = tpu.memref_slice %arg3[%add3A_22, %dma_start3A, %dma_start3A_23] : memref<2880x2x112xi32, #tpu.memory_space<hbm>> -> memref<1x2x112xi32, #tpu.memory_space<hbm>>
    %dma_start3A_25 = tpu.memref_squeeze %dma_start3A_24 : memref<1x2x112xi32, #tpu.memory_space<hbm>> -> memref<2x112xi32, #tpu.memory_space<hbm>>
    %dma_start3A_26 = arith.constant 0 : i32
    %dma_start3A_27 = arith.constant 0 : i32
    %dma_start3A_28 = tpu.memref_slice %arg3[%add3A_22, %dma_start3A_26, %dma_start3A_27] : memref<2880x2x112xi32, #tpu.memory_space<hbm>> -> memref<1x2x112xi32, #tpu.memory_space<hbm>>
    %dma_start3A_29 = tpu.memref_squeeze %dma_start3A_28 : memref<1x2x112xi32, #tpu.memory_space<hbm>> -> memref<2x112xi32, #tpu.memory_space<hbm>>
    tpu.enqueue_dma source(%dma_start3A_29 : memref<2x112xi32, #tpu.memory_space<hbm>>) target(%arg6 : memref<2x112xi32, #tpu.memory_space<vmem>>) target_semaphore(%arg18 : memref<!tpu.dma_semaphore, #tpu.memory_space<semaphore_mem>>)
    %add3A_30 = arith.constant 1 : i32
    %add3A_31 = arith.addi %mul3A_2, %add3A_30 : i32
    %dma_start3A_32 = arith.constant 0 : i32
    %dma_start3A_33 = arith.constant 0 : i32
    %dma_start3A_34 = tpu.memref_slice %arg3[%add3A_31, %dma_start3A_32, %dma_start3A_33] : memref<2880x2x112xi32, #tpu.memory_space<hbm>> -> memref<1x2x112xi32, #tpu.memory_space<hbm>>
    %dma_start3A_35 = tpu.memref_squeeze %dma_start3A_34 : memref<1x2x112xi32, #tpu.memory_space<hbm>> -> memref<2x112xi32, #tpu.memory_space<hbm>>
    %dma_start3A_36 = arith.constant 0 : i32
    %dma_start3A_37 = arith.constant 0 : i32
    %dma_start3A_38 = tpu.memref_slice %arg3[%add3A_31, %dma_start3A_36, %dma_start3A_37] : memref<2880x2x112xi32, #tpu.memory_space<hbm>> -> memref<1x2x112xi32, #tpu.memory_space<hbm>>
    %dma_start3A_39 = tpu.memref_squeeze %dma_start3A_38 : memref<1x2x112xi32, #tpu.memory_space<hbm>> -> memref<2x112xi32, #tpu.memory_space<hbm>>
    tpu.enqueue_dma source(%dma_start3A_39 : memref<2x112xi32, #tpu.memory_space<hbm>>) target(%arg7 : memref<2x112xi32, #tpu.memory_space<vmem>>) target_semaphore(%arg19 : memref<!tpu.dma_semaphore, #tpu.memory_space<semaphore_mem>>)
    %add3A_40 = arith.constant 2 : i32
    %add3A_41 = arith.addi %mul3A_2, %add3A_40 : i32
    %dma_start3A_42 = arith.constant 0 : i32
    %dma_start3A_43 = arith.constant 0 : i32
    %dma_start3A_44 = tpu.memref_slice %arg3[%add3A_41, %dma_start3A_42, %dma_start3A_43] : memref<2880x2x112xi32, #tpu.memory_space<hbm>> -> memref<1x2x112xi32, #tpu.memory_space<hbm>>
    %dma_start3A_45 = tpu.memref_squeeze %dma_start3A_44 : memref<1x2x112xi32, #tpu.memory_space<hbm>> -> memref<2x112xi32, #tpu.memory_space<hbm>>
    %dma_start3A_46 = arith.constant 0 : i32
    %dma_start3A_47 = arith.constant 0 : i32
    %dma_start3A_48 = tpu.memref_slice %arg3[%add3A_41, %dma_start3A_46, %dma_start3A_47] : memref<2880x2x112xi32, #tpu.memory_space<hbm>> -> memref<1x2x112xi32, #tpu.memory_space<hbm>>
    %dma_start3A_49 = tpu.memref_squeeze %dma_start3A_48 : memref<1x2x112xi32, #tpu.memory_space<hbm>> -> memref<2x112xi32, #tpu.memory_space<hbm>>
    tpu.enqueue_dma source(%dma_start3A_49 : memref<2x112xi32, #tpu.memory_space<hbm>>) target(%arg8 : memref<2x112xi32, #tpu.memory_space<vmem>>) target_semaphore(%arg20 : memref<!tpu.dma_semaphore, #tpu.memory_space<semaphore_mem>>)
    %add3A_50 = arith.constant 0 : i32
    %add3A_51 = arith.addi %mul3A_2, %add3A_50 : i32
    %dma_wait3A = arith.constant 0 : i32
    %dma_wait3A_52 = arith.constant 0 : i32
    %dma_wait3A_53 = tpu.memref_slice %arg3[%add3A_51, %dma_wait3A, %dma_wait3A_52] : memref<2880x2x112xi32, #tpu.memory_space<hbm>> -> memref<1x2x112xi32, #tpu.memory_space<hbm>>
    %dma_wait3A_54 = tpu.memref_squeeze %dma_wait3A_53 : memref<1x2x112xi32, #tpu.memory_space<hbm>> -> memref<2x112xi32, #tpu.memory_space<hbm>>
    %dma_wait3A_55 = arith.constant 0 : i32
    %dma_wait3A_56 = arith.constant 0 : i32
    %dma_wait3A_57 = tpu.memref_slice %arg3[%add3A_51, %dma_wait3A_55, %dma_wait3A_56] : memref<2880x2x112xi32, #tpu.memory_space<hbm>> -> memref<1x2x112xi32, #tpu.memory_space<hbm>>
    %dma_wait3A_58 = tpu.memref_squeeze %dma_wait3A_57 : memref<1x2x112xi32, #tpu.memory_space<hbm>> -> memref<2x112xi32, #tpu.memory_space<hbm>>
    tpu.wait_dma2 semaphore(%arg18 : memref<!tpu.dma_semaphore, #tpu.memory_space<semaphore_mem>>) src(%dma_wait3A_58 : memref<2x112xi32, #tpu.memory_space<hbm>>) dst(%arg6 : memref<2x112xi32, #tpu.memory_space<vmem>>)
    %dma_start3A_59 = arith.constant 0 : i32
    %dma_start3A_60 = arith.constant 0 : i32
    %dma_start3A_61 = tpu.memref_slice %arg6[%dma_start3A_59, %dma_start3A_60] : memref<2x112xi32, #tpu.memory_space<vmem>> -> memref<1x112xi32, #tpu.memory_space<vmem>>
    %dma_start3A_62 = tpu.memref_squeeze %dma_start3A_61 : memref<1x112xi32, #tpu.memory_space<vmem>> -> memref<112xi32, #tpu.memory_space<vmem>>
    %dma_start3A_63 = arith.constant 0 : i32
    %dma_start3A_64 = arith.constant 0 : i32
    %dma_start3A_65 = tpu.memref_slice %arg2[%dma_start3A_63, %dma_start3A_64] : memref<10000x128xf32, #tpu.memory_space<hbm>> -> memref<10000x128xf32, #tpu.memory_space<hbm>>
    tpu.enqueue_indirect_dma source(%dma_start3A_65 : memref<10000x128xf32, #tpu.memory_space<hbm>>) target(%arg12 : memref<112x128xf32, #tpu.memory_space<vmem>>) offsets(%dma_start3A_62 : memref<112xi32, #tpu.memory_space<vmem>>) semaphore(%arg15 : memref<!tpu.dma_semaphore, #tpu.memory_space<semaphore_mem>>)
    %add3A_66 = arith.constant 1 : i32
    %add3A_67 = arith.addi %mul3A_2, %add3A_66 : i32
    %dma_wait3A_68 = arith.constant 0 : i32
    %dma_wait3A_69 = arith.constant 0 : i32
    %dma_wait3A_70 = tpu.memref_slice %arg3[%add3A_67, %dma_wait3A_68, %dma_wait3A_69] : memref<2880x2x112xi32, #tpu.memory_space<hbm>> -> memref<1x2x112xi32, #tpu.memory_space<hbm>>
    %dma_wait3A_71 = tpu.memref_squeeze %dma_wait3A_70 : memref<1x2x112xi32, #tpu.memory_space<hbm>> -> memref<2x112xi32, #tpu.memory_space<hbm>>
    %dma_wait3A_72 = arith.constant 0 : i32
    %dma_wait3A_73 = arith.constant 0 : i32
    %dma_wait3A_74 = tpu.memref_slice %arg3[%add3A_67, %dma_wait3A_72, %dma_wait3A_73] : memref<2880x2x112xi32, #tpu.memory_space<hbm>> -> memref<1x2x112xi32, #tpu.memory_space<hbm>>
    %dma_wait3A_75 = tpu.memref_squeeze %dma_wait3A_74 : memref<1x2x112xi32, #tpu.memory_space<hbm>> -> memref<2x112xi32, #tpu.memory_space<hbm>>
    tpu.wait_dma2 semaphore(%arg19 : memref<!tpu.dma_semaphore, #tpu.memory_space<semaphore_mem>>) src(%dma_wait3A_75 : memref<2x112xi32, #tpu.memory_space<hbm>>) dst(%arg7 : memref<2x112xi32, #tpu.memory_space<vmem>>)
    %dma_start3A_76 = arith.constant 0 : i32
    %dma_start3A_77 = arith.constant 0 : i32
    %dma_start3A_78 = tpu.memref_slice %arg7[%dma_start3A_76, %dma_start3A_77] : memref<2x112xi32, #tpu.memory_space<vmem>> -> memref<1x112xi32, #tpu.memory_space<vmem>>
    %dma_start3A_79 = tpu.memref_squeeze %dma_start3A_78 : memref<1x112xi32, #tpu.memory_space<vmem>> -> memref<112xi32, #tpu.memory_space<vmem>>
    %dma_start3A_80 = arith.constant 0 : i32
    %dma_start3A_81 = arith.constant 0 : i32
    %dma_start3A_82 = tpu.memref_slice %arg2[%dma_start3A_80, %dma_start3A_81] : memref<10000x128xf32, #tpu.memory_space<hbm>> -> memref<10000x128xf32, #tpu.memory_space<hbm>>
    tpu.enqueue_indirect_dma source(%dma_start3A_82 : memref<10000x128xf32, #tpu.memory_space<hbm>>) target(%arg13 : memref<112x128xf32, #tpu.memory_space<vmem>>) offsets(%dma_start3A_79 : memref<112xi32, #tpu.memory_space<vmem>>) semaphore(%arg16 : memref<!tpu.dma_semaphore, #tpu.memory_space<semaphore_mem>>)
    %scan3A = arith.constant 0 : i32
    %scan3A_83 = arith.constant 0 : i32
    %scan3A_84 = arith.constant 80 : i32
    %scan3A_85 = arith.addi %scan3A_83, %scan3A_84 : i32
    %scan3A_86 = arith.constant 1 : i32
    %scan3A_87 = scf.for %scan3A_644 = %scan3A_83 to %scan3A_85 step %scan3A_86 iter_args(%scan3A_645 = %scan3A) -> (i32)  : i32 {
      %broadcast_in_dim3A = arith.constant 0.000000e+00 : f32
      %broadcast_in_dim3A_646 = vector.broadcast %broadcast_in_dim3A : f32 to vector<16xf32>
      %swap3A = arith.index_cast %scan3A_644 : i32 to index
      %swap3A_647 = arith.constant 0 : index
      %swap3A_648 = tpu.vector_load %arg14[%swap3A, %swap3A_647] {strides = array<i32>} : memref<112x128xf32, #tpu.memory_space<vmem>>, vector<1x16xf32>,
      %swap3A_649 = vector.shape_cast %swap3A_648 : vector<1x16xf32> to vector<16xf32>
      %swap3A_650 = vector.shape_cast %broadcast_in_dim3A_646 : vector<16xf32> to vector<1x16xf32>
      tpu.vector_store %arg14[%swap3A, %swap3A_647], %swap3A_650 {strides = array<i32>} : memref<112x128xf32, #tpu.memory_space<vmem>>, vector<1x16xf32>,
      %broadcast_in_dim3A_651 = arith.constant 0.000000e+00 : f32
      %broadcast_in_dim3A_652 = vector.broadcast %broadcast_in_dim3A_651 : f32 to vector<16xf32>
      %swap3A_653 = arith.index_cast %scan3A_644 : i32 to index
      %swap3A_654 = arith.constant 16 : index
      %swap3A_655 = tpu.vector_load %arg14[%swap3A_653, %swap3A_654] {strides = array<i32>} : memref<112x128xf32, #tpu.memory_space<vmem>>, vector<1x16xf32>,
      %swap3A_656 = vector.shape_cast %swap3A_655 : vector<1x16xf32> to vector<16xf32>
      %swap3A_657 = vector.shape_cast %broadcast_in_dim3A_652 : vector<16xf32> to vector<1x16xf32>
      tpu.vector_store %arg14[%swap3A_653, %swap3A_654], %swap3A_657 {strides = array<i32>} : memref<112x128xf32, #tpu.memory_space<vmem>>, vector<1x16xf32>,
      %broadcast_in_dim3A_658 = arith.constant 0.000000e+00 : f32
      %broadcast_in_dim3A_659 = vector.broadcast %broadcast_in_dim3A_658 : f32 to vector<16xf32>
      %swap3A_660 = arith.index_cast %scan3A_644 : i32 to index
      %swap3A_661 = arith.constant 32 : index
      %swap3A_662 = tpu.vector_load %arg14[%swap3A_660, %swap3A_661] {strides = array<i32>} : memref<112x128xf32, #tpu.memory_space<vmem>>, vector<1x16xf32>,
      %swap3A_663 = vector.shape_cast %swap3A_662 : vector<1x16xf32> to vector<16xf32>
      %swap3A_664 = vector.shape_cast %broadcast_in_dim3A_659 : vector<16xf32> to vector<1x16xf32>
      tpu.vector_store %arg14[%swap3A_660, %swap3A_661], %swap3A_664 {strides = array<i32>} : memref<112x128xf32, #tpu.memory_space<vmem>>, vector<1x16xf32>,
      %broadcast_in_dim3A_665 = arith.constant 0.000000e+00 : f32
      %broadcast_in_dim3A_666 = vector.broadcast %broadcast_in_dim3A_665 : f32 to vector<16xf32>
      %swap3A_667 = arith.index_cast %scan3A_644 : i32 to index
      %swap3A_668 = arith.constant 48 : index
      %swap3A_669 = tpu.vector_load %arg14[%swap3A_667, %swap3A_668] {strides = array<i32>} : memref<112x128xf32, #tpu.memory_space<vmem>>, vector<1x16xf32>,
      %swap3A_670 = vector.shape_cast %swap3A_669 : vector<1x16xf32> to vector<16xf32>
      %swap3A_671 = vector.shape_cast %broadcast_in_dim3A_666 : vector<16xf32> to vector<1x16xf32>
      tpu.vector_store %arg14[%swap3A_667, %swap3A_668], %swap3A_671 {strides = array<i32>} : memref<112x128xf32, #tpu.memory_space<vmem>>, vector<1x16xf32>,
      %broadcast_in_dim3A_672 = arith.constant 0.000000e+00 : f32
      %broadcast_in_dim3A_673 = vector.broadcast %broadcast_in_dim3A_672 : f32 to vector<16xf32>
      %swap3A_674 = arith.index_cast %scan3A_644 : i32 to index
      %swap3A_675 = arith.constant 64 : index
      %swap3A_676 = tpu.vector_load %arg14[%swap3A_674, %swap3A_675] {strides = array<i32>} : memref<112x128xf32, #tpu.memory_space<vmem>>, vector<1x16xf32>,
      %swap3A_677 = vector.shape_cast %swap3A_676 : vector<1x16xf32> to vector<16xf32>
      %swap3A_678 = vector.shape_cast %broadcast_in_dim3A_673 : vector<16xf32> to vector<1x16xf32>
      tpu.vector_store %arg14[%swap3A_674, %swap3A_675], %swap3A_678 {strides = array<i32>} : memref<112x128xf32, #tpu.memory_space<vmem>>, vector<1x16xf32>,
      %broadcast_in_dim3A_679 = arith.constant 0.000000e+00 : f32
      %broadcast_in_dim3A_680 = vector.broadcast %broadcast_in_dim3A_679 : f32 to vector<16xf32>
      %swap3A_681 = arith.index_cast %scan3A_644 : i32 to index
      %swap3A_682 = arith.constant 80 : index
      %swap3A_683 = tpu.vector_load %arg14[%swap3A_681, %swap3A_682] {strides = array<i32>} : memref<112x128xf32, #tpu.memory_space<vmem>>, vector<1x16xf32>,
      %swap3A_684 = vector.shape_cast %swap3A_683 : vector<1x16xf32> to vector<16xf32>
      %swap3A_685 = vector.shape_cast %broadcast_in_dim3A_680 : vector<16xf32> to vector<1x16xf32>
      tpu.vector_store %arg14[%swap3A_681, %swap3A_682], %swap3A_685 {strides = array<i32>} : memref<112x128xf32, #tpu.memory_space<vmem>>, vector<1x16xf32>,
      %broadcast_in_dim3A_686 = arith.constant 0.000000e+00 : f32
      %broadcast_in_dim3A_687 = vector.broadcast %broadcast_in_dim3A_686 : f32 to vector<16xf32>
      %swap3A_688 = arith.index_cast %scan3A_644 : i32 to index
      %swap3A_689 = arith.constant 96 : index
      %swap3A_690 = tpu.vector_load %arg14[%swap3A_688, %swap3A_689] {strides = array<i32>} : memref<112x128xf32, #tpu.memory_space<vmem>>, vector<1x16xf32>,
      %swap3A_691 = vector.shape_cast %swap3A_690 : vector<1x16xf32> to vector<16xf32>
      %swap3A_692 = vector.shape_cast %broadcast_in_dim3A_687 : vector<16xf32> to vector<1x16xf32>
      tpu.vector_store %arg14[%swap3A_688, %swap3A_689], %swap3A_692 {strides = array<i32>} : memref<112x128xf32, #tpu.memory_space<vmem>>, vector<1x16xf32>,
      %broadcast_in_dim3A_693 = arith.constant 0.000000e+00 : f32
      %broadcast_in_dim3A_694 = vector.broadcast %broadcast_in_dim3A_693 : f32 to vector<16xf32>
      %swap3A_695 = arith.index_cast %scan3A_644 : i32 to index
      %swap3A_696 = arith.constant 112 : index
      %swap3A_697 = tpu.vector_load %arg14[%swap3A_695, %swap3A_696] {strides = array<i32>} : memref<112x128xf32, #tpu.memory_space<vmem>>, vector<1x16xf32>,
      %swap3A_698 = vector.shape_cast %swap3A_697 : vector<1x16xf32> to vector<16xf32>
      %swap3A_699 = vector.shape_cast %broadcast_in_dim3A_694 : vector<16xf32> to vector<1x16xf32>
      tpu.vector_store %arg14[%swap3A_695, %swap3A_696], %swap3A_699 {strides = array<i32>} : memref<112x128xf32, #tpu.memory_space<vmem>>, vector<1x16xf32>,
      %scan3A_700 = arith.constant 0 : i32
      scf.yield %scan3A_700 : i32
    }
    %scan3A_88 = arith.constant 80 : i32
    %while3A = arith.constant 0 : i32
    %while3A_89 = arith.constant 0 : i32
    %while3A_90 = arith.subi %select_n3A, %while3A : i32
    %while3A_91 = arith.addi %while3A, %while3A_90 : i32
    %while3A_92 = arith.constant 1 : i32
    %while3A_93 = arith.divsi %while3A_90, %while3A_92 : i32
    %while3A_94 = arith.muli %while3A_93, %while3A_92 : i32
    %while3A_95 = arith.addi %while3A, %while3A_94 : i32
    %while3A_96 = arith.constant 1 : i32
    %while3A_97 = scf.for %while3A_644 = %while3A to %while3A_95 step %while3A_96 iter_args(%while3A_645 = %while3A_89) -> (i32)  : i32 {
      %mul3A_646 = arith.constant 16 : i32
      %mul3A_647 = arith.muli %while3A_644, %mul3A_646 : i32
      %add3A_648 = arith.addi %arg1, %mul3A_647 : i32
      %mul3A_649 = arith.constant 80 : i32
      %mul3A_650 = arith.muli %add3A_648, %mul3A_649 : i32
      "tpu.region"() ({
        %run_scoped3A = tpu.sem_alloc : memref<!tpu.dma_semaphore, #tpu.memory_space<semaphore_mem>>
        %dma_start3A_652 = arith.constant 0 : i32
        %dma_start3A_653 = arith.constant 0 : i32
        %dma_start3A_654 = tpu.memref_slice %arg14[%dma_start3A_652, %dma_start3A_653] : memref<112x128xf32, #tpu.memory_space<vmem>> -> memref<80x128xf32, #tpu.memory_space<vmem>>
        %dma_start3A_655 = arith.constant 0 : i32
        %dma_start3A_656 = tpu.memref_slice %arg5[%mul3A_650, %dma_start3A_655] : memref<10008x128xf32, #tpu.memory_space<vmem_shared>> -> memref<80x128xf32, #tpu.memory_space<vmem_shared>>
        %dma_start3A_657 = arith.constant 0 : i32
        %dma_start3A_658 = tpu.memref_slice %arg5[%mul3A_650, %dma_start3A_657] : memref<10008x128xf32, #tpu.memory_space<vmem_shared>> -> memref<80x128xf32, #tpu.memory_space<vmem_shared>>
        %dma_start3A_659 = arith.constant 0 : i32
        %dma_start3A_660 = arith.constant 0 : i32
        %dma_start3A_661 = tpu.memref_slice %arg14[%dma_start3A_659, %dma_start3A_660] : memref<112x128xf32, #tpu.memory_space<vmem>> -> memref<80x128xf32, #tpu.memory_space<vmem>>
        tpu.enqueue_dma source(%dma_start3A_661 : memref<80x128xf32, #tpu.memory_space<vmem>>) target(%dma_start3A_658 : memref<80x128xf32, #tpu.memory_space<vmem_shared>>) target_semaphore(%run_scoped3A : memref<!tpu.dma_semaphore, #tpu.memory_space<semaphore_mem>>)
        %dma_wait3A_662 = arith.constant 0 : i32
        %dma_wait3A_663 = arith.constant 0 : i32
        %dma_wait3A_664 = tpu.memref_slice %arg14[%dma_wait3A_662, %dma_wait3A_663] : memref<112x128xf32, #tpu.memory_space<vmem>> -> memref<80x128xf32, #tpu.memory_space<vmem>>
        %dma_wait3A_665 = arith.constant 0 : i32
        %dma_wait3A_666 = tpu.memref_slice %arg5[%mul3A_650, %dma_wait3A_665] : memref<10008x128xf32, #tpu.memory_space<vmem_shared>> -> memref<80x128xf32, #tpu.memory_space<vmem_shared>>
        %dma_wait3A_667 = arith.constant 0 : i32
        %dma_wait3A_668 = tpu.memref_slice %arg5[%mul3A_650, %dma_wait3A_667] : memref<10008x128xf32, #tpu.memory_space<vmem_shared>> -> memref<80x128xf32, #tpu.memory_space<vmem_shared>>
        %dma_wait3A_669 = arith.constant 0 : i32
        %dma_wait3A_670 = arith.constant 0 : i32
        %dma_wait3A_671 = tpu.memref_slice %arg14[%dma_wait3A_669, %dma_wait3A_670] : memref<112x128xf32, #tpu.memory_space<vmem>> -> memref<80x128xf32, #tpu.memory_space<vmem>>
        tpu.wait_dma2 semaphore(%run_scoped3A : memref<!tpu.dma_semaphore, #tpu.memory_space<semaphore_mem>>) src(%dma_wait3A_671 : memref<80x128xf32, #tpu.memory_space<vmem>>) dst(%dma_wait3A_668 : memref<80x128xf32, #tpu.memory_space<vmem_shared>>)
        tpu.yield
      }) : () -> ()
      %while3A_651 = arith.constant 0 : i32
      scf.yield %while3A_651 : i32
    }
    %while3A_98 = arith.constant 1 : i32
    %while3A_99 = scf.for %while3A_644 = %while3A_95 to %while3A_91 step %while3A_98 iter_args(%while3A_645 = %while3A_97) -> (i32)  : i32 {
      %mul3A_646 = arith.constant 16 : i32
      %mul3A_647 = arith.muli %while3A_644, %mul3A_646 : i32
      %add3A_648 = arith.addi %arg1, %mul3A_647 : i32
      %mul3A_649 = arith.constant 80 : i32
      %mul3A_650 = arith.muli %add3A_648, %mul3A_649 : i32
      "tpu.region"() ({
        %run_scoped3A = tpu.sem_alloc : memref<!tpu.dma_semaphore, #tpu.memory_space<semaphore_mem>>
        %dma_start3A_652 = arith.constant 0 : i32
        %dma_start3A_653 = arith.constant 0 : i32
        %dma_start3A_654 = tpu.memref_slice %arg14[%dma_start3A_652, %dma_start3A_653] : memref<112x128xf32, #tpu.memory_space<vmem>> -> memref<80x128xf32, #tpu.memory_space<vmem>>
        %dma_start3A_655 = arith.constant 0 : i32
        %dma_start3A_656 = tpu.memref_slice %arg5[%mul3A_650, %dma_start3A_655] : memref<10008x128xf32, #tpu.memory_space<vmem_shared>> -> memref<80x128xf32, #tpu.memory_space<vmem_shared>>
        %dma_start3A_657 = arith.constant 0 : i32
        %dma_start3A_658 = tpu.memref_slice %arg5[%mul3A_650, %dma_start3A_657] : memref<10008x128xf32, #tpu.memory_space<vmem_shared>> -> memref<80x128xf32, #tpu.memory_space<vmem_shared>>
        %dma_start3A_659 = arith.constant 0 : i32
        %dma_start3A_660 = arith.constant 0 : i32
        %dma_start3A_661 = tpu.memref_slice %arg14[%dma_start3A_659, %dma_start3A_660] : memref<112x128xf32, #tpu.memory_space<vmem>> -> memref<80x128xf32, #tpu.memory_space<vmem>>
        tpu.enqueue_dma source(%dma_start3A_661 : memref<80x128xf32, #tpu.memory_space<vmem>>) target(%dma_start3A_658 : memref<80x128xf32, #tpu.memory_space<vmem_shared>>) target_semaphore(%run_scoped3A : memref<!tpu.dma_semaphore, #tpu.memory_space<semaphore_mem>>)
        %dma_wait3A_662 = arith.constant 0 : i32
        %dma_wait3A_663 = arith.constant 0 : i32
        %dma_wait3A_664 = tpu.memref_slice %arg14[%dma_wait3A_662, %dma_wait3A_663] : memref<112x128xf32, #tpu.memory_space<vmem>> -> memref<80x128xf32, #tpu.memory_space<vmem>>
        %dma_wait3A_665 = arith.constant 0 : i32
        %dma_wait3A_666 = tpu.memref_slice %arg5[%mul3A_650, %dma_wait3A_665] : memref<10008x128xf32, #tpu.memory_space<vmem_shared>> -> memref<80x128xf32, #tpu.memory_space<vmem_shared>>
        %dma_wait3A_667 = arith.constant 0 : i32
        %dma_wait3A_668 = tpu.memref_slice %arg5[%mul3A_650, %dma_wait3A_667] : memref<10008x128xf32, #tpu.memory_space<vmem_shared>> -> memref<80x128xf32, #tpu.memory_space<vmem_shared>>
        %dma_wait3A_669 = arith.constant 0 : i32
        %dma_wait3A_670 = arith.constant 0 : i32
        %dma_wait3A_671 = tpu.memref_slice %arg14[%dma_wait3A_669, %dma_wait3A_670] : memref<112x128xf32, #tpu.memory_space<vmem>> -> memref<80x128xf32, #tpu.memory_space<vmem>>
        tpu.wait_dma2 semaphore(%run_scoped3A : memref<!tpu.dma_semaphore, #tpu.memory_space<semaphore_mem>>) src(%dma_wait3A_671 : memref<80x128xf32, #tpu.memory_space<vmem>>) dst(%dma_wait3A_668 : memref<80x128xf32, #tpu.memory_space<vmem_shared>>)
        tpu.yield
      }) : () -> ()
      %while3A_651 = arith.constant 0 : i32
      scf.yield %while3A_651 : i32
    }
    %barrier3A = arith.constant 0 : index
    tpu.barrier barrier_id(%barrier3A)
    %dma_wait3A_100 = arith.constant 0 : i32
    %dma_wait3A_101 = arith.constant 0 : i32
    %dma_wait3A_102 = tpu.memref_slice %arg6[%dma_wait3A_100, %dma_wait3A_101] : memref<2x112xi32, #tpu.memory_space<vmem>> -> memref<1x112xi32, #tpu.memory_space<vmem>>
    %dma_wait3A_103 = tpu.memref_squeeze %dma_wait3A_102 : memref<1x112xi32, #tpu.memory_space<vmem>> -> memref<112xi32, #tpu.memory_space<vmem>>
    %dma_wait3A_104 = arith.constant 0 : i32
    %dma_wait3A_105 = arith.constant 0 : i32
    %dma_wait3A_106 = tpu.memref_slice %arg2[%dma_wait3A_104, %dma_wait3A_105] : memref<10000x128xf32, #tpu.memory_space<hbm>> -> memref<10000x128xf32, #tpu.memory_space<hbm>>
    tpu.wait_indirect_dma semaphore(%arg15 : memref<!tpu.dma_semaphore, #tpu.memory_space<semaphore_mem>>) src(%dma_wait3A_106 : memref<10000x128xf32, #tpu.memory_space<hbm>>) dst(%arg12 : memref<112x128xf32, #tpu.memory_space<vmem>>)
    %dma_start3A_107 = arith.constant 1 : i32
    %dma_start3A_108 = arith.constant 0 : i32
    %dma_start3A_109 = tpu.memref_slice %arg6[%dma_start3A_107, %dma_start3A_108] : memref<2x112xi32, #tpu.memory_space<vmem>> -> memref<1x112xi32, #tpu.memory_space<vmem>>
    %dma_start3A_110 = tpu.memref_squeeze %dma_start3A_109 : memref<1x112xi32, #tpu.memory_space<vmem>> -> memref<112xi32, #tpu.memory_space<vmem>>
    %dma_start3A_111 = arith.constant 0 : i32
    %dma_start3A_112 = arith.constant 0 : i32
    %dma_start3A_113 = tpu.memref_slice %arg5[%dma_start3A_111, %dma_start3A_112] : memref<10008x128xf32, #tpu.memory_space<vmem_shared>> -> memref<10008x128xf32, #tpu.memory_space<vmem_shared>>
    tpu.enqueue_indirect_dma source(%arg12 : memref<112x128xf32, #tpu.memory_space<vmem>>) target(%dma_start3A_113 : memref<10008x128xf32, #tpu.memory_space<vmem_shared>>) offsets(%dma_start3A_110 : memref<112xi32, #tpu.memory_space<vmem>>) semaphore(%arg24 : memref<!tpu.dma_semaphore, #tpu.memory_space<semaphore_mem>>) {add = true}
    %add3A_114 = arith.constant 3 : i32
    %add3A_115 = arith.addi %mul3A_2, %add3A_114 : i32
    %dma_start3A_116 = arith.constant 0 : i32
    %dma_start3A_117 = arith.constant 0 : i32
    %dma_start3A_118 = tpu.memref_slice %arg3[%add3A_115, %dma_start3A_116, %dma_start3A_117] : memref<2880x2x112xi32, #tpu.memory_space<hbm>> -> memref<1x2x112xi32, #tpu.memory_space<hbm>>
    %dma_start3A_119 = tpu.memref_squeeze %dma_start3A_118 : memref<1x2x112xi32, #tpu.memory_space<hbm>> -> memref<2x112xi32, #tpu.memory_space<hbm>>
    %dma_start3A_120 = arith.constant 0 : i32
    %dma_start3A_121 = arith.constant 0 : i32
    %dma_start3A_122 = tpu.memref_slice %arg3[%add3A_115, %dma_start3A_120, %dma_start3A_121] : memref<2880x2x112xi32, #tpu.memory_space<hbm>> -> memref<1x2x112xi32, #tpu.memory_space<hbm>>
    %dma_start3A_123 = tpu.memref_squeeze %dma_start3A_122 : memref<1x2x112xi32, #tpu.memory_space<hbm>> -> memref<2x112xi32, #tpu.memory_space<hbm>>
    tpu.enqueue_dma source(%dma_start3A_123 : memref<2x112xi32, #tpu.memory_space<hbm>>) target(%arg9 : memref<2x112xi32, #tpu.memory_space<vmem>>) target_semaphore(%arg21 : memref<!tpu.dma_semaphore, #tpu.memory_space<semaphore_mem>>)
    %add3A_124 = arith.constant 2 : i32
    %add3A_125 = arith.addi %mul3A_2, %add3A_124 : i32
    %dma_wait3A_126 = arith.constant 0 : i32
    %dma_wait3A_127 = arith.constant 0 : i32
    %dma_wait3A_128 = tpu.memref_slice %arg3[%add3A_125, %dma_wait3A_126, %dma_wait3A_127] : memref<2880x2x112xi32, #tpu.memory_space<hbm>> -> memref<1x2x112xi32, #tpu.memory_space<hbm>>
    %dma_wait3A_129 = tpu.memref_squeeze %dma_wait3A_128 : memref<1x2x112xi32, #tpu.memory_space<hbm>> -> memref<2x112xi32, #tpu.memory_space<hbm>>
    %dma_wait3A_130 = arith.constant 0 : i32
    %dma_wait3A_131 = arith.constant 0 : i32
    %dma_wait3A_132 = tpu.memref_slice %arg3[%add3A_125, %dma_wait3A_130, %dma_wait3A_131] : memref<2880x2x112xi32, #tpu.memory_space<hbm>> -> memref<1x2x112xi32, #tpu.memory_space<hbm>>
    %dma_wait3A_133 = tpu.memref_squeeze %dma_wait3A_132 : memref<1x2x112xi32, #tpu.memory_space<hbm>> -> memref<2x112xi32, #tpu.memory_space<hbm>>
    tpu.wait_dma2 semaphore(%arg20 : memref<!tpu.dma_semaphore, #tpu.memory_space<semaphore_mem>>) src(%dma_wait3A_133 : memref<2x112xi32, #tpu.memory_space<hbm>>) dst(%arg8 : memref<2x112xi32, #tpu.memory_space<vmem>>)
    %dma_start3A_134 = arith.constant 0 : i32
    %dma_start3A_135 = arith.constant 0 : i32
    %dma_start3A_136 = tpu.memref_slice %arg8[%dma_start3A_134, %dma_start3A_135] : memref<2x112xi32, #tpu.memory_space<vmem>> -> memref<1x112xi32, #tpu.memory_space<vmem>>
    %dma_start3A_137 = tpu.memref_squeeze %dma_start3A_136 : memref<1x112xi32, #tpu.memory_space<vmem>> -> memref<112xi32, #tpu.memory_space<vmem>>
    %dma_start3A_138 = arith.constant 0 : i32
    %dma_start3A_139 = arith.constant 0 : i32
    %dma_start3A_140 = tpu.memref_slice %arg2[%dma_start3A_138, %dma_start3A_139] : memref<10000x128xf32, #tpu.memory_space<hbm>> -> memref<10000x128xf32, #tpu.memory_space<hbm>>
    tpu.enqueue_indirect_dma source(%dma_start3A_140 : memref<10000x128xf32, #tpu.memory_space<hbm>>) target(%arg14 : memref<112x128xf32, #tpu.memory_space<vmem>>) offsets(%dma_start3A_137 : memref<112xi32, #tpu.memory_space<vmem>>) semaphore(%arg17 : memref<!tpu.dma_semaphore, #tpu.memory_space<semaphore_mem>>)
    %dma_wait3A_141 = arith.constant 0 : i32
    %dma_wait3A_142 = arith.constant 0 : i32
    %dma_wait3A_143 = tpu.memref_slice %arg7[%dma_wait3A_141, %dma_wait3A_142] : memref<2x112xi32, #tpu.memory_space<vmem>> -> memref<1x112xi32, #tpu.memory_space<vmem>>
    %dma_wait3A_144 = tpu.memref_squeeze %dma_wait3A_143 : memref<1x112xi32, #tpu.memory_space<vmem>> -> memref<112xi32, #tpu.memory_space<vmem>>
    %dma_wait3A_145 = arith.constant 0 : i32
    %dma_wait3A_146 = arith.constant 0 : i32
    %dma_wait3A_147 = tpu.memref_slice %arg2[%dma_wait3A_145, %dma_wait3A_146] : memref<10000x128xf32, #tpu.memory_space<hbm>> -> memref<10000x128xf32, #tpu.memory_space<hbm>>
    tpu.wait_indirect_dma semaphore(%arg16 : memref<!tpu.dma_semaphore, #tpu.memory_space<semaphore_mem>>) src(%dma_wait3A_147 : memref<10000x128xf32, #tpu.memory_space<hbm>>) dst(%arg13 : memref<112x128xf32, #tpu.memory_space<vmem>>)
    %dma_start3A_148 = arith.constant 1 : i32
    %dma_start3A_149 = arith.constant 0 : i32
    %dma_start3A_150 = tpu.memref_slice %arg7[%dma_start3A_148, %dma_start3A_149] : memref<2x112xi32, #tpu.memory_space<vmem>> -> memref<1x112xi32, #tpu.memory_space<vmem>>
    %dma_start3A_151 = tpu.memref_squeeze %dma_start3A_150 : memref<1x112xi32, #tpu.memory_space<vmem>> -> memref<112xi32, #tpu.memory_space<vmem>>
    %dma_start3A_152 = arith.constant 0 : i32
    %dma_start3A_153 = arith.constant 0 : i32
    %dma_start3A_154 = tpu.memref_slice %arg5[%dma_start3A_152, %dma_start3A_153] : memref<10008x128xf32, #tpu.memory_space<vmem_shared>> -> memref<10008x128xf32, #tpu.memory_space<vmem_shared>>
    tpu.enqueue_indirect_dma source(%arg13 : memref<112x128xf32, #tpu.memory_space<vmem>>) target(%dma_start3A_154 : memref<10008x128xf32, #tpu.memory_space<vmem_shared>>) offsets(%dma_start3A_151 : memref<112xi32, #tpu.memory_space<vmem>>) semaphore(%arg25 : memref<!tpu.dma_semaphore, #tpu.memory_space<semaphore_mem>>) {add = true}
    %add3A_155 = arith.constant 4 : i32
    %add3A_156 = arith.addi %mul3A_2, %add3A_155 : i32
    %dma_start3A_157 = arith.constant 0 : i32
    %dma_start3A_158 = arith.constant 0 : i32
    %dma_start3A_159 = tpu.memref_slice %arg3[%add3A_156, %dma_start3A_157, %dma_start3A_158] : memref<2880x2x112xi32, #tpu.memory_space<hbm>> -> memref<1x2x112xi32, #tpu.memory_space<hbm>>
    %dma_start3A_160 = tpu.memref_squeeze %dma_start3A_159 : memref<1x2x112xi32, #tpu.memory_space<hbm>> -> memref<2x112xi32, #tpu.memory_space<hbm>>
    %dma_start3A_161 = arith.constant 0 : i32
    %dma_start3A_162 = arith.constant 0 : i32
    %dma_start3A_163 = tpu.memref_slice %arg3[%add3A_156, %dma_start3A_161, %dma_start3A_162] : memref<2880x2x112xi32, #tpu.memory_space<hbm>> -> memref<1x2x112xi32, #tpu.memory_space<hbm>>
    %dma_start3A_164 = tpu.memref_squeeze %dma_start3A_163 : memref<1x2x112xi32, #tpu.memory_space<hbm>> -> memref<2x112xi32, #tpu.memory_space<hbm>>
    tpu.enqueue_dma source(%dma_start3A_164 : memref<2x112xi32, #tpu.memory_space<hbm>>) target(%arg10 : memref<2x112xi32, #tpu.memory_space<vmem>>) target_semaphore(%arg22 : memref<!tpu.dma_semaphore, #tpu.memory_space<semaphore_mem>>)
    %add3A_165 = arith.constant 3 : i32
    %add3A_166 = arith.addi %mul3A_2, %add3A_165 : i32
    %dma_wait3A_167 = arith.constant 0 : i32
    %dma_wait3A_168 = arith.constant 0 : i32
    %dma_wait3A_169 = tpu.memref_slice %arg3[%add3A_166, %dma_wait3A_167, %dma_wait3A_168] : memref<2880x2x112xi32, #tpu.memory_space<hbm>> -> memref<1x2x112xi32, #tpu.memory_space<hbm>>
    %dma_wait3A_170 = tpu.memref_squeeze %dma_wait3A_169 : memref<1x2x112xi32, #tpu.memory_space<hbm>> -> memref<2x112xi32, #tpu.memory_space<hbm>>
    %dma_wait3A_171 = arith.constant 0 : i32
    %dma_wait3A_172 = arith.constant 0 : i32
    %dma_wait3A_173 = tpu.memref_slice %arg3[%add3A_166, %dma_wait3A_171, %dma_wait3A_172] : memref<2880x2x112xi32, #tpu.memory_space<hbm>> -> memref<1x2x112xi32, #tpu.memory_space<hbm>>
    %dma_wait3A_174 = tpu.memref_squeeze %dma_wait3A_173 : memref<1x2x112xi32, #tpu.memory_space<hbm>> -> memref<2x112xi32, #tpu.memory_space<hbm>>
    tpu.wait_dma2 semaphore(%arg21 : memref<!tpu.dma_semaphore, #tpu.memory_space<semaphore_mem>>) src(%dma_wait3A_174 : memref<2x112xi32, #tpu.memory_space<hbm>>) dst(%arg9 : memref<2x112xi32, #tpu.memory_space<vmem>>)
    %dma_wait3A_175 = arith.constant 1 : i32
    %dma_wait3A_176 = arith.constant 0 : i32
    %dma_wait3A_177 = tpu.memref_slice %arg6[%dma_wait3A_175, %dma_wait3A_176] : memref<2x112xi32, #tpu.memory_space<vmem>> -> memref<1x112xi32, #tpu.memory_space<vmem>>
    %dma_wait3A_178 = tpu.memref_squeeze %dma_wait3A_177 : memref<1x112xi32, #tpu.memory_space<vmem>> -> memref<112xi32, #tpu.memory_space<vmem>>
    %dma_wait3A_179 = arith.constant 0 : i32
    %dma_wait3A_180 = arith.constant 0 : i32
    %dma_wait3A_181 = tpu.memref_slice %arg5[%dma_wait3A_179, %dma_wait3A_180] : memref<10008x128xf32, #tpu.memory_space<vmem_shared>> -> memref<10008x128xf32, #tpu.memory_space<vmem_shared>>
    tpu.wait_indirect_dma semaphore(%arg24 : memref<!tpu.dma_semaphore, #tpu.memory_space<semaphore_mem>>) src(%arg12 : memref<112x128xf32, #tpu.memory_space<vmem>>) dst(%dma_wait3A_181 : memref<10008x128xf32, #tpu.memory_space<vmem_shared>>)
    %dma_start3A_182 = arith.constant 0 : i32
    %dma_start3A_183 = arith.constant 0 : i32
    %dma_start3A_184 = tpu.memref_slice %arg9[%dma_start3A_182, %dma_start3A_183] : memref<2x112xi32, #tpu.memory_space<vmem>> -> memref<1x112xi32, #tpu.memory_space<vmem>>
    %dma_start3A_185 = tpu.memref_squeeze %dma_start3A_184 : memref<1x112xi32, #tpu.memory_space<vmem>> -> memref<112xi32, #tpu.memory_space<vmem>>
    %dma_start3A_186 = arith.constant 0 : i32
    %dma_start3A_187 = arith.constant 0 : i32
    %dma_start3A_188 = tpu.memref_slice %arg2[%dma_start3A_186, %dma_start3A_187] : memref<10000x128xf32, #tpu.memory_space<hbm>> -> memref<10000x128xf32, #tpu.memory_space<hbm>>
    tpu.enqueue_indirect_dma source(%dma_start3A_188 : memref<10000x128xf32, #tpu.memory_space<hbm>>) target(%arg12 : memref<112x128xf32, #tpu.memory_space<vmem>>) offsets(%dma_start3A_185 : memref<112xi32, #tpu.memory_space<vmem>>) semaphore(%arg15 : memref<!tpu.dma_semaphore, #tpu.memory_space<semaphore_mem>>)
    %dma_wait3A_189 = arith.constant 0 : i32
    %dma_wait3A_190 = arith.constant 0 : i32
    %dma_wait3A_191 = tpu.memref_slice %arg8[%dma_wait3A_189, %dma_wait3A_190] : memref<2x112xi32, #tpu.memory_space<vmem>> -> memref<1x112xi32, #tpu.memory_space<vmem>>
    %dma_wait3A_192 = tpu.memref_squeeze %dma_wait3A_191 : memref<1x112xi32, #tpu.memory_space<vmem>> -> memref<112xi32, #tpu.memory_space<vmem>>
    %dma_wait3A_193 = arith.constant 0 : i32
    %dma_wait3A_194 = arith.constant 0 : i32
    %dma_wait3A_195 = tpu.memref_slice %arg2[%dma_wait3A_193, %dma_wait3A_194] : memref<10000x128xf32, #tpu.memory_space<hbm>> -> memref<10000x128xf32, #tpu.memory_space<hbm>>
    tpu.wait_indirect_dma semaphore(%arg17 : memref<!tpu.dma_semaphore, #tpu.memory_space<semaphore_mem>>) src(%dma_wait3A_195 : memref<10000x128xf32, #tpu.memory_space<hbm>>) dst(%arg14 : memref<112x128xf32, #tpu.memory_space<vmem>>)
    %dma_start3A_196 = arith.constant 1 : i32
    %dma_start3A_197 = arith.constant 0 : i32
    %dma_start3A_198 = tpu.memref_slice %arg8[%dma_start3A_196, %dma_start3A_197] : memref<2x112xi32, #tpu.memory_space<vmem>> -> memref<1x112xi32, #tpu.memory_space<vmem>>
    %dma_start3A_199 = tpu.memref_squeeze %dma_start3A_198 : memref<1x112xi32, #tpu.memory_space<vmem>> -> memref<112xi32, #tpu.memory_space<vmem>>
    %dma_start3A_200 = arith.constant 0 : i32
    %dma_start3A_201 = arith.constant 0 : i32
    %dma_start3A_202 = tpu.memref_slice %arg5[%dma_start3A_200, %dma_start3A_201] : memref<10008x128xf32, #tpu.memory_space<vmem_shared>> -> memref<10008x128xf32, #tpu.memory_space<vmem_shared>>
    tpu.enqueue_indirect_dma source(%arg14 : memref<112x128xf32, #tpu.memory_space<vmem>>) target(%dma_start3A_202 : memref<10008x128xf32, #tpu.memory_space<vmem_shared>>) offsets(%dma_start3A_199 : memref<112xi32, #tpu.memory_space<vmem>>) semaphore(%arg26 : memref<!tpu.dma_semaphore, #tpu.memory_space<semaphore_mem>>) {add = true}
    %add3A_203 = arith.constant 5 : i32
    %add3A_204 = arith.addi %mul3A_2, %add3A_203 : i32
    %dma_start3A_205 = arith.constant 0 : i32
    %dma_start3A_206 = arith.constant 0 : i32
    %dma_start3A_207 = tpu.memref_slice %arg3[%add3A_204, %dma_start3A_205, %dma_start3A_206] : memref<2880x2x112xi32, #tpu.memory_space<hbm>> -> memref<1x2x112xi32, #tpu.memory_space<hbm>>
    %dma_start3A_208 = tpu.memref_squeeze %dma_start3A_207 : memref<1x2x112xi32, #tpu.memory_space<hbm>> -> memref<2x112xi32, #tpu.memory_space<hbm>>
    %dma_start3A_209 = arith.constant 0 : i32
    %dma_start3A_210 = arith.constant 0 : i32
    %dma_start3A_211 = tpu.memref_slice %arg3[%add3A_204, %dma_start3A_209, %dma_start3A_210] : memref<2880x2x112xi32, #tpu.memory_space<hbm>> -> memref<1x2x112xi32, #tpu.memory_space<hbm>>
    %dma_start3A_212 = tpu.memref_squeeze %dma_start3A_211 : memref<1x2x112xi32, #tpu.memory_space<hbm>> -> memref<2x112xi32, #tpu.memory_space<hbm>>
    tpu.enqueue_dma source(%dma_start3A_212 : memref<2x112xi32, #tpu.memory_space<hbm>>) target(%arg11 : memref<2x112xi32, #tpu.memory_space<vmem>>) target_semaphore(%arg23 : memref<!tpu.dma_semaphore, #tpu.memory_space<semaphore_mem>>)
    %add3A_213 = arith.constant 4 : i32
    %add3A_214 = arith.addi %mul3A_2, %add3A_213 : i32
    %dma_wait3A_215 = arith.constant 0 : i32
    %dma_wait3A_216 = arith.constant 0 : i32
    %dma_wait3A_217 = tpu.memref_slice %arg3[%add3A_214, %dma_wait3A_215, %dma_wait3A_216] : memref<2880x2x112xi32, #tpu.memory_space<hbm>> -> memref<1x2x112xi32, #tpu.memory_space<hbm>>
    %dma_wait3A_218 = tpu.memref_squeeze %dma_wait3A_217 : memref<1x2x112xi32, #tpu.memory_space<hbm>> -> memref<2x112xi32, #tpu.memory_space<hbm>>
    %dma_wait3A_219 = arith.constant 0 : i32
    %dma_wait3A_220 = arith.constant 0 : i32
    %dma_wait3A_221 = tpu.memref_slice %arg3[%add3A_214, %dma_wait3A_219, %dma_wait3A_220] : memref<2880x2x112xi32, #tpu.memory_space<hbm>> -> memref<1x2x112xi32, #tpu.memory_space<hbm>>
    %dma_wait3A_222 = tpu.memref_squeeze %dma_wait3A_221 : memref<1x2x112xi32, #tpu.memory_space<hbm>> -> memref<2x112xi32, #tpu.memory_space<hbm>>
    tpu.wait_dma2 semaphore(%arg22 : memref<!tpu.dma_semaphore, #tpu.memory_space<semaphore_mem>>) src(%dma_wait3A_222 : memref<2x112xi32, #tpu.memory_space<hbm>>) dst(%arg10 : memref<2x112xi32, #tpu.memory_space<vmem>>)
    %dma_wait3A_223 = arith.constant 1 : i32
    %dma_wait3A_224 = arith.constant 0 : i32
    %dma_wait3A_225 = tpu.memref_slice %arg7[%dma_wait3A_223, %dma_wait3A_224] : memref<2x112xi32, #tpu.memory_space<vmem>> -> memref<1x112xi32, #tpu.memory_space<vmem>>
    %dma_wait3A_226 = tpu.memref_squeeze %dma_wait3A_225 : memref<1x112xi32, #tpu.memory_space<vmem>> -> memref<112xi32, #tpu.memory_space<vmem>>
    %dma_wait3A_227 = arith.constant 0 : i32
    %dma_wait3A_228 = arith.constant 0 : i32
    %dma_wait3A_229 = tpu.memref_slice %arg5[%dma_wait3A_227, %dma_wait3A_228] : memref<10008x128xf32, #tpu.memory_space<vmem_shared>> -> memref<10008x128xf32, #tpu.memory_space<vmem_shared>>
    tpu.wait_indirect_dma semaphore(%arg25 : memref<!tpu.dma_semaphore, #tpu.memory_space<semaphore_mem>>) src(%arg13 : memref<112x128xf32, #tpu.memory_space<vmem>>) dst(%dma_wait3A_229 : memref<10008x128xf32, #tpu.memory_space<vmem_shared>>)
    %dma_start3A_230 = arith.constant 0 : i32
    %dma_start3A_231 = arith.constant 0 : i32
    %dma_start3A_232 = tpu.memref_slice %arg10[%dma_start3A_230, %dma_start3A_231] : memref<2x112xi32, #tpu.memory_space<vmem>> -> memref<1x112xi32, #tpu.memory_space<vmem>>
    %dma_start3A_233 = tpu.memref_squeeze %dma_start3A_232 : memref<1x112xi32, #tpu.memory_space<vmem>> -> memref<112xi32, #tpu.memory_space<vmem>>
    %dma_start3A_234 = arith.constant 0 : i32
    %dma_start3A_235 = arith.constant 0 : i32
    %dma_start3A_236 = tpu.memref_slice %arg2[%dma_start3A_234, %dma_start3A_235] : memref<10000x128xf32, #tpu.memory_space<hbm>> -> memref<10000x128xf32, #tpu.memory_space<hbm>>
    tpu.enqueue_indirect_dma source(%dma_start3A_236 : memref<10000x128xf32, #tpu.memory_space<hbm>>) target(%arg13 : memref<112x128xf32, #tpu.memory_space<vmem>>) offsets(%dma_start3A_233 : memref<112xi32, #tpu.memory_space<vmem>>) semaphore(%arg16 : memref<!tpu.dma_semaphore, #tpu.memory_space<semaphore_mem>>)
    %dma_wait3A_237 = arith.constant 0 : i32
    %dma_wait3A_238 = arith.constant 0 : i32
    %dma_wait3A_239 = tpu.memref_slice %arg9[%dma_wait3A_237, %dma_wait3A_238] : memref<2x112xi32, #tpu.memory_space<vmem>> -> memref<1x112xi32, #tpu.memory_space<vmem>>
    %dma_wait3A_240 = tpu.memref_squeeze %dma_wait3A_239 : memref<1x112xi32, #tpu.memory_space<vmem>> -> memref<112xi32, #tpu.memory_space<vmem>>
    %dma_wait3A_241 = arith.constant 0 : i32
    %dma_wait3A_242 = arith.constant 0 : i32
    %dma_wait3A_243 = tpu.memref_slice %arg2[%dma_wait3A_241, %dma_wait3A_242] : memref<10000x128xf32, #tpu.memory_space<hbm>> -> memref<10000x128xf32, #tpu.memory_space<hbm>>
    tpu.wait_indirect_dma semaphore(%arg15 : memref<!tpu.dma_semaphore, #tpu.memory_space<semaphore_mem>>) src(%dma_wait3A_243 : memref<10000x128xf32, #tpu.memory_space<hbm>>) dst(%arg12 : memref<112x128xf32, #tpu.memory_space<vmem>>)
    %dma_start3A_244 = arith.constant 1 : i32
    %dma_start3A_245 = arith.constant 0 : i32
    %dma_start3A_246 = tpu.memref_slice %arg9[%dma_start3A_244, %dma_start3A_245] : memref<2x112xi32, #tpu.memory_space<vmem>> -> memref<1x112xi32, #tpu.memory_space<vmem>>
    %dma_start3A_247 = tpu.memref_squeeze %dma_start3A_246 : memref<1x112xi32, #tpu.memory_space<vmem>> -> memref<112xi32, #tpu.memory_space<vmem>>
    %dma_start3A_248 = arith.constant 0 : i32
    %dma_start3A_249 = arith.constant 0 : i32
    %dma_start3A_250 = tpu.memref_slice %arg5[%dma_start3A_248, %dma_start3A_249] : memref<10008x128xf32, #tpu.memory_space<vmem_shared>> -> memref<10008x128xf32, #tpu.memory_space<vmem_shared>>
    tpu.enqueue_indirect_dma source(%arg12 : memref<112x128xf32, #tpu.memory_space<vmem>>) target(%dma_start3A_250 : memref<10008x128xf32, #tpu.memory_space<vmem_shared>>) offsets(%dma_start3A_247 : memref<112xi32, #tpu.memory_space<vmem>>) semaphore(%arg24 : memref<!tpu.dma_semaphore, #tpu.memory_space<semaphore_mem>>) {add = true}
    %add3A_251 = arith.constant 6 : i32
    %add3A_252 = arith.addi %mul3A_2, %add3A_251 : i32
    %dma_start3A_253 = arith.constant 0 : i32
    %dma_start3A_254 = arith.constant 0 : i32
    %dma_start3A_255 = tpu.memref_slice %arg3[%add3A_252, %dma_start3A_253, %dma_start3A_254] : memref<2880x2x112xi32, #tpu.memory_space<hbm>> -> memref<1x2x112xi32, #tpu.memory_space<hbm>>
    %dma_start3A_256 = tpu.memref_squeeze %dma_start3A_255 : memref<1x2x112xi32, #tpu.memory_space<hbm>> -> memref<2x112xi32, #tpu.memory_space<hbm>>
    %dma_start3A_257 = arith.constant 0 : i32
    %dma_start3A_258 = arith.constant 0 : i32
    %dma_start3A_259 = tpu.memref_slice %arg3[%add3A_252, %dma_start3A_257, %dma_start3A_258] : memref<2880x2x112xi32, #tpu.memory_space<hbm>> -> memref<1x2x112xi32, #tpu.memory_space<hbm>>
    %dma_start3A_260 = tpu.memref_squeeze %dma_start3A_259 : memref<1x2x112xi32, #tpu.memory_space<hbm>> -> memref<2x112xi32, #tpu.memory_space<hbm>>
    tpu.enqueue_dma source(%dma_start3A_260 : memref<2x112xi32, #tpu.memory_space<hbm>>) target(%arg6 : memref<2x112xi32, #tpu.memory_space<vmem>>) target_semaphore(%arg18 : memref<!tpu.dma_semaphore, #tpu.memory_space<semaphore_mem>>)
    %add3A_261 = arith.constant 5 : i32
    %add3A_262 = arith.addi %mul3A_2, %add3A_261 : i32
    %dma_wait3A_263 = arith.constant 0 : i32
    %dma_wait3A_264 = arith.constant 0 : i32
    %dma_wait3A_265 = tpu.memref_slice %arg3[%add3A_262, %dma_wait3A_263, %dma_wait3A_264] : memref<2880x2x112xi32, #tpu.memory_space<hbm>> -> memref<1x2x112xi32, #tpu.memory_space<hbm>>
    %dma_wait3A_266 = tpu.memref_squeeze %dma_wait3A_265 : memref<1x2x112xi32, #tpu.memory_space<hbm>> -> memref<2x112xi32, #tpu.memory_space<hbm>>
    %dma_wait3A_267 = arith.constant 0 : i32
    %dma_wait3A_268 = arith.constant 0 : i32
    %dma_wait3A_269 = tpu.memref_slice %arg3[%add3A_262, %dma_wait3A_267, %dma_wait3A_268] : memref<2880x2x112xi32, #tpu.memory_space<hbm>> -> memref<1x2x112xi32, #tpu.memory_space<hbm>>
    %dma_wait3A_270 = tpu.memref_squeeze %dma_wait3A_269 : memref<1x2x112xi32, #tpu.memory_space<hbm>> -> memref<2x112xi32, #tpu.memory_space<hbm>>
    tpu.wait_dma2 semaphore(%arg23 : memref<!tpu.dma_semaphore, #tpu.memory_space<semaphore_mem>>) src(%dma_wait3A_270 : memref<2x112xi32, #tpu.memory_space<hbm>>) dst(%arg11 : memref<2x112xi32, #tpu.memory_space<vmem>>)
    %dma_wait3A_271 = arith.constant 1 : i32
    %dma_wait3A_272 = arith.constant 0 : i32
    %dma_wait3A_273 = tpu.memref_slice %arg8[%dma_wait3A_271, %dma_wait3A_272] : memref<2x112xi32, #tpu.memory_space<vmem>> -> memref<1x112xi32, #tpu.memory_space<vmem>>
    %dma_wait3A_274 = tpu.memref_squeeze %dma_wait3A_273 : memref<1x112xi32, #tpu.memory_space<vmem>> -> memref<112xi32, #tpu.memory_space<vmem>>
    %dma_wait3A_275 = arith.constant 0 : i32
    %dma_wait3A_276 = arith.constant 0 : i32
    %dma_wait3A_277 = tpu.memref_slice %arg5[%dma_wait3A_275, %dma_wait3A_276] : memref<10008x128xf32, #tpu.memory_space<vmem_shared>> -> memref<10008x128xf32, #tpu.memory_space<vmem_shared>>
    tpu.wait_indirect_dma semaphore(%arg26 : memref<!tpu.dma_semaphore, #tpu.memory_space<semaphore_mem>>) src(%arg14 : memref<112x128xf32, #tpu.memory_space<vmem>>) dst(%dma_wait3A_277 : memref<10008x128xf32, #tpu.memory_space<vmem_shared>>)
    %dma_start3A_278 = arith.constant 0 : i32
    %dma_start3A_279 = arith.constant 0 : i32
    %dma_start3A_280 = tpu.memref_slice %arg11[%dma_start3A_278, %dma_start3A_279] : memref<2x112xi32, #tpu.memory_space<vmem>> -> memref<1x112xi32, #tpu.memory_space<vmem>>
    %dma_start3A_281 = tpu.memref_squeeze %dma_start3A_280 : memref<1x112xi32, #tpu.memory_space<vmem>> -> memref<112xi32, #tpu.memory_space<vmem>>
    %dma_start3A_282 = arith.constant 0 : i32
    %dma_start3A_283 = arith.constant 0 : i32
    %dma_start3A_284 = tpu.memref_slice %arg2[%dma_start3A_282, %dma_start3A_283] : memref<10000x128xf32, #tpu.memory_space<hbm>> -> memref<10000x128xf32, #tpu.memory_space<hbm>>
    tpu.enqueue_indirect_dma source(%dma_start3A_284 : memref<10000x128xf32, #tpu.memory_space<hbm>>) target(%arg14 : memref<112x128xf32, #tpu.memory_space<vmem>>) offsets(%dma_start3A_281 : memref<112xi32, #tpu.memory_space<vmem>>) semaphore(%arg17 : memref<!tpu.dma_semaphore, #tpu.memory_space<semaphore_mem>>)
    %dma_wait3A_285 = arith.constant 0 : i32
    %dma_wait3A_286 = arith.constant 0 : i32
    %dma_wait3A_287 = tpu.memref_slice %arg10[%dma_wait3A_285, %dma_wait3A_286] : memref<2x112xi32, #tpu.memory_space<vmem>> -> memref<1x112xi32, #tpu.memory_space<vmem>>
    %dma_wait3A_288 = tpu.memref_squeeze %dma_wait3A_287 : memref<1x112xi32, #tpu.memory_space<vmem>> -> memref<112xi32, #tpu.memory_space<vmem>>
    %dma_wait3A_289 = arith.constant 0 : i32
    %dma_wait3A_290 = arith.constant 0 : i32
    %dma_wait3A_291 = tpu.memref_slice %arg2[%dma_wait3A_289, %dma_wait3A_290] : memref<10000x128xf32, #tpu.memory_space<hbm>> -> memref<10000x128xf32, #tpu.memory_space<hbm>>
    tpu.wait_indirect_dma semaphore(%arg16 : memref<!tpu.dma_semaphore, #tpu.memory_space<semaphore_mem>>) src(%dma_wait3A_291 : memref<10000x128xf32, #tpu.memory_space<hbm>>) dst(%arg13 : memref<112x128xf32, #tpu.memory_space<vmem>>)
    %dma_start3A_292 = arith.constant 1 : i32
    %dma_start3A_293 = arith.constant 0 : i32
    %dma_start3A_294 = tpu.memref_slice %arg10[%dma_start3A_292, %dma_start3A_293] : memref<2x112xi32, #tpu.memory_space<vmem>> -> memref<1x112xi32, #tpu.memory_space<vmem>>
    %dma_start3A_295 = tpu.memref_squeeze %dma_start3A_294 : memref<1x112xi32, #tpu.memory_space<vmem>> -> memref<112xi32, #tpu.memory_space<vmem>>
    %dma_start3A_296 = arith.constant 0 : i32
    %dma_start3A_297 = arith.constant 0 : i32
    %dma_start3A_298 = tpu.memref_slice %arg5[%dma_start3A_296, %dma_start3A_297] : memref<10008x128xf32, #tpu.memory_space<vmem_shared>> -> memref<10008x128xf32, #tpu.memory_space<vmem_shared>>
    tpu.enqueue_indirect_dma source(%arg13 : memref<112x128xf32, #tpu.memory_space<vmem>>) target(%dma_start3A_298 : memref<10008x128xf32, #tpu.memory_space<vmem_shared>>) offsets(%dma_start3A_295 : memref<112xi32, #tpu.memory_space<vmem>>) semaphore(%arg25 : memref<!tpu.dma_semaphore, #tpu.memory_space<semaphore_mem>>) {add = true}
    %add3A_299 = arith.constant 7 : i32
    %add3A_300 = arith.addi %mul3A_2, %add3A_299 : i32
    %dma_start3A_301 = arith.constant 0 : i32
    %dma_start3A_302 = arith.constant 0 : i32
    %dma_start3A_303 = tpu.memref_slice %arg3[%add3A_300, %dma_start3A_301, %dma_start3A_302] : memref<2880x2x112xi32, #tpu.memory_space<hbm>> -> memref<1x2x112xi32, #tpu.memory_space<hbm>>
    %dma_start3A_304 = tpu.memref_squeeze %dma_start3A_303 : memref<1x2x112xi32, #tpu.memory_space<hbm>> -> memref<2x112xi32, #tpu.memory_space<hbm>>
    %dma_start3A_305 = arith.constant 0 : i32
    %dma_start3A_306 = arith.constant 0 : i32
    %dma_start3A_307 = tpu.memref_slice %arg3[%add3A_300, %dma_start3A_305, %dma_start3A_306] : memref<2880x2x112xi32, #tpu.memory_space<hbm>> -> memref<1x2x112xi32, #tpu.memory_space<hbm>>
    %dma_start3A_308 = tpu.memref_squeeze %dma_start3A_307 : memref<1x2x112xi32, #tpu.memory_space<hbm>> -> memref<2x112xi32, #tpu.memory_space<hbm>>
    tpu.enqueue_dma source(%dma_start3A_308 : memref<2x112xi32, #tpu.memory_space<hbm>>) target(%arg7 : memref<2x112xi32, #tpu.memory_space<vmem>>) target_semaphore(%arg19 : memref<!tpu.dma_semaphore, #tpu.memory_space<semaphore_mem>>)
    %add3A_309 = arith.constant 6 : i32
    %add3A_310 = arith.addi %mul3A_2, %add3A_309 : i32
    %dma_wait3A_311 = arith.constant 0 : i32
    %dma_wait3A_312 = arith.constant 0 : i32
    %dma_wait3A_313 = tpu.memref_slice %arg3[%add3A_310, %dma_wait3A_311, %dma_wait3A_312] : memref<2880x2x112xi32, #tpu.memory_space<hbm>> -> memref<1x2x112xi32, #tpu.memory_space<hbm>>
    %dma_wait3A_314 = tpu.memref_squeeze %dma_wait3A_313 : memref<1x2x112xi32, #tpu.memory_space<hbm>> -> memref<2x112xi32, #tpu.memory_space<hbm>>
    %dma_wait3A_315 = arith.constant 0 : i32
    %dma_wait3A_316 = arith.constant 0 : i32
    %dma_wait3A_317 = tpu.memref_slice %arg3[%add3A_310, %dma_wait3A_315, %dma_wait3A_316] : memref<2880x2x112xi32, #tpu.memory_space<hbm>> -> memref<1x2x112xi32, #tpu.memory_space<hbm>>
    %dma_wait3A_318 = tpu.memref_squeeze %dma_wait3A_317 : memref<1x2x112xi32, #tpu.memory_space<hbm>> -> memref<2x112xi32, #tpu.memory_space<hbm>>
    tpu.wait_dma2 semaphore(%arg18 : memref<!tpu.dma_semaphore, #tpu.memory_space<semaphore_mem>>) src(%dma_wait3A_318 : memref<2x112xi32, #tpu.memory_space<hbm>>) dst(%arg6 : memref<2x112xi32, #tpu.memory_space<vmem>>)
    %dma_wait3A_319 = arith.constant 1 : i32
    %dma_wait3A_320 = arith.constant 0 : i32
    %dma_wait3A_321 = tpu.memref_slice %arg9[%dma_wait3A_319, %dma_wait3A_320] : memref<2x112xi32, #tpu.memory_space<vmem>> -> memref<1x112xi32, #tpu.memory_space<vmem>>
    %dma_wait3A_322 = tpu.memref_squeeze %dma_wait3A_321 : memref<1x112xi32, #tpu.memory_space<vmem>> -> memref<112xi32, #tpu.memory_space<vmem>>
    %dma_wait3A_323 = arith.constant 0 : i32
    %dma_wait3A_324 = arith.constant 0 : i32
    %dma_wait3A_325 = tpu.memref_slice %arg5[%dma_wait3A_323, %dma_wait3A_324] : memref<10008x128xf32, #tpu.memory_space<vmem_shared>> -> memref<10008x128xf32, #tpu.memory_space<vmem_shared>>
    tpu.wait_indirect_dma semaphore(%arg24 : memref<!tpu.dma_semaphore, #tpu.memory_space<semaphore_mem>>) src(%arg12 : memref<112x128xf32, #tpu.memory_space<vmem>>) dst(%dma_wait3A_325 : memref<10008x128xf32, #tpu.memory_space<vmem_shared>>)
    %dma_start3A_326 = arith.constant 0 : i32
    %dma_start3A_327 = arith.constant 0 : i32
    %dma_start3A_328 = tpu.memref_slice %arg6[%dma_start3A_326, %dma_start3A_327] : memref<2x112xi32, #tpu.memory_space<vmem>> -> memref<1x112xi32, #tpu.memory_space<vmem>>
    %dma_start3A_329 = tpu.memref_squeeze %dma_start3A_328 : memref<1x112xi32, #tpu.memory_space<vmem>> -> memref<112xi32, #tpu.memory_space<vmem>>
    %dma_start3A_330 = arith.constant 0 : i32
    %dma_start3A_331 = arith.constant 0 : i32
    %dma_start3A_332 = tpu.memref_slice %arg2[%dma_start3A_330, %dma_start3A_331] : memref<10000x128xf32, #tpu.memory_space<hbm>> -> memref<10000x128xf32, #tpu.memory_space<hbm>>
    tpu.enqueue_indirect_dma source(%dma_start3A_332 : memref<10000x128xf32, #tpu.memory_space<hbm>>) target(%arg12 : memref<112x128xf32, #tpu.memory_space<vmem>>) offsets(%dma_start3A_329 : memref<112xi32, #tpu.memory_space<vmem>>) semaphore(%arg15 : memref<!tpu.dma_semaphore, #tpu.memory_space<semaphore_mem>>)
    %dma_wait3A_333 = arith.constant 0 : i32
    %dma_wait3A_334 = arith.constant 0 : i32
    %dma_wait3A_335 = tpu.memref_slice %arg11[%dma_wait3A_333, %dma_wait3A_334] : memref<2x112xi32, #tpu.memory_space<vmem>> -> memref<1x112xi32, #tpu.memory_space<vmem>>
    %dma_wait3A_336 = tpu.memref_squeeze %dma_wait3A_335 : memref<1x112xi32, #tpu.memory_space<vmem>> -> memref<112xi32, #tpu.memory_space<vmem>>
    %dma_wait3A_337 = arith.constant 0 : i32
    %dma_wait3A_338 = arith.constant 0 : i32
    %dma_wait3A_339 = tpu.memref_slice %arg2[%dma_wait3A_337, %dma_wait3A_338] : memref<10000x128xf32, #tpu.memory_space<hbm>> -> memref<10000x128xf32, #tpu.memory_space<hbm>>
    tpu.wait_indirect_dma semaphore(%arg17 : memref<!tpu.dma_semaphore, #tpu.memory_space<semaphore_mem>>) src(%dma_wait3A_339 : memref<10000x128xf32, #tpu.memory_space<hbm>>) dst(%arg14 : memref<112x128xf32, #tpu.memory_space<vmem>>)
    %dma_start3A_340 = arith.constant 1 : i32
    %dma_start3A_341 = arith.constant 0 : i32
    %dma_start3A_342 = tpu.memref_slice %arg11[%dma_start3A_340, %dma_start3A_341] : memref<2x112xi32, #tpu.memory_space<vmem>> -> memref<1x112xi32, #tpu.memory_space<vmem>>
    %dma_start3A_343 = tpu.memref_squeeze %dma_start3A_342 : memref<1x112xi32, #tpu.memory_space<vmem>> -> memref<112xi32, #tpu.memory_space<vmem>>
    %dma_start3A_344 = arith.constant 0 : i32
    %dma_start3A_345 = arith.constant 0 : i32
    %dma_start3A_346 = tpu.memref_slice %arg5[%dma_start3A_344, %dma_start3A_345] : memref<10008x128xf32, #tpu.memory_space<vmem_shared>> -> memref<10008x128xf32, #tpu.memory_space<vmem_shared>>
    tpu.enqueue_indirect_dma source(%arg14 : memref<112x128xf32, #tpu.memory_space<vmem>>) target(%dma_start3A_346 : memref<10008x128xf32, #tpu.memory_space<vmem_shared>>) offsets(%dma_start3A_343 : memref<112xi32, #tpu.memory_space<vmem>>) semaphore(%arg26 : memref<!tpu.dma_semaphore, #tpu.memory_space<semaphore_mem>>) {add = true}
    %add3A_347 = arith.constant 8 : i32
    %add3A_348 = arith.addi %mul3A_2, %add3A_347 : i32
    %dma_start3A_349 = arith.constant 0 : i32
    %dma_start3A_350 = arith.constant 0 : i32
    %dma_start3A_351 = tpu.memref_slice %arg3[%add3A_348, %dma_start3A_349, %dma_start3A_350] : memref<2880x2x112xi32, #tpu.memory_space<hbm>> -> memref<1x2x112xi32, #tpu.memory_space<hbm>>
    %dma_start3A_352 = tpu.memref_squeeze %dma_start3A_351 : memref<1x2x112xi32, #tpu.memory_space<hbm>> -> memref<2x112xi32, #tpu.memory_space<hbm>>
    %dma_start3A_353 = arith.constant 0 : i32
    %dma_start3A_354 = arith.constant 0 : i32
    %dma_start3A_355 = tpu.memref_slice %arg3[%add3A_348, %dma_start3A_353, %dma_start3A_354] : memref<2880x2x112xi32, #tpu.memory_space<hbm>> -> memref<1x2x112xi32, #tpu.memory_space<hbm>>
    %dma_start3A_356 = tpu.memref_squeeze %dma_start3A_355 : memref<1x2x112xi32, #tpu.memory_space<hbm>> -> memref<2x112xi32, #tpu.memory_space<hbm>>
    tpu.enqueue_dma source(%dma_start3A_356 : memref<2x112xi32, #tpu.memory_space<hbm>>) target(%arg8 : memref<2x112xi32, #tpu.memory_space<vmem>>) target_semaphore(%arg20 : memref<!tpu.dma_semaphore, #tpu.memory_space<semaphore_mem>>)
    %add3A_357 = arith.constant 7 : i32
    %add3A_358 = arith.addi %mul3A_2, %add3A_357 : i32
    %dma_wait3A_359 = arith.constant 0 : i32
    %dma_wait3A_360 = arith.constant 0 : i32
    %dma_wait3A_361 = tpu.memref_slice %arg3[%add3A_358, %dma_wait3A_359, %dma_wait3A_360] : memref<2880x2x112xi32, #tpu.memory_space<hbm>> -> memref<1x2x112xi32, #tpu.memory_space<hbm>>
    %dma_wait3A_362 = tpu.memref_squeeze %dma_wait3A_361 : memref<1x2x112xi32, #tpu.memory_space<hbm>> -> memref<2x112xi32, #tpu.memory_space<hbm>>
    %dma_wait3A_363 = arith.constant 0 : i32
    %dma_wait3A_364 = arith.constant 0 : i32
    %dma_wait3A_365 = tpu.memref_slice %arg3[%add3A_358, %dma_wait3A_363, %dma_wait3A_364] : memref<2880x2x112xi32, #tpu.memory_space<hbm>> -> memref<1x2x112xi32, #tpu.memory_space<hbm>>
    %dma_wait3A_366 = tpu.memref_squeeze %dma_wait3A_365 : memref<1x2x112xi32, #tpu.memory_space<hbm>> -> memref<2x112xi32, #tpu.memory_space<hbm>>
    tpu.wait_dma2 semaphore(%arg19 : memref<!tpu.dma_semaphore, #tpu.memory_space<semaphore_mem>>) src(%dma_wait3A_366 : memref<2x112xi32, #tpu.memory_space<hbm>>) dst(%arg7 : memref<2x112xi32, #tpu.memory_space<vmem>>)
    %dma_wait3A_367 = arith.constant 1 : i32
    %dma_wait3A_368 = arith.constant 0 : i32
    %dma_wait3A_369 = tpu.memref_slice %arg10[%dma_wait3A_367, %dma_wait3A_368] : memref<2x112xi32, #tpu.memory_space<vmem>> -> memref<1x112xi32, #tpu.memory_space<vmem>>
    %dma_wait3A_370 = tpu.memref_squeeze %dma_wait3A_369 : memref<1x112xi32, #tpu.memory_space<vmem>> -> memref<112xi32, #tpu.memory_space<vmem>>
    %dma_wait3A_371 = arith.constant 0 : i32
    %dma_wait3A_372 = arith.constant 0 : i32
    %dma_wait3A_373 = tpu.memref_slice %arg5[%dma_wait3A_371, %dma_wait3A_372] : memref<10008x128xf32, #tpu.memory_space<vmem_shared>> -> memref<10008x128xf32, #tpu.memory_space<vmem_shared>>
    tpu.wait_indirect_dma semaphore(%arg25 : memref<!tpu.dma_semaphore, #tpu.memory_space<semaphore_mem>>) src(%arg13 : memref<112x128xf32, #tpu.memory_space<vmem>>) dst(%dma_wait3A_373 : memref<10008x128xf32, #tpu.memory_space<vmem_shared>>)
    %dma_start3A_374 = arith.constant 0 : i32
    %dma_start3A_375 = arith.constant 0 : i32
    %dma_start3A_376 = tpu.memref_slice %arg7[%dma_start3A_374, %dma_start3A_375] : memref<2x112xi32, #tpu.memory_space<vmem>> -> memref<1x112xi32, #tpu.memory_space<vmem>>
    %dma_start3A_377 = tpu.memref_squeeze %dma_start3A_376 : memref<1x112xi32, #tpu.memory_space<vmem>> -> memref<112xi32, #tpu.memory_space<vmem>>
    %dma_start3A_378 = arith.constant 0 : i32
    %dma_start3A_379 = arith.constant 0 : i32
    %dma_start3A_380 = tpu.memref_slice %arg2[%dma_start3A_378, %dma_start3A_379] : memref<10000x128xf32, #tpu.memory_space<hbm>> -> memref<10000x128xf32, #tpu.memory_space<hbm>>
    tpu.enqueue_indirect_dma source(%dma_start3A_380 : memref<10000x128xf32, #tpu.memory_space<hbm>>) target(%arg13 : memref<112x128xf32, #tpu.memory_space<vmem>>) offsets(%dma_start3A_377 : memref<112xi32, #tpu.memory_space<vmem>>) semaphore(%arg16 : memref<!tpu.dma_semaphore, #tpu.memory_space<semaphore_mem>>)
    %scan3A_381 = arith.constant 0 : i32
    %scan3A_382 = arith.constant 1 : i32
    %scan3A_383 = arith.constant 13 : i32
    %scan3A_384 = arith.addi %scan3A_382, %scan3A_383 : i32
    %scan3A_385 = arith.constant 1 : i32
    %scan3A_386 = scf.for %scan3A_644 = %scan3A_382 to %scan3A_384 step %scan3A_385 iter_args(%scan3A_645 = %scan3A_381) -> (i32)  : i32 {
      %mul3A_646 = arith.constant 6 : i32
      %mul3A_647 = arith.muli %scan3A_644, %mul3A_646 : i32
      %add3A_648 = arith.constant 0 : i32
      %add3A_649 = arith.addi %mul3A_647, %add3A_648 : i32
      %dma_wait3A_650 = arith.constant 0 : i32
      %dma_wait3A_651 = arith.constant 0 : i32
      %dma_wait3A_652 = tpu.memref_slice %arg6[%dma_wait3A_650, %dma_wait3A_651] : memref<2x112xi32, #tpu.memory_space<vmem>> -> memref<1x112xi32, #tpu.memory_space<vmem>>
      %dma_wait3A_653 = tpu.memref_squeeze %dma_wait3A_652 : memref<1x112xi32, #tpu.memory_space<vmem>> -> memref<112xi32, #tpu.memory_space<vmem>>
      %dma_wait3A_654 = arith.constant 0 : i32
      %dma_wait3A_655 = arith.constant 0 : i32
      %dma_wait3A_656 = tpu.memref_slice %arg2[%dma_wait3A_654, %dma_wait3A_655] : memref<10000x128xf32, #tpu.memory_space<hbm>> -> memref<10000x128xf32, #tpu.memory_space<hbm>>
      tpu.wait_indirect_dma semaphore(%arg15 : memref<!tpu.dma_semaphore, #tpu.memory_space<semaphore_mem>>) src(%dma_wait3A_656 : memref<10000x128xf32, #tpu.memory_space<hbm>>) dst(%arg12 : memref<112x128xf32, #tpu.memory_space<vmem>>)
      %dma_start3A_657 = arith.constant 1 : i32
      %dma_start3A_658 = arith.constant 0 : i32
      %dma_start3A_659 = tpu.memref_slice %arg6[%dma_start3A_657, %dma_start3A_658] : memref<2x112xi32, #tpu.memory_space<vmem>> -> memref<1x112xi32, #tpu.memory_space<vmem>>
      %dma_start3A_660 = tpu.memref_squeeze %dma_start3A_659 : memref<1x112xi32, #tpu.memory_space<vmem>> -> memref<112xi32, #tpu.memory_space<vmem>>
      %dma_start3A_661 = arith.constant 0 : i32
      %dma_start3A_662 = arith.constant 0 : i32
      %dma_start3A_663 = tpu.memref_slice %arg5[%dma_start3A_661, %dma_start3A_662] : memref<10008x128xf32, #tpu.memory_space<vmem_shared>> -> memref<10008x128xf32, #tpu.memory_space<vmem_shared>>
      tpu.enqueue_indirect_dma source(%arg12 : memref<112x128xf32, #tpu.memory_space<vmem>>) target(%dma_start3A_663 : memref<10008x128xf32, #tpu.memory_space<vmem_shared>>) offsets(%dma_start3A_660 : memref<112xi32, #tpu.memory_space<vmem>>) semaphore(%arg24 : memref<!tpu.dma_semaphore, #tpu.memory_space<semaphore_mem>>) {add = true}
      %add3A_664 = arith.constant 3 : i32
      %add3A_665 = arith.addi %add3A_649, %add3A_664 : i32
      %add3A_666 = arith.addi %mul3A_2, %add3A_665 : i32
      %dma_start3A_667 = arith.constant 0 : i32
      %dma_start3A_668 = arith.constant 0 : i32
      %dma_start3A_669 = tpu.memref_slice %arg3[%add3A_666, %dma_start3A_667, %dma_start3A_668] : memref<2880x2x112xi32, #tpu.memory_space<hbm>> -> memref<1x2x112xi32, #tpu.memory_space<hbm>>
      %dma_start3A_670 = tpu.memref_squeeze %dma_start3A_669 : memref<1x2x112xi32, #tpu.memory_space<hbm>> -> memref<2x112xi32, #tpu.memory_space<hbm>>
      %dma_start3A_671 = arith.constant 0 : i32
      %dma_start3A_672 = arith.constant 0 : i32
      %dma_start3A_673 = tpu.memref_slice %arg3[%add3A_666, %dma_start3A_671, %dma_start3A_672] : memref<2880x2x112xi32, #tpu.memory_space<hbm>> -> memref<1x2x112xi32, #tpu.memory_space<hbm>>
      %dma_start3A_674 = tpu.memref_squeeze %dma_start3A_673 : memref<1x2x112xi32, #tpu.memory_space<hbm>> -> memref<2x112xi32, #tpu.memory_space<hbm>>
      tpu.enqueue_dma source(%dma_start3A_674 : memref<2x112xi32, #tpu.memory_space<hbm>>) target(%arg9 : memref<2x112xi32, #tpu.memory_space<vmem>>) target_semaphore(%arg21 : memref<!tpu.dma_semaphore, #tpu.memory_space<semaphore_mem>>)
      %add3A_675 = arith.constant 2 : i32
      %add3A_676 = arith.addi %add3A_649, %add3A_675 : i32
      %add3A_677 = arith.addi %mul3A_2, %add3A_676 : i32
      %dma_wait3A_678 = arith.constant 0 : i32
      %dma_wait3A_679 = arith.constant 0 : i32
      %dma_wait3A_680 = tpu.memref_slice %arg3[%add3A_677, %dma_wait3A_678, %dma_wait3A_679] : memref<2880x2x112xi32, #tpu.memory_space<hbm>> -> memref<1x2x112xi32, #tpu.memory_space<hbm>>
      %dma_wait3A_681 = tpu.memref_squeeze %dma_wait3A_680 : memref<1x2x112xi32, #tpu.memory_space<hbm>> -> memref<2x112xi32, #tpu.memory_space<hbm>>
      %dma_wait3A_682 = arith.constant 0 : i32
      %dma_wait3A_683 = arith.constant 0 : i32
      %dma_wait3A_684 = tpu.memref_slice %arg3[%add3A_677, %dma_wait3A_682, %dma_wait3A_683] : memref<2880x2x112xi32, #tpu.memory_space<hbm>> -> memref<1x2x112xi32, #tpu.memory_space<hbm>>
      %dma_wait3A_685 = tpu.memref_squeeze %dma_wait3A_684 : memref<1x2x112xi32, #tpu.memory_space<hbm>> -> memref<2x112xi32, #tpu.memory_space<hbm>>
      tpu.wait_dma2 semaphore(%arg20 : memref<!tpu.dma_semaphore, #tpu.memory_space<semaphore_mem>>) src(%dma_wait3A_685 : memref<2x112xi32, #tpu.memory_space<hbm>>) dst(%arg8 : memref<2x112xi32, #tpu.memory_space<vmem>>)
      %dma_wait3A_686 = arith.constant 1 : i32
      %dma_wait3A_687 = arith.constant 0 : i32
      %dma_wait3A_688 = tpu.memref_slice %arg11[%dma_wait3A_686, %dma_wait3A_687] : memref<2x112xi32, #tpu.memory_space<vmem>> -> memref<1x112xi32, #tpu.memory_space<vmem>>
      %dma_wait3A_689 = tpu.memref_squeeze %dma_wait3A_688 : memref<1x112xi32, #tpu.memory_space<vmem>> -> memref<112xi32, #tpu.memory_space<vmem>>
      %dma_wait3A_690 = arith.constant 0 : i32
      %dma_wait3A_691 = arith.constant 0 : i32
      %dma_wait3A_692 = tpu.memref_slice %arg5[%dma_wait3A_690, %dma_wait3A_691] : memref<10008x128xf32, #tpu.memory_space<vmem_shared>> -> memref<10008x128xf32, #tpu.memory_space<vmem_shared>>
      tpu.wait_indirect_dma semaphore(%arg26 : memref<!tpu.dma_semaphore, #tpu.memory_space<semaphore_mem>>) src(%arg14 : memref<112x128xf32, #tpu.memory_space<vmem>>) dst(%dma_wait3A_692 : memref<10008x128xf32, #tpu.memory_space<vmem_shared>>)
      %dma_start3A_693 = arith.constant 0 : i32
      %dma_start3A_694 = arith.constant 0 : i32
      %dma_start3A_695 = tpu.memref_slice %arg8[%dma_start3A_693, %dma_start3A_694] : memref<2x112xi32, #tpu.memory_space<vmem>> -> memref<1x112xi32, #tpu.memory_space<vmem>>
      %dma_start3A_696 = tpu.memref_squeeze %dma_start3A_695 : memref<1x112xi32, #tpu.memory_space<vmem>> -> memref<112xi32, #tpu.memory_space<vmem>>
      %dma_start3A_697 = arith.constant 0 : i32
      %dma_start3A_698 = arith.constant 0 : i32
      %dma_start3A_699 = tpu.memref_slice %arg2[%dma_start3A_697, %dma_start3A_698] : memref<10000x128xf32, #tpu.memory_space<hbm>> -> memref<10000x128xf32, #tpu.memory_space<hbm>>
      tpu.enqueue_indirect_dma source(%dma_start3A_699 : memref<10000x128xf32, #tpu.memory_space<hbm>>) target(%arg14 : memref<112x128xf32, #tpu.memory_space<vmem>>) offsets(%dma_start3A_696 : memref<112xi32, #tpu.memory_space<vmem>>) semaphore(%arg17 : memref<!tpu.dma_semaphore, #tpu.memory_space<semaphore_mem>>)
      %mul3A_700 = arith.constant 6 : i32
      %mul3A_701 = arith.muli %scan3A_644, %mul3A_700 : i32
      %add3A_702 = arith.constant 1 : i32
      %add3A_703 = arith.addi %mul3A_701, %add3A_702 : i32
      %dma_wait3A_704 = arith.constant 0 : i32
      %dma_wait3A_705 = arith.constant 0 : i32
      %dma_wait3A_706 = tpu.memref_slice %arg7[%dma_wait3A_704, %dma_wait3A_705] : memref<2x112xi32, #tpu.memory_space<vmem>> -> memref<1x112xi32, #tpu.memory_space<vmem>>
      %dma_wait3A_707 = tpu.memref_squeeze %dma_wait3A_706 : memref<1x112xi32, #tpu.memory_space<vmem>> -> memref<112xi32, #tpu.memory_space<vmem>>
      %dma_wait3A_708 = arith.constant 0 : i32
      %dma_wait3A_709 = arith.constant 0 : i32
      %dma_wait3A_710 = tpu.memref_slice %arg2[%dma_wait3A_708, %dma_wait3A_709] : memref<10000x128xf32, #tpu.memory_space<hbm>> -> memref<10000x128xf32, #tpu.memory_space<hbm>>
      tpu.wait_indirect_dma semaphore(%arg16 : memref<!tpu.dma_semaphore, #tpu.memory_space<semaphore_mem>>) src(%dma_wait3A_710 : memref<10000x128xf32, #tpu.memory_space<hbm>>) dst(%arg13 : memref<112x128xf32, #tpu.memory_space<vmem>>)
      %dma_start3A_711 = arith.constant 1 : i32
      %dma_start3A_712 = arith.constant 0 : i32
      %dma_start3A_713 = tpu.memref_slice %arg7[%dma_start3A_711, %dma_start3A_712] : memref<2x112xi32, #tpu.memory_space<vmem>> -> memref<1x112xi32, #tpu.memory_space<vmem>>
      %dma_start3A_714 = tpu.memref_squeeze %dma_start3A_713 : memref<1x112xi32, #tpu.memory_space<vmem>> -> memref<112xi32, #tpu.memory_space<vmem>>
      %dma_start3A_715 = arith.constant 0 : i32
      %dma_start3A_716 = arith.constant 0 : i32
      %dma_start3A_717 = tpu.memref_slice %arg5[%dma_start3A_715, %dma_start3A_716] : memref<10008x128xf32, #tpu.memory_space<vmem_shared>> -> memref<10008x128xf32, #tpu.memory_space<vmem_shared>>
      tpu.enqueue_indirect_dma source(%arg13 : memref<112x128xf32, #tpu.memory_space<vmem>>) target(%dma_start3A_717 : memref<10008x128xf32, #tpu.memory_space<vmem_shared>>) offsets(%dma_start3A_714 : memref<112xi32, #tpu.memory_space<vmem>>) semaphore(%arg25 : memref<!tpu.dma_semaphore, #tpu.memory_space<semaphore_mem>>) {add = true}
      %add3A_718 = arith.constant 3 : i32
      %add3A_719 = arith.addi %add3A_703, %add3A_718 : i32
      %add3A_720 = arith.addi %mul3A_2, %add3A_719 : i32
      %dma_start3A_721 = arith.constant 0 : i32
      %dma_start3A_722 = arith.constant 0 : i32
      %dma_start3A_723 = tpu.memref_slice %arg3[%add3A_720, %dma_start3A_721, %dma_start3A_722] : memref<2880x2x112xi32, #tpu.memory_space<hbm>> -> memref<1x2x112xi32, #tpu.memory_space<hbm>>
      %dma_start3A_724 = tpu.memref_squeeze %dma_start3A_723 : memref<1x2x112xi32, #tpu.memory_space<hbm>> -> memref<2x112xi32, #tpu.memory_space<hbm>>
      %dma_start3A_725 = arith.constant 0 : i32
      %dma_start3A_726 = arith.constant 0 : i32
      %dma_start3A_727 = tpu.memref_slice %arg3[%add3A_720, %dma_start3A_725, %dma_start3A_726] : memref<2880x2x112xi32, #tpu.memory_space<hbm>> -> memref<1x2x112xi32, #tpu.memory_space<hbm>>
      %dma_start3A_728 = tpu.memref_squeeze %dma_start3A_727 : memref<1x2x112xi32, #tpu.memory_space<hbm>> -> memref<2x112xi32, #tpu.memory_space<hbm>>
      tpu.enqueue_dma source(%dma_start3A_728 : memref<2x112xi32, #tpu.memory_space<hbm>>) target(%arg10 : memref<2x112xi32, #tpu.memory_space<vmem>>) target_semaphore(%arg22 : memref<!tpu.dma_semaphore, #tpu.memory_space<semaphore_mem>>)
      %add3A_729 = arith.constant 2 : i32
      %add3A_730 = arith.addi %add3A_703, %add3A_729 : i32
      %add3A_731 = arith.addi %mul3A_2, %add3A_730 : i32
      %dma_wait3A_732 = arith.constant 0 : i32
      %dma_wait3A_733 = arith.constant 0 : i32
      %dma_wait3A_734 = tpu.memref_slice %arg3[%add3A_731, %dma_wait3A_732, %dma_wait3A_733] : memref<2880x2x112xi32, #tpu.memory_space<hbm>> -> memref<1x2x112xi32, #tpu.memory_space<hbm>>
      %dma_wait3A_735 = tpu.memref_squeeze %dma_wait3A_734 : memref<1x2x112xi32, #tpu.memory_space<hbm>> -> memref<2x112xi32, #tpu.memory_space<hbm>>
      %dma_wait3A_736 = arith.constant 0 : i32
      %dma_wait3A_737 = arith.constant 0 : i32
      %dma_wait3A_738 = tpu.memref_slice %arg3[%add3A_731, %dma_wait3A_736, %dma_wait3A_737] : memref<2880x2x112xi32, #tpu.memory_space<hbm>> -> memref<1x2x112xi32, #tpu.memory_space<hbm>>
      %dma_wait3A_739 = tpu.memref_squeeze %dma_wait3A_738 : memref<1x2x112xi32, #tpu.memory_space<hbm>> -> memref<2x112xi32, #tpu.memory_space<hbm>>
      tpu.wait_dma2 semaphore(%arg21 : memref<!tpu.dma_semaphore, #tpu.memory_space<semaphore_mem>>) src(%dma_wait3A_739 : memref<2x112xi32, #tpu.memory_space<hbm>>) dst(%arg9 : memref<2x112xi32, #tpu.memory_space<vmem>>)
      %dma_wait3A_740 = arith.constant 1 : i32
      %dma_wait3A_741 = arith.constant 0 : i32
      %dma_wait3A_742 = tpu.memref_slice %arg6[%dma_wait3A_740, %dma_wait3A_741] : memref<2x112xi32, #tpu.memory_space<vmem>> -> memref<1x112xi32, #tpu.memory_space<vmem>>
      %dma_wait3A_743 = tpu.memref_squeeze %dma_wait3A_742 : memref<1x112xi32, #tpu.memory_space<vmem>> -> memref<112xi32, #tpu.memory_space<vmem>>
      %dma_wait3A_744 = arith.constant 0 : i32
      %dma_wait3A_745 = arith.constant 0 : i32
      %dma_wait3A_746 = tpu.memref_slice %arg5[%dma_wait3A_744, %dma_wait3A_745] : memref<10008x128xf32, #tpu.memory_space<vmem_shared>> -> memref<10008x128xf32, #tpu.memory_space<vmem_shared>>
      tpu.wait_indirect_dma semaphore(%arg24 : memref<!tpu.dma_semaphore, #tpu.memory_space<semaphore_mem>>) src(%arg12 : memref<112x128xf32, #tpu.memory_space<vmem>>) dst(%dma_wait3A_746 : memref<10008x128xf32, #tpu.memory_space<vmem_shared>>)
      %dma_start3A_747 = arith.constant 0 : i32
      %dma_start3A_748 = arith.constant 0 : i32
      %dma_start3A_749 = tpu.memref_slice %arg9[%dma_start3A_747, %dma_start3A_748] : memref<2x112xi32, #tpu.memory_space<vmem>> -> memref<1x112xi32, #tpu.memory_space<vmem>>
      %dma_start3A_750 = tpu.memref_squeeze %dma_start3A_749 : memref<1x112xi32, #tpu.memory_space<vmem>> -> memref<112xi32, #tpu.memory_space<vmem>>
      %dma_start3A_751 = arith.constant 0 : i32
      %dma_start3A_752 = arith.constant 0 : i32
      %dma_start3A_753 = tpu.memref_slice %arg2[%dma_start3A_751, %dma_start3A_752] : memref<10000x128xf32, #tpu.memory_space<hbm>> -> memref<10000x128xf32, #tpu.memory_space<hbm>>
      tpu.enqueue_indirect_dma source(%dma_start3A_753 : memref<10000x128xf32, #tpu.memory_space<hbm>>) target(%arg12 : memref<112x128xf32, #tpu.memory_space<vmem>>) offsets(%dma_start3A_750 : memref<112xi32, #tpu.memory_space<vmem>>) semaphore(%arg15 : memref<!tpu.dma_semaphore, #tpu.memory_space<semaphore_mem>>)
      %mul3A_754 = arith.constant 6 : i32
      %mul3A_755 = arith.muli %scan3A_644, %mul3A_754 : i32
      %add3A_756 = arith.constant 2 : i32
      %add3A_757 = arith.addi %mul3A_755, %add3A_756 : i32
      %dma_wait3A_758 = arith.constant 0 : i32
      %dma_wait3A_759 = arith.constant 0 : i32
      %dma_wait3A_760 = tpu.memref_slice %arg8[%dma_wait3A_758, %dma_wait3A_759] : memref<2x112xi32, #tpu.memory_space<vmem>> -> memref<1x112xi32, #tpu.memory_space<vmem>>
      %dma_wait3A_761 = tpu.memref_squeeze %dma_wait3A_760 : memref<1x112xi32, #tpu.memory_space<vmem>> -> memref<112xi32, #tpu.memory_space<vmem>>
      %dma_wait3A_762 = arith.constant 0 : i32
      %dma_wait3A_763 = arith.constant 0 : i32
      %dma_wait3A_764 = tpu.memref_slice %arg2[%dma_wait3A_762, %dma_wait3A_763] : memref<10000x128xf32, #tpu.memory_space<hbm>> -> memref<10000x128xf32, #tpu.memory_space<hbm>>
      tpu.wait_indirect_dma semaphore(%arg17 : memref<!tpu.dma_semaphore, #tpu.memory_space<semaphore_mem>>) src(%dma_wait3A_764 : memref<10000x128xf32, #tpu.memory_space<hbm>>) dst(%arg14 : memref<112x128xf32, #tpu.memory_space<vmem>>)
      %dma_start3A_765 = arith.constant 1 : i32
      %dma_start3A_766 = arith.constant 0 : i32
      %dma_start3A_767 = tpu.memref_slice %arg8[%dma_start3A_765, %dma_start3A_766] : memref<2x112xi32, #tpu.memory_space<vmem>> -> memref<1x112xi32, #tpu.memory_space<vmem>>
      %dma_start3A_768 = tpu.memref_squeeze %dma_start3A_767 : memref<1x112xi32, #tpu.memory_space<vmem>> -> memref<112xi32, #tpu.memory_space<vmem>>
      %dma_start3A_769 = arith.constant 0 : i32
      %dma_start3A_770 = arith.constant 0 : i32
      %dma_start3A_771 = tpu.memref_slice %arg5[%dma_start3A_769, %dma_start3A_770] : memref<10008x128xf32, #tpu.memory_space<vmem_shared>> -> memref<10008x128xf32, #tpu.memory_space<vmem_shared>>
      tpu.enqueue_indirect_dma source(%arg14 : memref<112x128xf32, #tpu.memory_space<vmem>>) target(%dma_start3A_771 : memref<10008x128xf32, #tpu.memory_space<vmem_shared>>) offsets(%dma_start3A_768 : memref<112xi32, #tpu.memory_space<vmem>>) semaphore(%arg26 : memref<!tpu.dma_semaphore, #tpu.memory_space<semaphore_mem>>) {add = true}
      %add3A_772 = arith.constant 3 : i32
      %add3A_773 = arith.addi %add3A_757, %add3A_772 : i32
      %add3A_774 = arith.addi %mul3A_2, %add3A_773 : i32
      %dma_start3A_775 = arith.constant 0 : i32
      %dma_start3A_776 = arith.constant 0 : i32
      %dma_start3A_777 = tpu.memref_slice %arg3[%add3A_774, %dma_start3A_775, %dma_start3A_776] : memref<2880x2x112xi32, #tpu.memory_space<hbm>> -> memref<1x2x112xi32, #tpu.memory_space<hbm>>
      %dma_start3A_778 = tpu.memref_squeeze %dma_start3A_777 : memref<1x2x112xi32, #tpu.memory_space<hbm>> -> memref<2x112xi32, #tpu.memory_space<hbm>>
      %dma_start3A_779 = arith.constant 0 : i32
      %dma_start3A_780 = arith.constant 0 : i32
      %dma_start3A_781 = tpu.memref_slice %arg3[%add3A_774, %dma_start3A_779, %dma_start3A_780] : memref<2880x2x112xi32, #tpu.memory_space<hbm>> -> memref<1x2x112xi32, #tpu.memory_space<hbm>>
      %dma_start3A_782 = tpu.memref_squeeze %dma_start3A_781 : memref<1x2x112xi32, #tpu.memory_space<hbm>> -> memref<2x112xi32, #tpu.memory_space<hbm>>
      tpu.enqueue_dma source(%dma_start3A_782 : memref<2x112xi32, #tpu.memory_space<hbm>>) target(%arg11 : memref<2x112xi32, #tpu.memory_space<vmem>>) target_semaphore(%arg23 : memref<!tpu.dma_semaphore, #tpu.memory_space<semaphore_mem>>)
      %add3A_783 = arith.constant 2 : i32
      %add3A_784 = arith.addi %add3A_757, %add3A_783 : i32
      %add3A_785 = arith.addi %mul3A_2, %add3A_784 : i32
      %dma_wait3A_786 = arith.constant 0 : i32
      %dma_wait3A_787 = arith.constant 0 : i32
      %dma_wait3A_788 = tpu.memref_slice %arg3[%add3A_785, %dma_wait3A_786, %dma_wait3A_787] : memref<2880x2x112xi32, #tpu.memory_space<hbm>> -> memref<1x2x112xi32, #tpu.memory_space<hbm>>
      %dma_wait3A_789 = tpu.memref_squeeze %dma_wait3A_788 : memref<1x2x112xi32, #tpu.memory_space<hbm>> -> memref<2x112xi32, #tpu.memory_space<hbm>>
      %dma_wait3A_790 = arith.constant 0 : i32
      %dma_wait3A_791 = arith.constant 0 : i32
      %dma_wait3A_792 = tpu.memref_slice %arg3[%add3A_785, %dma_wait3A_790, %dma_wait3A_791] : memref<2880x2x112xi32, #tpu.memory_space<hbm>> -> memref<1x2x112xi32, #tpu.memory_space<hbm>>
      %dma_wait3A_793 = tpu.memref_squeeze %dma_wait3A_792 : memref<1x2x112xi32, #tpu.memory_space<hbm>> -> memref<2x112xi32, #tpu.memory_space<hbm>>
      tpu.wait_dma2 semaphore(%arg22 : memref<!tpu.dma_semaphore, #tpu.memory_space<semaphore_mem>>) src(%dma_wait3A_793 : memref<2x112xi32, #tpu.memory_space<hbm>>) dst(%arg10 : memref<2x112xi32, #tpu.memory_space<vmem>>)
      %dma_wait3A_794 = arith.constant 1 : i32
      %dma_wait3A_795 = arith.constant 0 : i32
      %dma_wait3A_796 = tpu.memref_slice %arg7[%dma_wait3A_794, %dma_wait3A_795] : memref<2x112xi32, #tpu.memory_space<vmem>> -> memref<1x112xi32, #tpu.memory_space<vmem>>
      %dma_wait3A_797 = tpu.memref_squeeze %dma_wait3A_796 : memref<1x112xi32, #tpu.memory_space<vmem>> -> memref<112xi32, #tpu.memory_space<vmem>>
      %dma_wait3A_798 = arith.constant 0 : i32
      %dma_wait3A_799 = arith.constant 0 : i32
      %dma_wait3A_800 = tpu.memref_slice %arg5[%dma_wait3A_798, %dma_wait3A_799] : memref<10008x128xf32, #tpu.memory_space<vmem_shared>> -> memref<10008x128xf32, #tpu.memory_space<vmem_shared>>
      tpu.wait_indirect_dma semaphore(%arg25 : memref<!tpu.dma_semaphore, #tpu.memory_space<semaphore_mem>>) src(%arg13 : memref<112x128xf32, #tpu.memory_space<vmem>>) dst(%dma_wait3A_800 : memref<10008x128xf32, #tpu.memory_space<vmem_shared>>)
      %dma_start3A_801 = arith.constant 0 : i32
      %dma_start3A_802 = arith.constant 0 : i32
      %dma_start3A_803 = tpu.memref_slice %arg10[%dma_start3A_801, %dma_start3A_802] : memref<2x112xi32, #tpu.memory_space<vmem>> -> memref<1x112xi32, #tpu.memory_space<vmem>>
      %dma_start3A_804 = tpu.memref_squeeze %dma_start3A_803 : memref<1x112xi32, #tpu.memory_space<vmem>> -> memref<112xi32, #tpu.memory_space<vmem>>
      %dma_start3A_805 = arith.constant 0 : i32
      %dma_start3A_806 = arith.constant 0 : i32
      %dma_start3A_807 = tpu.memref_slice %arg2[%dma_start3A_805, %dma_start3A_806] : memref<10000x128xf32, #tpu.memory_space<hbm>> -> memref<10000x128xf32, #tpu.memory_space<hbm>>
      tpu.enqueue_indirect_dma source(%dma_start3A_807 : memref<10000x128xf32, #tpu.memory_space<hbm>>) target(%arg13 : memref<112x128xf32, #tpu.memory_space<vmem>>) offsets(%dma_start3A_804 : memref<112xi32, #tpu.memory_space<vmem>>) semaphore(%arg16 : memref<!tpu.dma_semaphore, #tpu.memory_space<semaphore_mem>>)
      %mul3A_808 = arith.constant 6 : i32
      %mul3A_809 = arith.muli %scan3A_644, %mul3A_808 : i32
      %add3A_810 = arith.constant 3 : i32
      %add3A_811 = arith.addi %mul3A_809, %add3A_810 : i32
      %dma_wait3A_812 = arith.constant 0 : i32
      %dma_wait3A_813 = arith.constant 0 : i32
      %dma_wait3A_814 = tpu.memref_slice %arg9[%dma_wait3A_812, %dma_wait3A_813] : memref<2x112xi32, #tpu.memory_space<vmem>> -> memref<1x112xi32, #tpu.memory_space<vmem>>
      %dma_wait3A_815 = tpu.memref_squeeze %dma_wait3A_814 : memref<1x112xi32, #tpu.memory_space<vmem>> -> memref<112xi32, #tpu.memory_space<vmem>>
      %dma_wait3A_816 = arith.constant 0 : i32
      %dma_wait3A_817 = arith.constant 0 : i32
      %dma_wait3A_818 = tpu.memref_slice %arg2[%dma_wait3A_816, %dma_wait3A_817] : memref<10000x128xf32, #tpu.memory_space<hbm>> -> memref<10000x128xf32, #tpu.memory_space<hbm>>
      tpu.wait_indirect_dma semaphore(%arg15 : memref<!tpu.dma_semaphore, #tpu.memory_space<semaphore_mem>>) src(%dma_wait3A_818 : memref<10000x128xf32, #tpu.memory_space<hbm>>) dst(%arg12 : memref<112x128xf32, #tpu.memory_space<vmem>>)
      %dma_start3A_819 = arith.constant 1 : i32
      %dma_start3A_820 = arith.constant 0 : i32
      %dma_start3A_821 = tpu.memref_slice %arg9[%dma_start3A_819, %dma_start3A_820] : memref<2x112xi32, #tpu.memory_space<vmem>> -> memref<1x112xi32, #tpu.memory_space<vmem>>
      %dma_start3A_822 = tpu.memref_squeeze %dma_start3A_821 : memref<1x112xi32, #tpu.memory_space<vmem>> -> memref<112xi32, #tpu.memory_space<vmem>>
      %dma_start3A_823 = arith.constant 0 : i32
      %dma_start3A_824 = arith.constant 0 : i32
      %dma_start3A_825 = tpu.memref_slice %arg5[%dma_start3A_823, %dma_start3A_824] : memref<10008x128xf32, #tpu.memory_space<vmem_shared>> -> memref<10008x128xf32, #tpu.memory_space<vmem_shared>>
      tpu.enqueue_indirect_dma source(%arg12 : memref<112x128xf32, #tpu.memory_space<vmem>>) target(%dma_start3A_825 : memref<10008x128xf32, #tpu.memory_space<vmem_shared>>) offsets(%dma_start3A_822 : memref<112xi32, #tpu.memory_space<vmem>>) semaphore(%arg24 : memref<!tpu.dma_semaphore, #tpu.memory_space<semaphore_mem>>) {add = true}
      %add3A_826 = arith.constant 3 : i32
      %add3A_827 = arith.addi %add3A_811, %add3A_826 : i32
      %add3A_828 = arith.addi %mul3A_2, %add3A_827 : i32
      %dma_start3A_829 = arith.constant 0 : i32
      %dma_start3A_830 = arith.constant 0 : i32
      %dma_start3A_831 = tpu.memref_slice %arg3[%add3A_828, %dma_start3A_829, %dma_start3A_830] : memref<2880x2x112xi32, #tpu.memory_space<hbm>> -> memref<1x2x112xi32, #tpu.memory_space<hbm>>
      %dma_start3A_832 = tpu.memref_squeeze %dma_start3A_831 : memref<1x2x112xi32, #tpu.memory_space<hbm>> -> memref<2x112xi32, #tpu.memory_space<hbm>>
      %dma_start3A_833 = arith.constant 0 : i32
      %dma_start3A_834 = arith.constant 0 : i32
      %dma_start3A_835 = tpu.memref_slice %arg3[%add3A_828, %dma_start3A_833, %dma_start3A_834] : memref<2880x2x112xi32, #tpu.memory_space<hbm>> -> memref<1x2x112xi32, #tpu.memory_space<hbm>>
      %dma_start3A_836 = tpu.memref_squeeze %dma_start3A_835 : memref<1x2x112xi32, #tpu.memory_space<hbm>> -> memref<2x112xi32, #tpu.memory_space<hbm>>
      tpu.enqueue_dma source(%dma_start3A_836 : memref<2x112xi32, #tpu.memory_space<hbm>>) target(%arg6 : memref<2x112xi32, #tpu.memory_space<vmem>>) target_semaphore(%arg18 : memref<!tpu.dma_semaphore, #tpu.memory_space<semaphore_mem>>)
      %add3A_837 = arith.constant 2 : i32
      %add3A_838 = arith.addi %add3A_811, %add3A_837 : i32
      %add3A_839 = arith.addi %mul3A_2, %add3A_838 : i32
      %dma_wait3A_840 = arith.constant 0 : i32
      %dma_wait3A_841 = arith.constant 0 : i32
      %dma_wait3A_842 = tpu.memref_slice %arg3[%add3A_839, %dma_wait3A_840, %dma_wait3A_841] : memref<2880x2x112xi32, #tpu.memory_space<hbm>> -> memref<1x2x112xi32, #tpu.memory_space<hbm>>
      %dma_wait3A_843 = tpu.memref_squeeze %dma_wait3A_842 : memref<1x2x112xi32, #tpu.memory_space<hbm>> -> memref<2x112xi32, #tpu.memory_space<hbm>>
      %dma_wait3A_844 = arith.constant 0 : i32
      %dma_wait3A_845 = arith.constant 0 : i32
      %dma_wait3A_846 = tpu.memref_slice %arg3[%add3A_839, %dma_wait3A_844, %dma_wait3A_845] : memref<2880x2x112xi32, #tpu.memory_space<hbm>> -> memref<1x2x112xi32, #tpu.memory_space<hbm>>
      %dma_wait3A_847 = tpu.memref_squeeze %dma_wait3A_846 : memref<1x2x112xi32, #tpu.memory_space<hbm>> -> memref<2x112xi32, #tpu.memory_space<hbm>>
      tpu.wait_dma2 semaphore(%arg23 : memref<!tpu.dma_semaphore, #tpu.memory_space<semaphore_mem>>) src(%dma_wait3A_847 : memref<2x112xi32, #tpu.memory_space<hbm>>) dst(%arg11 : memref<2x112xi32, #tpu.memory_space<vmem>>)
      %dma_wait3A_848 = arith.constant 1 : i32
      %dma_wait3A_849 = arith.constant 0 : i32
      %dma_wait3A_850 = tpu.memref_slice %arg8[%dma_wait3A_848, %dma_wait3A_849] : memref<2x112xi32, #tpu.memory_space<vmem>> -> memref<1x112xi32, #tpu.memory_space<vmem>>
      %dma_wait3A_851 = tpu.memref_squeeze %dma_wait3A_850 : memref<1x112xi32, #tpu.memory_space<vmem>> -> memref<112xi32, #tpu.memory_space<vmem>>
      %dma_wait3A_852 = arith.constant 0 : i32
      %dma_wait3A_853 = arith.constant 0 : i32
      %dma_wait3A_854 = tpu.memref_slice %arg5[%dma_wait3A_852, %dma_wait3A_853] : memref<10008x128xf32, #tpu.memory_space<vmem_shared>> -> memref<10008x128xf32, #tpu.memory_space<vmem_shared>>
      tpu.wait_indirect_dma semaphore(%arg26 : memref<!tpu.dma_semaphore, #tpu.memory_space<semaphore_mem>>) src(%arg14 : memref<112x128xf32, #tpu.memory_space<vmem>>) dst(%dma_wait3A_854 : memref<10008x128xf32, #tpu.memory_space<vmem_shared>>)
      %dma_start3A_855 = arith.constant 0 : i32
      %dma_start3A_856 = arith.constant 0 : i32
      %dma_start3A_857 = tpu.memref_slice %arg11[%dma_start3A_855, %dma_start3A_856] : memref<2x112xi32, #tpu.memory_space<vmem>> -> memref<1x112xi32, #tpu.memory_space<vmem>>
      %dma_start3A_858 = tpu.memref_squeeze %dma_start3A_857 : memref<1x112xi32, #tpu.memory_space<vmem>> -> memref<112xi32, #tpu.memory_space<vmem>>
      %dma_start3A_859 = arith.constant 0 : i32
      %dma_start3A_860 = arith.constant 0 : i32
      %dma_start3A_861 = tpu.memref_slice %arg2[%dma_start3A_859, %dma_start3A_860] : memref<10000x128xf32, #tpu.memory_space<hbm>> -> memref<10000x128xf32, #tpu.memory_space<hbm>>
      tpu.enqueue_indirect_dma source(%dma_start3A_861 : memref<10000x128xf32, #tpu.memory_space<hbm>>) target(%arg14 : memref<112x128xf32, #tpu.memory_space<vmem>>) offsets(%dma_start3A_858 : memref<112xi32, #tpu.memory_space<vmem>>) semaphore(%arg17 : memref<!tpu.dma_semaphore, #tpu.memory_space<semaphore_mem>>)
      %mul3A_862 = arith.constant 6 : i32
      %mul3A_863 = arith.muli %scan3A_644, %mul3A_862 : i32
      %add3A_864 = arith.constant 4 : i32
      %add3A_865 = arith.addi %mul3A_863, %add3A_864 : i32
      %dma_wait3A_866 = arith.constant 0 : i32
      %dma_wait3A_867 = arith.constant 0 : i32
      %dma_wait3A_868 = tpu.memref_slice %arg10[%dma_wait3A_866, %dma_wait3A_867] : memref<2x112xi32, #tpu.memory_space<vmem>> -> memref<1x112xi32, #tpu.memory_space<vmem>>
      %dma_wait3A_869 = tpu.memref_squeeze %dma_wait3A_868 : memref<1x112xi32, #tpu.memory_space<vmem>> -> memref<112xi32, #tpu.memory_space<vmem>>
      %dma_wait3A_870 = arith.constant 0 : i32
      %dma_wait3A_871 = arith.constant 0 : i32
      %dma_wait3A_872 = tpu.memref_slice %arg2[%dma_wait3A_870, %dma_wait3A_871] : memref<10000x128xf32, #tpu.memory_space<hbm>> -> memref<10000x128xf32, #tpu.memory_space<hbm>>
      tpu.wait_indirect_dma semaphore(%arg16 : memref<!tpu.dma_semaphore, #tpu.memory_space<semaphore_mem>>) src(%dma_wait3A_872 : memref<10000x128xf32, #tpu.memory_space<hbm>>) dst(%arg13 : memref<112x128xf32, #tpu.memory_space<vmem>>)
      %dma_start3A_873 = arith.constant 1 : i32
      %dma_start3A_874 = arith.constant 0 : i32
      %dma_start3A_875 = tpu.memref_slice %arg10[%dma_start3A_873, %dma_start3A_874] : memref<2x112xi32, #tpu.memory_space<vmem>> -> memref<1x112xi32, #tpu.memory_space<vmem>>
      %dma_start3A_876 = tpu.memref_squeeze %dma_start3A_875 : memref<1x112xi32, #tpu.memory_space<vmem>> -> memref<112xi32, #tpu.memory_space<vmem>>
      %dma_start3A_877 = arith.constant 0 : i32
      %dma_start3A_878 = arith.constant 0 : i32
      %dma_start3A_879 = tpu.memref_slice %arg5[%dma_start3A_877, %dma_start3A_878] : memref<10008x128xf32, #tpu.memory_space<vmem_shared>> -> memref<10008x128xf32, #tpu.memory_space<vmem_shared>>
      tpu.enqueue_indirect_dma source(%arg13 : memref<112x128xf32, #tpu.memory_space<vmem>>) target(%dma_start3A_879 : memref<10008x128xf32, #tpu.memory_space<vmem_shared>>) offsets(%dma_start3A_876 : memref<112xi32, #tpu.memory_space<vmem>>) semaphore(%arg25 : memref<!tpu.dma_semaphore, #tpu.memory_space<semaphore_mem>>) {add = true}
      %add3A_880 = arith.constant 3 : i32
      %add3A_881 = arith.addi %add3A_865, %add3A_880 : i32
      %add3A_882 = arith.addi %mul3A_2, %add3A_881 : i32
      %dma_start3A_883 = arith.constant 0 : i32
      %dma_start3A_884 = arith.constant 0 : i32
      %dma_start3A_885 = tpu.memref_slice %arg3[%add3A_882, %dma_start3A_883, %dma_start3A_884] : memref<2880x2x112xi32, #tpu.memory_space<hbm>> -> memref<1x2x112xi32, #tpu.memory_space<hbm>>
      %dma_start3A_886 = tpu.memref_squeeze %dma_start3A_885 : memref<1x2x112xi32, #tpu.memory_space<hbm>> -> memref<2x112xi32, #tpu.memory_space<hbm>>
      %dma_start3A_887 = arith.constant 0 : i32
      %dma_start3A_888 = arith.constant 0 : i32
      %dma_start3A_889 = tpu.memref_slice %arg3[%add3A_882, %dma_start3A_887, %dma_start3A_888] : memref<2880x2x112xi32, #tpu.memory_space<hbm>> -> memref<1x2x112xi32, #tpu.memory_space<hbm>>
      %dma_start3A_890 = tpu.memref_squeeze %dma_start3A_889 : memref<1x2x112xi32, #tpu.memory_space<hbm>> -> memref<2x112xi32, #tpu.memory_space<hbm>>
      tpu.enqueue_dma source(%dma_start3A_890 : memref<2x112xi32, #tpu.memory_space<hbm>>) target(%arg7 : memref<2x112xi32, #tpu.memory_space<vmem>>) target_semaphore(%arg19 : memref<!tpu.dma_semaphore, #tpu.memory_space<semaphore_mem>>)
      %add3A_891 = arith.constant 2 : i32
      %add3A_892 = arith.addi %add3A_865, %add3A_891 : i32
      %add3A_893 = arith.addi %mul3A_2, %add3A_892 : i32
      %dma_wait3A_894 = arith.constant 0 : i32
      %dma_wait3A_895 = arith.constant 0 : i32
      %dma_wait3A_896 = tpu.memref_slice %arg3[%add3A_893, %dma_wait3A_894, %dma_wait3A_895] : memref<2880x2x112xi32, #tpu.memory_space<hbm>> -> memref<1x2x112xi32, #tpu.memory_space<hbm>>
      %dma_wait3A_897 = tpu.memref_squeeze %dma_wait3A_896 : memref<1x2x112xi32, #tpu.memory_space<hbm>> -> memref<2x112xi32, #tpu.memory_space<hbm>>
      %dma_wait3A_898 = arith.constant 0 : i32
      %dma_wait3A_899 = arith.constant 0 : i32
      %dma_wait3A_900 = tpu.memref_slice %arg3[%add3A_893, %dma_wait3A_898, %dma_wait3A_899] : memref<2880x2x112xi32, #tpu.memory_space<hbm>> -> memref<1x2x112xi32, #tpu.memory_space<hbm>>
      %dma_wait3A_901 = tpu.memref_squeeze %dma_wait3A_900 : memref<1x2x112xi32, #tpu.memory_space<hbm>> -> memref<2x112xi32, #tpu.memory_space<hbm>>
      tpu.wait_dma2 semaphore(%arg18 : memref<!tpu.dma_semaphore, #tpu.memory_space<semaphore_mem>>) src(%dma_wait3A_901 : memref<2x112xi32, #tpu.memory_space<hbm>>) dst(%arg6 : memref<2x112xi32, #tpu.memory_space<vmem>>)
      %dma_wait3A_902 = arith.constant 1 : i32
      %dma_wait3A_903 = arith.constant 0 : i32
      %dma_wait3A_904 = tpu.memref_slice %arg9[%dma_wait3A_902, %dma_wait3A_903] : memref<2x112xi32, #tpu.memory_space<vmem>> -> memref<1x112xi32, #tpu.memory_space<vmem>>
      %dma_wait3A_905 = tpu.memref_squeeze %dma_wait3A_904 : memref<1x112xi32, #tpu.memory_space<vmem>> -> memref<112xi32, #tpu.memory_space<vmem>>
      %dma_wait3A_906 = arith.constant 0 : i32
      %dma_wait3A_907 = arith.constant 0 : i32
      %dma_wait3A_908 = tpu.memref_slice %arg5[%dma_wait3A_906, %dma_wait3A_907] : memref<10008x128xf32, #tpu.memory_space<vmem_shared>> -> memref<10008x128xf32, #tpu.memory_space<vmem_shared>>
      tpu.wait_indirect_dma semaphore(%arg24 : memref<!tpu.dma_semaphore, #tpu.memory_space<semaphore_mem>>) src(%arg12 : memref<112x128xf32, #tpu.memory_space<vmem>>) dst(%dma_wait3A_908 : memref<10008x128xf32, #tpu.memory_space<vmem_shared>>)
      %dma_start3A_909 = arith.constant 0 : i32
      %dma_start3A_910 = arith.constant 0 : i32
      %dma_start3A_911 = tpu.memref_slice %arg6[%dma_start3A_909, %dma_start3A_910] : memref<2x112xi32, #tpu.memory_space<vmem>> -> memref<1x112xi32, #tpu.memory_space<vmem>>
      %dma_start3A_912 = tpu.memref_squeeze %dma_start3A_911 : memref<1x112xi32, #tpu.memory_space<vmem>> -> memref<112xi32, #tpu.memory_space<vmem>>
      %dma_start3A_913 = arith.constant 0 : i32
      %dma_start3A_914 = arith.constant 0 : i32
      %dma_start3A_915 = tpu.memref_slice %arg2[%dma_start3A_913, %dma_start3A_914] : memref<10000x128xf32, #tpu.memory_space<hbm>> -> memref<10000x128xf32, #tpu.memory_space<hbm>>
      tpu.enqueue_indirect_dma source(%dma_start3A_915 : memref<10000x128xf32, #tpu.memory_space<hbm>>) target(%arg12 : memref<112x128xf32, #tpu.memory_space<vmem>>) offsets(%dma_start3A_912 : memref<112xi32, #tpu.memory_space<vmem>>) semaphore(%arg15 : memref<!tpu.dma_semaphore, #tpu.memory_space<semaphore_mem>>)
      %mul3A_916 = arith.constant 6 : i32
      %mul3A_917 = arith.muli %scan3A_644, %mul3A_916 : i32
      %add3A_918 = arith.constant 5 : i32
      %add3A_919 = arith.addi %mul3A_917, %add3A_918 : i32
      %dma_wait3A_920 = arith.constant 0 : i32
      %dma_wait3A_921 = arith.constant 0 : i32
      %dma_wait3A_922 = tpu.memref_slice %arg11[%dma_wait3A_920, %dma_wait3A_921] : memref<2x112xi32, #tpu.memory_space<vmem>> -> memref<1x112xi32, #tpu.memory_space<vmem>>
      %dma_wait3A_923 = tpu.memref_squeeze %dma_wait3A_922 : memref<1x112xi32, #tpu.memory_space<vmem>> -> memref<112xi32, #tpu.memory_space<vmem>>
      %dma_wait3A_924 = arith.constant 0 : i32
      %dma_wait3A_925 = arith.constant 0 : i32
      %dma_wait3A_926 = tpu.memref_slice %arg2[%dma_wait3A_924, %dma_wait3A_925] : memref<10000x128xf32, #tpu.memory_space<hbm>> -> memref<10000x128xf32, #tpu.memory_space<hbm>>
      tpu.wait_indirect_dma semaphore(%arg17 : memref<!tpu.dma_semaphore, #tpu.memory_space<semaphore_mem>>) src(%dma_wait3A_926 : memref<10000x128xf32, #tpu.memory_space<hbm>>) dst(%arg14 : memref<112x128xf32, #tpu.memory_space<vmem>>)
      %dma_start3A_927 = arith.constant 1 : i32
      %dma_start3A_928 = arith.constant 0 : i32
      %dma_start3A_929 = tpu.memref_slice %arg11[%dma_start3A_927, %dma_start3A_928] : memref<2x112xi32, #tpu.memory_space<vmem>> -> memref<1x112xi32, #tpu.memory_space<vmem>>
      %dma_start3A_930 = tpu.memref_squeeze %dma_start3A_929 : memref<1x112xi32, #tpu.memory_space<vmem>> -> memref<112xi32, #tpu.memory_space<vmem>>
      %dma_start3A_931 = arith.constant 0 : i32
      %dma_start3A_932 = arith.constant 0 : i32
      %dma_start3A_933 = tpu.memref_slice %arg5[%dma_start3A_931, %dma_start3A_932] : memref<10008x128xf32, #tpu.memory_space<vmem_shared>> -> memref<10008x128xf32, #tpu.memory_space<vmem_shared>>
      tpu.enqueue_indirect_dma source(%arg14 : memref<112x128xf32, #tpu.memory_space<vmem>>) target(%dma_start3A_933 : memref<10008x128xf32, #tpu.memory_space<vmem_shared>>) offsets(%dma_start3A_930 : memref<112xi32, #tpu.memory_space<vmem>>) semaphore(%arg26 : memref<!tpu.dma_semaphore, #tpu.memory_space<semaphore_mem>>) {add = true}
      %add3A_934 = arith.constant 3 : i32
      %add3A_935 = arith.addi %add3A_919, %add3A_934 : i32
      %add3A_936 = arith.addi %mul3A_2, %add3A_935 : i32
      %dma_start3A_937 = arith.constant 0 : i32
      %dma_start3A_938 = arith.constant 0 : i32
      %dma_start3A_939 = tpu.memref_slice %arg3[%add3A_936, %dma_start3A_937, %dma_start3A_938] : memref<2880x2x112xi32, #tpu.memory_space<hbm>> -> memref<1x2x112xi32, #tpu.memory_space<hbm>>
      %dma_start3A_940 = tpu.memref_squeeze %dma_start3A_939 : memref<1x2x112xi32, #tpu.memory_space<hbm>> -> memref<2x112xi32, #tpu.memory_space<hbm>>
      %dma_start3A_941 = arith.constant 0 : i32
      %dma_start3A_942 = arith.constant 0 : i32
      %dma_start3A_943 = tpu.memref_slice %arg3[%add3A_936, %dma_start3A_941, %dma_start3A_942] : memref<2880x2x112xi32, #tpu.memory_space<hbm>> -> memref<1x2x112xi32, #tpu.memory_space<hbm>>
      %dma_start3A_944 = tpu.memref_squeeze %dma_start3A_943 : memref<1x2x112xi32, #tpu.memory_space<hbm>> -> memref<2x112xi32, #tpu.memory_space<hbm>>
      tpu.enqueue_dma source(%dma_start3A_944 : memref<2x112xi32, #tpu.memory_space<hbm>>) target(%arg8 : memref<2x112xi32, #tpu.memory_space<vmem>>) target_semaphore(%arg20 : memref<!tpu.dma_semaphore, #tpu.memory_space<semaphore_mem>>)
      %add3A_945 = arith.constant 2 : i32
      %add3A_946 = arith.addi %add3A_919, %add3A_945 : i32
      %add3A_947 = arith.addi %mul3A_2, %add3A_946 : i32
      %dma_wait3A_948 = arith.constant 0 : i32
      %dma_wait3A_949 = arith.constant 0 : i32
      %dma_wait3A_950 = tpu.memref_slice %arg3[%add3A_947, %dma_wait3A_948, %dma_wait3A_949] : memref<2880x2x112xi32, #tpu.memory_space<hbm>> -> memref<1x2x112xi32, #tpu.memory_space<hbm>>
      %dma_wait3A_951 = tpu.memref_squeeze %dma_wait3A_950 : memref<1x2x112xi32, #tpu.memory_space<hbm>> -> memref<2x112xi32, #tpu.memory_space<hbm>>
      %dma_wait3A_952 = arith.constant 0 : i32
      %dma_wait3A_953 = arith.constant 0 : i32
      %dma_wait3A_954 = tpu.memref_slice %arg3[%add3A_947, %dma_wait3A_952, %dma_wait3A_953] : memref<2880x2x112xi32, #tpu.memory_space<hbm>> -> memref<1x2x112xi32, #tpu.memory_space<hbm>>
      %dma_wait3A_955 = tpu.memref_squeeze %dma_wait3A_954 : memref<1x2x112xi32, #tpu.memory_space<hbm>> -> memref<2x112xi32, #tpu.memory_space<hbm>>
      tpu.wait_dma2 semaphore(%arg19 : memref<!tpu.dma_semaphore, #tpu.memory_space<semaphore_mem>>) src(%dma_wait3A_955 : memref<2x112xi32, #tpu.memory_space<hbm>>) dst(%arg7 : memref<2x112xi32, #tpu.memory_space<vmem>>)
      %dma_wait3A_956 = arith.constant 1 : i32
      %dma_wait3A_957 = arith.constant 0 : i32
      %dma_wait3A_958 = tpu.memref_slice %arg10[%dma_wait3A_956, %dma_wait3A_957] : memref<2x112xi32, #tpu.memory_space<vmem>> -> memref<1x112xi32, #tpu.memory_space<vmem>>
      %dma_wait3A_959 = tpu.memref_squeeze %dma_wait3A_958 : memref<1x112xi32, #tpu.memory_space<vmem>> -> memref<112xi32, #tpu.memory_space<vmem>>
      %dma_wait3A_960 = arith.constant 0 : i32
      %dma_wait3A_961 = arith.constant 0 : i32
      %dma_wait3A_962 = tpu.memref_slice %arg5[%dma_wait3A_960, %dma_wait3A_961] : memref<10008x128xf32, #tpu.memory_space<vmem_shared>> -> memref<10008x128xf32, #tpu.memory_space<vmem_shared>>
      tpu.wait_indirect_dma semaphore(%arg25 : memref<!tpu.dma_semaphore, #tpu.memory_space<semaphore_mem>>) src(%arg13 : memref<112x128xf32, #tpu.memory_space<vmem>>) dst(%dma_wait3A_962 : memref<10008x128xf32, #tpu.memory_space<vmem_shared>>)
      %dma_start3A_963 = arith.constant 0 : i32
      %dma_start3A_964 = arith.constant 0 : i32
      %dma_start3A_965 = tpu.memref_slice %arg7[%dma_start3A_963, %dma_start3A_964] : memref<2x112xi32, #tpu.memory_space<vmem>> -> memref<1x112xi32, #tpu.memory_space<vmem>>
      %dma_start3A_966 = tpu.memref_squeeze %dma_start3A_965 : memref<1x112xi32, #tpu.memory_space<vmem>> -> memref<112xi32, #tpu.memory_space<vmem>>
      %dma_start3A_967 = arith.constant 0 : i32
      %dma_start3A_968 = arith.constant 0 : i32
      %dma_start3A_969 = tpu.memref_slice %arg2[%dma_start3A_967, %dma_start3A_968] : memref<10000x128xf32, #tpu.memory_space<hbm>> -> memref<10000x128xf32, #tpu.memory_space<hbm>>
      tpu.enqueue_indirect_dma source(%dma_start3A_969 : memref<10000x128xf32, #tpu.memory_space<hbm>>) target(%arg13 : memref<112x128xf32, #tpu.memory_space<vmem>>) offsets(%dma_start3A_966 : memref<112xi32, #tpu.memory_space<vmem>>) semaphore(%arg16 : memref<!tpu.dma_semaphore, #tpu.memory_space<semaphore_mem>>)
      %scan3A_970 = arith.constant 0 : i32
      scf.yield %scan3A_970 : i32
    }
    %scan3A_387 = arith.constant 13 : i32
    %dma_wait3A_388 = arith.constant 0 : i32
    %dma_wait3A_389 = arith.constant 0 : i32
    %dma_wait3A_390 = tpu.memref_slice %arg6[%dma_wait3A_388, %dma_wait3A_389] : memref<2x112xi32, #tpu.memory_space<vmem>> -> memref<1x112xi32, #tpu.memory_space<vmem>>
    %dma_wait3A_391 = tpu.memref_squeeze %dma_wait3A_390 : memref<1x112xi32, #tpu.memory_space<vmem>> -> memref<112xi32, #tpu.memory_space<vmem>>
    %dma_wait3A_392 = arith.constant 0 : i32
    %dma_wait3A_393 = arith.constant 0 : i32
    %dma_wait3A_394 = tpu.memref_slice %arg2[%dma_wait3A_392, %dma_wait3A_393] : memref<10000x128xf32, #tpu.memory_space<hbm>> -> memref<10000x128xf32, #tpu.memory_space<hbm>>
    tpu.wait_indirect_dma semaphore(%arg15 : memref<!tpu.dma_semaphore, #tpu.memory_space<semaphore_mem>>) src(%dma_wait3A_394 : memref<10000x128xf32, #tpu.memory_space<hbm>>) dst(%arg12 : memref<112x128xf32, #tpu.memory_space<vmem>>)
    %dma_start3A_395 = arith.constant 1 : i32
    %dma_start3A_396 = arith.constant 0 : i32
    %dma_start3A_397 = tpu.memref_slice %arg6[%dma_start3A_395, %dma_start3A_396] : memref<2x112xi32, #tpu.memory_space<vmem>> -> memref<1x112xi32, #tpu.memory_space<vmem>>
    %dma_start3A_398 = tpu.memref_squeeze %dma_start3A_397 : memref<1x112xi32, #tpu.memory_space<vmem>> -> memref<112xi32, #tpu.memory_space<vmem>>
    %dma_start3A_399 = arith.constant 0 : i32
    %dma_start3A_400 = arith.constant 0 : i32
    %dma_start3A_401 = tpu.memref_slice %arg5[%dma_start3A_399, %dma_start3A_400] : memref<10008x128xf32, #tpu.memory_space<vmem_shared>> -> memref<10008x128xf32, #tpu.memory_space<vmem_shared>>
    tpu.enqueue_indirect_dma source(%arg12 : memref<112x128xf32, #tpu.memory_space<vmem>>) target(%dma_start3A_401 : memref<10008x128xf32, #tpu.memory_space<vmem_shared>>) offsets(%dma_start3A_398 : memref<112xi32, #tpu.memory_space<vmem>>) semaphore(%arg24 : memref<!tpu.dma_semaphore, #tpu.memory_space<semaphore_mem>>) {add = true}
    %add3A_402 = arith.constant 87 : i32
    %add3A_403 = arith.addi %mul3A_2, %add3A_402 : i32
    %dma_start3A_404 = arith.constant 0 : i32
    %dma_start3A_405 = arith.constant 0 : i32
    %dma_start3A_406 = tpu.memref_slice %arg3[%add3A_403, %dma_start3A_404, %dma_start3A_405] : memref<2880x2x112xi32, #tpu.memory_space<hbm>> -> memref<1x2x112xi32, #tpu.memory_space<hbm>>
    %dma_start3A_407 = tpu.memref_squeeze %dma_start3A_406 : memref<1x2x112xi32, #tpu.memory_space<hbm>> -> memref<2x112xi32, #tpu.memory_space<hbm>>
    %dma_start3A_408 = arith.constant 0 : i32
    %dma_start3A_409 = arith.constant 0 : i32
    %dma_start3A_410 = tpu.memref_slice %arg3[%add3A_403, %dma_start3A_408, %dma_start3A_409] : memref<2880x2x112xi32, #tpu.memory_space<hbm>> -> memref<1x2x112xi32, #tpu.memory_space<hbm>>
    %dma_start3A_411 = tpu.memref_squeeze %dma_start3A_410 : memref<1x2x112xi32, #tpu.memory_space<hbm>> -> memref<2x112xi32, #tpu.memory_space<hbm>>
    tpu.enqueue_dma source(%dma_start3A_411 : memref<2x112xi32, #tpu.memory_space<hbm>>) target(%arg9 : memref<2x112xi32, #tpu.memory_space<vmem>>) target_semaphore(%arg21 : memref<!tpu.dma_semaphore, #tpu.memory_space<semaphore_mem>>)
    %add3A_412 = arith.constant 86 : i32
    %add3A_413 = arith.addi %mul3A_2, %add3A_412 : i32
    %dma_wait3A_414 = arith.constant 0 : i32
    %dma_wait3A_415 = arith.constant 0 : i32
    %dma_wait3A_416 = tpu.memref_slice %arg3[%add3A_413, %dma_wait3A_414, %dma_wait3A_415] : memref<2880x2x112xi32, #tpu.memory_space<hbm>> -> memref<1x2x112xi32, #tpu.memory_space<hbm>>
    %dma_wait3A_417 = tpu.memref_squeeze %dma_wait3A_416 : memref<1x2x112xi32, #tpu.memory_space<hbm>> -> memref<2x112xi32, #tpu.memory_space<hbm>>
    %dma_wait3A_418 = arith.constant 0 : i32
    %dma_wait3A_419 = arith.constant 0 : i32
    %dma_wait3A_420 = tpu.memref_slice %arg3[%add3A_413, %dma_wait3A_418, %dma_wait3A_419] : memref<2880x2x112xi32, #tpu.memory_space<hbm>> -> memref<1x2x112xi32, #tpu.memory_space<hbm>>
    %dma_wait3A_421 = tpu.memref_squeeze %dma_wait3A_420 : memref<1x2x112xi32, #tpu.memory_space<hbm>> -> memref<2x112xi32, #tpu.memory_space<hbm>>
    tpu.wait_dma2 semaphore(%arg20 : memref<!tpu.dma_semaphore, #tpu.memory_space<semaphore_mem>>) src(%dma_wait3A_421 : memref<2x112xi32, #tpu.memory_space<hbm>>) dst(%arg8 : memref<2x112xi32, #tpu.memory_space<vmem>>)
    %dma_wait3A_422 = arith.constant 1 : i32
    %dma_wait3A_423 = arith.constant 0 : i32
    %dma_wait3A_424 = tpu.memref_slice %arg11[%dma_wait3A_422, %dma_wait3A_423] : memref<2x112xi32, #tpu.memory_space<vmem>> -> memref<1x112xi32, #tpu.memory_space<vmem>>
    %dma_wait3A_425 = tpu.memref_squeeze %dma_wait3A_424 : memref<1x112xi32, #tpu.memory_space<vmem>> -> memref<112xi32, #tpu.memory_space<vmem>>
    %dma_wait3A_426 = arith.constant 0 : i32
    %dma_wait3A_427 = arith.constant 0 : i32
    %dma_wait3A_428 = tpu.memref_slice %arg5[%dma_wait3A_426, %dma_wait3A_427] : memref<10008x128xf32, #tpu.memory_space<vmem_shared>> -> memref<10008x128xf32, #tpu.memory_space<vmem_shared>>
    tpu.wait_indirect_dma semaphore(%arg26 : memref<!tpu.dma_semaphore, #tpu.memory_space<semaphore_mem>>) src(%arg14 : memref<112x128xf32, #tpu.memory_space<vmem>>) dst(%dma_wait3A_428 : memref<10008x128xf32, #tpu.memory_space<vmem_shared>>)
    %dma_start3A_429 = arith.constant 0 : i32
    %dma_start3A_430 = arith.constant 0 : i32
    %dma_start3A_431 = tpu.memref_slice %arg8[%dma_start3A_429, %dma_start3A_430] : memref<2x112xi32, #tpu.memory_space<vmem>> -> memref<1x112xi32, #tpu.memory_space<vmem>>
    %dma_start3A_432 = tpu.memref_squeeze %dma_start3A_431 : memref<1x112xi32, #tpu.memory_space<vmem>> -> memref<112xi32, #tpu.memory_space<vmem>>
    %dma_start3A_433 = arith.constant 0 : i32
    %dma_start3A_434 = arith.constant 0 : i32
    %dma_start3A_435 = tpu.memref_slice %arg2[%dma_start3A_433, %dma_start3A_434] : memref<10000x128xf32, #tpu.memory_space<hbm>> -> memref<10000x128xf32, #tpu.memory_space<hbm>>
    tpu.enqueue_indirect_dma source(%dma_start3A_435 : memref<10000x128xf32, #tpu.memory_space<hbm>>) target(%arg14 : memref<112x128xf32, #tpu.memory_space<vmem>>) offsets(%dma_start3A_432 : memref<112xi32, #tpu.memory_space<vmem>>) semaphore(%arg17 : memref<!tpu.dma_semaphore, #tpu.memory_space<semaphore_mem>>)
    %dma_wait3A_436 = arith.constant 0 : i32
    %dma_wait3A_437 = arith.constant 0 : i32
    %dma_wait3A_438 = tpu.memref_slice %arg7[%dma_wait3A_436, %dma_wait3A_437] : memref<2x112xi32, #tpu.memory_space<vmem>> -> memref<1x112xi32, #tpu.memory_space<vmem>>
    %dma_wait3A_439 = tpu.memref_squeeze %dma_wait3A_438 : memref<1x112xi32, #tpu.memory_space<vmem>> -> memref<112xi32, #tpu.memory_space<vmem>>
    %dma_wait3A_440 = arith.constant 0 : i32
    %dma_wait3A_441 = arith.constant 0 : i32
    %dma_wait3A_442 = tpu.memref_slice %arg2[%dma_wait3A_440, %dma_wait3A_441] : memref<10000x128xf32, #tpu.memory_space<hbm>> -> memref<10000x128xf32, #tpu.memory_space<hbm>>
    tpu.wait_indirect_dma semaphore(%arg16 : memref<!tpu.dma_semaphore, #tpu.memory_space<semaphore_mem>>) src(%dma_wait3A_442 : memref<10000x128xf32, #tpu.memory_space<hbm>>) dst(%arg13 : memref<112x128xf32, #tpu.memory_space<vmem>>)
    %dma_start3A_443 = arith.constant 1 : i32
    %dma_start3A_444 = arith.constant 0 : i32
    %dma_start3A_445 = tpu.memref_slice %arg7[%dma_start3A_443, %dma_start3A_444] : memref<2x112xi32, #tpu.memory_space<vmem>> -> memref<1x112xi32, #tpu.memory_space<vmem>>
    %dma_start3A_446 = tpu.memref_squeeze %dma_start3A_445 : memref<1x112xi32, #tpu.memory_space<vmem>> -> memref<112xi32, #tpu.memory_space<vmem>>
    %dma_start3A_447 = arith.constant 0 : i32
    %dma_start3A_448 = arith.constant 0 : i32
    %dma_start3A_449 = tpu.memref_slice %arg5[%dma_start3A_447, %dma_start3A_448] : memref<10008x128xf32, #tpu.memory_space<vmem_shared>> -> memref<10008x128xf32, #tpu.memory_space<vmem_shared>>
    tpu.enqueue_indirect_dma source(%arg13 : memref<112x128xf32, #tpu.memory_space<vmem>>) target(%dma_start3A_449 : memref<10008x128xf32, #tpu.memory_space<vmem_shared>>) offsets(%dma_start3A_446 : memref<112xi32, #tpu.memory_space<vmem>>) semaphore(%arg25 : memref<!tpu.dma_semaphore, #tpu.memory_space<semaphore_mem>>) {add = true}
    %add3A_450 = arith.constant 88 : i32
    %add3A_451 = arith.addi %mul3A_2, %add3A_450 : i32
    %dma_start3A_452 = arith.constant 0 : i32
    %dma_start3A_453 = arith.constant 0 : i32
    %dma_start3A_454 = tpu.memref_slice %arg3[%add3A_451, %dma_start3A_452, %dma_start3A_453] : memref<2880x2x112xi32, #tpu.memory_space<hbm>> -> memref<1x2x112xi32, #tpu.memory_space<hbm>>
    %dma_start3A_455 = tpu.memref_squeeze %dma_start3A_454 : memref<1x2x112xi32, #tpu.memory_space<hbm>> -> memref<2x112xi32, #tpu.memory_space<hbm>>
    %dma_start3A_456 = arith.constant 0 : i32
    %dma_start3A_457 = arith.constant 0 : i32
    %dma_start3A_458 = tpu.memref_slice %arg3[%add3A_451, %dma_start3A_456, %dma_start3A_457] : memref<2880x2x112xi32, #tpu.memory_space<hbm>> -> memref<1x2x112xi32, #tpu.memory_space<hbm>>
    %dma_start3A_459 = tpu.memref_squeeze %dma_start3A_458 : memref<1x2x112xi32, #tpu.memory_space<hbm>> -> memref<2x112xi32, #tpu.memory_space<hbm>>
    tpu.enqueue_dma source(%dma_start3A_459 : memref<2x112xi32, #tpu.memory_space<hbm>>) target(%arg10 : memref<2x112xi32, #tpu.memory_space<vmem>>) target_semaphore(%arg22 : memref<!tpu.dma_semaphore, #tpu.memory_space<semaphore_mem>>)
    %add3A_460 = arith.constant 87 : i32
    %add3A_461 = arith.addi %mul3A_2, %add3A_460 : i32
    %dma_wait3A_462 = arith.constant 0 : i32
    %dma_wait3A_463 = arith.constant 0 : i32
    %dma_wait3A_464 = tpu.memref_slice %arg3[%add3A_461, %dma_wait3A_462, %dma_wait3A_463] : memref<2880x2x112xi32, #tpu.memory_space<hbm>> -> memref<1x2x112xi32, #tpu.memory_space<hbm>>
    %dma_wait3A_465 = tpu.memref_squeeze %dma_wait3A_464 : memref<1x2x112xi32, #tpu.memory_space<hbm>> -> memref<2x112xi32, #tpu.memory_space<hbm>>
    %dma_wait3A_466 = arith.constant 0 : i32
    %dma_wait3A_467 = arith.constant 0 : i32
    %dma_wait3A_468 = tpu.memref_slice %arg3[%add3A_461, %dma_wait3A_466, %dma_wait3A_467] : memref<2880x2x112xi32, #tpu.memory_space<hbm>> -> memref<1x2x112xi32, #tpu.memory_space<hbm>>
    %dma_wait3A_469 = tpu.memref_squeeze %dma_wait3A_468 : memref<1x2x112xi32, #tpu.memory_space<hbm>> -> memref<2x112xi32, #tpu.memory_space<hbm>>
    tpu.wait_dma2 semaphore(%arg21 : memref<!tpu.dma_semaphore, #tpu.memory_space<semaphore_mem>>) src(%dma_wait3A_469 : memref<2x112xi32, #tpu.memory_space<hbm>>) dst(%arg9 : memref<2x112xi32, #tpu.memory_space<vmem>>)
    %dma_wait3A_470 = arith.constant 1 : i32
    %dma_wait3A_471 = arith.constant 0 : i32
    %dma_wait3A_472 = tpu.memref_slice %arg6[%dma_wait3A_470, %dma_wait3A_471] : memref<2x112xi32, #tpu.memory_space<vmem>> -> memref<1x112xi32, #tpu.memory_space<vmem>>
    %dma_wait3A_473 = tpu.memref_squeeze %dma_wait3A_472 : memref<1x112xi32, #tpu.memory_space<vmem>> -> memref<112xi32, #tpu.memory_space<vmem>>
    %dma_wait3A_474 = arith.constant 0 : i32
    %dma_wait3A_475 = arith.constant 0 : i32
    %dma_wait3A_476 = tpu.memref_slice %arg5[%dma_wait3A_474, %dma_wait3A_475] : memref<10008x128xf32, #tpu.memory_space<vmem_shared>> -> memref<10008x128xf32, #tpu.memory_space<vmem_shared>>
    tpu.wait_indirect_dma semaphore(%arg24 : memref<!tpu.dma_semaphore, #tpu.memory_space<semaphore_mem>>) src(%arg12 : memref<112x128xf32, #tpu.memory_space<vmem>>) dst(%dma_wait3A_476 : memref<10008x128xf32, #tpu.memory_space<vmem_shared>>)
    %dma_start3A_477 = arith.constant 0 : i32
    %dma_start3A_478 = arith.constant 0 : i32
    %dma_start3A_479 = tpu.memref_slice %arg9[%dma_start3A_477, %dma_start3A_478] : memref<2x112xi32, #tpu.memory_space<vmem>> -> memref<1x112xi32, #tpu.memory_space<vmem>>
    %dma_start3A_480 = tpu.memref_squeeze %dma_start3A_479 : memref<1x112xi32, #tpu.memory_space<vmem>> -> memref<112xi32, #tpu.memory_space<vmem>>
    %dma_start3A_481 = arith.constant 0 : i32
    %dma_start3A_482 = arith.constant 0 : i32
    %dma_start3A_483 = tpu.memref_slice %arg2[%dma_start3A_481, %dma_start3A_482] : memref<10000x128xf32, #tpu.memory_space<hbm>> -> memref<10000x128xf32, #tpu.memory_space<hbm>>
    tpu.enqueue_indirect_dma source(%dma_start3A_483 : memref<10000x128xf32, #tpu.memory_space<hbm>>) target(%arg12 : memref<112x128xf32, #tpu.memory_space<vmem>>) offsets(%dma_start3A_480 : memref<112xi32, #tpu.memory_space<vmem>>) semaphore(%arg15 : memref<!tpu.dma_semaphore, #tpu.memory_space<semaphore_mem>>)
    %dma_wait3A_484 = arith.constant 0 : i32
    %dma_wait3A_485 = arith.constant 0 : i32
    %dma_wait3A_486 = tpu.memref_slice %arg8[%dma_wait3A_484, %dma_wait3A_485] : memref<2x112xi32, #tpu.memory_space<vmem>> -> memref<1x112xi32, #tpu.memory_space<vmem>>
    %dma_wait3A_487 = tpu.memref_squeeze %dma_wait3A_486 : memref<1x112xi32, #tpu.memory_space<vmem>> -> memref<112xi32, #tpu.memory_space<vmem>>
    %dma_wait3A_488 = arith.constant 0 : i32
    %dma_wait3A_489 = arith.constant 0 : i32
    %dma_wait3A_490 = tpu.memref_slice %arg2[%dma_wait3A_488, %dma_wait3A_489] : memref<10000x128xf32, #tpu.memory_space<hbm>> -> memref<10000x128xf32, #tpu.memory_space<hbm>>
    tpu.wait_indirect_dma semaphore(%arg17 : memref<!tpu.dma_semaphore, #tpu.memory_space<semaphore_mem>>) src(%dma_wait3A_490 : memref<10000x128xf32, #tpu.memory_space<hbm>>) dst(%arg14 : memref<112x128xf32, #tpu.memory_space<vmem>>)
    %dma_start3A_491 = arith.constant 1 : i32
    %dma_start3A_492 = arith.constant 0 : i32
    %dma_start3A_493 = tpu.memref_slice %arg8[%dma_start3A_491, %dma_start3A_492] : memref<2x112xi32, #tpu.memory_space<vmem>> -> memref<1x112xi32, #tpu.memory_space<vmem>>
    %dma_start3A_494 = tpu.memref_squeeze %dma_start3A_493 : memref<1x112xi32, #tpu.memory_space<vmem>> -> memref<112xi32, #tpu.memory_space<vmem>>
    %dma_start3A_495 = arith.constant 0 : i32
    %dma_start3A_496 = arith.constant 0 : i32
    %dma_start3A_497 = tpu.memref_slice %arg5[%dma_start3A_495, %dma_start3A_496] : memref<10008x128xf32, #tpu.memory_space<vmem_shared>> -> memref<10008x128xf32, #tpu.memory_space<vmem_shared>>
    tpu.enqueue_indirect_dma source(%arg14 : memref<112x128xf32, #tpu.memory_space<vmem>>) target(%dma_start3A_497 : memref<10008x128xf32, #tpu.memory_space<vmem_shared>>) offsets(%dma_start3A_494 : memref<112xi32, #tpu.memory_space<vmem>>) semaphore(%arg26 : memref<!tpu.dma_semaphore, #tpu.memory_space<semaphore_mem>>) {add = true}
    %add3A_498 = arith.constant 89 : i32
    %add3A_499 = arith.addi %mul3A_2, %add3A_498 : i32
    %dma_start3A_500 = arith.constant 0 : i32
    %dma_start3A_501 = arith.constant 0 : i32
    %dma_start3A_502 = tpu.memref_slice %arg3[%add3A_499, %dma_start3A_500, %dma_start3A_501] : memref<2880x2x112xi32, #tpu.memory_space<hbm>> -> memref<1x2x112xi32, #tpu.memory_space<hbm>>
    %dma_start3A_503 = tpu.memref_squeeze %dma_start3A_502 : memref<1x2x112xi32, #tpu.memory_space<hbm>> -> memref<2x112xi32, #tpu.memory_space<hbm>>
    %dma_start3A_504 = arith.constant 0 : i32
    %dma_start3A_505 = arith.constant 0 : i32
    %dma_start3A_506 = tpu.memref_slice %arg3[%add3A_499, %dma_start3A_504, %dma_start3A_505] : memref<2880x2x112xi32, #tpu.memory_space<hbm>> -> memref<1x2x112xi32, #tpu.memory_space<hbm>>
    %dma_start3A_507 = tpu.memref_squeeze %dma_start3A_506 : memref<1x2x112xi32, #tpu.memory_space<hbm>> -> memref<2x112xi32, #tpu.memory_space<hbm>>
    tpu.enqueue_dma source(%dma_start3A_507 : memref<2x112xi32, #tpu.memory_space<hbm>>) target(%arg11 : memref<2x112xi32, #tpu.memory_space<vmem>>) target_semaphore(%arg23 : memref<!tpu.dma_semaphore, #tpu.memory_space<semaphore_mem>>)
    %add3A_508 = arith.constant 88 : i32
    %add3A_509 = arith.addi %mul3A_2, %add3A_508 : i32
    %dma_wait3A_510 = arith.constant 0 : i32
    %dma_wait3A_511 = arith.constant 0 : i32
    %dma_wait3A_512 = tpu.memref_slice %arg3[%add3A_509, %dma_wait3A_510, %dma_wait3A_511] : memref<2880x2x112xi32, #tpu.memory_space<hbm>> -> memref<1x2x112xi32, #tpu.memory_space<hbm>>
    %dma_wait3A_513 = tpu.memref_squeeze %dma_wait3A_512 : memref<1x2x112xi32, #tpu.memory_space<hbm>> -> memref<2x112xi32, #tpu.memory_space<hbm>>
    %dma_wait3A_514 = arith.constant 0 : i32
    %dma_wait3A_515 = arith.constant 0 : i32
    %dma_wait3A_516 = tpu.memref_slice %arg3[%add3A_509, %dma_wait3A_514, %dma_wait3A_515] : memref<2880x2x112xi32, #tpu.memory_space<hbm>> -> memref<1x2x112xi32, #tpu.memory_space<hbm>>
    %dma_wait3A_517 = tpu.memref_squeeze %dma_wait3A_516 : memref<1x2x112xi32, #tpu.memory_space<hbm>> -> memref<2x112xi32, #tpu.memory_space<hbm>>
    tpu.wait_dma2 semaphore(%arg22 : memref<!tpu.dma_semaphore, #tpu.memory_space<semaphore_mem>>) src(%dma_wait3A_517 : memref<2x112xi32, #tpu.memory_space<hbm>>) dst(%arg10 : memref<2x112xi32, #tpu.memory_space<vmem>>)
    %dma_wait3A_518 = arith.constant 1 : i32
    %dma_wait3A_519 = arith.constant 0 : i32
    %dma_wait3A_520 = tpu.memref_slice %arg7[%dma_wait3A_518, %dma_wait3A_519] : memref<2x112xi32, #tpu.memory_space<vmem>> -> memref<1x112xi32, #tpu.memory_space<vmem>>
    %dma_wait3A_521 = tpu.memref_squeeze %dma_wait3A_520 : memref<1x112xi32, #tpu.memory_space<vmem>> -> memref<112xi32, #tpu.memory_space<vmem>>
    %dma_wait3A_522 = arith.constant 0 : i32
    %dma_wait3A_523 = arith.constant 0 : i32
    %dma_wait3A_524 = tpu.memref_slice %arg5[%dma_wait3A_522, %dma_wait3A_523] : memref<10008x128xf32, #tpu.memory_space<vmem_shared>> -> memref<10008x128xf32, #tpu.memory_space<vmem_shared>>
    tpu.wait_indirect_dma semaphore(%arg25 : memref<!tpu.dma_semaphore, #tpu.memory_space<semaphore_mem>>) src(%arg13 : memref<112x128xf32, #tpu.memory_space<vmem>>) dst(%dma_wait3A_524 : memref<10008x128xf32, #tpu.memory_space<vmem_shared>>)
    %dma_start3A_525 = arith.constant 0 : i32
    %dma_start3A_526 = arith.constant 0 : i32
    %dma_start3A_527 = tpu.memref_slice %arg10[%dma_start3A_525, %dma_start3A_526] : memref<2x112xi32, #tpu.memory_space<vmem>> -> memref<1x112xi32, #tpu.memory_space<vmem>>
    %dma_start3A_528 = tpu.memref_squeeze %dma_start3A_527 : memref<1x112xi32, #tpu.memory_space<vmem>> -> memref<112xi32, #tpu.memory_space<vmem>>
    %dma_start3A_529 = arith.constant 0 : i32
    %dma_start3A_530 = arith.constant 0 : i32
    %dma_start3A_531 = tpu.memref_slice %arg2[%dma_start3A_529, %dma_start3A_530] : memref<10000x128xf32, #tpu.memory_space<hbm>> -> memref<10000x128xf32, #tpu.memory_space<hbm>>
    tpu.enqueue_indirect_dma source(%dma_start3A_531 : memref<10000x128xf32, #tpu.memory_space<hbm>>) target(%arg13 : memref<112x128xf32, #tpu.memory_space<vmem>>) offsets(%dma_start3A_528 : memref<112xi32, #tpu.memory_space<vmem>>) semaphore(%arg16 : memref<!tpu.dma_semaphore, #tpu.memory_space<semaphore_mem>>)
    %dma_wait3A_532 = arith.constant 0 : i32
    %dma_wait3A_533 = arith.constant 0 : i32
    %dma_wait3A_534 = tpu.memref_slice %arg9[%dma_wait3A_532, %dma_wait3A_533] : memref<2x112xi32, #tpu.memory_space<vmem>> -> memref<1x112xi32, #tpu.memory_space<vmem>>
    %dma_wait3A_535 = tpu.memref_squeeze %dma_wait3A_534 : memref<1x112xi32, #tpu.memory_space<vmem>> -> memref<112xi32, #tpu.memory_space<vmem>>
    %dma_wait3A_536 = arith.constant 0 : i32
    %dma_wait3A_537 = arith.constant 0 : i32
    %dma_wait3A_538 = tpu.memref_slice %arg2[%dma_wait3A_536, %dma_wait3A_537] : memref<10000x128xf32, #tpu.memory_space<hbm>> -> memref<10000x128xf32, #tpu.memory_space<hbm>>
    tpu.wait_indirect_dma semaphore(%arg15 : memref<!tpu.dma_semaphore, #tpu.memory_space<semaphore_mem>>) src(%dma_wait3A_538 : memref<10000x128xf32, #tpu.memory_space<hbm>>) dst(%arg12 : memref<112x128xf32, #tpu.memory_space<vmem>>)
    %dma_start3A_539 = arith.constant 1 : i32
    %dma_start3A_540 = arith.constant 0 : i32
    %dma_start3A_541 = tpu.memref_slice %arg9[%dma_start3A_539, %dma_start3A_540] : memref<2x112xi32, #tpu.memory_space<vmem>> -> memref<1x112xi32, #tpu.memory_space<vmem>>
    %dma_start3A_542 = tpu.memref_squeeze %dma_start3A_541 : memref<1x112xi32, #tpu.memory_space<vmem>> -> memref<112xi32, #tpu.memory_space<vmem>>
    %dma_start3A_543 = arith.constant 0 : i32
    %dma_start3A_544 = arith.constant 0 : i32
    %dma_start3A_545 = tpu.memref_slice %arg5[%dma_start3A_543, %dma_start3A_544] : memref<10008x128xf32, #tpu.memory_space<vmem_shared>> -> memref<10008x128xf32, #tpu.memory_space<vmem_shared>>
    tpu.enqueue_indirect_dma source(%arg12 : memref<112x128xf32, #tpu.memory_space<vmem>>) target(%dma_start3A_545 : memref<10008x128xf32, #tpu.memory_space<vmem_shared>>) offsets(%dma_start3A_542 : memref<112xi32, #tpu.memory_space<vmem>>) semaphore(%arg24 : memref<!tpu.dma_semaphore, #tpu.memory_space<semaphore_mem>>) {add = true}
    %add3A_546 = arith.constant 89 : i32
    %add3A_547 = arith.addi %mul3A_2, %add3A_546 : i32
    %dma_wait3A_548 = arith.constant 0 : i32
    %dma_wait3A_549 = arith.constant 0 : i32
    %dma_wait3A_550 = tpu.memref_slice %arg3[%add3A_547, %dma_wait3A_548, %dma_wait3A_549] : memref<2880x2x112xi32, #tpu.memory_space<hbm>> -> memref<1x2x112xi32, #tpu.memory_space<hbm>>
    %dma_wait3A_551 = tpu.memref_squeeze %dma_wait3A_550 : memref<1x2x112xi32, #tpu.memory_space<hbm>> -> memref<2x112xi32, #tpu.memory_space<hbm>>
    %dma_wait3A_552 = arith.constant 0 : i32
    %dma_wait3A_553 = arith.constant 0 : i32
    %dma_wait3A_554 = tpu.memref_slice %arg3[%add3A_547, %dma_wait3A_552, %dma_wait3A_553] : memref<2880x2x112xi32, #tpu.memory_space<hbm>> -> memref<1x2x112xi32, #tpu.memory_space<hbm>>
    %dma_wait3A_555 = tpu.memref_squeeze %dma_wait3A_554 : memref<1x2x112xi32, #tpu.memory_space<hbm>> -> memref<2x112xi32, #tpu.memory_space<hbm>>
    tpu.wait_dma2 semaphore(%arg23 : memref<!tpu.dma_semaphore, #tpu.memory_space<semaphore_mem>>) src(%dma_wait3A_555 : memref<2x112xi32, #tpu.memory_space<hbm>>) dst(%arg11 : memref<2x112xi32, #tpu.memory_space<vmem>>)
    %dma_wait3A_556 = arith.constant 1 : i32
    %dma_wait3A_557 = arith.constant 0 : i32
    %dma_wait3A_558 = tpu.memref_slice %arg8[%dma_wait3A_556, %dma_wait3A_557] : memref<2x112xi32, #tpu.memory_space<vmem>> -> memref<1x112xi32, #tpu.memory_space<vmem>>
    %dma_wait3A_559 = tpu.memref_squeeze %dma_wait3A_558 : memref<1x112xi32, #tpu.memory_space<vmem>> -> memref<112xi32, #tpu.memory_space<vmem>>
    %dma_wait3A_560 = arith.constant 0 : i32
    %dma_wait3A_561 = arith.constant 0 : i32
    %dma_wait3A_562 = tpu.memref_slice %arg5[%dma_wait3A_560, %dma_wait3A_561] : memref<10008x128xf32, #tpu.memory_space<vmem_shared>> -> memref<10008x128xf32, #tpu.memory_space<vmem_shared>>
    tpu.wait_indirect_dma semaphore(%arg26 : memref<!tpu.dma_semaphore, #tpu.memory_space<semaphore_mem>>) src(%arg14 : memref<112x128xf32, #tpu.memory_space<vmem>>) dst(%dma_wait3A_562 : memref<10008x128xf32, #tpu.memory_space<vmem_shared>>)
    %dma_start3A_563 = arith.constant 0 : i32
    %dma_start3A_564 = arith.constant 0 : i32
    %dma_start3A_565 = tpu.memref_slice %arg11[%dma_start3A_563, %dma_start3A_564] : memref<2x112xi32, #tpu.memory_space<vmem>> -> memref<1x112xi32, #tpu.memory_space<vmem>>
    %dma_start3A_566 = tpu.memref_squeeze %dma_start3A_565 : memref<1x112xi32, #tpu.memory_space<vmem>> -> memref<112xi32, #tpu.memory_space<vmem>>
    %dma_start3A_567 = arith.constant 0 : i32
    %dma_start3A_568 = arith.constant 0 : i32
    %dma_start3A_569 = tpu.memref_slice %arg2[%dma_start3A_567, %dma_start3A_568] : memref<10000x128xf32, #tpu.memory_space<hbm>> -> memref<10000x128xf32, #tpu.memory_space<hbm>>
    tpu.enqueue_indirect_dma source(%dma_start3A_569 : memref<10000x128xf32, #tpu.memory_space<hbm>>) target(%arg14 : memref<112x128xf32, #tpu.memory_space<vmem>>) offsets(%dma_start3A_566 : memref<112xi32, #tpu.memory_space<vmem>>) semaphore(%arg17 : memref<!tpu.dma_semaphore, #tpu.memory_space<semaphore_mem>>)
    %dma_wait3A_570 = arith.constant 0 : i32
    %dma_wait3A_571 = arith.constant 0 : i32
    %dma_wait3A_572 = tpu.memref_slice %arg10[%dma_wait3A_570, %dma_wait3A_571] : memref<2x112xi32, #tpu.memory_space<vmem>> -> memref<1x112xi32, #tpu.memory_space<vmem>>
    %dma_wait3A_573 = tpu.memref_squeeze %dma_wait3A_572 : memref<1x112xi32, #tpu.memory_space<vmem>> -> memref<112xi32, #tpu.memory_space<vmem>>
    %dma_wait3A_574 = arith.constant 0 : i32
    %dma_wait3A_575 = arith.constant 0 : i32
    %dma_wait3A_576 = tpu.memref_slice %arg2[%dma_wait3A_574, %dma_wait3A_575] : memref<10000x128xf32, #tpu.memory_space<hbm>> -> memref<10000x128xf32, #tpu.memory_space<hbm>>
    tpu.wait_indirect_dma semaphore(%arg16 : memref<!tpu.dma_semaphore, #tpu.memory_space<semaphore_mem>>) src(%dma_wait3A_576 : memref<10000x128xf32, #tpu.memory_space<hbm>>) dst(%arg13 : memref<112x128xf32, #tpu.memory_space<vmem>>)
    %dma_start3A_577 = arith.constant 1 : i32
    %dma_start3A_578 = arith.constant 0 : i32
    %dma_start3A_579 = tpu.memref_slice %arg10[%dma_start3A_577, %dma_start3A_578] : memref<2x112xi32, #tpu.memory_space<vmem>> -> memref<1x112xi32, #tpu.memory_space<vmem>>
    %dma_start3A_580 = tpu.memref_squeeze %dma_start3A_579 : memref<1x112xi32, #tpu.memory_space<vmem>> -> memref<112xi32, #tpu.memory_space<vmem>>
    %dma_start3A_581 = arith.constant 0 : i32
    %dma_start3A_582 = arith.constant 0 : i32
    %dma_start3A_583 = tpu.memref_slice %arg5[%dma_start3A_581, %dma_start3A_582] : memref<10008x128xf32, #tpu.memory_space<vmem_shared>> -> memref<10008x128xf32, #tpu.memory_space<vmem_shared>>
    tpu.enqueue_indirect_dma source(%arg13 : memref<112x128xf32, #tpu.memory_space<vmem>>) target(%dma_start3A_583 : memref<10008x128xf32, #tpu.memory_space<vmem_shared>>) offsets(%dma_start3A_580 : memref<112xi32, #tpu.memory_space<vmem>>) semaphore(%arg25 : memref<!tpu.dma_semaphore, #tpu.memory_space<semaphore_mem>>) {add = true}
    %dma_wait3A_584 = arith.constant 1 : i32
    %dma_wait3A_585 = arith.constant 0 : i32
    %dma_wait3A_586 = tpu.memref_slice %arg9[%dma_wait3A_584, %dma_wait3A_585] : memref<2x112xi32, #tpu.memory_space<vmem>> -> memref<1x112xi32, #tpu.memory_space<vmem>>
    %dma_wait3A_587 = tpu.memref_squeeze %dma_wait3A_586 : memref<1x112xi32, #tpu.memory_space<vmem>> -> memref<112xi32, #tpu.memory_space<vmem>>
    %dma_wait3A_588 = arith.constant 0 : i32
    %dma_wait3A_589 = arith.constant 0 : i32
    %dma_wait3A_590 = tpu.memref_slice %arg5[%dma_wait3A_588, %dma_wait3A_589] : memref<10008x128xf32, #tpu.memory_space<vmem_shared>> -> memref<10008x128xf32, #tpu.memory_space<vmem_shared>>
    tpu.wait_indirect_dma semaphore(%arg24 : memref<!tpu.dma_semaphore, #tpu.memory_space<semaphore_mem>>) src(%arg12 : memref<112x128xf32, #tpu.memory_space<vmem>>) dst(%dma_wait3A_590 : memref<10008x128xf32, #tpu.memory_space<vmem_shared>>)
    %dma_wait3A_591 = arith.constant 0 : i32
    %dma_wait3A_592 = arith.constant 0 : i32
    %dma_wait3A_593 = tpu.memref_slice %arg11[%dma_wait3A_591, %dma_wait3A_592] : memref<2x112xi32, #tpu.memory_space<vmem>> -> memref<1x112xi32, #tpu.memory_space<vmem>>
    %dma_wait3A_594 = tpu.memref_squeeze %dma_wait3A_593 : memref<1x112xi32, #tpu.memory_space<vmem>> -> memref<112xi32, #tpu.memory_space<vmem>>
    %dma_wait3A_595 = arith.constant 0 : i32
    %dma_wait3A_596 = arith.constant 0 : i32
    %dma_wait3A_597 = tpu.memref_slice %arg2[%dma_wait3A_595, %dma_wait3A_596] : memref<10000x128xf32, #tpu.memory_space<hbm>> -> memref<10000x128xf32, #tpu.memory_space<hbm>>
    tpu.wait_indirect_dma semaphore(%arg17 : memref<!tpu.dma_semaphore, #tpu.memory_space<semaphore_mem>>) src(%dma_wait3A_597 : memref<10000x128xf32, #tpu.memory_space<hbm>>) dst(%arg14 : memref<112x128xf32, #tpu.memory_space<vmem>>)
    %dma_start3A_598 = arith.constant 1 : i32
    %dma_start3A_599 = arith.constant 0 : i32
    %dma_start3A_600 = tpu.memref_slice %arg11[%dma_start3A_598, %dma_start3A_599] : memref<2x112xi32, #tpu.memory_space<vmem>> -> memref<1x112xi32, #tpu.memory_space<vmem>>
    %dma_start3A_601 = tpu.memref_squeeze %dma_start3A_600 : memref<1x112xi32, #tpu.memory_space<vmem>> -> memref<112xi32, #tpu.memory_space<vmem>>
    %dma_start3A_602 = arith.constant 0 : i32
    %dma_start3A_603 = arith.constant 0 : i32
    %dma_start3A_604 = tpu.memref_slice %arg5[%dma_start3A_602, %dma_start3A_603] : memref<10008x128xf32, #tpu.memory_space<vmem_shared>> -> memref<10008x128xf32, #tpu.memory_space<vmem_shared>>
    tpu.enqueue_indirect_dma source(%arg14 : memref<112x128xf32, #tpu.memory_space<vmem>>) target(%dma_start3A_604 : memref<10008x128xf32, #tpu.memory_space<vmem_shared>>) offsets(%dma_start3A_601 : memref<112xi32, #tpu.memory_space<vmem>>) semaphore(%arg26 : memref<!tpu.dma_semaphore, #tpu.memory_space<semaphore_mem>>) {add = true}
    %dma_wait3A_605 = arith.constant 1 : i32
    %dma_wait3A_606 = arith.constant 0 : i32
    %dma_wait3A_607 = tpu.memref_slice %arg10[%dma_wait3A_605, %dma_wait3A_606] : memref<2x112xi32, #tpu.memory_space<vmem>> -> memref<1x112xi32, #tpu.memory_space<vmem>>
    %dma_wait3A_608 = tpu.memref_squeeze %dma_wait3A_607 : memref<1x112xi32, #tpu.memory_space<vmem>> -> memref<112xi32, #tpu.memory_space<vmem>>
    %dma_wait3A_609 = arith.constant 0 : i32
    %dma_wait3A_610 = arith.constant 0 : i32
    %dma_wait3A_611 = tpu.memref_slice %arg5[%dma_wait3A_609, %dma_wait3A_610] : memref<10008x128xf32, #tpu.memory_space<vmem_shared>> -> memref<10008x128xf32, #tpu.memory_space<vmem_shared>>
    tpu.wait_indirect_dma semaphore(%arg25 : memref<!tpu.dma_semaphore, #tpu.memory_space<semaphore_mem>>) src(%arg13 : memref<112x128xf32, #tpu.memory_space<vmem>>) dst(%dma_wait3A_611 : memref<10008x128xf32, #tpu.memory_space<vmem_shared>>)
    %dma_wait3A_612 = arith.constant 1 : i32
    %dma_wait3A_613 = arith.constant 0 : i32
    %dma_wait3A_614 = tpu.memref_slice %arg11[%dma_wait3A_612, %dma_wait3A_613] : memref<2x112xi32, #tpu.memory_space<vmem>> -> memref<1x112xi32, #tpu.memory_space<vmem>>
    %dma_wait3A_615 = tpu.memref_squeeze %dma_wait3A_614 : memref<1x112xi32, #tpu.memory_space<vmem>> -> memref<112xi32, #tpu.memory_space<vmem>>
    %dma_wait3A_616 = arith.constant 0 : i32
    %dma_wait3A_617 = arith.constant 0 : i32
    %dma_wait3A_618 = tpu.memref_slice %arg5[%dma_wait3A_616, %dma_wait3A_617] : memref<10008x128xf32, #tpu.memory_space<vmem_shared>> -> memref<10008x128xf32, #tpu.memory_space<vmem_shared>>
    tpu.wait_indirect_dma semaphore(%arg26 : memref<!tpu.dma_semaphore, #tpu.memory_space<semaphore_mem>>) src(%arg14 : memref<112x128xf32, #tpu.memory_space<vmem>>) dst(%dma_wait3A_618 : memref<10008x128xf32, #tpu.memory_space<vmem_shared>>)
    %barrier3A_619 = arith.constant 0 : index
    tpu.barrier barrier_id(%barrier3A_619)
    %while3A_620 = arith.constant 0 : i32
    %while3A_621 = arith.constant 0 : i32
    %while3A_622 = arith.subi %select_n3A, %while3A_620 : i32
    %while3A_623 = arith.addi %while3A_620, %while3A_622 : i32
    %while3A_624 = arith.constant 1 : i32
    %while3A_625 = arith.divsi %while3A_622, %while3A_624 : i32
    %while3A_626 = arith.muli %while3A_625, %while3A_624 : i32
    %while3A_627 = arith.addi %while3A_620, %while3A_626 : i32
    %while3A_628 = arith.constant 1 : i32
    %while3A_629 = scf.for %while3A_644 = %while3A_620 to %while3A_627 step %while3A_628 iter_args(%while3A_645 = %while3A_621) -> (i32)  : i32 {
      %mul3A_646 = arith.constant 16 : i32
      %mul3A_647 = arith.muli %while3A_644, %mul3A_646 : i32
      %add3A_648 = arith.addi %arg1, %mul3A_647 : i32
      %mul3A_649 = arith.constant 80 : i32
      %mul3A_650 = arith.muli %add3A_648, %mul3A_649 : i32
      %mul3A_651 = arith.constant 10000 : i32
      %mul3A_652 = arith.muli %arg0, %mul3A_651 : i32
      %add3A_653 = arith.addi %mul3A_652, %mul3A_650 : i32
      %dma_start3A_654 = arith.constant 0 : i32
      %dma_start3A_655 = tpu.memref_slice %arg4[%add3A_653, %dma_start3A_654] : memref<20000x128xf32, #tpu.memory_space<hbm>> -> memref<80x128xf32, #tpu.memory_space<hbm>>
      %dma_start3A_656 = arith.constant 0 : i32
      %dma_start3A_657 = tpu.memref_slice %arg5[%mul3A_650, %dma_start3A_656] : memref<10008x128xf32, #tpu.memory_space<vmem_shared>> -> memref<80x128xf32, #tpu.memory_space<vmem_shared>>
      tpu.enqueue_dma source(%dma_start3A_657 : memref<80x128xf32, #tpu.memory_space<vmem_shared>>) target(%dma_start3A_655 : memref<80x128xf32, #tpu.memory_space<hbm>>) target_semaphore(%arg15 : memref<!tpu.dma_semaphore, #tpu.memory_space<semaphore_mem>>)
      %while3A_658 = arith.constant 0 : i32
      scf.yield %while3A_658 : i32
    }
    %while3A_630 = arith.constant 1 : i32
    %while3A_631 = scf.for %while3A_644 = %while3A_627 to %while3A_623 step %while3A_630 iter_args(%while3A_645 = %while3A_629) -> (i32)  : i32 {
      %mul3A_646 = arith.constant 16 : i32
      %mul3A_647 = arith.muli %while3A_644, %mul3A_646 : i32
      %add3A_648 = arith.addi %arg1, %mul3A_647 : i32
      %mul3A_649 = arith.constant 80 : i32
      %mul3A_650 = arith.muli %add3A_648, %mul3A_649 : i32
      %mul3A_651 = arith.constant 10000 : i32
      %mul3A_652 = arith.muli %arg0, %mul3A_651 : i32
      %add3A_653 = arith.addi %mul3A_652, %mul3A_650 : i32
      %dma_start3A_654 = arith.constant 0 : i32
      %dma_start3A_655 = tpu.memref_slice %arg4[%add3A_653, %dma_start3A_654] : memref<20000x128xf32, #tpu.memory_space<hbm>> -> memref<80x128xf32, #tpu.memory_space<hbm>>
      %dma_start3A_656 = arith.constant 0 : i32
      %dma_start3A_657 = tpu.memref_slice %arg5[%mul3A_650, %dma_start3A_656] : memref<10008x128xf32, #tpu.memory_space<vmem_shared>> -> memref<80x128xf32, #tpu.memory_space<vmem_shared>>
      tpu.enqueue_dma source(%dma_start3A_657 : memref<80x128xf32, #tpu.memory_space<vmem_shared>>) target(%dma_start3A_655 : memref<80x128xf32, #tpu.memory_space<hbm>>) target_semaphore(%arg15 : memref<!tpu.dma_semaphore, #tpu.memory_space<semaphore_mem>>)
      %while3A_658 = arith.constant 0 : i32
      scf.yield %while3A_658 : i32
    }
    %while3A_632 = arith.constant 0 : i32
    %while3A_633 = arith.constant 0 : i32
    %while3A_634 = arith.subi %select_n3A, %while3A_632 : i32
    %while3A_635 = arith.addi %while3A_632, %while3A_634 : i32
    %while3A_636 = arith.constant 1 : i32
    %while3A_637 = arith.divsi %while3A_634, %while3A_636 : i32
    %while3A_638 = arith.muli %while3A_637, %while3A_636 : i32
    %while3A_639 = arith.addi %while3A_632, %while3A_638 : i32
    %while3A_640 = arith.constant 1 : i32
    %while3A_641 = scf.for %while3A_644 = %while3A_632 to %while3A_639 step %while3A_640 iter_args(%while3A_645 = %while3A_633) -> (i32)  : i32 {
      %mul3A_646 = arith.constant 16 : i32
      %mul3A_647 = arith.muli %while3A_644, %mul3A_646 : i32
      %add3A_648 = arith.addi %arg1, %mul3A_647 : i32
      %mul3A_649 = arith.constant 80 : i32
      %mul3A_650 = arith.muli %add3A_648, %mul3A_649 : i32
      %mul3A_651 = arith.constant 10000 : i32
      %mul3A_652 = arith.muli %arg0, %mul3A_651 : i32
      %add3A_653 = arith.addi %mul3A_652, %mul3A_650 : i32
      %dma_wait3A_654 = arith.constant 0 : i32
      %dma_wait3A_655 = tpu.memref_slice %arg4[%add3A_653, %dma_wait3A_654] : memref<20000x128xf32, #tpu.memory_space<hbm>> -> memref<80x128xf32, #tpu.memory_space<hbm>>
      %dma_wait3A_656 = arith.constant 0 : i32
      %dma_wait3A_657 = tpu.memref_slice %arg5[%mul3A_650, %dma_wait3A_656] : memref<10008x128xf32, #tpu.memory_space<vmem_shared>> -> memref<80x128xf32, #tpu.memory_space<vmem_shared>>
      tpu.wait_dma2 semaphore(%arg15 : memref<!tpu.dma_semaphore, #tpu.memory_space<semaphore_mem>>) src(%dma_wait3A_657 : memref<80x128xf32, #tpu.memory_space<vmem_shared>>) dst(%dma_wait3A_655 : memref<80x128xf32, #tpu.memory_space<hbm>>)
      %while3A_658 = arith.constant 0 : i32
      scf.yield %while3A_658 : i32
    }
    %while3A_642 = arith.constant 1 : i32
    %while3A_643 = scf.for %while3A_644 = %while3A_639 to %while3A_635 step %while3A_642 iter_args(%while3A_645 = %while3A_641) -> (i32)  : i32 {
      %mul3A_646 = arith.constant 16 : i32
      %mul3A_647 = arith.muli %while3A_644, %mul3A_646 : i32
      %add3A_648 = arith.addi %arg1, %mul3A_647 : i32
      %mul3A_649 = arith.constant 80 : i32
      %mul3A_650 = arith.muli %add3A_648, %mul3A_649 : i32
      %mul3A_651 = arith.constant 10000 : i32
      %mul3A_652 = arith.muli %arg0, %mul3A_651 : i32
      %add3A_653 = arith.addi %mul3A_652, %mul3A_650 : i32
      %dma_wait3A_654 = arith.constant 0 : i32
      %dma_wait3A_655 = tpu.memref_slice %arg4[%add3A_653, %dma_wait3A_654] : memref<20000x128xf32, #tpu.memory_space<hbm>> -> memref<80x128xf32, #tpu.memory_space<hbm>>
      %dma_wait3A_656 = arith.constant 0 : i32
      %dma_wait3A_657 = tpu.memref_slice %arg5[%mul3A_650, %dma_wait3A_656] : memref<10008x128xf32, #tpu.memory_space<vmem_shared>> -> memref<80x128xf32, #tpu.memory_space<vmem_shared>>
      tpu.wait_dma2 semaphore(%arg15 : memref<!tpu.dma_semaphore, #tpu.memory_space<semaphore_mem>>) src(%dma_wait3A_657 : memref<80x128xf32, #tpu.memory_space<vmem_shared>>) dst(%dma_wait3A_655 : memref<80x128xf32, #tpu.memory_space<hbm>>)
      %while3A_658 = arith.constant 0 : i32
      scf.yield %while3A_658 : i32
    }
    return
  }
}

#map = affine_map<(d0, d1) -> (0, 0)>
#map1 = affine_map<(d0, d1) -> (0, 0, 0)>
module attributes {stable_mosaic.version = 14 : i64} {
  func.func @_agg_body(%arg0: i32, %arg1: i32, %arg2: memref<10000x128xf32, #tpu.memory_space<hbm>>, %arg3: memref<2880x2x112xi32, #tpu.memory_space<hbm>>, %arg4: memref<20000x128xf32, #tpu.memory_space<hbm>>, %arg5: memref<10008x128xf32, #tpu.memory_space<vmem_shared>>, %arg6: memref<2x112xi32, #tpu.memory_space<vmem>>, %arg7: memref<2x112xi32, #tpu.memory_space<vmem>>, %arg8: memref<2x112xi32, #tpu.memory_space<vmem>>, %arg9: memref<2x112xi32, #tpu.memory_space<vmem>>, %arg10: memref<2x112xi32, #tpu.memory_space<vmem>>, %arg11: memref<2x112xi32, #tpu.memory_space<vmem>>, %arg12: memref<112x128xf32, #tpu.memory_space<vmem>>, %arg13: memref<112x128xf32, #tpu.memory_space<vmem>>, %arg14: memref<112x128xf32, #tpu.memory_space<vmem>>, %arg15: memref<!tpu.dma_semaphore, #tpu.memory_space<semaphore_mem>>, %arg16: memref<!tpu.dma_semaphore, #tpu.memory_space<semaphore_mem>>, %arg17: memref<!tpu.dma_semaphore, #tpu.memory_space<semaphore_mem>>, %arg18: memref<!tpu.dma_semaphore, #tpu.memory_space<semaphore_mem>>, %arg19: memref<!tpu.dma_semaphore, #tpu.memory_space<semaphore_mem>>, %arg20: memref<!tpu.dma_semaphore, #tpu.memory_space<semaphore_mem>>, %arg21: memref<!tpu.dma_semaphore, #tpu.memory_space<semaphore_mem>>, %arg22: memref<!tpu.dma_semaphore, #tpu.memory_space<semaphore_mem>>, %arg23: memref<!tpu.dma_semaphore, #tpu.memory_space<semaphore_mem>>, %arg24: memref<!tpu.dma_semaphore, #tpu.memory_space<semaphore_mem>>, %arg25: memref<!tpu.dma_semaphore, #tpu.memory_space<semaphore_mem>>, %arg26: memref<!tpu.dma_semaphore, #tpu.memory_space<semaphore_mem>>) attributes {dimension_semantics = [#tpu.dimension_semantics<core_parallel>, #tpu.dimension_semantics<subcore_parallel>], iteration_bounds = array<i64: 2, 16>, scalar_prefetch = 0 : i64, scratch_operands = 22 : i64, tpu.core_type = #tpu.core_type<sc_vector_subcore>, window_params = [{transform_indices = #map}, {transform_indices = #map1}, {transform_indices = #map}]} {
    %mul3A = arith.constant 16 : i32
    %mul3A_0 = arith.muli %arg0, %mul3A : i32
    %add3A = arith.addi %mul3A_0, %arg1 : i32
    %mul3A_1 = arith.constant 90 : i32
    %mul3A_2 = arith.muli %add3A, %mul3A_1 : i32
    %sub3A = arith.constant 140 : i32
    %sub3A_3 = arith.subi %sub3A, %arg1 : i32
    %jit3A = arith.constant 16 : i32
    %div3A = arith.divsi %sub3A_3, %jit3A : i32
    %sign3A = arith.constant 0 : i32
    %sign3A_4 = arith.cmpi sgt, %sub3A_3, %sign3A : i32
    %sign3A_5 = arith.extui %sign3A_4 : i1 to i32
    %sign3A_6 = arith.constant 0 : i32
    %sign3A_7 = arith.cmpi slt, %sub3A_3, %sign3A_6 : i32
    %sign3A_8 = arith.extui %sign3A_7 : i1 to i32
    %sign3A_9 = arith.subi %sign3A_5, %sign3A_8 : i32
    %sign3A_10 = arith.constant 0 : i32
    %sign3A_11 = arith.cmpi sgt, %jit3A, %sign3A_10 : i32
    %sign3A_12 = arith.extui %sign3A_11 : i1 to i32
    %sign3A_13 = arith.constant 0 : i32
    %sign3A_14 = arith.cmpi slt, %jit3A, %sign3A_13 : i32
    %sign3A_15 = arith.extui %sign3A_14 : i1 to i32
    %sign3A_16 = arith.subi %sign3A_12, %sign3A_15 : i32
    %ne3A = arith.cmpi ne, %sign3A_9, %sign3A_16 : i32
    %rem3A = arith.remsi %sub3A_3, %jit3A : i32
    %ne3A_17 = arith.constant 0 : i32
    %ne3A_18 = arith.cmpi ne, %rem3A, %ne3A_17 : i32
    %and3A = arith.andi %ne3A, %ne3A_18 : i1
    %sub3A_19 = arith.constant 1 : i32
    %sub3A_20 = arith.subi %div3A, %sub3A_19 : i32
    %select_n3A = arith.select %and3A, %sub3A_20, %div3A : i32
    %add3A_21 = arith.constant 0 : i32
    %add3A_22 = arith.addi %mul3A_2, %add3A_21 : i32
    %dma_start3A = arith.constant 0 : i32
    %dma_start3A_23 = arith.constant 0 : i32
    %dma_start3A_24 = tpu.memref_slice %arg3[%add3A_22, %dma_start3A, %dma_start3A_23] : memref<2880x2x112xi32, #tpu.memory_space<hbm>> -> memref<1x2x112xi32, #tpu.memory_space<hbm>>
    %dma_start3A_25 = tpu.memref_squeeze %dma_start3A_24 : memref<1x2x112xi32, #tpu.memory_space<hbm>> -> memref<2x112xi32, #tpu.memory_space<hbm>>
    %dma_start3A_26 = arith.constant 0 : i32
    %dma_start3A_27 = arith.constant 0 : i32
    %dma_start3A_28 = tpu.memref_slice %arg3[%add3A_22, %dma_start3A_26, %dma_start3A_27] : memref<2880x2x112xi32, #tpu.memory_space<hbm>> -> memref<1x2x112xi32, #tpu.memory_space<hbm>>
    %dma_start3A_29 = tpu.memref_squeeze %dma_start3A_28 : memref<1x2x112xi32, #tpu.memory_space<hbm>> -> memref<2x112xi32, #tpu.memory_space<hbm>>
    tpu.enqueue_dma source(%dma_start3A_29 : memref<2x112xi32, #tpu.memory_space<hbm>>) target(%arg6 : memref<2x112xi32, #tpu.memory_space<vmem>>) target_semaphore(%arg18 : memref<!tpu.dma_semaphore, #tpu.memory_space<semaphore_mem>>)
    %add3A_30 = arith.constant 1 : i32
    %add3A_31 = arith.addi %mul3A_2, %add3A_30 : i32
    %dma_start3A_32 = arith.constant 0 : i32
    %dma_start3A_33 = arith.constant 0 : i32
    %dma_start3A_34 = tpu.memref_slice %arg3[%add3A_31, %dma_start3A_32, %dma_start3A_33] : memref<2880x2x112xi32, #tpu.memory_space<hbm>> -> memref<1x2x112xi32, #tpu.memory_space<hbm>>
    %dma_start3A_35 = tpu.memref_squeeze %dma_start3A_34 : memref<1x2x112xi32, #tpu.memory_space<hbm>> -> memref<2x112xi32, #tpu.memory_space<hbm>>
    %dma_start3A_36 = arith.constant 0 : i32
    %dma_start3A_37 = arith.constant 0 : i32
    %dma_start3A_38 = tpu.memref_slice %arg3[%add3A_31, %dma_start3A_36, %dma_start3A_37] : memref<2880x2x112xi32, #tpu.memory_space<hbm>> -> memref<1x2x112xi32, #tpu.memory_space<hbm>>
    %dma_start3A_39 = tpu.memref_squeeze %dma_start3A_38 : memref<1x2x112xi32, #tpu.memory_space<hbm>> -> memref<2x112xi32, #tpu.memory_space<hbm>>
    tpu.enqueue_dma source(%dma_start3A_39 : memref<2x112xi32, #tpu.memory_space<hbm>>) target(%arg7 : memref<2x112xi32, #tpu.memory_space<vmem>>) target_semaphore(%arg19 : memref<!tpu.dma_semaphore, #tpu.memory_space<semaphore_mem>>)
    %add3A_40 = arith.constant 2 : i32
    %add3A_41 = arith.addi %mul3A_2, %add3A_40 : i32
    %dma_start3A_42 = arith.constant 0 : i32
    %dma_start3A_43 = arith.constant 0 : i32
    %dma_start3A_44 = tpu.memref_slice %arg3[%add3A_41, %dma_start3A_42, %dma_start3A_43] : memref<2880x2x112xi32, #tpu.memory_space<hbm>> -> memref<1x2x112xi32, #tpu.memory_space<hbm>>
    %dma_start3A_45 = tpu.memref_squeeze %dma_start3A_44 : memref<1x2x112xi32, #tpu.memory_space<hbm>> -> memref<2x112xi32, #tpu.memory_space<hbm>>
    %dma_start3A_46 = arith.constant 0 : i32
    %dma_start3A_47 = arith.constant 0 : i32
    %dma_start3A_48 = tpu.memref_slice %arg3[%add3A_41, %dma_start3A_46, %dma_start3A_47] : memref<2880x2x112xi32, #tpu.memory_space<hbm>> -> memref<1x2x112xi32, #tpu.memory_space<hbm>>
    %dma_start3A_49 = tpu.memref_squeeze %dma_start3A_48 : memref<1x2x112xi32, #tpu.memory_space<hbm>> -> memref<2x112xi32, #tpu.memory_space<hbm>>
    tpu.enqueue_dma source(%dma_start3A_49 : memref<2x112xi32, #tpu.memory_space<hbm>>) target(%arg8 : memref<2x112xi32, #tpu.memory_space<vmem>>) target_semaphore(%arg20 : memref<!tpu.dma_semaphore, #tpu.memory_space<semaphore_mem>>)
    %add3A_50 = arith.constant 0 : i32
    %add3A_51 = arith.addi %mul3A_2, %add3A_50 : i32
    %dma_wait3A = arith.constant 0 : i32
    %dma_wait3A_52 = arith.constant 0 : i32
    %dma_wait3A_53 = tpu.memref_slice %arg3[%add3A_51, %dma_wait3A, %dma_wait3A_52] : memref<2880x2x112xi32, #tpu.memory_space<hbm>> -> memref<1x2x112xi32, #tpu.memory_space<hbm>>
    %dma_wait3A_54 = tpu.memref_squeeze %dma_wait3A_53 : memref<1x2x112xi32, #tpu.memory_space<hbm>> -> memref<2x112xi32, #tpu.memory_space<hbm>>
    %dma_wait3A_55 = arith.constant 0 : i32
    %dma_wait3A_56 = arith.constant 0 : i32
    %dma_wait3A_57 = tpu.memref_slice %arg3[%add3A_51, %dma_wait3A_55, %dma_wait3A_56] : memref<2880x2x112xi32, #tpu.memory_space<hbm>> -> memref<1x2x112xi32, #tpu.memory_space<hbm>>
    %dma_wait3A_58 = tpu.memref_squeeze %dma_wait3A_57 : memref<1x2x112xi32, #tpu.memory_space<hbm>> -> memref<2x112xi32, #tpu.memory_space<hbm>>
    tpu.wait_dma2 semaphore(%arg18 : memref<!tpu.dma_semaphore, #tpu.memory_space<semaphore_mem>>) src(%dma_wait3A_58 : memref<2x112xi32, #tpu.memory_space<hbm>>) dst(%arg6 : memref<2x112xi32, #tpu.memory_space<vmem>>)
    %dma_start3A_59 = arith.constant 0 : i32
    %dma_start3A_60 = arith.constant 0 : i32
    %dma_start3A_61 = tpu.memref_slice %arg6[%dma_start3A_59, %dma_start3A_60] : memref<2x112xi32, #tpu.memory_space<vmem>> -> memref<1x112xi32, #tpu.memory_space<vmem>>
    %dma_start3A_62 = tpu.memref_squeeze %dma_start3A_61 : memref<1x112xi32, #tpu.memory_space<vmem>> -> memref<112xi32, #tpu.memory_space<vmem>>
    %dma_start3A_63 = arith.constant 0 : i32
    %dma_start3A_64 = arith.constant 0 : i32
    %dma_start3A_65 = tpu.memref_slice %arg2[%dma_start3A_63, %dma_start3A_64] : memref<10000x128xf32, #tpu.memory_space<hbm>> -> memref<10000x128xf32, #tpu.memory_space<hbm>>
    tpu.enqueue_indirect_dma source(%dma_start3A_65 : memref<10000x128xf32, #tpu.memory_space<hbm>>) target(%arg12 : memref<112x128xf32, #tpu.memory_space<vmem>>) offsets(%dma_start3A_62 : memref<112xi32, #tpu.memory_space<vmem>>) semaphore(%arg15 : memref<!tpu.dma_semaphore, #tpu.memory_space<semaphore_mem>>)
    %add3A_66 = arith.constant 1 : i32
    %add3A_67 = arith.addi %mul3A_2, %add3A_66 : i32
    %dma_wait3A_68 = arith.constant 0 : i32
    %dma_wait3A_69 = arith.constant 0 : i32
    %dma_wait3A_70 = tpu.memref_slice %arg3[%add3A_67, %dma_wait3A_68, %dma_wait3A_69] : memref<2880x2x112xi32, #tpu.memory_space<hbm>> -> memref<1x2x112xi32, #tpu.memory_space<hbm>>
    %dma_wait3A_71 = tpu.memref_squeeze %dma_wait3A_70 : memref<1x2x112xi32, #tpu.memory_space<hbm>> -> memref<2x112xi32, #tpu.memory_space<hbm>>
    %dma_wait3A_72 = arith.constant 0 : i32
    %dma_wait3A_73 = arith.constant 0 : i32
    %dma_wait3A_74 = tpu.memref_slice %arg3[%add3A_67, %dma_wait3A_72, %dma_wait3A_73] : memref<2880x2x112xi32, #tpu.memory_space<hbm>> -> memref<1x2x112xi32, #tpu.memory_space<hbm>>
    %dma_wait3A_75 = tpu.memref_squeeze %dma_wait3A_74 : memref<1x2x112xi32, #tpu.memory_space<hbm>> -> memref<2x112xi32, #tpu.memory_space<hbm>>
    tpu.wait_dma2 semaphore(%arg19 : memref<!tpu.dma_semaphore, #tpu.memory_space<semaphore_mem>>) src(%dma_wait3A_75 : memref<2x112xi32, #tpu.memory_space<hbm>>) dst(%arg7 : memref<2x112xi32, #tpu.memory_space<vmem>>)
    %dma_start3A_76 = arith.constant 0 : i32
    %dma_start3A_77 = arith.constant 0 : i32
    %dma_start3A_78 = tpu.memref_slice %arg7[%dma_start3A_76, %dma_start3A_77] : memref<2x112xi32, #tpu.memory_space<vmem>> -> memref<1x112xi32, #tpu.memory_space<vmem>>
    %dma_start3A_79 = tpu.memref_squeeze %dma_start3A_78 : memref<1x112xi32, #tpu.memory_space<vmem>> -> memref<112xi32, #tpu.memory_space<vmem>>
    %dma_start3A_80 = arith.constant 0 : i32
    %dma_start3A_81 = arith.constant 0 : i32
    %dma_start3A_82 = tpu.memref_slice %arg2[%dma_start3A_80, %dma_start3A_81] : memref<10000x128xf32, #tpu.memory_space<hbm>> -> memref<10000x128xf32, #tpu.memory_space<hbm>>
    tpu.enqueue_indirect_dma source(%dma_start3A_82 : memref<10000x128xf32, #tpu.memory_space<hbm>>) target(%arg13 : memref<112x128xf32, #tpu.memory_space<vmem>>) offsets(%dma_start3A_79 : memref<112xi32, #tpu.memory_space<vmem>>) semaphore(%arg16 : memref<!tpu.dma_semaphore, #tpu.memory_space<semaphore_mem>>)
    %scan3A = arith.constant 0 : i32
    %scan3A_83 = arith.constant 0 : i32
    %scan3A_84 = arith.constant 80 : i32
    %scan3A_85 = arith.addi %scan3A_83, %scan3A_84 : i32
    %scan3A_86 = arith.constant 1 : i32
    %scan3A_87 = scf.for %scan3A_644 = %scan3A_83 to %scan3A_85 step %scan3A_86 iter_args(%scan3A_645 = %scan3A) -> (i32)  : i32 {
      %broadcast_in_dim3A = arith.constant 0.000000e+00 : f32
      %broadcast_in_dim3A_646 = vector.broadcast %broadcast_in_dim3A : f32 to vector<16xf32>
      %swap3A = arith.index_cast %scan3A_644 : i32 to index
      %swap3A_647 = arith.constant 0 : index
      %swap3A_648 = tpu.vector_load %arg14[%swap3A, %swap3A_647] {strides = array<i32>} : memref<112x128xf32, #tpu.memory_space<vmem>>, vector<1x16xf32>,
      %swap3A_649 = vector.shape_cast %swap3A_648 : vector<1x16xf32> to vector<16xf32>
      %swap3A_650 = vector.shape_cast %broadcast_in_dim3A_646 : vector<16xf32> to vector<1x16xf32>
      tpu.vector_store %arg14[%swap3A, %swap3A_647], %swap3A_650 {strides = array<i32>} : memref<112x128xf32, #tpu.memory_space<vmem>>, vector<1x16xf32>,
      %broadcast_in_dim3A_651 = arith.constant 0.000000e+00 : f32
      %broadcast_in_dim3A_652 = vector.broadcast %broadcast_in_dim3A_651 : f32 to vector<16xf32>
      %swap3A_653 = arith.index_cast %scan3A_644 : i32 to index
      %swap3A_654 = arith.constant 16 : index
      %swap3A_655 = tpu.vector_load %arg14[%swap3A_653, %swap3A_654] {strides = array<i32>} : memref<112x128xf32, #tpu.memory_space<vmem>>, vector<1x16xf32>,
      %swap3A_656 = vector.shape_cast %swap3A_655 : vector<1x16xf32> to vector<16xf32>
      %swap3A_657 = vector.shape_cast %broadcast_in_dim3A_652 : vector<16xf32> to vector<1x16xf32>
      tpu.vector_store %arg14[%swap3A_653, %swap3A_654], %swap3A_657 {strides = array<i32>} : memref<112x128xf32, #tpu.memory_space<vmem>>, vector<1x16xf32>,
      %broadcast_in_dim3A_658 = arith.constant 0.000000e+00 : f32
      %broadcast_in_dim3A_659 = vector.broadcast %broadcast_in_dim3A_658 : f32 to vector<16xf32>
      %swap3A_660 = arith.index_cast %scan3A_644 : i32 to index
      %swap3A_661 = arith.constant 32 : index
      %swap3A_662 = tpu.vector_load %arg14[%swap3A_660, %swap3A_661] {strides = array<i32>} : memref<112x128xf32, #tpu.memory_space<vmem>>, vector<1x16xf32>,
      %swap3A_663 = vector.shape_cast %swap3A_662 : vector<1x16xf32> to vector<16xf32>
      %swap3A_664 = vector.shape_cast %broadcast_in_dim3A_659 : vector<16xf32> to vector<1x16xf32>
      tpu.vector_store %arg14[%swap3A_660, %swap3A_661], %swap3A_664 {strides = array<i32>} : memref<112x128xf32, #tpu.memory_space<vmem>>, vector<1x16xf32>,
      %broadcast_in_dim3A_665 = arith.constant 0.000000e+00 : f32
      %broadcast_in_dim3A_666 = vector.broadcast %broadcast_in_dim3A_665 : f32 to vector<16xf32>
      %swap3A_667 = arith.index_cast %scan3A_644 : i32 to index
      %swap3A_668 = arith.constant 48 : index
      %swap3A_669 = tpu.vector_load %arg14[%swap3A_667, %swap3A_668] {strides = array<i32>} : memref<112x128xf32, #tpu.memory_space<vmem>>, vector<1x16xf32>,
      %swap3A_670 = vector.shape_cast %swap3A_669 : vector<1x16xf32> to vector<16xf32>
      %swap3A_671 = vector.shape_cast %broadcast_in_dim3A_666 : vector<16xf32> to vector<1x16xf32>
      tpu.vector_store %arg14[%swap3A_667, %swap3A_668], %swap3A_671 {strides = array<i32>} : memref<112x128xf32, #tpu.memory_space<vmem>>, vector<1x16xf32>,
      %broadcast_in_dim3A_672 = arith.constant 0.000000e+00 : f32
      %broadcast_in_dim3A_673 = vector.broadcast %broadcast_in_dim3A_672 : f32 to vector<16xf32>
      %swap3A_674 = arith.index_cast %scan3A_644 : i32 to index
      %swap3A_675 = arith.constant 64 : index
      %swap3A_676 = tpu.vector_load %arg14[%swap3A_674, %swap3A_675] {strides = array<i32>} : memref<112x128xf32, #tpu.memory_space<vmem>>, vector<1x16xf32>,
      %swap3A_677 = vector.shape_cast %swap3A_676 : vector<1x16xf32> to vector<16xf32>
      %swap3A_678 = vector.shape_cast %broadcast_in_dim3A_673 : vector<16xf32> to vector<1x16xf32>
      tpu.vector_store %arg14[%swap3A_674, %swap3A_675], %swap3A_678 {strides = array<i32>} : memref<112x128xf32, #tpu.memory_space<vmem>>, vector<1x16xf32>,
      %broadcast_in_dim3A_679 = arith.constant 0.000000e+00 : f32
      %broadcast_in_dim3A_680 = vector.broadcast %broadcast_in_dim3A_679 : f32 to vector<16xf32>
      %swap3A_681 = arith.index_cast %scan3A_644 : i32 to index
      %swap3A_682 = arith.constant 80 : index
      %swap3A_683 = tpu.vector_load %arg14[%swap3A_681, %swap3A_682] {strides = array<i32>} : memref<112x128xf32, #tpu.memory_space<vmem>>, vector<1x16xf32>,
      %swap3A_684 = vector.shape_cast %swap3A_683 : vector<1x16xf32> to vector<16xf32>
      %swap3A_685 = vector.shape_cast %broadcast_in_dim3A_680 : vector<16xf32> to vector<1x16xf32>
      tpu.vector_store %arg14[%swap3A_681, %swap3A_682], %swap3A_685 {strides = array<i32>} : memref<112x128xf32, #tpu.memory_space<vmem>>, vector<1x16xf32>,
      %broadcast_in_dim3A_686 = arith.constant 0.000000e+00 : f32
      %broadcast_in_dim3A_687 = vector.broadcast %broadcast_in_dim3A_686 : f32 to vector<16xf32>
      %swap3A_688 = arith.index_cast %scan3A_644 : i32 to index
      %swap3A_689 = arith.constant 96 : index
      %swap3A_690 = tpu.vector_load %arg14[%swap3A_688, %swap3A_689] {strides = array<i32>} : memref<112x128xf32, #tpu.memory_space<vmem>>, vector<1x16xf32>,
      %swap3A_691 = vector.shape_cast %swap3A_690 : vector<1x16xf32> to vector<16xf32>
      %swap3A_692 = vector.shape_cast %broadcast_in_dim3A_687 : vector<16xf32> to vector<1x16xf32>
      tpu.vector_store %arg14[%swap3A_688, %swap3A_689], %swap3A_692 {strides = array<i32>} : memref<112x128xf32, #tpu.memory_space<vmem>>, vector<1x16xf32>,
      %broadcast_in_dim3A_693 = arith.constant 0.000000e+00 : f32
      %broadcast_in_dim3A_694 = vector.broadcast %broadcast_in_dim3A_693 : f32 to vector<16xf32>
      %swap3A_695 = arith.index_cast %scan3A_644 : i32 to index
      %swap3A_696 = arith.constant 112 : index
      %swap3A_697 = tpu.vector_load %arg14[%swap3A_695, %swap3A_696] {strides = array<i32>} : memref<112x128xf32, #tpu.memory_space<vmem>>, vector<1x16xf32>,
      %swap3A_698 = vector.shape_cast %swap3A_697 : vector<1x16xf32> to vector<16xf32>
      %swap3A_699 = vector.shape_cast %broadcast_in_dim3A_694 : vector<16xf32> to vector<1x16xf32>
      tpu.vector_store %arg14[%swap3A_695, %swap3A_696], %swap3A_699 {strides = array<i32>} : memref<112x128xf32, #tpu.memory_space<vmem>>, vector<1x16xf32>,
      %scan3A_700 = arith.constant 0 : i32
      scf.yield %scan3A_700 : i32
    }
    %scan3A_88 = arith.constant 80 : i32
    %while3A = arith.constant 0 : i32
    %while3A_89 = arith.constant 0 : i32
    %while3A_90 = arith.subi %select_n3A, %while3A : i32
    %while3A_91 = arith.addi %while3A, %while3A_90 : i32
    %while3A_92 = arith.constant 1 : i32
    %while3A_93 = arith.divsi %while3A_90, %while3A_92 : i32
    %while3A_94 = arith.muli %while3A_93, %while3A_92 : i32
    %while3A_95 = arith.addi %while3A, %while3A_94 : i32
    %while3A_96 = arith.constant 1 : i32
    %while3A_97 = scf.for %while3A_644 = %while3A to %while3A_95 step %while3A_96 iter_args(%while3A_645 = %while3A_89) -> (i32)  : i32 {
      %mul3A_646 = arith.constant 16 : i32
      %mul3A_647 = arith.muli %while3A_644, %mul3A_646 : i32
      %add3A_648 = arith.addi %arg1, %mul3A_647 : i32
      %mul3A_649 = arith.constant 80 : i32
      %mul3A_650 = arith.muli %add3A_648, %mul3A_649 : i32
      "tpu.region"() ({
        %run_scoped3A = tpu.sem_alloc : memref<!tpu.dma_semaphore, #tpu.memory_space<semaphore_mem>>
        %dma_start3A_652 = arith.constant 0 : i32
        %dma_start3A_653 = arith.constant 0 : i32
        %dma_start3A_654 = tpu.memref_slice %arg14[%dma_start3A_652, %dma_start3A_653] : memref<112x128xf32, #tpu.memory_space<vmem>> -> memref<80x128xf32, #tpu.memory_space<vmem>>
        %dma_start3A_655 = arith.constant 0 : i32
        %dma_start3A_656 = tpu.memref_slice %arg5[%mul3A_650, %dma_start3A_655] : memref<10008x128xf32, #tpu.memory_space<vmem_shared>> -> memref<80x128xf32, #tpu.memory_space<vmem_shared>>
        %dma_start3A_657 = arith.constant 0 : i32
        %dma_start3A_658 = tpu.memref_slice %arg5[%mul3A_650, %dma_start3A_657] : memref<10008x128xf32, #tpu.memory_space<vmem_shared>> -> memref<80x128xf32, #tpu.memory_space<vmem_shared>>
        %dma_start3A_659 = arith.constant 0 : i32
        %dma_start3A_660 = arith.constant 0 : i32
        %dma_start3A_661 = tpu.memref_slice %arg14[%dma_start3A_659, %dma_start3A_660] : memref<112x128xf32, #tpu.memory_space<vmem>> -> memref<80x128xf32, #tpu.memory_space<vmem>>
        tpu.enqueue_dma source(%dma_start3A_661 : memref<80x128xf32, #tpu.memory_space<vmem>>) target(%dma_start3A_658 : memref<80x128xf32, #tpu.memory_space<vmem_shared>>) target_semaphore(%run_scoped3A : memref<!tpu.dma_semaphore, #tpu.memory_space<semaphore_mem>>)
        %dma_wait3A_662 = arith.constant 0 : i32
        %dma_wait3A_663 = arith.constant 0 : i32
        %dma_wait3A_664 = tpu.memref_slice %arg14[%dma_wait3A_662, %dma_wait3A_663] : memref<112x128xf32, #tpu.memory_space<vmem>> -> memref<80x128xf32, #tpu.memory_space<vmem>>
        %dma_wait3A_665 = arith.constant 0 : i32
        %dma_wait3A_666 = tpu.memref_slice %arg5[%mul3A_650, %dma_wait3A_665] : memref<10008x128xf32, #tpu.memory_space<vmem_shared>> -> memref<80x128xf32, #tpu.memory_space<vmem_shared>>
        %dma_wait3A_667 = arith.constant 0 : i32
        %dma_wait3A_668 = tpu.memref_slice %arg5[%mul3A_650, %dma_wait3A_667] : memref<10008x128xf32, #tpu.memory_space<vmem_shared>> -> memref<80x128xf32, #tpu.memory_space<vmem_shared>>
        %dma_wait3A_669 = arith.constant 0 : i32
        %dma_wait3A_670 = arith.constant 0 : i32
        %dma_wait3A_671 = tpu.memref_slice %arg14[%dma_wait3A_669, %dma_wait3A_670] : memref<112x128xf32, #tpu.memory_space<vmem>> -> memref<80x128xf32, #tpu.memory_space<vmem>>
        tpu.wait_dma2 semaphore(%run_scoped3A : memref<!tpu.dma_semaphore, #tpu.memory_space<semaphore_mem>>) src(%dma_wait3A_671 : memref<80x128xf32, #tpu.memory_space<vmem>>) dst(%dma_wait3A_668 : memref<80x128xf32, #tpu.memory_space<vmem_shared>>)
        tpu.yield
      }) : () -> ()
      %while3A_651 = arith.constant 0 : i32
      scf.yield %while3A_651 : i32
    }
    %while3A_98 = arith.constant 1 : i32
    %while3A_99 = scf.for %while3A_644 = %while3A_95 to %while3A_91 step %while3A_98 iter_args(%while3A_645 = %while3A_97) -> (i32)  : i32 {
      %mul3A_646 = arith.constant 16 : i32
      %mul3A_647 = arith.muli %while3A_644, %mul3A_646 : i32
      %add3A_648 = arith.addi %arg1, %mul3A_647 : i32
      %mul3A_649 = arith.constant 80 : i32
      %mul3A_650 = arith.muli %add3A_648, %mul3A_649 : i32
      "tpu.region"() ({
        %run_scoped3A = tpu.sem_alloc : memref<!tpu.dma_semaphore, #tpu.memory_space<semaphore_mem>>
        %dma_start3A_652 = arith.constant 0 : i32
        %dma_start3A_653 = arith.constant 0 : i32
        %dma_start3A_654 = tpu.memref_slice %arg14[%dma_start3A_652, %dma_start3A_653] : memref<112x128xf32, #tpu.memory_space<vmem>> -> memref<80x128xf32, #tpu.memory_space<vmem>>
        %dma_start3A_655 = arith.constant 0 : i32
        %dma_start3A_656 = tpu.memref_slice %arg5[%mul3A_650, %dma_start3A_655] : memref<10008x128xf32, #tpu.memory_space<vmem_shared>> -> memref<80x128xf32, #tpu.memory_space<vmem_shared>>
        %dma_start3A_657 = arith.constant 0 : i32
        %dma_start3A_658 = tpu.memref_slice %arg5[%mul3A_650, %dma_start3A_657] : memref<10008x128xf32, #tpu.memory_space<vmem_shared>> -> memref<80x128xf32, #tpu.memory_space<vmem_shared>>
        %dma_start3A_659 = arith.constant 0 : i32
        %dma_start3A_660 = arith.constant 0 : i32
        %dma_start3A_661 = tpu.memref_slice %arg14[%dma_start3A_659, %dma_start3A_660] : memref<112x128xf32, #tpu.memory_space<vmem>> -> memref<80x128xf32, #tpu.memory_space<vmem>>
        tpu.enqueue_dma source(%dma_start3A_661 : memref<80x128xf32, #tpu.memory_space<vmem>>) target(%dma_start3A_658 : memref<80x128xf32, #tpu.memory_space<vmem_shared>>) target_semaphore(%run_scoped3A : memref<!tpu.dma_semaphore, #tpu.memory_space<semaphore_mem>>)
        %dma_wait3A_662 = arith.constant 0 : i32
        %dma_wait3A_663 = arith.constant 0 : i32
        %dma_wait3A_664 = tpu.memref_slice %arg14[%dma_wait3A_662, %dma_wait3A_663] : memref<112x128xf32, #tpu.memory_space<vmem>> -> memref<80x128xf32, #tpu.memory_space<vmem>>
        %dma_wait3A_665 = arith.constant 0 : i32
        %dma_wait3A_666 = tpu.memref_slice %arg5[%mul3A_650, %dma_wait3A_665] : memref<10008x128xf32, #tpu.memory_space<vmem_shared>> -> memref<80x128xf32, #tpu.memory_space<vmem_shared>>
        %dma_wait3A_667 = arith.constant 0 : i32
        %dma_wait3A_668 = tpu.memref_slice %arg5[%mul3A_650, %dma_wait3A_667] : memref<10008x128xf32, #tpu.memory_space<vmem_shared>> -> memref<80x128xf32, #tpu.memory_space<vmem_shared>>
        %dma_wait3A_669 = arith.constant 0 : i32
        %dma_wait3A_670 = arith.constant 0 : i32
        %dma_wait3A_671 = tpu.memref_slice %arg14[%dma_wait3A_669, %dma_wait3A_670] : memref<112x128xf32, #tpu.memory_space<vmem>> -> memref<80x128xf32, #tpu.memory_space<vmem>>
        tpu.wait_dma2 semaphore(%run_scoped3A : memref<!tpu.dma_semaphore, #tpu.memory_space<semaphore_mem>>) src(%dma_wait3A_671 : memref<80x128xf32, #tpu.memory_space<vmem>>) dst(%dma_wait3A_668 : memref<80x128xf32, #tpu.memory_space<vmem_shared>>)
        tpu.yield
      }) : () -> ()
      %while3A_651 = arith.constant 0 : i32
      scf.yield %while3A_651 : i32
    }
    %barrier3A = arith.constant 0 : index
    tpu.barrier barrier_id(%barrier3A)
    %dma_wait3A_100 = arith.constant 0 : i32
    %dma_wait3A_101 = arith.constant 0 : i32
    %dma_wait3A_102 = tpu.memref_slice %arg6[%dma_wait3A_100, %dma_wait3A_101] : memref<2x112xi32, #tpu.memory_space<vmem>> -> memref<1x112xi32, #tpu.memory_space<vmem>>
    %dma_wait3A_103 = tpu.memref_squeeze %dma_wait3A_102 : memref<1x112xi32, #tpu.memory_space<vmem>> -> memref<112xi32, #tpu.memory_space<vmem>>
    %dma_wait3A_104 = arith.constant 0 : i32
    %dma_wait3A_105 = arith.constant 0 : i32
    %dma_wait3A_106 = tpu.memref_slice %arg2[%dma_wait3A_104, %dma_wait3A_105] : memref<10000x128xf32, #tpu.memory_space<hbm>> -> memref<10000x128xf32, #tpu.memory_space<hbm>>
    tpu.wait_indirect_dma semaphore(%arg15 : memref<!tpu.dma_semaphore, #tpu.memory_space<semaphore_mem>>) src(%dma_wait3A_106 : memref<10000x128xf32, #tpu.memory_space<hbm>>) dst(%arg12 : memref<112x128xf32, #tpu.memory_space<vmem>>)
    %dma_start3A_107 = arith.constant 1 : i32
    %dma_start3A_108 = arith.constant 0 : i32
    %dma_start3A_109 = tpu.memref_slice %arg6[%dma_start3A_107, %dma_start3A_108] : memref<2x112xi32, #tpu.memory_space<vmem>> -> memref<1x112xi32, #tpu.memory_space<vmem>>
    %dma_start3A_110 = tpu.memref_squeeze %dma_start3A_109 : memref<1x112xi32, #tpu.memory_space<vmem>> -> memref<112xi32, #tpu.memory_space<vmem>>
    %dma_start3A_111 = arith.constant 0 : i32
    %dma_start3A_112 = arith.constant 0 : i32
    %dma_start3A_113 = tpu.memref_slice %arg5[%dma_start3A_111, %dma_start3A_112] : memref<10008x128xf32, #tpu.memory_space<vmem_shared>> -> memref<10008x128xf32, #tpu.memory_space<vmem_shared>>
    tpu.enqueue_indirect_dma source(%arg12 : memref<112x128xf32, #tpu.memory_space<vmem>>) target(%dma_start3A_113 : memref<10008x128xf32, #tpu.memory_space<vmem_shared>>) offsets(%dma_start3A_110 : memref<112xi32, #tpu.memory_space<vmem>>) semaphore(%arg24 : memref<!tpu.dma_semaphore, #tpu.memory_space<semaphore_mem>>) {add = true}
    %add3A_114 = arith.constant 3 : i32
    %add3A_115 = arith.addi %mul3A_2, %add3A_114 : i32
    %dma_start3A_116 = arith.constant 0 : i32
    %dma_start3A_117 = arith.constant 0 : i32
    %dma_start3A_118 = tpu.memref_slice %arg3[%add3A_115, %dma_start3A_116, %dma_start3A_117] : memref<2880x2x112xi32, #tpu.memory_space<hbm>> -> memref<1x2x112xi32, #tpu.memory_space<hbm>>
    %dma_start3A_119 = tpu.memref_squeeze %dma_start3A_118 : memref<1x2x112xi32, #tpu.memory_space<hbm>> -> memref<2x112xi32, #tpu.memory_space<hbm>>
    %dma_start3A_120 = arith.constant 0 : i32
    %dma_start3A_121 = arith.constant 0 : i32
    %dma_start3A_122 = tpu.memref_slice %arg3[%add3A_115, %dma_start3A_120, %dma_start3A_121] : memref<2880x2x112xi32, #tpu.memory_space<hbm>> -> memref<1x2x112xi32, #tpu.memory_space<hbm>>
    %dma_start3A_123 = tpu.memref_squeeze %dma_start3A_122 : memref<1x2x112xi32, #tpu.memory_space<hbm>> -> memref<2x112xi32, #tpu.memory_space<hbm>>
    tpu.enqueue_dma source(%dma_start3A_123 : memref<2x112xi32, #tpu.memory_space<hbm>>) target(%arg9 : memref<2x112xi32, #tpu.memory_space<vmem>>) target_semaphore(%arg21 : memref<!tpu.dma_semaphore, #tpu.memory_space<semaphore_mem>>)
    %add3A_124 = arith.constant 2 : i32
    %add3A_125 = arith.addi %mul3A_2, %add3A_124 : i32
    %dma_wait3A_126 = arith.constant 0 : i32
    %dma_wait3A_127 = arith.constant 0 : i32
    %dma_wait3A_128 = tpu.memref_slice %arg3[%add3A_125, %dma_wait3A_126, %dma_wait3A_127] : memref<2880x2x112xi32, #tpu.memory_space<hbm>> -> memref<1x2x112xi32, #tpu.memory_space<hbm>>
    %dma_wait3A_129 = tpu.memref_squeeze %dma_wait3A_128 : memref<1x2x112xi32, #tpu.memory_space<hbm>> -> memref<2x112xi32, #tpu.memory_space<hbm>>
    %dma_wait3A_130 = arith.constant 0 : i32
    %dma_wait3A_131 = arith.constant 0 : i32
    %dma_wait3A_132 = tpu.memref_slice %arg3[%add3A_125, %dma_wait3A_130, %dma_wait3A_131] : memref<2880x2x112xi32, #tpu.memory_space<hbm>> -> memref<1x2x112xi32, #tpu.memory_space<hbm>>
    %dma_wait3A_133 = tpu.memref_squeeze %dma_wait3A_132 : memref<1x2x112xi32, #tpu.memory_space<hbm>> -> memref<2x112xi32, #tpu.memory_space<hbm>>
    tpu.wait_dma2 semaphore(%arg20 : memref<!tpu.dma_semaphore, #tpu.memory_space<semaphore_mem>>) src(%dma_wait3A_133 : memref<2x112xi32, #tpu.memory_space<hbm>>) dst(%arg8 : memref<2x112xi32, #tpu.memory_space<vmem>>)
    %dma_start3A_134 = arith.constant 0 : i32
    %dma_start3A_135 = arith.constant 0 : i32
    %dma_start3A_136 = tpu.memref_slice %arg8[%dma_start3A_134, %dma_start3A_135] : memref<2x112xi32, #tpu.memory_space<vmem>> -> memref<1x112xi32, #tpu.memory_space<vmem>>
    %dma_start3A_137 = tpu.memref_squeeze %dma_start3A_136 : memref<1x112xi32, #tpu.memory_space<vmem>> -> memref<112xi32, #tpu.memory_space<vmem>>
    %dma_start3A_138 = arith.constant 0 : i32
    %dma_start3A_139 = arith.constant 0 : i32
    %dma_start3A_140 = tpu.memref_slice %arg2[%dma_start3A_138, %dma_start3A_139] : memref<10000x128xf32, #tpu.memory_space<hbm>> -> memref<10000x128xf32, #tpu.memory_space<hbm>>
    tpu.enqueue_indirect_dma source(%dma_start3A_140 : memref<10000x128xf32, #tpu.memory_space<hbm>>) target(%arg14 : memref<112x128xf32, #tpu.memory_space<vmem>>) offsets(%dma_start3A_137 : memref<112xi32, #tpu.memory_space<vmem>>) semaphore(%arg17 : memref<!tpu.dma_semaphore, #tpu.memory_space<semaphore_mem>>)
    %dma_wait3A_141 = arith.constant 0 : i32
    %dma_wait3A_142 = arith.constant 0 : i32
    %dma_wait3A_143 = tpu.memref_slice %arg7[%dma_wait3A_141, %dma_wait3A_142] : memref<2x112xi32, #tpu.memory_space<vmem>> -> memref<1x112xi32, #tpu.memory_space<vmem>>
    %dma_wait3A_144 = tpu.memref_squeeze %dma_wait3A_143 : memref<1x112xi32, #tpu.memory_space<vmem>> -> memref<112xi32, #tpu.memory_space<vmem>>
    %dma_wait3A_145 = arith.constant 0 : i32
    %dma_wait3A_146 = arith.constant 0 : i32
    %dma_wait3A_147 = tpu.memref_slice %arg2[%dma_wait3A_145, %dma_wait3A_146] : memref<10000x128xf32, #tpu.memory_space<hbm>> -> memref<10000x128xf32, #tpu.memory_space<hbm>>
    tpu.wait_indirect_dma semaphore(%arg16 : memref<!tpu.dma_semaphore, #tpu.memory_space<semaphore_mem>>) src(%dma_wait3A_147 : memref<10000x128xf32, #tpu.memory_space<hbm>>) dst(%arg13 : memref<112x128xf32, #tpu.memory_space<vmem>>)
    %dma_start3A_148 = arith.constant 1 : i32
    %dma_start3A_149 = arith.constant 0 : i32
    %dma_start3A_150 = tpu.memref_slice %arg7[%dma_start3A_148, %dma_start3A_149] : memref<2x112xi32, #tpu.memory_space<vmem>> -> memref<1x112xi32, #tpu.memory_space<vmem>>
    %dma_start3A_151 = tpu.memref_squeeze %dma_start3A_150 : memref<1x112xi32, #tpu.memory_space<vmem>> -> memref<112xi32, #tpu.memory_space<vmem>>
    %dma_start3A_152 = arith.constant 0 : i32
    %dma_start3A_153 = arith.constant 0 : i32
    %dma_start3A_154 = tpu.memref_slice %arg5[%dma_start3A_152, %dma_start3A_153] : memref<10008x128xf32, #tpu.memory_space<vmem_shared>> -> memref<10008x128xf32, #tpu.memory_space<vmem_shared>>
    tpu.enqueue_indirect_dma source(%arg13 : memref<112x128xf32, #tpu.memory_space<vmem>>) target(%dma_start3A_154 : memref<10008x128xf32, #tpu.memory_space<vmem_shared>>) offsets(%dma_start3A_151 : memref<112xi32, #tpu.memory_space<vmem>>) semaphore(%arg25 : memref<!tpu.dma_semaphore, #tpu.memory_space<semaphore_mem>>) {add = true}
    %add3A_155 = arith.constant 4 : i32
    %add3A_156 = arith.addi %mul3A_2, %add3A_155 : i32
    %dma_start3A_157 = arith.constant 0 : i32
    %dma_start3A_158 = arith.constant 0 : i32
    %dma_start3A_159 = tpu.memref_slice %arg3[%add3A_156, %dma_start3A_157, %dma_start3A_158] : memref<2880x2x112xi32, #tpu.memory_space<hbm>> -> memref<1x2x112xi32, #tpu.memory_space<hbm>>
    %dma_start3A_160 = tpu.memref_squeeze %dma_start3A_159 : memref<1x2x112xi32, #tpu.memory_space<hbm>> -> memref<2x112xi32, #tpu.memory_space<hbm>>
    %dma_start3A_161 = arith.constant 0 : i32
    %dma_start3A_162 = arith.constant 0 : i32
    %dma_start3A_163 = tpu.memref_slice %arg3[%add3A_156, %dma_start3A_161, %dma_start3A_162] : memref<2880x2x112xi32, #tpu.memory_space<hbm>> -> memref<1x2x112xi32, #tpu.memory_space<hbm>>
    %dma_start3A_164 = tpu.memref_squeeze %dma_start3A_163 : memref<1x2x112xi32, #tpu.memory_space<hbm>> -> memref<2x112xi32, #tpu.memory_space<hbm>>
    tpu.enqueue_dma source(%dma_start3A_164 : memref<2x112xi32, #tpu.memory_space<hbm>>) target(%arg10 : memref<2x112xi32, #tpu.memory_space<vmem>>) target_semaphore(%arg22 : memref<!tpu.dma_semaphore, #tpu.memory_space<semaphore_mem>>)
    %add3A_165 = arith.constant 3 : i32
    %add3A_166 = arith.addi %mul3A_2, %add3A_165 : i32
    %dma_wait3A_167 = arith.constant 0 : i32
    %dma_wait3A_168 = arith.constant 0 : i32
    %dma_wait3A_169 = tpu.memref_slice %arg3[%add3A_166, %dma_wait3A_167, %dma_wait3A_168] : memref<2880x2x112xi32, #tpu.memory_space<hbm>> -> memref<1x2x112xi32, #tpu.memory_space<hbm>>
    %dma_wait3A_170 = tpu.memref_squeeze %dma_wait3A_169 : memref<1x2x112xi32, #tpu.memory_space<hbm>> -> memref<2x112xi32, #tpu.memory_space<hbm>>
    %dma_wait3A_171 = arith.constant 0 : i32
    %dma_wait3A_172 = arith.constant 0 : i32
    %dma_wait3A_173 = tpu.memref_slice %arg3[%add3A_166, %dma_wait3A_171, %dma_wait3A_172] : memref<2880x2x112xi32, #tpu.memory_space<hbm>> -> memref<1x2x112xi32, #tpu.memory_space<hbm>>
    %dma_wait3A_174 = tpu.memref_squeeze %dma_wait3A_173 : memref<1x2x112xi32, #tpu.memory_space<hbm>> -> memref<2x112xi32, #tpu.memory_space<hbm>>
    tpu.wait_dma2 semaphore(%arg21 : memref<!tpu.dma_semaphore, #tpu.memory_space<semaphore_mem>>) src(%dma_wait3A_174 : memref<2x112xi32, #tpu.memory_space<hbm>>) dst(%arg9 : memref<2x112xi32, #tpu.memory_space<vmem>>)
    %dma_wait3A_175 = arith.constant 1 : i32
    %dma_wait3A_176 = arith.constant 0 : i32
    %dma_wait3A_177 = tpu.memref_slice %arg6[%dma_wait3A_175, %dma_wait3A_176] : memref<2x112xi32, #tpu.memory_space<vmem>> -> memref<1x112xi32, #tpu.memory_space<vmem>>
    %dma_wait3A_178 = tpu.memref_squeeze %dma_wait3A_177 : memref<1x112xi32, #tpu.memory_space<vmem>> -> memref<112xi32, #tpu.memory_space<vmem>>
    %dma_wait3A_179 = arith.constant 0 : i32
    %dma_wait3A_180 = arith.constant 0 : i32
    %dma_wait3A_181 = tpu.memref_slice %arg5[%dma_wait3A_179, %dma_wait3A_180] : memref<10008x128xf32, #tpu.memory_space<vmem_shared>> -> memref<10008x128xf32, #tpu.memory_space<vmem_shared>>
    tpu.wait_indirect_dma semaphore(%arg24 : memref<!tpu.dma_semaphore, #tpu.memory_space<semaphore_mem>>) src(%arg12 : memref<112x128xf32, #tpu.memory_space<vmem>>) dst(%dma_wait3A_181 : memref<10008x128xf32, #tpu.memory_space<vmem_shared>>)
    %dma_start3A_182 = arith.constant 0 : i32
    %dma_start3A_183 = arith.constant 0 : i32
    %dma_start3A_184 = tpu.memref_slice %arg9[%dma_start3A_182, %dma_start3A_183] : memref<2x112xi32, #tpu.memory_space<vmem>> -> memref<1x112xi32, #tpu.memory_space<vmem>>
    %dma_start3A_185 = tpu.memref_squeeze %dma_start3A_184 : memref<1x112xi32, #tpu.memory_space<vmem>> -> memref<112xi32, #tpu.memory_space<vmem>>
    %dma_start3A_186 = arith.constant 0 : i32
    %dma_start3A_187 = arith.constant 0 : i32
    %dma_start3A_188 = tpu.memref_slice %arg2[%dma_start3A_186, %dma_start3A_187] : memref<10000x128xf32, #tpu.memory_space<hbm>> -> memref<10000x128xf32, #tpu.memory_space<hbm>>
    tpu.enqueue_indirect_dma source(%dma_start3A_188 : memref<10000x128xf32, #tpu.memory_space<hbm>>) target(%arg12 : memref<112x128xf32, #tpu.memory_space<vmem>>) offsets(%dma_start3A_185 : memref<112xi32, #tpu.memory_space<vmem>>) semaphore(%arg15 : memref<!tpu.dma_semaphore, #tpu.memory_space<semaphore_mem>>)
    %dma_wait3A_189 = arith.constant 0 : i32
    %dma_wait3A_190 = arith.constant 0 : i32
    %dma_wait3A_191 = tpu.memref_slice %arg8[%dma_wait3A_189, %dma_wait3A_190] : memref<2x112xi32, #tpu.memory_space<vmem>> -> memref<1x112xi32, #tpu.memory_space<vmem>>
    %dma_wait3A_192 = tpu.memref_squeeze %dma_wait3A_191 : memref<1x112xi32, #tpu.memory_space<vmem>> -> memref<112xi32, #tpu.memory_space<vmem>>
    %dma_wait3A_193 = arith.constant 0 : i32
    %dma_wait3A_194 = arith.constant 0 : i32
    %dma_wait3A_195 = tpu.memref_slice %arg2[%dma_wait3A_193, %dma_wait3A_194] : memref<10000x128xf32, #tpu.memory_space<hbm>> -> memref<10000x128xf32, #tpu.memory_space<hbm>>
    tpu.wait_indirect_dma semaphore(%arg17 : memref<!tpu.dma_semaphore, #tpu.memory_space<semaphore_mem>>) src(%dma_wait3A_195 : memref<10000x128xf32, #tpu.memory_space<hbm>>) dst(%arg14 : memref<112x128xf32, #tpu.memory_space<vmem>>)
    %dma_start3A_196 = arith.constant 1 : i32
    %dma_start3A_197 = arith.constant 0 : i32
    %dma_start3A_198 = tpu.memref_slice %arg8[%dma_start3A_196, %dma_start3A_197] : memref<2x112xi32, #tpu.memory_space<vmem>> -> memref<1x112xi32, #tpu.memory_space<vmem>>
    %dma_start3A_199 = tpu.memref_squeeze %dma_start3A_198 : memref<1x112xi32, #tpu.memory_space<vmem>> -> memref<112xi32, #tpu.memory_space<vmem>>
    %dma_start3A_200 = arith.constant 0 : i32
    %dma_start3A_201 = arith.constant 0 : i32
    %dma_start3A_202 = tpu.memref_slice %arg5[%dma_start3A_200, %dma_start3A_201] : memref<10008x128xf32, #tpu.memory_space<vmem_shared>> -> memref<10008x128xf32, #tpu.memory_space<vmem_shared>>
    tpu.enqueue_indirect_dma source(%arg14 : memref<112x128xf32, #tpu.memory_space<vmem>>) target(%dma_start3A_202 : memref<10008x128xf32, #tpu.memory_space<vmem_shared>>) offsets(%dma_start3A_199 : memref<112xi32, #tpu.memory_space<vmem>>) semaphore(%arg26 : memref<!tpu.dma_semaphore, #tpu.memory_space<semaphore_mem>>) {add = true}
    %add3A_203 = arith.constant 5 : i32
    %add3A_204 = arith.addi %mul3A_2, %add3A_203 : i32
    %dma_start3A_205 = arith.constant 0 : i32
    %dma_start3A_206 = arith.constant 0 : i32
    %dma_start3A_207 = tpu.memref_slice %arg3[%add3A_204, %dma_start3A_205, %dma_start3A_206] : memref<2880x2x112xi32, #tpu.memory_space<hbm>> -> memref<1x2x112xi32, #tpu.memory_space<hbm>>
    %dma_start3A_208 = tpu.memref_squeeze %dma_start3A_207 : memref<1x2x112xi32, #tpu.memory_space<hbm>> -> memref<2x112xi32, #tpu.memory_space<hbm>>
    %dma_start3A_209 = arith.constant 0 : i32
    %dma_start3A_210 = arith.constant 0 : i32
    %dma_start3A_211 = tpu.memref_slice %arg3[%add3A_204, %dma_start3A_209, %dma_start3A_210] : memref<2880x2x112xi32, #tpu.memory_space<hbm>> -> memref<1x2x112xi32, #tpu.memory_space<hbm>>
    %dma_start3A_212 = tpu.memref_squeeze %dma_start3A_211 : memref<1x2x112xi32, #tpu.memory_space<hbm>> -> memref<2x112xi32, #tpu.memory_space<hbm>>
    tpu.enqueue_dma source(%dma_start3A_212 : memref<2x112xi32, #tpu.memory_space<hbm>>) target(%arg11 : memref<2x112xi32, #tpu.memory_space<vmem>>) target_semaphore(%arg23 : memref<!tpu.dma_semaphore, #tpu.memory_space<semaphore_mem>>)
    %add3A_213 = arith.constant 4 : i32
    %add3A_214 = arith.addi %mul3A_2, %add3A_213 : i32
    %dma_wait3A_215 = arith.constant 0 : i32
    %dma_wait3A_216 = arith.constant 0 : i32
    %dma_wait3A_217 = tpu.memref_slice %arg3[%add3A_214, %dma_wait3A_215, %dma_wait3A_216] : memref<2880x2x112xi32, #tpu.memory_space<hbm>> -> memref<1x2x112xi32, #tpu.memory_space<hbm>>
    %dma_wait3A_218 = tpu.memref_squeeze %dma_wait3A_217 : memref<1x2x112xi32, #tpu.memory_space<hbm>> -> memref<2x112xi32, #tpu.memory_space<hbm>>
    %dma_wait3A_219 = arith.constant 0 : i32
    %dma_wait3A_220 = arith.constant 0 : i32
    %dma_wait3A_221 = tpu.memref_slice %arg3[%add3A_214, %dma_wait3A_219, %dma_wait3A_220] : memref<2880x2x112xi32, #tpu.memory_space<hbm>> -> memref<1x2x112xi32, #tpu.memory_space<hbm>>
    %dma_wait3A_222 = tpu.memref_squeeze %dma_wait3A_221 : memref<1x2x112xi32, #tpu.memory_space<hbm>> -> memref<2x112xi32, #tpu.memory_space<hbm>>
    tpu.wait_dma2 semaphore(%arg22 : memref<!tpu.dma_semaphore, #tpu.memory_space<semaphore_mem>>) src(%dma_wait3A_222 : memref<2x112xi32, #tpu.memory_space<hbm>>) dst(%arg10 : memref<2x112xi32, #tpu.memory_space<vmem>>)
    %dma_wait3A_223 = arith.constant 1 : i32
    %dma_wait3A_224 = arith.constant 0 : i32
    %dma_wait3A_225 = tpu.memref_slice %arg7[%dma_wait3A_223, %dma_wait3A_224] : memref<2x112xi32, #tpu.memory_space<vmem>> -> memref<1x112xi32, #tpu.memory_space<vmem>>
    %dma_wait3A_226 = tpu.memref_squeeze %dma_wait3A_225 : memref<1x112xi32, #tpu.memory_space<vmem>> -> memref<112xi32, #tpu.memory_space<vmem>>
    %dma_wait3A_227 = arith.constant 0 : i32
    %dma_wait3A_228 = arith.constant 0 : i32
    %dma_wait3A_229 = tpu.memref_slice %arg5[%dma_wait3A_227, %dma_wait3A_228] : memref<10008x128xf32, #tpu.memory_space<vmem_shared>> -> memref<10008x128xf32, #tpu.memory_space<vmem_shared>>
    tpu.wait_indirect_dma semaphore(%arg25 : memref<!tpu.dma_semaphore, #tpu.memory_space<semaphore_mem>>) src(%arg13 : memref<112x128xf32, #tpu.memory_space<vmem>>) dst(%dma_wait3A_229 : memref<10008x128xf32, #tpu.memory_space<vmem_shared>>)
    %dma_start3A_230 = arith.constant 0 : i32
    %dma_start3A_231 = arith.constant 0 : i32
    %dma_start3A_232 = tpu.memref_slice %arg10[%dma_start3A_230, %dma_start3A_231] : memref<2x112xi32, #tpu.memory_space<vmem>> -> memref<1x112xi32, #tpu.memory_space<vmem>>
    %dma_start3A_233 = tpu.memref_squeeze %dma_start3A_232 : memref<1x112xi32, #tpu.memory_space<vmem>> -> memref<112xi32, #tpu.memory_space<vmem>>
    %dma_start3A_234 = arith.constant 0 : i32
    %dma_start3A_235 = arith.constant 0 : i32
    %dma_start3A_236 = tpu.memref_slice %arg2[%dma_start3A_234, %dma_start3A_235] : memref<10000x128xf32, #tpu.memory_space<hbm>> -> memref<10000x128xf32, #tpu.memory_space<hbm>>
    tpu.enqueue_indirect_dma source(%dma_start3A_236 : memref<10000x128xf32, #tpu.memory_space<hbm>>) target(%arg13 : memref<112x128xf32, #tpu.memory_space<vmem>>) offsets(%dma_start3A_233 : memref<112xi32, #tpu.memory_space<vmem>>) semaphore(%arg16 : memref<!tpu.dma_semaphore, #tpu.memory_space<semaphore_mem>>)
    %dma_wait3A_237 = arith.constant 0 : i32
    %dma_wait3A_238 = arith.constant 0 : i32
    %dma_wait3A_239 = tpu.memref_slice %arg9[%dma_wait3A_237, %dma_wait3A_238] : memref<2x112xi32, #tpu.memory_space<vmem>> -> memref<1x112xi32, #tpu.memory_space<vmem>>
    %dma_wait3A_240 = tpu.memref_squeeze %dma_wait3A_239 : memref<1x112xi32, #tpu.memory_space<vmem>> -> memref<112xi32, #tpu.memory_space<vmem>>
    %dma_wait3A_241 = arith.constant 0 : i32
    %dma_wait3A_242 = arith.constant 0 : i32
    %dma_wait3A_243 = tpu.memref_slice %arg2[%dma_wait3A_241, %dma_wait3A_242] : memref<10000x128xf32, #tpu.memory_space<hbm>> -> memref<10000x128xf32, #tpu.memory_space<hbm>>
    tpu.wait_indirect_dma semaphore(%arg15 : memref<!tpu.dma_semaphore, #tpu.memory_space<semaphore_mem>>) src(%dma_wait3A_243 : memref<10000x128xf32, #tpu.memory_space<hbm>>) dst(%arg12 : memref<112x128xf32, #tpu.memory_space<vmem>>)
    %dma_start3A_244 = arith.constant 1 : i32
    %dma_start3A_245 = arith.constant 0 : i32
    %dma_start3A_246 = tpu.memref_slice %arg9[%dma_start3A_244, %dma_start3A_245] : memref<2x112xi32, #tpu.memory_space<vmem>> -> memref<1x112xi32, #tpu.memory_space<vmem>>
    %dma_start3A_247 = tpu.memref_squeeze %dma_start3A_246 : memref<1x112xi32, #tpu.memory_space<vmem>> -> memref<112xi32, #tpu.memory_space<vmem>>
    %dma_start3A_248 = arith.constant 0 : i32
    %dma_start3A_249 = arith.constant 0 : i32
    %dma_start3A_250 = tpu.memref_slice %arg5[%dma_start3A_248, %dma_start3A_249] : memref<10008x128xf32, #tpu.memory_space<vmem_shared>> -> memref<10008x128xf32, #tpu.memory_space<vmem_shared>>
    tpu.enqueue_indirect_dma source(%arg12 : memref<112x128xf32, #tpu.memory_space<vmem>>) target(%dma_start3A_250 : memref<10008x128xf32, #tpu.memory_space<vmem_shared>>) offsets(%dma_start3A_247 : memref<112xi32, #tpu.memory_space<vmem>>) semaphore(%arg24 : memref<!tpu.dma_semaphore, #tpu.memory_space<semaphore_mem>>) {add = true}
    %add3A_251 = arith.constant 6 : i32
    %add3A_252 = arith.addi %mul3A_2, %add3A_251 : i32
    %dma_start3A_253 = arith.constant 0 : i32
    %dma_start3A_254 = arith.constant 0 : i32
    %dma_start3A_255 = tpu.memref_slice %arg3[%add3A_252, %dma_start3A_253, %dma_start3A_254] : memref<2880x2x112xi32, #tpu.memory_space<hbm>> -> memref<1x2x112xi32, #tpu.memory_space<hbm>>
    %dma_start3A_256 = tpu.memref_squeeze %dma_start3A_255 : memref<1x2x112xi32, #tpu.memory_space<hbm>> -> memref<2x112xi32, #tpu.memory_space<hbm>>
    %dma_start3A_257 = arith.constant 0 : i32
    %dma_start3A_258 = arith.constant 0 : i32
    %dma_start3A_259 = tpu.memref_slice %arg3[%add3A_252, %dma_start3A_257, %dma_start3A_258] : memref<2880x2x112xi32, #tpu.memory_space<hbm>> -> memref<1x2x112xi32, #tpu.memory_space<hbm>>
    %dma_start3A_260 = tpu.memref_squeeze %dma_start3A_259 : memref<1x2x112xi32, #tpu.memory_space<hbm>> -> memref<2x112xi32, #tpu.memory_space<hbm>>
    tpu.enqueue_dma source(%dma_start3A_260 : memref<2x112xi32, #tpu.memory_space<hbm>>) target(%arg6 : memref<2x112xi32, #tpu.memory_space<vmem>>) target_semaphore(%arg18 : memref<!tpu.dma_semaphore, #tpu.memory_space<semaphore_mem>>)
    %add3A_261 = arith.constant 5 : i32
    %add3A_262 = arith.addi %mul3A_2, %add3A_261 : i32
    %dma_wait3A_263 = arith.constant 0 : i32
    %dma_wait3A_264 = arith.constant 0 : i32
    %dma_wait3A_265 = tpu.memref_slice %arg3[%add3A_262, %dma_wait3A_263, %dma_wait3A_264] : memref<2880x2x112xi32, #tpu.memory_space<hbm>> -> memref<1x2x112xi32, #tpu.memory_space<hbm>>
    %dma_wait3A_266 = tpu.memref_squeeze %dma_wait3A_265 : memref<1x2x112xi32, #tpu.memory_space<hbm>> -> memref<2x112xi32, #tpu.memory_space<hbm>>
    %dma_wait3A_267 = arith.constant 0 : i32
    %dma_wait3A_268 = arith.constant 0 : i32
    %dma_wait3A_269 = tpu.memref_slice %arg3[%add3A_262, %dma_wait3A_267, %dma_wait3A_268] : memref<2880x2x112xi32, #tpu.memory_space<hbm>> -> memref<1x2x112xi32, #tpu.memory_space<hbm>>
    %dma_wait3A_270 = tpu.memref_squeeze %dma_wait3A_269 : memref<1x2x112xi32, #tpu.memory_space<hbm>> -> memref<2x112xi32, #tpu.memory_space<hbm>>
    tpu.wait_dma2 semaphore(%arg23 : memref<!tpu.dma_semaphore, #tpu.memory_space<semaphore_mem>>) src(%dma_wait3A_270 : memref<2x112xi32, #tpu.memory_space<hbm>>) dst(%arg11 : memref<2x112xi32, #tpu.memory_space<vmem>>)
    %dma_wait3A_271 = arith.constant 1 : i32
    %dma_wait3A_272 = arith.constant 0 : i32
    %dma_wait3A_273 = tpu.memref_slice %arg8[%dma_wait3A_271, %dma_wait3A_272] : memref<2x112xi32, #tpu.memory_space<vmem>> -> memref<1x112xi32, #tpu.memory_space<vmem>>
    %dma_wait3A_274 = tpu.memref_squeeze %dma_wait3A_273 : memref<1x112xi32, #tpu.memory_space<vmem>> -> memref<112xi32, #tpu.memory_space<vmem>>
    %dma_wait3A_275 = arith.constant 0 : i32
    %dma_wait3A_276 = arith.constant 0 : i32
    %dma_wait3A_277 = tpu.memref_slice %arg5[%dma_wait3A_275, %dma_wait3A_276] : memref<10008x128xf32, #tpu.memory_space<vmem_shared>> -> memref<10008x128xf32, #tpu.memory_space<vmem_shared>>
    tpu.wait_indirect_dma semaphore(%arg26 : memref<!tpu.dma_semaphore, #tpu.memory_space<semaphore_mem>>) src(%arg14 : memref<112x128xf32, #tpu.memory_space<vmem>>) dst(%dma_wait3A_277 : memref<10008x128xf32, #tpu.memory_space<vmem_shared>>)
    %dma_start3A_278 = arith.constant 0 : i32
    %dma_start3A_279 = arith.constant 0 : i32
    %dma_start3A_280 = tpu.memref_slice %arg11[%dma_start3A_278, %dma_start3A_279] : memref<2x112xi32, #tpu.memory_space<vmem>> -> memref<1x112xi32, #tpu.memory_space<vmem>>
    %dma_start3A_281 = tpu.memref_squeeze %dma_start3A_280 : memref<1x112xi32, #tpu.memory_space<vmem>> -> memref<112xi32, #tpu.memory_space<vmem>>
    %dma_start3A_282 = arith.constant 0 : i32
    %dma_start3A_283 = arith.constant 0 : i32
    %dma_start3A_284 = tpu.memref_slice %arg2[%dma_start3A_282, %dma_start3A_283] : memref<10000x128xf32, #tpu.memory_space<hbm>> -> memref<10000x128xf32, #tpu.memory_space<hbm>>
    tpu.enqueue_indirect_dma source(%dma_start3A_284 : memref<10000x128xf32, #tpu.memory_space<hbm>>) target(%arg14 : memref<112x128xf32, #tpu.memory_space<vmem>>) offsets(%dma_start3A_281 : memref<112xi32, #tpu.memory_space<vmem>>) semaphore(%arg17 : memref<!tpu.dma_semaphore, #tpu.memory_space<semaphore_mem>>)
    %dma_wait3A_285 = arith.constant 0 : i32
    %dma_wait3A_286 = arith.constant 0 : i32
    %dma_wait3A_287 = tpu.memref_slice %arg10[%dma_wait3A_285, %dma_wait3A_286] : memref<2x112xi32, #tpu.memory_space<vmem>> -> memref<1x112xi32, #tpu.memory_space<vmem>>
    %dma_wait3A_288 = tpu.memref_squeeze %dma_wait3A_287 : memref<1x112xi32, #tpu.memory_space<vmem>> -> memref<112xi32, #tpu.memory_space<vmem>>
    %dma_wait3A_289 = arith.constant 0 : i32
    %dma_wait3A_290 = arith.constant 0 : i32
    %dma_wait3A_291 = tpu.memref_slice %arg2[%dma_wait3A_289, %dma_wait3A_290] : memref<10000x128xf32, #tpu.memory_space<hbm>> -> memref<10000x128xf32, #tpu.memory_space<hbm>>
    tpu.wait_indirect_dma semaphore(%arg16 : memref<!tpu.dma_semaphore, #tpu.memory_space<semaphore_mem>>) src(%dma_wait3A_291 : memref<10000x128xf32, #tpu.memory_space<hbm>>) dst(%arg13 : memref<112x128xf32, #tpu.memory_space<vmem>>)
    %dma_start3A_292 = arith.constant 1 : i32
    %dma_start3A_293 = arith.constant 0 : i32
    %dma_start3A_294 = tpu.memref_slice %arg10[%dma_start3A_292, %dma_start3A_293] : memref<2x112xi32, #tpu.memory_space<vmem>> -> memref<1x112xi32, #tpu.memory_space<vmem>>
    %dma_start3A_295 = tpu.memref_squeeze %dma_start3A_294 : memref<1x112xi32, #tpu.memory_space<vmem>> -> memref<112xi32, #tpu.memory_space<vmem>>
    %dma_start3A_296 = arith.constant 0 : i32
    %dma_start3A_297 = arith.constant 0 : i32
    %dma_start3A_298 = tpu.memref_slice %arg5[%dma_start3A_296, %dma_start3A_297] : memref<10008x128xf32, #tpu.memory_space<vmem_shared>> -> memref<10008x128xf32, #tpu.memory_space<vmem_shared>>
    tpu.enqueue_indirect_dma source(%arg13 : memref<112x128xf32, #tpu.memory_space<vmem>>) target(%dma_start3A_298 : memref<10008x128xf32, #tpu.memory_space<vmem_shared>>) offsets(%dma_start3A_295 : memref<112xi32, #tpu.memory_space<vmem>>) semaphore(%arg25 : memref<!tpu.dma_semaphore, #tpu.memory_space<semaphore_mem>>) {add = true}
    %add3A_299 = arith.constant 7 : i32
    %add3A_300 = arith.addi %mul3A_2, %add3A_299 : i32
    %dma_start3A_301 = arith.constant 0 : i32
    %dma_start3A_302 = arith.constant 0 : i32
    %dma_start3A_303 = tpu.memref_slice %arg3[%add3A_300, %dma_start3A_301, %dma_start3A_302] : memref<2880x2x112xi32, #tpu.memory_space<hbm>> -> memref<1x2x112xi32, #tpu.memory_space<hbm>>
    %dma_start3A_304 = tpu.memref_squeeze %dma_start3A_303 : memref<1x2x112xi32, #tpu.memory_space<hbm>> -> memref<2x112xi32, #tpu.memory_space<hbm>>
    %dma_start3A_305 = arith.constant 0 : i32
    %dma_start3A_306 = arith.constant 0 : i32
    %dma_start3A_307 = tpu.memref_slice %arg3[%add3A_300, %dma_start3A_305, %dma_start3A_306] : memref<2880x2x112xi32, #tpu.memory_space<hbm>> -> memref<1x2x112xi32, #tpu.memory_space<hbm>>
    %dma_start3A_308 = tpu.memref_squeeze %dma_start3A_307 : memref<1x2x112xi32, #tpu.memory_space<hbm>> -> memref<2x112xi32, #tpu.memory_space<hbm>>
    tpu.enqueue_dma source(%dma_start3A_308 : memref<2x112xi32, #tpu.memory_space<hbm>>) target(%arg7 : memref<2x112xi32, #tpu.memory_space<vmem>>) target_semaphore(%arg19 : memref<!tpu.dma_semaphore, #tpu.memory_space<semaphore_mem>>)
    %add3A_309 = arith.constant 6 : i32
    %add3A_310 = arith.addi %mul3A_2, %add3A_309 : i32
    %dma_wait3A_311 = arith.constant 0 : i32
    %dma_wait3A_312 = arith.constant 0 : i32
    %dma_wait3A_313 = tpu.memref_slice %arg3[%add3A_310, %dma_wait3A_311, %dma_wait3A_312] : memref<2880x2x112xi32, #tpu.memory_space<hbm>> -> memref<1x2x112xi32, #tpu.memory_space<hbm>>
    %dma_wait3A_314 = tpu.memref_squeeze %dma_wait3A_313 : memref<1x2x112xi32, #tpu.memory_space<hbm>> -> memref<2x112xi32, #tpu.memory_space<hbm>>
    %dma_wait3A_315 = arith.constant 0 : i32
    %dma_wait3A_316 = arith.constant 0 : i32
    %dma_wait3A_317 = tpu.memref_slice %arg3[%add3A_310, %dma_wait3A_315, %dma_wait3A_316] : memref<2880x2x112xi32, #tpu.memory_space<hbm>> -> memref<1x2x112xi32, #tpu.memory_space<hbm>>
    %dma_wait3A_318 = tpu.memref_squeeze %dma_wait3A_317 : memref<1x2x112xi32, #tpu.memory_space<hbm>> -> memref<2x112xi32, #tpu.memory_space<hbm>>
    tpu.wait_dma2 semaphore(%arg18 : memref<!tpu.dma_semaphore, #tpu.memory_space<semaphore_mem>>) src(%dma_wait3A_318 : memref<2x112xi32, #tpu.memory_space<hbm>>) dst(%arg6 : memref<2x112xi32, #tpu.memory_space<vmem>>)
    %dma_wait3A_319 = arith.constant 1 : i32
    %dma_wait3A_320 = arith.constant 0 : i32
    %dma_wait3A_321 = tpu.memref_slice %arg9[%dma_wait3A_319, %dma_wait3A_320] : memref<2x112xi32, #tpu.memory_space<vmem>> -> memref<1x112xi32, #tpu.memory_space<vmem>>
    %dma_wait3A_322 = tpu.memref_squeeze %dma_wait3A_321 : memref<1x112xi32, #tpu.memory_space<vmem>> -> memref<112xi32, #tpu.memory_space<vmem>>
    %dma_wait3A_323 = arith.constant 0 : i32
    %dma_wait3A_324 = arith.constant 0 : i32
    %dma_wait3A_325 = tpu.memref_slice %arg5[%dma_wait3A_323, %dma_wait3A_324] : memref<10008x128xf32, #tpu.memory_space<vmem_shared>> -> memref<10008x128xf32, #tpu.memory_space<vmem_shared>>
    tpu.wait_indirect_dma semaphore(%arg24 : memref<!tpu.dma_semaphore, #tpu.memory_space<semaphore_mem>>) src(%arg12 : memref<112x128xf32, #tpu.memory_space<vmem>>) dst(%dma_wait3A_325 : memref<10008x128xf32, #tpu.memory_space<vmem_shared>>)
    %dma_start3A_326 = arith.constant 0 : i32
    %dma_start3A_327 = arith.constant 0 : i32
    %dma_start3A_328 = tpu.memref_slice %arg6[%dma_start3A_326, %dma_start3A_327] : memref<2x112xi32, #tpu.memory_space<vmem>> -> memref<1x112xi32, #tpu.memory_space<vmem>>
    %dma_start3A_329 = tpu.memref_squeeze %dma_start3A_328 : memref<1x112xi32, #tpu.memory_space<vmem>> -> memref<112xi32, #tpu.memory_space<vmem>>
    %dma_start3A_330 = arith.constant 0 : i32
    %dma_start3A_331 = arith.constant 0 : i32
    %dma_start3A_332 = tpu.memref_slice %arg2[%dma_start3A_330, %dma_start3A_331] : memref<10000x128xf32, #tpu.memory_space<hbm>> -> memref<10000x128xf32, #tpu.memory_space<hbm>>
    tpu.enqueue_indirect_dma source(%dma_start3A_332 : memref<10000x128xf32, #tpu.memory_space<hbm>>) target(%arg12 : memref<112x128xf32, #tpu.memory_space<vmem>>) offsets(%dma_start3A_329 : memref<112xi32, #tpu.memory_space<vmem>>) semaphore(%arg15 : memref<!tpu.dma_semaphore, #tpu.memory_space<semaphore_mem>>)
    %dma_wait3A_333 = arith.constant 0 : i32
    %dma_wait3A_334 = arith.constant 0 : i32
    %dma_wait3A_335 = tpu.memref_slice %arg11[%dma_wait3A_333, %dma_wait3A_334] : memref<2x112xi32, #tpu.memory_space<vmem>> -> memref<1x112xi32, #tpu.memory_space<vmem>>
    %dma_wait3A_336 = tpu.memref_squeeze %dma_wait3A_335 : memref<1x112xi32, #tpu.memory_space<vmem>> -> memref<112xi32, #tpu.memory_space<vmem>>
    %dma_wait3A_337 = arith.constant 0 : i32
    %dma_wait3A_338 = arith.constant 0 : i32
    %dma_wait3A_339 = tpu.memref_slice %arg2[%dma_wait3A_337, %dma_wait3A_338] : memref<10000x128xf32, #tpu.memory_space<hbm>> -> memref<10000x128xf32, #tpu.memory_space<hbm>>
    tpu.wait_indirect_dma semaphore(%arg17 : memref<!tpu.dma_semaphore, #tpu.memory_space<semaphore_mem>>) src(%dma_wait3A_339 : memref<10000x128xf32, #tpu.memory_space<hbm>>) dst(%arg14 : memref<112x128xf32, #tpu.memory_space<vmem>>)
    %dma_start3A_340 = arith.constant 1 : i32
    %dma_start3A_341 = arith.constant 0 : i32
    %dma_start3A_342 = tpu.memref_slice %arg11[%dma_start3A_340, %dma_start3A_341] : memref<2x112xi32, #tpu.memory_space<vmem>> -> memref<1x112xi32, #tpu.memory_space<vmem>>
    %dma_start3A_343 = tpu.memref_squeeze %dma_start3A_342 : memref<1x112xi32, #tpu.memory_space<vmem>> -> memref<112xi32, #tpu.memory_space<vmem>>
    %dma_start3A_344 = arith.constant 0 : i32
    %dma_start3A_345 = arith.constant 0 : i32
    %dma_start3A_346 = tpu.memref_slice %arg5[%dma_start3A_344, %dma_start3A_345] : memref<10008x128xf32, #tpu.memory_space<vmem_shared>> -> memref<10008x128xf32, #tpu.memory_space<vmem_shared>>
    tpu.enqueue_indirect_dma source(%arg14 : memref<112x128xf32, #tpu.memory_space<vmem>>) target(%dma_start3A_346 : memref<10008x128xf32, #tpu.memory_space<vmem_shared>>) offsets(%dma_start3A_343 : memref<112xi32, #tpu.memory_space<vmem>>) semaphore(%arg26 : memref<!tpu.dma_semaphore, #tpu.memory_space<semaphore_mem>>) {add = true}
    %add3A_347 = arith.constant 8 : i32
    %add3A_348 = arith.addi %mul3A_2, %add3A_347 : i32
    %dma_start3A_349 = arith.constant 0 : i32
    %dma_start3A_350 = arith.constant 0 : i32
    %dma_start3A_351 = tpu.memref_slice %arg3[%add3A_348, %dma_start3A_349, %dma_start3A_350] : memref<2880x2x112xi32, #tpu.memory_space<hbm>> -> memref<1x2x112xi32, #tpu.memory_space<hbm>>
    %dma_start3A_352 = tpu.memref_squeeze %dma_start3A_351 : memref<1x2x112xi32, #tpu.memory_space<hbm>> -> memref<2x112xi32, #tpu.memory_space<hbm>>
    %dma_start3A_353 = arith.constant 0 : i32
    %dma_start3A_354 = arith.constant 0 : i32
    %dma_start3A_355 = tpu.memref_slice %arg3[%add3A_348, %dma_start3A_353, %dma_start3A_354] : memref<2880x2x112xi32, #tpu.memory_space<hbm>> -> memref<1x2x112xi32, #tpu.memory_space<hbm>>
    %dma_start3A_356 = tpu.memref_squeeze %dma_start3A_355 : memref<1x2x112xi32, #tpu.memory_space<hbm>> -> memref<2x112xi32, #tpu.memory_space<hbm>>
    tpu.enqueue_dma source(%dma_start3A_356 : memref<2x112xi32, #tpu.memory_space<hbm>>) target(%arg8 : memref<2x112xi32, #tpu.memory_space<vmem>>) target_semaphore(%arg20 : memref<!tpu.dma_semaphore, #tpu.memory_space<semaphore_mem>>)
    %add3A_357 = arith.constant 7 : i32
    %add3A_358 = arith.addi %mul3A_2, %add3A_357 : i32
    %dma_wait3A_359 = arith.constant 0 : i32
    %dma_wait3A_360 = arith.constant 0 : i32
    %dma_wait3A_361 = tpu.memref_slice %arg3[%add3A_358, %dma_wait3A_359, %dma_wait3A_360] : memref<2880x2x112xi32, #tpu.memory_space<hbm>> -> memref<1x2x112xi32, #tpu.memory_space<hbm>>
    %dma_wait3A_362 = tpu.memref_squeeze %dma_wait3A_361 : memref<1x2x112xi32, #tpu.memory_space<hbm>> -> memref<2x112xi32, #tpu.memory_space<hbm>>
    %dma_wait3A_363 = arith.constant 0 : i32
    %dma_wait3A_364 = arith.constant 0 : i32
    %dma_wait3A_365 = tpu.memref_slice %arg3[%add3A_358, %dma_wait3A_363, %dma_wait3A_364] : memref<2880x2x112xi32, #tpu.memory_space<hbm>> -> memref<1x2x112xi32, #tpu.memory_space<hbm>>
    %dma_wait3A_366 = tpu.memref_squeeze %dma_wait3A_365 : memref<1x2x112xi32, #tpu.memory_space<hbm>> -> memref<2x112xi32, #tpu.memory_space<hbm>>
    tpu.wait_dma2 semaphore(%arg19 : memref<!tpu.dma_semaphore, #tpu.memory_space<semaphore_mem>>) src(%dma_wait3A_366 : memref<2x112xi32, #tpu.memory_space<hbm>>) dst(%arg7 : memref<2x112xi32, #tpu.memory_space<vmem>>)
    %dma_wait3A_367 = arith.constant 1 : i32
    %dma_wait3A_368 = arith.constant 0 : i32
    %dma_wait3A_369 = tpu.memref_slice %arg10[%dma_wait3A_367, %dma_wait3A_368] : memref<2x112xi32, #tpu.memory_space<vmem>> -> memref<1x112xi32, #tpu.memory_space<vmem>>
    %dma_wait3A_370 = tpu.memref_squeeze %dma_wait3A_369 : memref<1x112xi32, #tpu.memory_space<vmem>> -> memref<112xi32, #tpu.memory_space<vmem>>
    %dma_wait3A_371 = arith.constant 0 : i32
    %dma_wait3A_372 = arith.constant 0 : i32
    %dma_wait3A_373 = tpu.memref_slice %arg5[%dma_wait3A_371, %dma_wait3A_372] : memref<10008x128xf32, #tpu.memory_space<vmem_shared>> -> memref<10008x128xf32, #tpu.memory_space<vmem_shared>>
    tpu.wait_indirect_dma semaphore(%arg25 : memref<!tpu.dma_semaphore, #tpu.memory_space<semaphore_mem>>) src(%arg13 : memref<112x128xf32, #tpu.memory_space<vmem>>) dst(%dma_wait3A_373 : memref<10008x128xf32, #tpu.memory_space<vmem_shared>>)
    %dma_start3A_374 = arith.constant 0 : i32
    %dma_start3A_375 = arith.constant 0 : i32
    %dma_start3A_376 = tpu.memref_slice %arg7[%dma_start3A_374, %dma_start3A_375] : memref<2x112xi32, #tpu.memory_space<vmem>> -> memref<1x112xi32, #tpu.memory_space<vmem>>
    %dma_start3A_377 = tpu.memref_squeeze %dma_start3A_376 : memref<1x112xi32, #tpu.memory_space<vmem>> -> memref<112xi32, #tpu.memory_space<vmem>>
    %dma_start3A_378 = arith.constant 0 : i32
    %dma_start3A_379 = arith.constant 0 : i32
    %dma_start3A_380 = tpu.memref_slice %arg2[%dma_start3A_378, %dma_start3A_379] : memref<10000x128xf32, #tpu.memory_space<hbm>> -> memref<10000x128xf32, #tpu.memory_space<hbm>>
    tpu.enqueue_indirect_dma source(%dma_start3A_380 : memref<10000x128xf32, #tpu.memory_space<hbm>>) target(%arg13 : memref<112x128xf32, #tpu.memory_space<vmem>>) offsets(%dma_start3A_377 : memref<112xi32, #tpu.memory_space<vmem>>) semaphore(%arg16 : memref<!tpu.dma_semaphore, #tpu.memory_space<semaphore_mem>>)
    %scan3A_381 = arith.constant 0 : i32
    %scan3A_382 = arith.constant 1 : i32
    %scan3A_383 = arith.constant 13 : i32
    %scan3A_384 = arith.addi %scan3A_382, %scan3A_383 : i32
    %scan3A_385 = arith.constant 1 : i32
    %scan3A_386 = scf.for %scan3A_644 = %scan3A_382 to %scan3A_384 step %scan3A_385 iter_args(%scan3A_645 = %scan3A_381) -> (i32)  : i32 {
      %mul3A_646 = arith.constant 6 : i32
      %mul3A_647 = arith.muli %scan3A_644, %mul3A_646 : i32
      %add3A_648 = arith.constant 0 : i32
      %add3A_649 = arith.addi %mul3A_647, %add3A_648 : i32
      %dma_wait3A_650 = arith.constant 0 : i32
      %dma_wait3A_651 = arith.constant 0 : i32
      %dma_wait3A_652 = tpu.memref_slice %arg6[%dma_wait3A_650, %dma_wait3A_651] : memref<2x112xi32, #tpu.memory_space<vmem>> -> memref<1x112xi32, #tpu.memory_space<vmem>>
      %dma_wait3A_653 = tpu.memref_squeeze %dma_wait3A_652 : memref<1x112xi32, #tpu.memory_space<vmem>> -> memref<112xi32, #tpu.memory_space<vmem>>
      %dma_wait3A_654 = arith.constant 0 : i32
      %dma_wait3A_655 = arith.constant 0 : i32
      %dma_wait3A_656 = tpu.memref_slice %arg2[%dma_wait3A_654, %dma_wait3A_655] : memref<10000x128xf32, #tpu.memory_space<hbm>> -> memref<10000x128xf32, #tpu.memory_space<hbm>>
      tpu.wait_indirect_dma semaphore(%arg15 : memref<!tpu.dma_semaphore, #tpu.memory_space<semaphore_mem>>) src(%dma_wait3A_656 : memref<10000x128xf32, #tpu.memory_space<hbm>>) dst(%arg12 : memref<112x128xf32, #tpu.memory_space<vmem>>)
      %dma_start3A_657 = arith.constant 1 : i32
      %dma_start3A_658 = arith.constant 0 : i32
      %dma_start3A_659 = tpu.memref_slice %arg6[%dma_start3A_657, %dma_start3A_658] : memref<2x112xi32, #tpu.memory_space<vmem>> -> memref<1x112xi32, #tpu.memory_space<vmem>>
      %dma_start3A_660 = tpu.memref_squeeze %dma_start3A_659 : memref<1x112xi32, #tpu.memory_space<vmem>> -> memref<112xi32, #tpu.memory_space<vmem>>
      %dma_start3A_661 = arith.constant 0 : i32
      %dma_start3A_662 = arith.constant 0 : i32
      %dma_start3A_663 = tpu.memref_slice %arg5[%dma_start3A_661, %dma_start3A_662] : memref<10008x128xf32, #tpu.memory_space<vmem_shared>> -> memref<10008x128xf32, #tpu.memory_space<vmem_shared>>
      tpu.enqueue_indirect_dma source(%arg12 : memref<112x128xf32, #tpu.memory_space<vmem>>) target(%dma_start3A_663 : memref<10008x128xf32, #tpu.memory_space<vmem_shared>>) offsets(%dma_start3A_660 : memref<112xi32, #tpu.memory_space<vmem>>) semaphore(%arg24 : memref<!tpu.dma_semaphore, #tpu.memory_space<semaphore_mem>>) {add = true}
      %add3A_664 = arith.constant 3 : i32
      %add3A_665 = arith.addi %add3A_649, %add3A_664 : i32
      %add3A_666 = arith.addi %mul3A_2, %add3A_665 : i32
      %dma_start3A_667 = arith.constant 0 : i32
      %dma_start3A_668 = arith.constant 0 : i32
      %dma_start3A_669 = tpu.memref_slice %arg3[%add3A_666, %dma_start3A_667, %dma_start3A_668] : memref<2880x2x112xi32, #tpu.memory_space<hbm>> -> memref<1x2x112xi32, #tpu.memory_space<hbm>>
      %dma_start3A_670 = tpu.memref_squeeze %dma_start3A_669 : memref<1x2x112xi32, #tpu.memory_space<hbm>> -> memref<2x112xi32, #tpu.memory_space<hbm>>
      %dma_start3A_671 = arith.constant 0 : i32
      %dma_start3A_672 = arith.constant 0 : i32
      %dma_start3A_673 = tpu.memref_slice %arg3[%add3A_666, %dma_start3A_671, %dma_start3A_672] : memref<2880x2x112xi32, #tpu.memory_space<hbm>> -> memref<1x2x112xi32, #tpu.memory_space<hbm>>
      %dma_start3A_674 = tpu.memref_squeeze %dma_start3A_673 : memref<1x2x112xi32, #tpu.memory_space<hbm>> -> memref<2x112xi32, #tpu.memory_space<hbm>>
      tpu.enqueue_dma source(%dma_start3A_674 : memref<2x112xi32, #tpu.memory_space<hbm>>) target(%arg9 : memref<2x112xi32, #tpu.memory_space<vmem>>) target_semaphore(%arg21 : memref<!tpu.dma_semaphore, #tpu.memory_space<semaphore_mem>>)
      %add3A_675 = arith.constant 2 : i32
      %add3A_676 = arith.addi %add3A_649, %add3A_675 : i32
      %add3A_677 = arith.addi %mul3A_2, %add3A_676 : i32
      %dma_wait3A_678 = arith.constant 0 : i32
      %dma_wait3A_679 = arith.constant 0 : i32
      %dma_wait3A_680 = tpu.memref_slice %arg3[%add3A_677, %dma_wait3A_678, %dma_wait3A_679] : memref<2880x2x112xi32, #tpu.memory_space<hbm>> -> memref<1x2x112xi32, #tpu.memory_space<hbm>>
      %dma_wait3A_681 = tpu.memref_squeeze %dma_wait3A_680 : memref<1x2x112xi32, #tpu.memory_space<hbm>> -> memref<2x112xi32, #tpu.memory_space<hbm>>
      %dma_wait3A_682 = arith.constant 0 : i32
      %dma_wait3A_683 = arith.constant 0 : i32
      %dma_wait3A_684 = tpu.memref_slice %arg3[%add3A_677, %dma_wait3A_682, %dma_wait3A_683] : memref<2880x2x112xi32, #tpu.memory_space<hbm>> -> memref<1x2x112xi32, #tpu.memory_space<hbm>>
      %dma_wait3A_685 = tpu.memref_squeeze %dma_wait3A_684 : memref<1x2x112xi32, #tpu.memory_space<hbm>> -> memref<2x112xi32, #tpu.memory_space<hbm>>
      tpu.wait_dma2 semaphore(%arg20 : memref<!tpu.dma_semaphore, #tpu.memory_space<semaphore_mem>>) src(%dma_wait3A_685 : memref<2x112xi32, #tpu.memory_space<hbm>>) dst(%arg8 : memref<2x112xi32, #tpu.memory_space<vmem>>)
      %dma_wait3A_686 = arith.constant 1 : i32
      %dma_wait3A_687 = arith.constant 0 : i32
      %dma_wait3A_688 = tpu.memref_slice %arg11[%dma_wait3A_686, %dma_wait3A_687] : memref<2x112xi32, #tpu.memory_space<vmem>> -> memref<1x112xi32, #tpu.memory_space<vmem>>
      %dma_wait3A_689 = tpu.memref_squeeze %dma_wait3A_688 : memref<1x112xi32, #tpu.memory_space<vmem>> -> memref<112xi32, #tpu.memory_space<vmem>>
      %dma_wait3A_690 = arith.constant 0 : i32
      %dma_wait3A_691 = arith.constant 0 : i32
      %dma_wait3A_692 = tpu.memref_slice %arg5[%dma_wait3A_690, %dma_wait3A_691] : memref<10008x128xf32, #tpu.memory_space<vmem_shared>> -> memref<10008x128xf32, #tpu.memory_space<vmem_shared>>
      tpu.wait_indirect_dma semaphore(%arg26 : memref<!tpu.dma_semaphore, #tpu.memory_space<semaphore_mem>>) src(%arg14 : memref<112x128xf32, #tpu.memory_space<vmem>>) dst(%dma_wait3A_692 : memref<10008x128xf32, #tpu.memory_space<vmem_shared>>)
      %dma_start3A_693 = arith.constant 0 : i32
      %dma_start3A_694 = arith.constant 0 : i32
      %dma_start3A_695 = tpu.memref_slice %arg8[%dma_start3A_693, %dma_start3A_694] : memref<2x112xi32, #tpu.memory_space<vmem>> -> memref<1x112xi32, #tpu.memory_space<vmem>>
      %dma_start3A_696 = tpu.memref_squeeze %dma_start3A_695 : memref<1x112xi32, #tpu.memory_space<vmem>> -> memref<112xi32, #tpu.memory_space<vmem>>
      %dma_start3A_697 = arith.constant 0 : i32
      %dma_start3A_698 = arith.constant 0 : i32
      %dma_start3A_699 = tpu.memref_slice %arg2[%dma_start3A_697, %dma_start3A_698] : memref<10000x128xf32, #tpu.memory_space<hbm>> -> memref<10000x128xf32, #tpu.memory_space<hbm>>
      tpu.enqueue_indirect_dma source(%dma_start3A_699 : memref<10000x128xf32, #tpu.memory_space<hbm>>) target(%arg14 : memref<112x128xf32, #tpu.memory_space<vmem>>) offsets(%dma_start3A_696 : memref<112xi32, #tpu.memory_space<vmem>>) semaphore(%arg17 : memref<!tpu.dma_semaphore, #tpu.memory_space<semaphore_mem>>)
      %mul3A_700 = arith.constant 6 : i32
      %mul3A_701 = arith.muli %scan3A_644, %mul3A_700 : i32
      %add3A_702 = arith.constant 1 : i32
      %add3A_703 = arith.addi %mul3A_701, %add3A_702 : i32
      %dma_wait3A_704 = arith.constant 0 : i32
      %dma_wait3A_705 = arith.constant 0 : i32
      %dma_wait3A_706 = tpu.memref_slice %arg7[%dma_wait3A_704, %dma_wait3A_705] : memref<2x112xi32, #tpu.memory_space<vmem>> -> memref<1x112xi32, #tpu.memory_space<vmem>>
      %dma_wait3A_707 = tpu.memref_squeeze %dma_wait3A_706 : memref<1x112xi32, #tpu.memory_space<vmem>> -> memref<112xi32, #tpu.memory_space<vmem>>
      %dma_wait3A_708 = arith.constant 0 : i32
      %dma_wait3A_709 = arith.constant 0 : i32
      %dma_wait3A_710 = tpu.memref_slice %arg2[%dma_wait3A_708, %dma_wait3A_709] : memref<10000x128xf32, #tpu.memory_space<hbm>> -> memref<10000x128xf32, #tpu.memory_space<hbm>>
      tpu.wait_indirect_dma semaphore(%arg16 : memref<!tpu.dma_semaphore, #tpu.memory_space<semaphore_mem>>) src(%dma_wait3A_710 : memref<10000x128xf32, #tpu.memory_space<hbm>>) dst(%arg13 : memref<112x128xf32, #tpu.memory_space<vmem>>)
      %dma_start3A_711 = arith.constant 1 : i32
      %dma_start3A_712 = arith.constant 0 : i32
      %dma_start3A_713 = tpu.memref_slice %arg7[%dma_start3A_711, %dma_start3A_712] : memref<2x112xi32, #tpu.memory_space<vmem>> -> memref<1x112xi32, #tpu.memory_space<vmem>>
      %dma_start3A_714 = tpu.memref_squeeze %dma_start3A_713 : memref<1x112xi32, #tpu.memory_space<vmem>> -> memref<112xi32, #tpu.memory_space<vmem>>
      %dma_start3A_715 = arith.constant 0 : i32
      %dma_start3A_716 = arith.constant 0 : i32
      %dma_start3A_717 = tpu.memref_slice %arg5[%dma_start3A_715, %dma_start3A_716] : memref<10008x128xf32, #tpu.memory_space<vmem_shared>> -> memref<10008x128xf32, #tpu.memory_space<vmem_shared>>
      tpu.enqueue_indirect_dma source(%arg13 : memref<112x128xf32, #tpu.memory_space<vmem>>) target(%dma_start3A_717 : memref<10008x128xf32, #tpu.memory_space<vmem_shared>>) offsets(%dma_start3A_714 : memref<112xi32, #tpu.memory_space<vmem>>) semaphore(%arg25 : memref<!tpu.dma_semaphore, #tpu.memory_space<semaphore_mem>>) {add = true}
      %add3A_718 = arith.constant 3 : i32
      %add3A_719 = arith.addi %add3A_703, %add3A_718 : i32
      %add3A_720 = arith.addi %mul3A_2, %add3A_719 : i32
      %dma_start3A_721 = arith.constant 0 : i32
      %dma_start3A_722 = arith.constant 0 : i32
      %dma_start3A_723 = tpu.memref_slice %arg3[%add3A_720, %dma_start3A_721, %dma_start3A_722] : memref<2880x2x112xi32, #tpu.memory_space<hbm>> -> memref<1x2x112xi32, #tpu.memory_space<hbm>>
      %dma_start3A_724 = tpu.memref_squeeze %dma_start3A_723 : memref<1x2x112xi32, #tpu.memory_space<hbm>> -> memref<2x112xi32, #tpu.memory_space<hbm>>
      %dma_start3A_725 = arith.constant 0 : i32
      %dma_start3A_726 = arith.constant 0 : i32
      %dma_start3A_727 = tpu.memref_slice %arg3[%add3A_720, %dma_start3A_725, %dma_start3A_726] : memref<2880x2x112xi32, #tpu.memory_space<hbm>> -> memref<1x2x112xi32, #tpu.memory_space<hbm>>
      %dma_start3A_728 = tpu.memref_squeeze %dma_start3A_727 : memref<1x2x112xi32, #tpu.memory_space<hbm>> -> memref<2x112xi32, #tpu.memory_space<hbm>>
      tpu.enqueue_dma source(%dma_start3A_728 : memref<2x112xi32, #tpu.memory_space<hbm>>) target(%arg10 : memref<2x112xi32, #tpu.memory_space<vmem>>) target_semaphore(%arg22 : memref<!tpu.dma_semaphore, #tpu.memory_space<semaphore_mem>>)
      %add3A_729 = arith.constant 2 : i32
      %add3A_730 = arith.addi %add3A_703, %add3A_729 : i32
      %add3A_731 = arith.addi %mul3A_2, %add3A_730 : i32
      %dma_wait3A_732 = arith.constant 0 : i32
      %dma_wait3A_733 = arith.constant 0 : i32
      %dma_wait3A_734 = tpu.memref_slice %arg3[%add3A_731, %dma_wait3A_732, %dma_wait3A_733] : memref<2880x2x112xi32, #tpu.memory_space<hbm>> -> memref<1x2x112xi32, #tpu.memory_space<hbm>>
      %dma_wait3A_735 = tpu.memref_squeeze %dma_wait3A_734 : memref<1x2x112xi32, #tpu.memory_space<hbm>> -> memref<2x112xi32, #tpu.memory_space<hbm>>
      %dma_wait3A_736 = arith.constant 0 : i32
      %dma_wait3A_737 = arith.constant 0 : i32
      %dma_wait3A_738 = tpu.memref_slice %arg3[%add3A_731, %dma_wait3A_736, %dma_wait3A_737] : memref<2880x2x112xi32, #tpu.memory_space<hbm>> -> memref<1x2x112xi32, #tpu.memory_space<hbm>>
      %dma_wait3A_739 = tpu.memref_squeeze %dma_wait3A_738 : memref<1x2x112xi32, #tpu.memory_space<hbm>> -> memref<2x112xi32, #tpu.memory_space<hbm>>
      tpu.wait_dma2 semaphore(%arg21 : memref<!tpu.dma_semaphore, #tpu.memory_space<semaphore_mem>>) src(%dma_wait3A_739 : memref<2x112xi32, #tpu.memory_space<hbm>>) dst(%arg9 : memref<2x112xi32, #tpu.memory_space<vmem>>)
      %dma_wait3A_740 = arith.constant 1 : i32
      %dma_wait3A_741 = arith.constant 0 : i32
      %dma_wait3A_742 = tpu.memref_slice %arg6[%dma_wait3A_740, %dma_wait3A_741] : memref<2x112xi32, #tpu.memory_space<vmem>> -> memref<1x112xi32, #tpu.memory_space<vmem>>
      %dma_wait3A_743 = tpu.memref_squeeze %dma_wait3A_742 : memref<1x112xi32, #tpu.memory_space<vmem>> -> memref<112xi32, #tpu.memory_space<vmem>>
      %dma_wait3A_744 = arith.constant 0 : i32
      %dma_wait3A_745 = arith.constant 0 : i32
      %dma_wait3A_746 = tpu.memref_slice %arg5[%dma_wait3A_744, %dma_wait3A_745] : memref<10008x128xf32, #tpu.memory_space<vmem_shared>> -> memref<10008x128xf32, #tpu.memory_space<vmem_shared>>
      tpu.wait_indirect_dma semaphore(%arg24 : memref<!tpu.dma_semaphore, #tpu.memory_space<semaphore_mem>>) src(%arg12 : memref<112x128xf32, #tpu.memory_space<vmem>>) dst(%dma_wait3A_746 : memref<10008x128xf32, #tpu.memory_space<vmem_shared>>)
      %dma_start3A_747 = arith.constant 0 : i32
      %dma_start3A_748 = arith.constant 0 : i32
      %dma_start3A_749 = tpu.memref_slice %arg9[%dma_start3A_747, %dma_start3A_748] : memref<2x112xi32, #tpu.memory_space<vmem>> -> memref<1x112xi32, #tpu.memory_space<vmem>>
      %dma_start3A_750 = tpu.memref_squeeze %dma_start3A_749 : memref<1x112xi32, #tpu.memory_space<vmem>> -> memref<112xi32, #tpu.memory_space<vmem>>
      %dma_start3A_751 = arith.constant 0 : i32
      %dma_start3A_752 = arith.constant 0 : i32
      %dma_start3A_753 = tpu.memref_slice %arg2[%dma_start3A_751, %dma_start3A_752] : memref<10000x128xf32, #tpu.memory_space<hbm>> -> memref<10000x128xf32, #tpu.memory_space<hbm>>
      tpu.enqueue_indirect_dma source(%dma_start3A_753 : memref<10000x128xf32, #tpu.memory_space<hbm>>) target(%arg12 : memref<112x128xf32, #tpu.memory_space<vmem>>) offsets(%dma_start3A_750 : memref<112xi32, #tpu.memory_space<vmem>>) semaphore(%arg15 : memref<!tpu.dma_semaphore, #tpu.memory_space<semaphore_mem>>)
      %mul3A_754 = arith.constant 6 : i32
      %mul3A_755 = arith.muli %scan3A_644, %mul3A_754 : i32
      %add3A_756 = arith.constant 2 : i32
      %add3A_757 = arith.addi %mul3A_755, %add3A_756 : i32
      %dma_wait3A_758 = arith.constant 0 : i32
      %dma_wait3A_759 = arith.constant 0 : i32
      %dma_wait3A_760 = tpu.memref_slice %arg8[%dma_wait3A_758, %dma_wait3A_759] : memref<2x112xi32, #tpu.memory_space<vmem>> -> memref<1x112xi32, #tpu.memory_space<vmem>>
      %dma_wait3A_761 = tpu.memref_squeeze %dma_wait3A_760 : memref<1x112xi32, #tpu.memory_space<vmem>> -> memref<112xi32, #tpu.memory_space<vmem>>
      %dma_wait3A_762 = arith.constant 0 : i32
      %dma_wait3A_763 = arith.constant 0 : i32
      %dma_wait3A_764 = tpu.memref_slice %arg2[%dma_wait3A_762, %dma_wait3A_763] : memref<10000x128xf32, #tpu.memory_space<hbm>> -> memref<10000x128xf32, #tpu.memory_space<hbm>>
      tpu.wait_indirect_dma semaphore(%arg17 : memref<!tpu.dma_semaphore, #tpu.memory_space<semaphore_mem>>) src(%dma_wait3A_764 : memref<10000x128xf32, #tpu.memory_space<hbm>>) dst(%arg14 : memref<112x128xf32, #tpu.memory_space<vmem>>)
      %dma_start3A_765 = arith.constant 1 : i32
      %dma_start3A_766 = arith.constant 0 : i32
      %dma_start3A_767 = tpu.memref_slice %arg8[%dma_start3A_765, %dma_start3A_766] : memref<2x112xi32, #tpu.memory_space<vmem>> -> memref<1x112xi32, #tpu.memory_space<vmem>>
      %dma_start3A_768 = tpu.memref_squeeze %dma_start3A_767 : memref<1x112xi32, #tpu.memory_space<vmem>> -> memref<112xi32, #tpu.memory_space<vmem>>
      %dma_start3A_769 = arith.constant 0 : i32
      %dma_start3A_770 = arith.constant 0 : i32
      %dma_start3A_771 = tpu.memref_slice %arg5[%dma_start3A_769, %dma_start3A_770] : memref<10008x128xf32, #tpu.memory_space<vmem_shared>> -> memref<10008x128xf32, #tpu.memory_space<vmem_shared>>
      tpu.enqueue_indirect_dma source(%arg14 : memref<112x128xf32, #tpu.memory_space<vmem>>) target(%dma_start3A_771 : memref<10008x128xf32, #tpu.memory_space<vmem_shared>>) offsets(%dma_start3A_768 : memref<112xi32, #tpu.memory_space<vmem>>) semaphore(%arg26 : memref<!tpu.dma_semaphore, #tpu.memory_space<semaphore_mem>>) {add = true}
      %add3A_772 = arith.constant 3 : i32
      %add3A_773 = arith.addi %add3A_757, %add3A_772 : i32
      %add3A_774 = arith.addi %mul3A_2, %add3A_773 : i32
      %dma_start3A_775 = arith.constant 0 : i32
      %dma_start3A_776 = arith.constant 0 : i32
      %dma_start3A_777 = tpu.memref_slice %arg3[%add3A_774, %dma_start3A_775, %dma_start3A_776] : memref<2880x2x112xi32, #tpu.memory_space<hbm>> -> memref<1x2x112xi32, #tpu.memory_space<hbm>>
      %dma_start3A_778 = tpu.memref_squeeze %dma_start3A_777 : memref<1x2x112xi32, #tpu.memory_space<hbm>> -> memref<2x112xi32, #tpu.memory_space<hbm>>
      %dma_start3A_779 = arith.constant 0 : i32
      %dma_start3A_780 = arith.constant 0 : i32
      %dma_start3A_781 = tpu.memref_slice %arg3[%add3A_774, %dma_start3A_779, %dma_start3A_780] : memref<2880x2x112xi32, #tpu.memory_space<hbm>> -> memref<1x2x112xi32, #tpu.memory_space<hbm>>
      %dma_start3A_782 = tpu.memref_squeeze %dma_start3A_781 : memref<1x2x112xi32, #tpu.memory_space<hbm>> -> memref<2x112xi32, #tpu.memory_space<hbm>>
      tpu.enqueue_dma source(%dma_start3A_782 : memref<2x112xi32, #tpu.memory_space<hbm>>) target(%arg11 : memref<2x112xi32, #tpu.memory_space<vmem>>) target_semaphore(%arg23 : memref<!tpu.dma_semaphore, #tpu.memory_space<semaphore_mem>>)
      %add3A_783 = arith.constant 2 : i32
      %add3A_784 = arith.addi %add3A_757, %add3A_783 : i32
      %add3A_785 = arith.addi %mul3A_2, %add3A_784 : i32
      %dma_wait3A_786 = arith.constant 0 : i32
      %dma_wait3A_787 = arith.constant 0 : i32
      %dma_wait3A_788 = tpu.memref_slice %arg3[%add3A_785, %dma_wait3A_786, %dma_wait3A_787] : memref<2880x2x112xi32, #tpu.memory_space<hbm>> -> memref<1x2x112xi32, #tpu.memory_space<hbm>>
      %dma_wait3A_789 = tpu.memref_squeeze %dma_wait3A_788 : memref<1x2x112xi32, #tpu.memory_space<hbm>> -> memref<2x112xi32, #tpu.memory_space<hbm>>
      %dma_wait3A_790 = arith.constant 0 : i32
      %dma_wait3A_791 = arith.constant 0 : i32
      %dma_wait3A_792 = tpu.memref_slice %arg3[%add3A_785, %dma_wait3A_790, %dma_wait3A_791] : memref<2880x2x112xi32, #tpu.memory_space<hbm>> -> memref<1x2x112xi32, #tpu.memory_space<hbm>>
      %dma_wait3A_793 = tpu.memref_squeeze %dma_wait3A_792 : memref<1x2x112xi32, #tpu.memory_space<hbm>> -> memref<2x112xi32, #tpu.memory_space<hbm>>
      tpu.wait_dma2 semaphore(%arg22 : memref<!tpu.dma_semaphore, #tpu.memory_space<semaphore_mem>>) src(%dma_wait3A_793 : memref<2x112xi32, #tpu.memory_space<hbm>>) dst(%arg10 : memref<2x112xi32, #tpu.memory_space<vmem>>)
      %dma_wait3A_794 = arith.constant 1 : i32
      %dma_wait3A_795 = arith.constant 0 : i32
      %dma_wait3A_796 = tpu.memref_slice %arg7[%dma_wait3A_794, %dma_wait3A_795] : memref<2x112xi32, #tpu.memory_space<vmem>> -> memref<1x112xi32, #tpu.memory_space<vmem>>
      %dma_wait3A_797 = tpu.memref_squeeze %dma_wait3A_796 : memref<1x112xi32, #tpu.memory_space<vmem>> -> memref<112xi32, #tpu.memory_space<vmem>>
      %dma_wait3A_798 = arith.constant 0 : i32
      %dma_wait3A_799 = arith.constant 0 : i32
      %dma_wait3A_800 = tpu.memref_slice %arg5[%dma_wait3A_798, %dma_wait3A_799] : memref<10008x128xf32, #tpu.memory_space<vmem_shared>> -> memref<10008x128xf32, #tpu.memory_space<vmem_shared>>
      tpu.wait_indirect_dma semaphore(%arg25 : memref<!tpu.dma_semaphore, #tpu.memory_space<semaphore_mem>>) src(%arg13 : memref<112x128xf32, #tpu.memory_space<vmem>>) dst(%dma_wait3A_800 : memref<10008x128xf32, #tpu.memory_space<vmem_shared>>)
      %dma_start3A_801 = arith.constant 0 : i32
      %dma_start3A_802 = arith.constant 0 : i32
      %dma_start3A_803 = tpu.memref_slice %arg10[%dma_start3A_801, %dma_start3A_802] : memref<2x112xi32, #tpu.memory_space<vmem>> -> memref<1x112xi32, #tpu.memory_space<vmem>>
      %dma_start3A_804 = tpu.memref_squeeze %dma_start3A_803 : memref<1x112xi32, #tpu.memory_space<vmem>> -> memref<112xi32, #tpu.memory_space<vmem>>
      %dma_start3A_805 = arith.constant 0 : i32
      %dma_start3A_806 = arith.constant 0 : i32
      %dma_start3A_807 = tpu.memref_slice %arg2[%dma_start3A_805, %dma_start3A_806] : memref<10000x128xf32, #tpu.memory_space<hbm>> -> memref<10000x128xf32, #tpu.memory_space<hbm>>
      tpu.enqueue_indirect_dma source(%dma_start3A_807 : memref<10000x128xf32, #tpu.memory_space<hbm>>) target(%arg13 : memref<112x128xf32, #tpu.memory_space<vmem>>) offsets(%dma_start3A_804 : memref<112xi32, #tpu.memory_space<vmem>>) semaphore(%arg16 : memref<!tpu.dma_semaphore, #tpu.memory_space<semaphore_mem>>)
      %mul3A_808 = arith.constant 6 : i32
      %mul3A_809 = arith.muli %scan3A_644, %mul3A_808 : i32
      %add3A_810 = arith.constant 3 : i32
      %add3A_811 = arith.addi %mul3A_809, %add3A_810 : i32
      %dma_wait3A_812 = arith.constant 0 : i32
      %dma_wait3A_813 = arith.constant 0 : i32
      %dma_wait3A_814 = tpu.memref_slice %arg9[%dma_wait3A_812, %dma_wait3A_813] : memref<2x112xi32, #tpu.memory_space<vmem>> -> memref<1x112xi32, #tpu.memory_space<vmem>>
      %dma_wait3A_815 = tpu.memref_squeeze %dma_wait3A_814 : memref<1x112xi32, #tpu.memory_space<vmem>> -> memref<112xi32, #tpu.memory_space<vmem>>
      %dma_wait3A_816 = arith.constant 0 : i32
      %dma_wait3A_817 = arith.constant 0 : i32
      %dma_wait3A_818 = tpu.memref_slice %arg2[%dma_wait3A_816, %dma_wait3A_817] : memref<10000x128xf32, #tpu.memory_space<hbm>> -> memref<10000x128xf32, #tpu.memory_space<hbm>>
      tpu.wait_indirect_dma semaphore(%arg15 : memref<!tpu.dma_semaphore, #tpu.memory_space<semaphore_mem>>) src(%dma_wait3A_818 : memref<10000x128xf32, #tpu.memory_space<hbm>>) dst(%arg12 : memref<112x128xf32, #tpu.memory_space<vmem>>)
      %dma_start3A_819 = arith.constant 1 : i32
      %dma_start3A_820 = arith.constant 0 : i32
      %dma_start3A_821 = tpu.memref_slice %arg9[%dma_start3A_819, %dma_start3A_820] : memref<2x112xi32, #tpu.memory_space<vmem>> -> memref<1x112xi32, #tpu.memory_space<vmem>>
      %dma_start3A_822 = tpu.memref_squeeze %dma_start3A_821 : memref<1x112xi32, #tpu.memory_space<vmem>> -> memref<112xi32, #tpu.memory_space<vmem>>
      %dma_start3A_823 = arith.constant 0 : i32
      %dma_start3A_824 = arith.constant 0 : i32
      %dma_start3A_825 = tpu.memref_slice %arg5[%dma_start3A_823, %dma_start3A_824] : memref<10008x128xf32, #tpu.memory_space<vmem_shared>> -> memref<10008x128xf32, #tpu.memory_space<vmem_shared>>
      tpu.enqueue_indirect_dma source(%arg12 : memref<112x128xf32, #tpu.memory_space<vmem>>) target(%dma_start3A_825 : memref<10008x128xf32, #tpu.memory_space<vmem_shared>>) offsets(%dma_start3A_822 : memref<112xi32, #tpu.memory_space<vmem>>) semaphore(%arg24 : memref<!tpu.dma_semaphore, #tpu.memory_space<semaphore_mem>>) {add = true}
      %add3A_826 = arith.constant 3 : i32
      %add3A_827 = arith.addi %add3A_811, %add3A_826 : i32
      %add3A_828 = arith.addi %mul3A_2, %add3A_827 : i32
      %dma_start3A_829 = arith.constant 0 : i32
      %dma_start3A_830 = arith.constant 0 : i32
      %dma_start3A_831 = tpu.memref_slice %arg3[%add3A_828, %dma_start3A_829, %dma_start3A_830] : memref<2880x2x112xi32, #tpu.memory_space<hbm>> -> memref<1x2x112xi32, #tpu.memory_space<hbm>>
      %dma_start3A_832 = tpu.memref_squeeze %dma_start3A_831 : memref<1x2x112xi32, #tpu.memory_space<hbm>> -> memref<2x112xi32, #tpu.memory_space<hbm>>
      %dma_start3A_833 = arith.constant 0 : i32
      %dma_start3A_834 = arith.constant 0 : i32
      %dma_start3A_835 = tpu.memref_slice %arg3[%add3A_828, %dma_start3A_833, %dma_start3A_834] : memref<2880x2x112xi32, #tpu.memory_space<hbm>> -> memref<1x2x112xi32, #tpu.memory_space<hbm>>
      %dma_start3A_836 = tpu.memref_squeeze %dma_start3A_835 : memref<1x2x112xi32, #tpu.memory_space<hbm>> -> memref<2x112xi32, #tpu.memory_space<hbm>>
      tpu.enqueue_dma source(%dma_start3A_836 : memref<2x112xi32, #tpu.memory_space<hbm>>) target(%arg6 : memref<2x112xi32, #tpu.memory_space<vmem>>) target_semaphore(%arg18 : memref<!tpu.dma_semaphore, #tpu.memory_space<semaphore_mem>>)
      %add3A_837 = arith.constant 2 : i32
      %add3A_838 = arith.addi %add3A_811, %add3A_837 : i32
      %add3A_839 = arith.addi %mul3A_2, %add3A_838 : i32
      %dma_wait3A_840 = arith.constant 0 : i32
      %dma_wait3A_841 = arith.constant 0 : i32
      %dma_wait3A_842 = tpu.memref_slice %arg3[%add3A_839, %dma_wait3A_840, %dma_wait3A_841] : memref<2880x2x112xi32, #tpu.memory_space<hbm>> -> memref<1x2x112xi32, #tpu.memory_space<hbm>>
      %dma_wait3A_843 = tpu.memref_squeeze %dma_wait3A_842 : memref<1x2x112xi32, #tpu.memory_space<hbm>> -> memref<2x112xi32, #tpu.memory_space<hbm>>
      %dma_wait3A_844 = arith.constant 0 : i32
      %dma_wait3A_845 = arith.constant 0 : i32
      %dma_wait3A_846 = tpu.memref_slice %arg3[%add3A_839, %dma_wait3A_844, %dma_wait3A_845] : memref<2880x2x112xi32, #tpu.memory_space<hbm>> -> memref<1x2x112xi32, #tpu.memory_space<hbm>>
      %dma_wait3A_847 = tpu.memref_squeeze %dma_wait3A_846 : memref<1x2x112xi32, #tpu.memory_space<hbm>> -> memref<2x112xi32, #tpu.memory_space<hbm>>
      tpu.wait_dma2 semaphore(%arg23 : memref<!tpu.dma_semaphore, #tpu.memory_space<semaphore_mem>>) src(%dma_wait3A_847 : memref<2x112xi32, #tpu.memory_space<hbm>>) dst(%arg11 : memref<2x112xi32, #tpu.memory_space<vmem>>)
      %dma_wait3A_848 = arith.constant 1 : i32
      %dma_wait3A_849 = arith.constant 0 : i32
      %dma_wait3A_850 = tpu.memref_slice %arg8[%dma_wait3A_848, %dma_wait3A_849] : memref<2x112xi32, #tpu.memory_space<vmem>> -> memref<1x112xi32, #tpu.memory_space<vmem>>
      %dma_wait3A_851 = tpu.memref_squeeze %dma_wait3A_850 : memref<1x112xi32, #tpu.memory_space<vmem>> -> memref<112xi32, #tpu.memory_space<vmem>>
      %dma_wait3A_852 = arith.constant 0 : i32
      %dma_wait3A_853 = arith.constant 0 : i32
      %dma_wait3A_854 = tpu.memref_slice %arg5[%dma_wait3A_852, %dma_wait3A_853] : memref<10008x128xf32, #tpu.memory_space<vmem_shared>> -> memref<10008x128xf32, #tpu.memory_space<vmem_shared>>
      tpu.wait_indirect_dma semaphore(%arg26 : memref<!tpu.dma_semaphore, #tpu.memory_space<semaphore_mem>>) src(%arg14 : memref<112x128xf32, #tpu.memory_space<vmem>>) dst(%dma_wait3A_854 : memref<10008x128xf32, #tpu.memory_space<vmem_shared>>)
      %dma_start3A_855 = arith.constant 0 : i32
      %dma_start3A_856 = arith.constant 0 : i32
      %dma_start3A_857 = tpu.memref_slice %arg11[%dma_start3A_855, %dma_start3A_856] : memref<2x112xi32, #tpu.memory_space<vmem>> -> memref<1x112xi32, #tpu.memory_space<vmem>>
      %dma_start3A_858 = tpu.memref_squeeze %dma_start3A_857 : memref<1x112xi32, #tpu.memory_space<vmem>> -> memref<112xi32, #tpu.memory_space<vmem>>
      %dma_start3A_859 = arith.constant 0 : i32
      %dma_start3A_860 = arith.constant 0 : i32
      %dma_start3A_861 = tpu.memref_slice %arg2[%dma_start3A_859, %dma_start3A_860] : memref<10000x128xf32, #tpu.memory_space<hbm>> -> memref<10000x128xf32, #tpu.memory_space<hbm>>
      tpu.enqueue_indirect_dma source(%dma_start3A_861 : memref<10000x128xf32, #tpu.memory_space<hbm>>) target(%arg14 : memref<112x128xf32, #tpu.memory_space<vmem>>) offsets(%dma_start3A_858 : memref<112xi32, #tpu.memory_space<vmem>>) semaphore(%arg17 : memref<!tpu.dma_semaphore, #tpu.memory_space<semaphore_mem>>)
      %mul3A_862 = arith.constant 6 : i32
      %mul3A_863 = arith.muli %scan3A_644, %mul3A_862 : i32
      %add3A_864 = arith.constant 4 : i32
      %add3A_865 = arith.addi %mul3A_863, %add3A_864 : i32
      %dma_wait3A_866 = arith.constant 0 : i32
      %dma_wait3A_867 = arith.constant 0 : i32
      %dma_wait3A_868 = tpu.memref_slice %arg10[%dma_wait3A_866, %dma_wait3A_867] : memref<2x112xi32, #tpu.memory_space<vmem>> -> memref<1x112xi32, #tpu.memory_space<vmem>>
      %dma_wait3A_869 = tpu.memref_squeeze %dma_wait3A_868 : memref<1x112xi32, #tpu.memory_space<vmem>> -> memref<112xi32, #tpu.memory_space<vmem>>
      %dma_wait3A_870 = arith.constant 0 : i32
      %dma_wait3A_871 = arith.constant 0 : i32
      %dma_wait3A_872 = tpu.memref_slice %arg2[%dma_wait3A_870, %dma_wait3A_871] : memref<10000x128xf32, #tpu.memory_space<hbm>> -> memref<10000x128xf32, #tpu.memory_space<hbm>>
      tpu.wait_indirect_dma semaphore(%arg16 : memref<!tpu.dma_semaphore, #tpu.memory_space<semaphore_mem>>) src(%dma_wait3A_872 : memref<10000x128xf32, #tpu.memory_space<hbm>>) dst(%arg13 : memref<112x128xf32, #tpu.memory_space<vmem>>)
      %dma_start3A_873 = arith.constant 1 : i32
      %dma_start3A_874 = arith.constant 0 : i32
      %dma_start3A_875 = tpu.memref_slice %arg10[%dma_start3A_873, %dma_start3A_874] : memref<2x112xi32, #tpu.memory_space<vmem>> -> memref<1x112xi32, #tpu.memory_space<vmem>>
      %dma_start3A_876 = tpu.memref_squeeze %dma_start3A_875 : memref<1x112xi32, #tpu.memory_space<vmem>> -> memref<112xi32, #tpu.memory_space<vmem>>
      %dma_start3A_877 = arith.constant 0 : i32
      %dma_start3A_878 = arith.constant 0 : i32
      %dma_start3A_879 = tpu.memref_slice %arg5[%dma_start3A_877, %dma_start3A_878] : memref<10008x128xf32, #tpu.memory_space<vmem_shared>> -> memref<10008x128xf32, #tpu.memory_space<vmem_shared>>
      tpu.enqueue_indirect_dma source(%arg13 : memref<112x128xf32, #tpu.memory_space<vmem>>) target(%dma_start3A_879 : memref<10008x128xf32, #tpu.memory_space<vmem_shared>>) offsets(%dma_start3A_876 : memref<112xi32, #tpu.memory_space<vmem>>) semaphore(%arg25 : memref<!tpu.dma_semaphore, #tpu.memory_space<semaphore_mem>>) {add = true}
      %add3A_880 = arith.constant 3 : i32
      %add3A_881 = arith.addi %add3A_865, %add3A_880 : i32
      %add3A_882 = arith.addi %mul3A_2, %add3A_881 : i32
      %dma_start3A_883 = arith.constant 0 : i32
      %dma_start3A_884 = arith.constant 0 : i32
      %dma_start3A_885 = tpu.memref_slice %arg3[%add3A_882, %dma_start3A_883, %dma_start3A_884] : memref<2880x2x112xi32, #tpu.memory_space<hbm>> -> memref<1x2x112xi32, #tpu.memory_space<hbm>>
      %dma_start3A_886 = tpu.memref_squeeze %dma_start3A_885 : memref<1x2x112xi32, #tpu.memory_space<hbm>> -> memref<2x112xi32, #tpu.memory_space<hbm>>
      %dma_start3A_887 = arith.constant 0 : i32
      %dma_start3A_888 = arith.constant 0 : i32
      %dma_start3A_889 = tpu.memref_slice %arg3[%add3A_882, %dma_start3A_887, %dma_start3A_888] : memref<2880x2x112xi32, #tpu.memory_space<hbm>> -> memref<1x2x112xi32, #tpu.memory_space<hbm>>
      %dma_start3A_890 = tpu.memref_squeeze %dma_start3A_889 : memref<1x2x112xi32, #tpu.memory_space<hbm>> -> memref<2x112xi32, #tpu.memory_space<hbm>>
      tpu.enqueue_dma source(%dma_start3A_890 : memref<2x112xi32, #tpu.memory_space<hbm>>) target(%arg7 : memref<2x112xi32, #tpu.memory_space<vmem>>) target_semaphore(%arg19 : memref<!tpu.dma_semaphore, #tpu.memory_space<semaphore_mem>>)
      %add3A_891 = arith.constant 2 : i32
      %add3A_892 = arith.addi %add3A_865, %add3A_891 : i32
      %add3A_893 = arith.addi %mul3A_2, %add3A_892 : i32
      %dma_wait3A_894 = arith.constant 0 : i32
      %dma_wait3A_895 = arith.constant 0 : i32
      %dma_wait3A_896 = tpu.memref_slice %arg3[%add3A_893, %dma_wait3A_894, %dma_wait3A_895] : memref<2880x2x112xi32, #tpu.memory_space<hbm>> -> memref<1x2x112xi32, #tpu.memory_space<hbm>>
      %dma_wait3A_897 = tpu.memref_squeeze %dma_wait3A_896 : memref<1x2x112xi32, #tpu.memory_space<hbm>> -> memref<2x112xi32, #tpu.memory_space<hbm>>
      %dma_wait3A_898 = arith.constant 0 : i32
      %dma_wait3A_899 = arith.constant 0 : i32
      %dma_wait3A_900 = tpu.memref_slice %arg3[%add3A_893, %dma_wait3A_898, %dma_wait3A_899] : memref<2880x2x112xi32, #tpu.memory_space<hbm>> -> memref<1x2x112xi32, #tpu.memory_space<hbm>>
      %dma_wait3A_901 = tpu.memref_squeeze %dma_wait3A_900 : memref<1x2x112xi32, #tpu.memory_space<hbm>> -> memref<2x112xi32, #tpu.memory_space<hbm>>
      tpu.wait_dma2 semaphore(%arg18 : memref<!tpu.dma_semaphore, #tpu.memory_space<semaphore_mem>>) src(%dma_wait3A_901 : memref<2x112xi32, #tpu.memory_space<hbm>>) dst(%arg6 : memref<2x112xi32, #tpu.memory_space<vmem>>)
      %dma_wait3A_902 = arith.constant 1 : i32
      %dma_wait3A_903 = arith.constant 0 : i32
      %dma_wait3A_904 = tpu.memref_slice %arg9[%dma_wait3A_902, %dma_wait3A_903] : memref<2x112xi32, #tpu.memory_space<vmem>> -> memref<1x112xi32, #tpu.memory_space<vmem>>
      %dma_wait3A_905 = tpu.memref_squeeze %dma_wait3A_904 : memref<1x112xi32, #tpu.memory_space<vmem>> -> memref<112xi32, #tpu.memory_space<vmem>>
      %dma_wait3A_906 = arith.constant 0 : i32
      %dma_wait3A_907 = arith.constant 0 : i32
      %dma_wait3A_908 = tpu.memref_slice %arg5[%dma_wait3A_906, %dma_wait3A_907] : memref<10008x128xf32, #tpu.memory_space<vmem_shared>> -> memref<10008x128xf32, #tpu.memory_space<vmem_shared>>
      tpu.wait_indirect_dma semaphore(%arg24 : memref<!tpu.dma_semaphore, #tpu.memory_space<semaphore_mem>>) src(%arg12 : memref<112x128xf32, #tpu.memory_space<vmem>>) dst(%dma_wait3A_908 : memref<10008x128xf32, #tpu.memory_space<vmem_shared>>)
      %dma_start3A_909 = arith.constant 0 : i32
      %dma_start3A_910 = arith.constant 0 : i32
      %dma_start3A_911 = tpu.memref_slice %arg6[%dma_start3A_909, %dma_start3A_910] : memref<2x112xi32, #tpu.memory_space<vmem>> -> memref<1x112xi32, #tpu.memory_space<vmem>>
      %dma_start3A_912 = tpu.memref_squeeze %dma_start3A_911 : memref<1x112xi32, #tpu.memory_space<vmem>> -> memref<112xi32, #tpu.memory_space<vmem>>
      %dma_start3A_913 = arith.constant 0 : i32
      %dma_start3A_914 = arith.constant 0 : i32
      %dma_start3A_915 = tpu.memref_slice %arg2[%dma_start3A_913, %dma_start3A_914] : memref<10000x128xf32, #tpu.memory_space<hbm>> -> memref<10000x128xf32, #tpu.memory_space<hbm>>
      tpu.enqueue_indirect_dma source(%dma_start3A_915 : memref<10000x128xf32, #tpu.memory_space<hbm>>) target(%arg12 : memref<112x128xf32, #tpu.memory_space<vmem>>) offsets(%dma_start3A_912 : memref<112xi32, #tpu.memory_space<vmem>>) semaphore(%arg15 : memref<!tpu.dma_semaphore, #tpu.memory_space<semaphore_mem>>)
      %mul3A_916 = arith.constant 6 : i32
      %mul3A_917 = arith.muli %scan3A_644, %mul3A_916 : i32
      %add3A_918 = arith.constant 5 : i32
      %add3A_919 = arith.addi %mul3A_917, %add3A_918 : i32
      %dma_wait3A_920 = arith.constant 0 : i32
      %dma_wait3A_921 = arith.constant 0 : i32
      %dma_wait3A_922 = tpu.memref_slice %arg11[%dma_wait3A_920, %dma_wait3A_921] : memref<2x112xi32, #tpu.memory_space<vmem>> -> memref<1x112xi32, #tpu.memory_space<vmem>>
      %dma_wait3A_923 = tpu.memref_squeeze %dma_wait3A_922 : memref<1x112xi32, #tpu.memory_space<vmem>> -> memref<112xi32, #tpu.memory_space<vmem>>
      %dma_wait3A_924 = arith.constant 0 : i32
      %dma_wait3A_925 = arith.constant 0 : i32
      %dma_wait3A_926 = tpu.memref_slice %arg2[%dma_wait3A_924, %dma_wait3A_925] : memref<10000x128xf32, #tpu.memory_space<hbm>> -> memref<10000x128xf32, #tpu.memory_space<hbm>>
      tpu.wait_indirect_dma semaphore(%arg17 : memref<!tpu.dma_semaphore, #tpu.memory_space<semaphore_mem>>) src(%dma_wait3A_926 : memref<10000x128xf32, #tpu.memory_space<hbm>>) dst(%arg14 : memref<112x128xf32, #tpu.memory_space<vmem>>)
      %dma_start3A_927 = arith.constant 1 : i32
      %dma_start3A_928 = arith.constant 0 : i32
      %dma_start3A_929 = tpu.memref_slice %arg11[%dma_start3A_927, %dma_start3A_928] : memref<2x112xi32, #tpu.memory_space<vmem>> -> memref<1x112xi32, #tpu.memory_space<vmem>>
      %dma_start3A_930 = tpu.memref_squeeze %dma_start3A_929 : memref<1x112xi32, #tpu.memory_space<vmem>> -> memref<112xi32, #tpu.memory_space<vmem>>
      %dma_start3A_931 = arith.constant 0 : i32
      %dma_start3A_932 = arith.constant 0 : i32
      %dma_start3A_933 = tpu.memref_slice %arg5[%dma_start3A_931, %dma_start3A_932] : memref<10008x128xf32, #tpu.memory_space<vmem_shared>> -> memref<10008x128xf32, #tpu.memory_space<vmem_shared>>
      tpu.enqueue_indirect_dma source(%arg14 : memref<112x128xf32, #tpu.memory_space<vmem>>) target(%dma_start3A_933 : memref<10008x128xf32, #tpu.memory_space<vmem_shared>>) offsets(%dma_start3A_930 : memref<112xi32, #tpu.memory_space<vmem>>) semaphore(%arg26 : memref<!tpu.dma_semaphore, #tpu.memory_space<semaphore_mem>>) {add = true}
      %add3A_934 = arith.constant 3 : i32
      %add3A_935 = arith.addi %add3A_919, %add3A_934 : i32
      %add3A_936 = arith.addi %mul3A_2, %add3A_935 : i32
      %dma_start3A_937 = arith.constant 0 : i32
      %dma_start3A_938 = arith.constant 0 : i32
      %dma_start3A_939 = tpu.memref_slice %arg3[%add3A_936, %dma_start3A_937, %dma_start3A_938] : memref<2880x2x112xi32, #tpu.memory_space<hbm>> -> memref<1x2x112xi32, #tpu.memory_space<hbm>>
      %dma_start3A_940 = tpu.memref_squeeze %dma_start3A_939 : memref<1x2x112xi32, #tpu.memory_space<hbm>> -> memref<2x112xi32, #tpu.memory_space<hbm>>
      %dma_start3A_941 = arith.constant 0 : i32
      %dma_start3A_942 = arith.constant 0 : i32
      %dma_start3A_943 = tpu.memref_slice %arg3[%add3A_936, %dma_start3A_941, %dma_start3A_942] : memref<2880x2x112xi32, #tpu.memory_space<hbm>> -> memref<1x2x112xi32, #tpu.memory_space<hbm>>
      %dma_start3A_944 = tpu.memref_squeeze %dma_start3A_943 : memref<1x2x112xi32, #tpu.memory_space<hbm>> -> memref<2x112xi32, #tpu.memory_space<hbm>>
      tpu.enqueue_dma source(%dma_start3A_944 : memref<2x112xi32, #tpu.memory_space<hbm>>) target(%arg8 : memref<2x112xi32, #tpu.memory_space<vmem>>) target_semaphore(%arg20 : memref<!tpu.dma_semaphore, #tpu.memory_space<semaphore_mem>>)
      %add3A_945 = arith.constant 2 : i32
      %add3A_946 = arith.addi %add3A_919, %add3A_945 : i32
      %add3A_947 = arith.addi %mul3A_2, %add3A_946 : i32
      %dma_wait3A_948 = arith.constant 0 : i32
      %dma_wait3A_949 = arith.constant 0 : i32
      %dma_wait3A_950 = tpu.memref_slice %arg3[%add3A_947, %dma_wait3A_948, %dma_wait3A_949] : memref<2880x2x112xi32, #tpu.memory_space<hbm>> -> memref<1x2x112xi32, #tpu.memory_space<hbm>>
      %dma_wait3A_951 = tpu.memref_squeeze %dma_wait3A_950 : memref<1x2x112xi32, #tpu.memory_space<hbm>> -> memref<2x112xi32, #tpu.memory_space<hbm>>
      %dma_wait3A_952 = arith.constant 0 : i32
      %dma_wait3A_953 = arith.constant 0 : i32
      %dma_wait3A_954 = tpu.memref_slice %arg3[%add3A_947, %dma_wait3A_952, %dma_wait3A_953] : memref<2880x2x112xi32, #tpu.memory_space<hbm>> -> memref<1x2x112xi32, #tpu.memory_space<hbm>>
      %dma_wait3A_955 = tpu.memref_squeeze %dma_wait3A_954 : memref<1x2x112xi32, #tpu.memory_space<hbm>> -> memref<2x112xi32, #tpu.memory_space<hbm>>
      tpu.wait_dma2 semaphore(%arg19 : memref<!tpu.dma_semaphore, #tpu.memory_space<semaphore_mem>>) src(%dma_wait3A_955 : memref<2x112xi32, #tpu.memory_space<hbm>>) dst(%arg7 : memref<2x112xi32, #tpu.memory_space<vmem>>)
      %dma_wait3A_956 = arith.constant 1 : i32
      %dma_wait3A_957 = arith.constant 0 : i32
      %dma_wait3A_958 = tpu.memref_slice %arg10[%dma_wait3A_956, %dma_wait3A_957] : memref<2x112xi32, #tpu.memory_space<vmem>> -> memref<1x112xi32, #tpu.memory_space<vmem>>
      %dma_wait3A_959 = tpu.memref_squeeze %dma_wait3A_958 : memref<1x112xi32, #tpu.memory_space<vmem>> -> memref<112xi32, #tpu.memory_space<vmem>>
      %dma_wait3A_960 = arith.constant 0 : i32
      %dma_wait3A_961 = arith.constant 0 : i32
      %dma_wait3A_962 = tpu.memref_slice %arg5[%dma_wait3A_960, %dma_wait3A_961] : memref<10008x128xf32, #tpu.memory_space<vmem_shared>> -> memref<10008x128xf32, #tpu.memory_space<vmem_shared>>
      tpu.wait_indirect_dma semaphore(%arg25 : memref<!tpu.dma_semaphore, #tpu.memory_space<semaphore_mem>>) src(%arg13 : memref<112x128xf32, #tpu.memory_space<vmem>>) dst(%dma_wait3A_962 : memref<10008x128xf32, #tpu.memory_space<vmem_shared>>)
      %dma_start3A_963 = arith.constant 0 : i32
      %dma_start3A_964 = arith.constant 0 : i32
      %dma_start3A_965 = tpu.memref_slice %arg7[%dma_start3A_963, %dma_start3A_964] : memref<2x112xi32, #tpu.memory_space<vmem>> -> memref<1x112xi32, #tpu.memory_space<vmem>>
      %dma_start3A_966 = tpu.memref_squeeze %dma_start3A_965 : memref<1x112xi32, #tpu.memory_space<vmem>> -> memref<112xi32, #tpu.memory_space<vmem>>
      %dma_start3A_967 = arith.constant 0 : i32
      %dma_start3A_968 = arith.constant 0 : i32
      %dma_start3A_969 = tpu.memref_slice %arg2[%dma_start3A_967, %dma_start3A_968] : memref<10000x128xf32, #tpu.memory_space<hbm>> -> memref<10000x128xf32, #tpu.memory_space<hbm>>
      tpu.enqueue_indirect_dma source(%dma_start3A_969 : memref<10000x128xf32, #tpu.memory_space<hbm>>) target(%arg13 : memref<112x128xf32, #tpu.memory_space<vmem>>) offsets(%dma_start3A_966 : memref<112xi32, #tpu.memory_space<vmem>>) semaphore(%arg16 : memref<!tpu.dma_semaphore, #tpu.memory_space<semaphore_mem>>)
      %scan3A_970 = arith.constant 0 : i32
      scf.yield %scan3A_970 : i32
    }
    %scan3A_387 = arith.constant 13 : i32
    %dma_wait3A_388 = arith.constant 0 : i32
    %dma_wait3A_389 = arith.constant 0 : i32
    %dma_wait3A_390 = tpu.memref_slice %arg6[%dma_wait3A_388, %dma_wait3A_389] : memref<2x112xi32, #tpu.memory_space<vmem>> -> memref<1x112xi32, #tpu.memory_space<vmem>>
    %dma_wait3A_391 = tpu.memref_squeeze %dma_wait3A_390 : memref<1x112xi32, #tpu.memory_space<vmem>> -> memref<112xi32, #tpu.memory_space<vmem>>
    %dma_wait3A_392 = arith.constant 0 : i32
    %dma_wait3A_393 = arith.constant 0 : i32
    %dma_wait3A_394 = tpu.memref_slice %arg2[%dma_wait3A_392, %dma_wait3A_393] : memref<10000x128xf32, #tpu.memory_space<hbm>> -> memref<10000x128xf32, #tpu.memory_space<hbm>>
    tpu.wait_indirect_dma semaphore(%arg15 : memref<!tpu.dma_semaphore, #tpu.memory_space<semaphore_mem>>) src(%dma_wait3A_394 : memref<10000x128xf32, #tpu.memory_space<hbm>>) dst(%arg12 : memref<112x128xf32, #tpu.memory_space<vmem>>)
    %dma_start3A_395 = arith.constant 1 : i32
    %dma_start3A_396 = arith.constant 0 : i32
    %dma_start3A_397 = tpu.memref_slice %arg6[%dma_start3A_395, %dma_start3A_396] : memref<2x112xi32, #tpu.memory_space<vmem>> -> memref<1x112xi32, #tpu.memory_space<vmem>>
    %dma_start3A_398 = tpu.memref_squeeze %dma_start3A_397 : memref<1x112xi32, #tpu.memory_space<vmem>> -> memref<112xi32, #tpu.memory_space<vmem>>
    %dma_start3A_399 = arith.constant 0 : i32
    %dma_start3A_400 = arith.constant 0 : i32
    %dma_start3A_401 = tpu.memref_slice %arg5[%dma_start3A_399, %dma_start3A_400] : memref<10008x128xf32, #tpu.memory_space<vmem_shared>> -> memref<10008x128xf32, #tpu.memory_space<vmem_shared>>
    tpu.enqueue_indirect_dma source(%arg12 : memref<112x128xf32, #tpu.memory_space<vmem>>) target(%dma_start3A_401 : memref<10008x128xf32, #tpu.memory_space<vmem_shared>>) offsets(%dma_start3A_398 : memref<112xi32, #tpu.memory_space<vmem>>) semaphore(%arg24 : memref<!tpu.dma_semaphore, #tpu.memory_space<semaphore_mem>>) {add = true}
    %add3A_402 = arith.constant 87 : i32
    %add3A_403 = arith.addi %mul3A_2, %add3A_402 : i32
    %dma_start3A_404 = arith.constant 0 : i32
    %dma_start3A_405 = arith.constant 0 : i32
    %dma_start3A_406 = tpu.memref_slice %arg3[%add3A_403, %dma_start3A_404, %dma_start3A_405] : memref<2880x2x112xi32, #tpu.memory_space<hbm>> -> memref<1x2x112xi32, #tpu.memory_space<hbm>>
    %dma_start3A_407 = tpu.memref_squeeze %dma_start3A_406 : memref<1x2x112xi32, #tpu.memory_space<hbm>> -> memref<2x112xi32, #tpu.memory_space<hbm>>
    %dma_start3A_408 = arith.constant 0 : i32
    %dma_start3A_409 = arith.constant 0 : i32
    %dma_start3A_410 = tpu.memref_slice %arg3[%add3A_403, %dma_start3A_408, %dma_start3A_409] : memref<2880x2x112xi32, #tpu.memory_space<hbm>> -> memref<1x2x112xi32, #tpu.memory_space<hbm>>
    %dma_start3A_411 = tpu.memref_squeeze %dma_start3A_410 : memref<1x2x112xi32, #tpu.memory_space<hbm>> -> memref<2x112xi32, #tpu.memory_space<hbm>>
    tpu.enqueue_dma source(%dma_start3A_411 : memref<2x112xi32, #tpu.memory_space<hbm>>) target(%arg9 : memref<2x112xi32, #tpu.memory_space<vmem>>) target_semaphore(%arg21 : memref<!tpu.dma_semaphore, #tpu.memory_space<semaphore_mem>>)
    %add3A_412 = arith.constant 86 : i32
    %add3A_413 = arith.addi %mul3A_2, %add3A_412 : i32
    %dma_wait3A_414 = arith.constant 0 : i32
    %dma_wait3A_415 = arith.constant 0 : i32
    %dma_wait3A_416 = tpu.memref_slice %arg3[%add3A_413, %dma_wait3A_414, %dma_wait3A_415] : memref<2880x2x112xi32, #tpu.memory_space<hbm>> -> memref<1x2x112xi32, #tpu.memory_space<hbm>>
    %dma_wait3A_417 = tpu.memref_squeeze %dma_wait3A_416 : memref<1x2x112xi32, #tpu.memory_space<hbm>> -> memref<2x112xi32, #tpu.memory_space<hbm>>
    %dma_wait3A_418 = arith.constant 0 : i32
    %dma_wait3A_419 = arith.constant 0 : i32
    %dma_wait3A_420 = tpu.memref_slice %arg3[%add3A_413, %dma_wait3A_418, %dma_wait3A_419] : memref<2880x2x112xi32, #tpu.memory_space<hbm>> -> memref<1x2x112xi32, #tpu.memory_space<hbm>>
    %dma_wait3A_421 = tpu.memref_squeeze %dma_wait3A_420 : memref<1x2x112xi32, #tpu.memory_space<hbm>> -> memref<2x112xi32, #tpu.memory_space<hbm>>
    tpu.wait_dma2 semaphore(%arg20 : memref<!tpu.dma_semaphore, #tpu.memory_space<semaphore_mem>>) src(%dma_wait3A_421 : memref<2x112xi32, #tpu.memory_space<hbm>>) dst(%arg8 : memref<2x112xi32, #tpu.memory_space<vmem>>)
    %dma_wait3A_422 = arith.constant 1 : i32
    %dma_wait3A_423 = arith.constant 0 : i32
    %dma_wait3A_424 = tpu.memref_slice %arg11[%dma_wait3A_422, %dma_wait3A_423] : memref<2x112xi32, #tpu.memory_space<vmem>> -> memref<1x112xi32, #tpu.memory_space<vmem>>
    %dma_wait3A_425 = tpu.memref_squeeze %dma_wait3A_424 : memref<1x112xi32, #tpu.memory_space<vmem>> -> memref<112xi32, #tpu.memory_space<vmem>>
    %dma_wait3A_426 = arith.constant 0 : i32
    %dma_wait3A_427 = arith.constant 0 : i32
    %dma_wait3A_428 = tpu.memref_slice %arg5[%dma_wait3A_426, %dma_wait3A_427] : memref<10008x128xf32, #tpu.memory_space<vmem_shared>> -> memref<10008x128xf32, #tpu.memory_space<vmem_shared>>
    tpu.wait_indirect_dma semaphore(%arg26 : memref<!tpu.dma_semaphore, #tpu.memory_space<semaphore_mem>>) src(%arg14 : memref<112x128xf32, #tpu.memory_space<vmem>>) dst(%dma_wait3A_428 : memref<10008x128xf32, #tpu.memory_space<vmem_shared>>)
    %dma_start3A_429 = arith.constant 0 : i32
    %dma_start3A_430 = arith.constant 0 : i32
    %dma_start3A_431 = tpu.memref_slice %arg8[%dma_start3A_429, %dma_start3A_430] : memref<2x112xi32, #tpu.memory_space<vmem>> -> memref<1x112xi32, #tpu.memory_space<vmem>>
    %dma_start3A_432 = tpu.memref_squeeze %dma_start3A_431 : memref<1x112xi32, #tpu.memory_space<vmem>> -> memref<112xi32, #tpu.memory_space<vmem>>
    %dma_start3A_433 = arith.constant 0 : i32
    %dma_start3A_434 = arith.constant 0 : i32
    %dma_start3A_435 = tpu.memref_slice %arg2[%dma_start3A_433, %dma_start3A_434] : memref<10000x128xf32, #tpu.memory_space<hbm>> -> memref<10000x128xf32, #tpu.memory_space<hbm>>
    tpu.enqueue_indirect_dma source(%dma_start3A_435 : memref<10000x128xf32, #tpu.memory_space<hbm>>) target(%arg14 : memref<112x128xf32, #tpu.memory_space<vmem>>) offsets(%dma_start3A_432 : memref<112xi32, #tpu.memory_space<vmem>>) semaphore(%arg17 : memref<!tpu.dma_semaphore, #tpu.memory_space<semaphore_mem>>)
    %dma_wait3A_436 = arith.constant 0 : i32
    %dma_wait3A_437 = arith.constant 0 : i32
    %dma_wait3A_438 = tpu.memref_slice %arg7[%dma_wait3A_436, %dma_wait3A_437] : memref<2x112xi32, #tpu.memory_space<vmem>> -> memref<1x112xi32, #tpu.memory_space<vmem>>
    %dma_wait3A_439 = tpu.memref_squeeze %dma_wait3A_438 : memref<1x112xi32, #tpu.memory_space<vmem>> -> memref<112xi32, #tpu.memory_space<vmem>>
    %dma_wait3A_440 = arith.constant 0 : i32
    %dma_wait3A_441 = arith.constant 0 : i32
    %dma_wait3A_442 = tpu.memref_slice %arg2[%dma_wait3A_440, %dma_wait3A_441] : memref<10000x128xf32, #tpu.memory_space<hbm>> -> memref<10000x128xf32, #tpu.memory_space<hbm>>
    tpu.wait_indirect_dma semaphore(%arg16 : memref<!tpu.dma_semaphore, #tpu.memory_space<semaphore_mem>>) src(%dma_wait3A_442 : memref<10000x128xf32, #tpu.memory_space<hbm>>) dst(%arg13 : memref<112x128xf32, #tpu.memory_space<vmem>>)
    %dma_start3A_443 = arith.constant 1 : i32
    %dma_start3A_444 = arith.constant 0 : i32
    %dma_start3A_445 = tpu.memref_slice %arg7[%dma_start3A_443, %dma_start3A_444] : memref<2x112xi32, #tpu.memory_space<vmem>> -> memref<1x112xi32, #tpu.memory_space<vmem>>
    %dma_start3A_446 = tpu.memref_squeeze %dma_start3A_445 : memref<1x112xi32, #tpu.memory_space<vmem>> -> memref<112xi32, #tpu.memory_space<vmem>>
    %dma_start3A_447 = arith.constant 0 : i32
    %dma_start3A_448 = arith.constant 0 : i32
    %dma_start3A_449 = tpu.memref_slice %arg5[%dma_start3A_447, %dma_start3A_448] : memref<10008x128xf32, #tpu.memory_space<vmem_shared>> -> memref<10008x128xf32, #tpu.memory_space<vmem_shared>>
    tpu.enqueue_indirect_dma source(%arg13 : memref<112x128xf32, #tpu.memory_space<vmem>>) target(%dma_start3A_449 : memref<10008x128xf32, #tpu.memory_space<vmem_shared>>) offsets(%dma_start3A_446 : memref<112xi32, #tpu.memory_space<vmem>>) semaphore(%arg25 : memref<!tpu.dma_semaphore, #tpu.memory_space<semaphore_mem>>) {add = true}
    %add3A_450 = arith.constant 88 : i32
    %add3A_451 = arith.addi %mul3A_2, %add3A_450 : i32
    %dma_start3A_452 = arith.constant 0 : i32
    %dma_start3A_453 = arith.constant 0 : i32
    %dma_start3A_454 = tpu.memref_slice %arg3[%add3A_451, %dma_start3A_452, %dma_start3A_453] : memref<2880x2x112xi32, #tpu.memory_space<hbm>> -> memref<1x2x112xi32, #tpu.memory_space<hbm>>
    %dma_start3A_455 = tpu.memref_squeeze %dma_start3A_454 : memref<1x2x112xi32, #tpu.memory_space<hbm>> -> memref<2x112xi32, #tpu.memory_space<hbm>>
    %dma_start3A_456 = arith.constant 0 : i32
    %dma_start3A_457 = arith.constant 0 : i32
    %dma_start3A_458 = tpu.memref_slice %arg3[%add3A_451, %dma_start3A_456, %dma_start3A_457] : memref<2880x2x112xi32, #tpu.memory_space<hbm>> -> memref<1x2x112xi32, #tpu.memory_space<hbm>>
    %dma_start3A_459 = tpu.memref_squeeze %dma_start3A_458 : memref<1x2x112xi32, #tpu.memory_space<hbm>> -> memref<2x112xi32, #tpu.memory_space<hbm>>
    tpu.enqueue_dma source(%dma_start3A_459 : memref<2x112xi32, #tpu.memory_space<hbm>>) target(%arg10 : memref<2x112xi32, #tpu.memory_space<vmem>>) target_semaphore(%arg22 : memref<!tpu.dma_semaphore, #tpu.memory_space<semaphore_mem>>)
    %add3A_460 = arith.constant 87 : i32
    %add3A_461 = arith.addi %mul3A_2, %add3A_460 : i32
    %dma_wait3A_462 = arith.constant 0 : i32
    %dma_wait3A_463 = arith.constant 0 : i32
    %dma_wait3A_464 = tpu.memref_slice %arg3[%add3A_461, %dma_wait3A_462, %dma_wait3A_463] : memref<2880x2x112xi32, #tpu.memory_space<hbm>> -> memref<1x2x112xi32, #tpu.memory_space<hbm>>
    %dma_wait3A_465 = tpu.memref_squeeze %dma_wait3A_464 : memref<1x2x112xi32, #tpu.memory_space<hbm>> -> memref<2x112xi32, #tpu.memory_space<hbm>>
    %dma_wait3A_466 = arith.constant 0 : i32
    %dma_wait3A_467 = arith.constant 0 : i32
    %dma_wait3A_468 = tpu.memref_slice %arg3[%add3A_461, %dma_wait3A_466, %dma_wait3A_467] : memref<2880x2x112xi32, #tpu.memory_space<hbm>> -> memref<1x2x112xi32, #tpu.memory_space<hbm>>
    %dma_wait3A_469 = tpu.memref_squeeze %dma_wait3A_468 : memref<1x2x112xi32, #tpu.memory_space<hbm>> -> memref<2x112xi32, #tpu.memory_space<hbm>>
    tpu.wait_dma2 semaphore(%arg21 : memref<!tpu.dma_semaphore, #tpu.memory_space<semaphore_mem>>) src(%dma_wait3A_469 : memref<2x112xi32, #tpu.memory_space<hbm>>) dst(%arg9 : memref<2x112xi32, #tpu.memory_space<vmem>>)
    %dma_wait3A_470 = arith.constant 1 : i32
    %dma_wait3A_471 = arith.constant 0 : i32
    %dma_wait3A_472 = tpu.memref_slice %arg6[%dma_wait3A_470, %dma_wait3A_471] : memref<2x112xi32, #tpu.memory_space<vmem>> -> memref<1x112xi32, #tpu.memory_space<vmem>>
    %dma_wait3A_473 = tpu.memref_squeeze %dma_wait3A_472 : memref<1x112xi32, #tpu.memory_space<vmem>> -> memref<112xi32, #tpu.memory_space<vmem>>
    %dma_wait3A_474 = arith.constant 0 : i32
    %dma_wait3A_475 = arith.constant 0 : i32
    %dma_wait3A_476 = tpu.memref_slice %arg5[%dma_wait3A_474, %dma_wait3A_475] : memref<10008x128xf32, #tpu.memory_space<vmem_shared>> -> memref<10008x128xf32, #tpu.memory_space<vmem_shared>>
    tpu.wait_indirect_dma semaphore(%arg24 : memref<!tpu.dma_semaphore, #tpu.memory_space<semaphore_mem>>) src(%arg12 : memref<112x128xf32, #tpu.memory_space<vmem>>) dst(%dma_wait3A_476 : memref<10008x128xf32, #tpu.memory_space<vmem_shared>>)
    %dma_start3A_477 = arith.constant 0 : i32
    %dma_start3A_478 = arith.constant 0 : i32
    %dma_start3A_479 = tpu.memref_slice %arg9[%dma_start3A_477, %dma_start3A_478] : memref<2x112xi32, #tpu.memory_space<vmem>> -> memref<1x112xi32, #tpu.memory_space<vmem>>
    %dma_start3A_480 = tpu.memref_squeeze %dma_start3A_479 : memref<1x112xi32, #tpu.memory_space<vmem>> -> memref<112xi32, #tpu.memory_space<vmem>>
    %dma_start3A_481 = arith.constant 0 : i32
    %dma_start3A_482 = arith.constant 0 : i32
    %dma_start3A_483 = tpu.memref_slice %arg2[%dma_start3A_481, %dma_start3A_482] : memref<10000x128xf32, #tpu.memory_space<hbm>> -> memref<10000x128xf32, #tpu.memory_space<hbm>>
    tpu.enqueue_indirect_dma source(%dma_start3A_483 : memref<10000x128xf32, #tpu.memory_space<hbm>>) target(%arg12 : memref<112x128xf32, #tpu.memory_space<vmem>>) offsets(%dma_start3A_480 : memref<112xi32, #tpu.memory_space<vmem>>) semaphore(%arg15 : memref<!tpu.dma_semaphore, #tpu.memory_space<semaphore_mem>>)
    %dma_wait3A_484 = arith.constant 0 : i32
    %dma_wait3A_485 = arith.constant 0 : i32
    %dma_wait3A_486 = tpu.memref_slice %arg8[%dma_wait3A_484, %dma_wait3A_485] : memref<2x112xi32, #tpu.memory_space<vmem>> -> memref<1x112xi32, #tpu.memory_space<vmem>>
    %dma_wait3A_487 = tpu.memref_squeeze %dma_wait3A_486 : memref<1x112xi32, #tpu.memory_space<vmem>> -> memref<112xi32, #tpu.memory_space<vmem>>
    %dma_wait3A_488 = arith.constant 0 : i32
    %dma_wait3A_489 = arith.constant 0 : i32
    %dma_wait3A_490 = tpu.memref_slice %arg2[%dma_wait3A_488, %dma_wait3A_489] : memref<10000x128xf32, #tpu.memory_space<hbm>> -> memref<10000x128xf32, #tpu.memory_space<hbm>>
    tpu.wait_indirect_dma semaphore(%arg17 : memref<!tpu.dma_semaphore, #tpu.memory_space<semaphore_mem>>) src(%dma_wait3A_490 : memref<10000x128xf32, #tpu.memory_space<hbm>>) dst(%arg14 : memref<112x128xf32, #tpu.memory_space<vmem>>)
    %dma_start3A_491 = arith.constant 1 : i32
    %dma_start3A_492 = arith.constant 0 : i32
    %dma_start3A_493 = tpu.memref_slice %arg8[%dma_start3A_491, %dma_start3A_492] : memref<2x112xi32, #tpu.memory_space<vmem>> -> memref<1x112xi32, #tpu.memory_space<vmem>>
    %dma_start3A_494 = tpu.memref_squeeze %dma_start3A_493 : memref<1x112xi32, #tpu.memory_space<vmem>> -> memref<112xi32, #tpu.memory_space<vmem>>
    %dma_start3A_495 = arith.constant 0 : i32
    %dma_start3A_496 = arith.constant 0 : i32
    %dma_start3A_497 = tpu.memref_slice %arg5[%dma_start3A_495, %dma_start3A_496] : memref<10008x128xf32, #tpu.memory_space<vmem_shared>> -> memref<10008x128xf32, #tpu.memory_space<vmem_shared>>
    tpu.enqueue_indirect_dma source(%arg14 : memref<112x128xf32, #tpu.memory_space<vmem>>) target(%dma_start3A_497 : memref<10008x128xf32, #tpu.memory_space<vmem_shared>>) offsets(%dma_start3A_494 : memref<112xi32, #tpu.memory_space<vmem>>) semaphore(%arg26 : memref<!tpu.dma_semaphore, #tpu.memory_space<semaphore_mem>>) {add = true}
    %add3A_498 = arith.constant 89 : i32
    %add3A_499 = arith.addi %mul3A_2, %add3A_498 : i32
    %dma_start3A_500 = arith.constant 0 : i32
    %dma_start3A_501 = arith.constant 0 : i32
    %dma_start3A_502 = tpu.memref_slice %arg3[%add3A_499, %dma_start3A_500, %dma_start3A_501] : memref<2880x2x112xi32, #tpu.memory_space<hbm>> -> memref<1x2x112xi32, #tpu.memory_space<hbm>>
    %dma_start3A_503 = tpu.memref_squeeze %dma_start3A_502 : memref<1x2x112xi32, #tpu.memory_space<hbm>> -> memref<2x112xi32, #tpu.memory_space<hbm>>
    %dma_start3A_504 = arith.constant 0 : i32
    %dma_start3A_505 = arith.constant 0 : i32
    %dma_start3A_506 = tpu.memref_slice %arg3[%add3A_499, %dma_start3A_504, %dma_start3A_505] : memref<2880x2x112xi32, #tpu.memory_space<hbm>> -> memref<1x2x112xi32, #tpu.memory_space<hbm>>
    %dma_start3A_507 = tpu.memref_squeeze %dma_start3A_506 : memref<1x2x112xi32, #tpu.memory_space<hbm>> -> memref<2x112xi32, #tpu.memory_space<hbm>>
    tpu.enqueue_dma source(%dma_start3A_507 : memref<2x112xi32, #tpu.memory_space<hbm>>) target(%arg11 : memref<2x112xi32, #tpu.memory_space<vmem>>) target_semaphore(%arg23 : memref<!tpu.dma_semaphore, #tpu.memory_space<semaphore_mem>>)
    %add3A_508 = arith.constant 88 : i32
    %add3A_509 = arith.addi %mul3A_2, %add3A_508 : i32
    %dma_wait3A_510 = arith.constant 0 : i32
    %dma_wait3A_511 = arith.constant 0 : i32
    %dma_wait3A_512 = tpu.memref_slice %arg3[%add3A_509, %dma_wait3A_510, %dma_wait3A_511] : memref<2880x2x112xi32, #tpu.memory_space<hbm>> -> memref<1x2x112xi32, #tpu.memory_space<hbm>>
    %dma_wait3A_513 = tpu.memref_squeeze %dma_wait3A_512 : memref<1x2x112xi32, #tpu.memory_space<hbm>> -> memref<2x112xi32, #tpu.memory_space<hbm>>
    %dma_wait3A_514 = arith.constant 0 : i32
    %dma_wait3A_515 = arith.constant 0 : i32
    %dma_wait3A_516 = tpu.memref_slice %arg3[%add3A_509, %dma_wait3A_514, %dma_wait3A_515] : memref<2880x2x112xi32, #tpu.memory_space<hbm>> -> memref<1x2x112xi32, #tpu.memory_space<hbm>>
    %dma_wait3A_517 = tpu.memref_squeeze %dma_wait3A_516 : memref<1x2x112xi32, #tpu.memory_space<hbm>> -> memref<2x112xi32, #tpu.memory_space<hbm>>
    tpu.wait_dma2 semaphore(%arg22 : memref<!tpu.dma_semaphore, #tpu.memory_space<semaphore_mem>>) src(%dma_wait3A_517 : memref<2x112xi32, #tpu.memory_space<hbm>>) dst(%arg10 : memref<2x112xi32, #tpu.memory_space<vmem>>)
    %dma_wait3A_518 = arith.constant 1 : i32
    %dma_wait3A_519 = arith.constant 0 : i32
    %dma_wait3A_520 = tpu.memref_slice %arg7[%dma_wait3A_518, %dma_wait3A_519] : memref<2x112xi32, #tpu.memory_space<vmem>> -> memref<1x112xi32, #tpu.memory_space<vmem>>
    %dma_wait3A_521 = tpu.memref_squeeze %dma_wait3A_520 : memref<1x112xi32, #tpu.memory_space<vmem>> -> memref<112xi32, #tpu.memory_space<vmem>>
    %dma_wait3A_522 = arith.constant 0 : i32
    %dma_wait3A_523 = arith.constant 0 : i32
    %dma_wait3A_524 = tpu.memref_slice %arg5[%dma_wait3A_522, %dma_wait3A_523] : memref<10008x128xf32, #tpu.memory_space<vmem_shared>> -> memref<10008x128xf32, #tpu.memory_space<vmem_shared>>
    tpu.wait_indirect_dma semaphore(%arg25 : memref<!tpu.dma_semaphore, #tpu.memory_space<semaphore_mem>>) src(%arg13 : memref<112x128xf32, #tpu.memory_space<vmem>>) dst(%dma_wait3A_524 : memref<10008x128xf32, #tpu.memory_space<vmem_shared>>)
    %dma_start3A_525 = arith.constant 0 : i32
    %dma_start3A_526 = arith.constant 0 : i32
    %dma_start3A_527 = tpu.memref_slice %arg10[%dma_start3A_525, %dma_start3A_526] : memref<2x112xi32, #tpu.memory_space<vmem>> -> memref<1x112xi32, #tpu.memory_space<vmem>>
    %dma_start3A_528 = tpu.memref_squeeze %dma_start3A_527 : memref<1x112xi32, #tpu.memory_space<vmem>> -> memref<112xi32, #tpu.memory_space<vmem>>
    %dma_start3A_529 = arith.constant 0 : i32
    %dma_start3A_530 = arith.constant 0 : i32
    %dma_start3A_531 = tpu.memref_slice %arg2[%dma_start3A_529, %dma_start3A_530] : memref<10000x128xf32, #tpu.memory_space<hbm>> -> memref<10000x128xf32, #tpu.memory_space<hbm>>
    tpu.enqueue_indirect_dma source(%dma_start3A_531 : memref<10000x128xf32, #tpu.memory_space<hbm>>) target(%arg13 : memref<112x128xf32, #tpu.memory_space<vmem>>) offsets(%dma_start3A_528 : memref<112xi32, #tpu.memory_space<vmem>>) semaphore(%arg16 : memref<!tpu.dma_semaphore, #tpu.memory_space<semaphore_mem>>)
    %dma_wait3A_532 = arith.constant 0 : i32
    %dma_wait3A_533 = arith.constant 0 : i32
    %dma_wait3A_534 = tpu.memref_slice %arg9[%dma_wait3A_532, %dma_wait3A_533] : memref<2x112xi32, #tpu.memory_space<vmem>> -> memref<1x112xi32, #tpu.memory_space<vmem>>
    %dma_wait3A_535 = tpu.memref_squeeze %dma_wait3A_534 : memref<1x112xi32, #tpu.memory_space<vmem>> -> memref<112xi32, #tpu.memory_space<vmem>>
    %dma_wait3A_536 = arith.constant 0 : i32
    %dma_wait3A_537 = arith.constant 0 : i32
    %dma_wait3A_538 = tpu.memref_slice %arg2[%dma_wait3A_536, %dma_wait3A_537] : memref<10000x128xf32, #tpu.memory_space<hbm>> -> memref<10000x128xf32, #tpu.memory_space<hbm>>
    tpu.wait_indirect_dma semaphore(%arg15 : memref<!tpu.dma_semaphore, #tpu.memory_space<semaphore_mem>>) src(%dma_wait3A_538 : memref<10000x128xf32, #tpu.memory_space<hbm>>) dst(%arg12 : memref<112x128xf32, #tpu.memory_space<vmem>>)
    %dma_start3A_539 = arith.constant 1 : i32
    %dma_start3A_540 = arith.constant 0 : i32
    %dma_start3A_541 = tpu.memref_slice %arg9[%dma_start3A_539, %dma_start3A_540] : memref<2x112xi32, #tpu.memory_space<vmem>> -> memref<1x112xi32, #tpu.memory_space<vmem>>
    %dma_start3A_542 = tpu.memref_squeeze %dma_start3A_541 : memref<1x112xi32, #tpu.memory_space<vmem>> -> memref<112xi32, #tpu.memory_space<vmem>>
    %dma_start3A_543 = arith.constant 0 : i32
    %dma_start3A_544 = arith.constant 0 : i32
    %dma_start3A_545 = tpu.memref_slice %arg5[%dma_start3A_543, %dma_start3A_544] : memref<10008x128xf32, #tpu.memory_space<vmem_shared>> -> memref<10008x128xf32, #tpu.memory_space<vmem_shared>>
    tpu.enqueue_indirect_dma source(%arg12 : memref<112x128xf32, #tpu.memory_space<vmem>>) target(%dma_start3A_545 : memref<10008x128xf32, #tpu.memory_space<vmem_shared>>) offsets(%dma_start3A_542 : memref<112xi32, #tpu.memory_space<vmem>>) semaphore(%arg24 : memref<!tpu.dma_semaphore, #tpu.memory_space<semaphore_mem>>) {add = true}
    %add3A_546 = arith.constant 89 : i32
    %add3A_547 = arith.addi %mul3A_2, %add3A_546 : i32
    %dma_wait3A_548 = arith.constant 0 : i32
    %dma_wait3A_549 = arith.constant 0 : i32
    %dma_wait3A_550 = tpu.memref_slice %arg3[%add3A_547, %dma_wait3A_548, %dma_wait3A_549] : memref<2880x2x112xi32, #tpu.memory_space<hbm>> -> memref<1x2x112xi32, #tpu.memory_space<hbm>>
    %dma_wait3A_551 = tpu.memref_squeeze %dma_wait3A_550 : memref<1x2x112xi32, #tpu.memory_space<hbm>> -> memref<2x112xi32, #tpu.memory_space<hbm>>
    %dma_wait3A_552 = arith.constant 0 : i32
    %dma_wait3A_553 = arith.constant 0 : i32
    %dma_wait3A_554 = tpu.memref_slice %arg3[%add3A_547, %dma_wait3A_552, %dma_wait3A_553] : memref<2880x2x112xi32, #tpu.memory_space<hbm>> -> memref<1x2x112xi32, #tpu.memory_space<hbm>>
    %dma_wait3A_555 = tpu.memref_squeeze %dma_wait3A_554 : memref<1x2x112xi32, #tpu.memory_space<hbm>> -> memref<2x112xi32, #tpu.memory_space<hbm>>
    tpu.wait_dma2 semaphore(%arg23 : memref<!tpu.dma_semaphore, #tpu.memory_space<semaphore_mem>>) src(%dma_wait3A_555 : memref<2x112xi32, #tpu.memory_space<hbm>>) dst(%arg11 : memref<2x112xi32, #tpu.memory_space<vmem>>)
    %dma_wait3A_556 = arith.constant 1 : i32
    %dma_wait3A_557 = arith.constant 0 : i32
    %dma_wait3A_558 = tpu.memref_slice %arg8[%dma_wait3A_556, %dma_wait3A_557] : memref<2x112xi32, #tpu.memory_space<vmem>> -> memref<1x112xi32, #tpu.memory_space<vmem>>
    %dma_wait3A_559 = tpu.memref_squeeze %dma_wait3A_558 : memref<1x112xi32, #tpu.memory_space<vmem>> -> memref<112xi32, #tpu.memory_space<vmem>>
    %dma_wait3A_560 = arith.constant 0 : i32
    %dma_wait3A_561 = arith.constant 0 : i32
    %dma_wait3A_562 = tpu.memref_slice %arg5[%dma_wait3A_560, %dma_wait3A_561] : memref<10008x128xf32, #tpu.memory_space<vmem_shared>> -> memref<10008x128xf32, #tpu.memory_space<vmem_shared>>
    tpu.wait_indirect_dma semaphore(%arg26 : memref<!tpu.dma_semaphore, #tpu.memory_space<semaphore_mem>>) src(%arg14 : memref<112x128xf32, #tpu.memory_space<vmem>>) dst(%dma_wait3A_562 : memref<10008x128xf32, #tpu.memory_space<vmem_shared>>)
    %dma_start3A_563 = arith.constant 0 : i32
    %dma_start3A_564 = arith.constant 0 : i32
    %dma_start3A_565 = tpu.memref_slice %arg11[%dma_start3A_563, %dma_start3A_564] : memref<2x112xi32, #tpu.memory_space<vmem>> -> memref<1x112xi32, #tpu.memory_space<vmem>>
    %dma_start3A_566 = tpu.memref_squeeze %dma_start3A_565 : memref<1x112xi32, #tpu.memory_space<vmem>> -> memref<112xi32, #tpu.memory_space<vmem>>
    %dma_start3A_567 = arith.constant 0 : i32
    %dma_start3A_568 = arith.constant 0 : i32
    %dma_start3A_569 = tpu.memref_slice %arg2[%dma_start3A_567, %dma_start3A_568] : memref<10000x128xf32, #tpu.memory_space<hbm>> -> memref<10000x128xf32, #tpu.memory_space<hbm>>
    tpu.enqueue_indirect_dma source(%dma_start3A_569 : memref<10000x128xf32, #tpu.memory_space<hbm>>) target(%arg14 : memref<112x128xf32, #tpu.memory_space<vmem>>) offsets(%dma_start3A_566 : memref<112xi32, #tpu.memory_space<vmem>>) semaphore(%arg17 : memref<!tpu.dma_semaphore, #tpu.memory_space<semaphore_mem>>)
    %dma_wait3A_570 = arith.constant 0 : i32
    %dma_wait3A_571 = arith.constant 0 : i32
    %dma_wait3A_572 = tpu.memref_slice %arg10[%dma_wait3A_570, %dma_wait3A_571] : memref<2x112xi32, #tpu.memory_space<vmem>> -> memref<1x112xi32, #tpu.memory_space<vmem>>
    %dma_wait3A_573 = tpu.memref_squeeze %dma_wait3A_572 : memref<1x112xi32, #tpu.memory_space<vmem>> -> memref<112xi32, #tpu.memory_space<vmem>>
    %dma_wait3A_574 = arith.constant 0 : i32
    %dma_wait3A_575 = arith.constant 0 : i32
    %dma_wait3A_576 = tpu.memref_slice %arg2[%dma_wait3A_574, %dma_wait3A_575] : memref<10000x128xf32, #tpu.memory_space<hbm>> -> memref<10000x128xf32, #tpu.memory_space<hbm>>
    tpu.wait_indirect_dma semaphore(%arg16 : memref<!tpu.dma_semaphore, #tpu.memory_space<semaphore_mem>>) src(%dma_wait3A_576 : memref<10000x128xf32, #tpu.memory_space<hbm>>) dst(%arg13 : memref<112x128xf32, #tpu.memory_space<vmem>>)
    %dma_start3A_577 = arith.constant 1 : i32
    %dma_start3A_578 = arith.constant 0 : i32
    %dma_start3A_579 = tpu.memref_slice %arg10[%dma_start3A_577, %dma_start3A_578] : memref<2x112xi32, #tpu.memory_space<vmem>> -> memref<1x112xi32, #tpu.memory_space<vmem>>
    %dma_start3A_580 = tpu.memref_squeeze %dma_start3A_579 : memref<1x112xi32, #tpu.memory_space<vmem>> -> memref<112xi32, #tpu.memory_space<vmem>>
    %dma_start3A_581 = arith.constant 0 : i32
    %dma_start3A_582 = arith.constant 0 : i32
    %dma_start3A_583 = tpu.memref_slice %arg5[%dma_start3A_581, %dma_start3A_582] : memref<10008x128xf32, #tpu.memory_space<vmem_shared>> -> memref<10008x128xf32, #tpu.memory_space<vmem_shared>>
    tpu.enqueue_indirect_dma source(%arg13 : memref<112x128xf32, #tpu.memory_space<vmem>>) target(%dma_start3A_583 : memref<10008x128xf32, #tpu.memory_space<vmem_shared>>) offsets(%dma_start3A_580 : memref<112xi32, #tpu.memory_space<vmem>>) semaphore(%arg25 : memref<!tpu.dma_semaphore, #tpu.memory_space<semaphore_mem>>) {add = true}
    %dma_wait3A_584 = arith.constant 1 : i32
    %dma_wait3A_585 = arith.constant 0 : i32
    %dma_wait3A_586 = tpu.memref_slice %arg9[%dma_wait3A_584, %dma_wait3A_585] : memref<2x112xi32, #tpu.memory_space<vmem>> -> memref<1x112xi32, #tpu.memory_space<vmem>>
    %dma_wait3A_587 = tpu.memref_squeeze %dma_wait3A_586 : memref<1x112xi32, #tpu.memory_space<vmem>> -> memref<112xi32, #tpu.memory_space<vmem>>
    %dma_wait3A_588 = arith.constant 0 : i32
    %dma_wait3A_589 = arith.constant 0 : i32
    %dma_wait3A_590 = tpu.memref_slice %arg5[%dma_wait3A_588, %dma_wait3A_589] : memref<10008x128xf32, #tpu.memory_space<vmem_shared>> -> memref<10008x128xf32, #tpu.memory_space<vmem_shared>>
    tpu.wait_indirect_dma semaphore(%arg24 : memref<!tpu.dma_semaphore, #tpu.memory_space<semaphore_mem>>) src(%arg12 : memref<112x128xf32, #tpu.memory_space<vmem>>) dst(%dma_wait3A_590 : memref<10008x128xf32, #tpu.memory_space<vmem_shared>>)
    %dma_wait3A_591 = arith.constant 0 : i32
    %dma_wait3A_592 = arith.constant 0 : i32
    %dma_wait3A_593 = tpu.memref_slice %arg11[%dma_wait3A_591, %dma_wait3A_592] : memref<2x112xi32, #tpu.memory_space<vmem>> -> memref<1x112xi32, #tpu.memory_space<vmem>>
    %dma_wait3A_594 = tpu.memref_squeeze %dma_wait3A_593 : memref<1x112xi32, #tpu.memory_space<vmem>> -> memref<112xi32, #tpu.memory_space<vmem>>
    %dma_wait3A_595 = arith.constant 0 : i32
    %dma_wait3A_596 = arith.constant 0 : i32
    %dma_wait3A_597 = tpu.memref_slice %arg2[%dma_wait3A_595, %dma_wait3A_596] : memref<10000x128xf32, #tpu.memory_space<hbm>> -> memref<10000x128xf32, #tpu.memory_space<hbm>>
    tpu.wait_indirect_dma semaphore(%arg17 : memref<!tpu.dma_semaphore, #tpu.memory_space<semaphore_mem>>) src(%dma_wait3A_597 : memref<10000x128xf32, #tpu.memory_space<hbm>>) dst(%arg14 : memref<112x128xf32, #tpu.memory_space<vmem>>)
    %dma_start3A_598 = arith.constant 1 : i32
    %dma_start3A_599 = arith.constant 0 : i32
    %dma_start3A_600 = tpu.memref_slice %arg11[%dma_start3A_598, %dma_start3A_599] : memref<2x112xi32, #tpu.memory_space<vmem>> -> memref<1x112xi32, #tpu.memory_space<vmem>>
    %dma_start3A_601 = tpu.memref_squeeze %dma_start3A_600 : memref<1x112xi32, #tpu.memory_space<vmem>> -> memref<112xi32, #tpu.memory_space<vmem>>
    %dma_start3A_602 = arith.constant 0 : i32
    %dma_start3A_603 = arith.constant 0 : i32
    %dma_start3A_604 = tpu.memref_slice %arg5[%dma_start3A_602, %dma_start3A_603] : memref<10008x128xf32, #tpu.memory_space<vmem_shared>> -> memref<10008x128xf32, #tpu.memory_space<vmem_shared>>
    tpu.enqueue_indirect_dma source(%arg14 : memref<112x128xf32, #tpu.memory_space<vmem>>) target(%dma_start3A_604 : memref<10008x128xf32, #tpu.memory_space<vmem_shared>>) offsets(%dma_start3A_601 : memref<112xi32, #tpu.memory_space<vmem>>) semaphore(%arg26 : memref<!tpu.dma_semaphore, #tpu.memory_space<semaphore_mem>>) {add = true}
    %dma_wait3A_605 = arith.constant 1 : i32
    %dma_wait3A_606 = arith.constant 0 : i32
    %dma_wait3A_607 = tpu.memref_slice %arg10[%dma_wait3A_605, %dma_wait3A_606] : memref<2x112xi32, #tpu.memory_space<vmem>> -> memref<1x112xi32, #tpu.memory_space<vmem>>
    %dma_wait3A_608 = tpu.memref_squeeze %dma_wait3A_607 : memref<1x112xi32, #tpu.memory_space<vmem>> -> memref<112xi32, #tpu.memory_space<vmem>>
    %dma_wait3A_609 = arith.constant 0 : i32
    %dma_wait3A_610 = arith.constant 0 : i32
    %dma_wait3A_611 = tpu.memref_slice %arg5[%dma_wait3A_609, %dma_wait3A_610] : memref<10008x128xf32, #tpu.memory_space<vmem_shared>> -> memref<10008x128xf32, #tpu.memory_space<vmem_shared>>
    tpu.wait_indirect_dma semaphore(%arg25 : memref<!tpu.dma_semaphore, #tpu.memory_space<semaphore_mem>>) src(%arg13 : memref<112x128xf32, #tpu.memory_space<vmem>>) dst(%dma_wait3A_611 : memref<10008x128xf32, #tpu.memory_space<vmem_shared>>)
    %dma_wait3A_612 = arith.constant 1 : i32
    %dma_wait3A_613 = arith.constant 0 : i32
    %dma_wait3A_614 = tpu.memref_slice %arg11[%dma_wait3A_612, %dma_wait3A_613] : memref<2x112xi32, #tpu.memory_space<vmem>> -> memref<1x112xi32, #tpu.memory_space<vmem>>
    %dma_wait3A_615 = tpu.memref_squeeze %dma_wait3A_614 : memref<1x112xi32, #tpu.memory_space<vmem>> -> memref<112xi32, #tpu.memory_space<vmem>>
    %dma_wait3A_616 = arith.constant 0 : i32
    %dma_wait3A_617 = arith.constant 0 : i32
    %dma_wait3A_618 = tpu.memref_slice %arg5[%dma_wait3A_616, %dma_wait3A_617] : memref<10008x128xf32, #tpu.memory_space<vmem_shared>> -> memref<10008x128xf32, #tpu.memory_space<vmem_shared>>
    tpu.wait_indirect_dma semaphore(%arg26 : memref<!tpu.dma_semaphore, #tpu.memory_space<semaphore_mem>>) src(%arg14 : memref<112x128xf32, #tpu.memory_space<vmem>>) dst(%dma_wait3A_618 : memref<10008x128xf32, #tpu.memory_space<vmem_shared>>)
    %barrier3A_619 = arith.constant 0 : index
    tpu.barrier barrier_id(%barrier3A_619)
    %while3A_620 = arith.constant 0 : i32
    %while3A_621 = arith.constant 0 : i32
    %while3A_622 = arith.subi %select_n3A, %while3A_620 : i32
    %while3A_623 = arith.addi %while3A_620, %while3A_622 : i32
    %while3A_624 = arith.constant 1 : i32
    %while3A_625 = arith.divsi %while3A_622, %while3A_624 : i32
    %while3A_626 = arith.muli %while3A_625, %while3A_624 : i32
    %while3A_627 = arith.addi %while3A_620, %while3A_626 : i32
    %while3A_628 = arith.constant 1 : i32
    %while3A_629 = scf.for %while3A_644 = %while3A_620 to %while3A_627 step %while3A_628 iter_args(%while3A_645 = %while3A_621) -> (i32)  : i32 {
      %mul3A_646 = arith.constant 16 : i32
      %mul3A_647 = arith.muli %while3A_644, %mul3A_646 : i32
      %add3A_648 = arith.addi %arg1, %mul3A_647 : i32
      %mul3A_649 = arith.constant 80 : i32
      %mul3A_650 = arith.muli %add3A_648, %mul3A_649 : i32
      %mul3A_651 = arith.constant 10000 : i32
      %mul3A_652 = arith.muli %arg0, %mul3A_651 : i32
      %add3A_653 = arith.addi %mul3A_652, %mul3A_650 : i32
      %dma_start3A_654 = arith.constant 0 : i32
      %dma_start3A_655 = tpu.memref_slice %arg4[%add3A_653, %dma_start3A_654] : memref<20000x128xf32, #tpu.memory_space<hbm>> -> memref<80x128xf32, #tpu.memory_space<hbm>>
      %dma_start3A_656 = arith.constant 0 : i32
      %dma_start3A_657 = tpu.memref_slice %arg5[%mul3A_650, %dma_start3A_656] : memref<10008x128xf32, #tpu.memory_space<vmem_shared>> -> memref<80x128xf32, #tpu.memory_space<vmem_shared>>
      tpu.enqueue_dma source(%dma_start3A_657 : memref<80x128xf32, #tpu.memory_space<vmem_shared>>) target(%dma_start3A_655 : memref<80x128xf32, #tpu.memory_space<hbm>>) target_semaphore(%arg15 : memref<!tpu.dma_semaphore, #tpu.memory_space<semaphore_mem>>)
      %while3A_658 = arith.constant 0 : i32
      scf.yield %while3A_658 : i32
    }
    %while3A_630 = arith.constant 1 : i32
    %while3A_631 = scf.for %while3A_644 = %while3A_627 to %while3A_623 step %while3A_630 iter_args(%while3A_645 = %while3A_629) -> (i32)  : i32 {
      %mul3A_646 = arith.constant 16 : i32
      %mul3A_647 = arith.muli %while3A_644, %mul3A_646 : i32
      %add3A_648 = arith.addi %arg1, %mul3A_647 : i32
      %mul3A_649 = arith.constant 80 : i32
      %mul3A_650 = arith.muli %add3A_648, %mul3A_649 : i32
      %mul3A_651 = arith.constant 10000 : i32
      %mul3A_652 = arith.muli %arg0, %mul3A_651 : i32
      %add3A_653 = arith.addi %mul3A_652, %mul3A_650 : i32
      %dma_start3A_654 = arith.constant 0 : i32
      %dma_start3A_655 = tpu.memref_slice %arg4[%add3A_653, %dma_start3A_654] : memref<20000x128xf32, #tpu.memory_space<hbm>> -> memref<80x128xf32, #tpu.memory_space<hbm>>
      %dma_start3A_656 = arith.constant 0 : i32
      %dma_start3A_657 = tpu.memref_slice %arg5[%mul3A_650, %dma_start3A_656] : memref<10008x128xf32, #tpu.memory_space<vmem_shared>> -> memref<80x128xf32, #tpu.memory_space<vmem_shared>>
      tpu.enqueue_dma source(%dma_start3A_657 : memref<80x128xf32, #tpu.memory_space<vmem_shared>>) target(%dma_start3A_655 : memref<80x128xf32, #tpu.memory_space<hbm>>) target_semaphore(%arg15 : memref<!tpu.dma_semaphore, #tpu.memory_space<semaphore_mem>>)
      %while3A_658 = arith.constant 0 : i32
      scf.yield %while3A_658 : i32
    }
    %while3A_632 = arith.constant 0 : i32
    %while3A_633 = arith.constant 0 : i32
    %while3A_634 = arith.subi %select_n3A, %while3A_632 : i32
    %while3A_635 = arith.addi %while3A_632, %while3A_634 : i32
    %while3A_636 = arith.constant 1 : i32
    %while3A_637 = arith.divsi %while3A_634, %while3A_636 : i32
    %while3A_638 = arith.muli %while3A_637, %while3A_636 : i32
    %while3A_639 = arith.addi %while3A_632, %while3A_638 : i32
    %while3A_640 = arith.constant 1 : i32
    %while3A_641 = scf.for %while3A_644 = %while3A_632 to %while3A_639 step %while3A_640 iter_args(%while3A_645 = %while3A_633) -> (i32)  : i32 {
      %mul3A_646 = arith.constant 16 : i32
      %mul3A_647 = arith.muli %while3A_644, %mul3A_646 : i32
      %add3A_648 = arith.addi %arg1, %mul3A_647 : i32
      %mul3A_649 = arith.constant 80 : i32
      %mul3A_650 = arith.muli %add3A_648, %mul3A_649 : i32
      %mul3A_651 = arith.constant 10000 : i32
      %mul3A_652 = arith.muli %arg0, %mul3A_651 : i32
      %add3A_653 = arith.addi %mul3A_652, %mul3A_650 : i32
      %dma_wait3A_654 = arith.constant 0 : i32
      %dma_wait3A_655 = tpu.memref_slice %arg4[%add3A_653, %dma_wait3A_654] : memref<20000x128xf32, #tpu.memory_space<hbm>> -> memref<80x128xf32, #tpu.memory_space<hbm>>
      %dma_wait3A_656 = arith.constant 0 : i32
      %dma_wait3A_657 = tpu.memref_slice %arg5[%mul3A_650, %dma_wait3A_656] : memref<10008x128xf32, #tpu.memory_space<vmem_shared>> -> memref<80x128xf32, #tpu.memory_space<vmem_shared>>
      tpu.wait_dma2 semaphore(%arg15 : memref<!tpu.dma_semaphore, #tpu.memory_space<semaphore_mem>>) src(%dma_wait3A_657 : memref<80x128xf32, #tpu.memory_space<vmem_shared>>) dst(%dma_wait3A_655 : memref<80x128xf32, #tpu.memory_space<hbm>>)
      %while3A_658 = arith.constant 0 : i32
      scf.yield %while3A_658 : i32
    }
    %while3A_642 = arith.constant 1 : i32
    %while3A_643 = scf.for %while3A_644 = %while3A_639 to %while3A_635 step %while3A_642 iter_args(%while3A_645 = %while3A_641) -> (i32)  : i32 {
      %mul3A_646 = arith.constant 16 : i32
      %mul3A_647 = arith.muli %while3A_644, %mul3A_646 : i32
      %add3A_648 = arith.addi %arg1, %mul3A_647 : i32
      %mul3A_649 = arith.constant 80 : i32
      %mul3A_650 = arith.muli %add3A_648, %mul3A_649 : i32
      %mul3A_651 = arith.constant 10000 : i32
      %mul3A_652 = arith.muli %arg0, %mul3A_651 : i32
      %add3A_653 = arith.addi %mul3A_652, %mul3A_650 : i32
      %dma_wait3A_654 = arith.constant 0 : i32
      %dma_wait3A_655 = tpu.memref_slice %arg4[%add3A_653, %dma_wait3A_654] : memref<20000x128xf32, #tpu.memory_space<hbm>> -> memref<80x128xf32, #tpu.memory_space<hbm>>
      %dma_wait3A_656 = arith.constant 0 : i32
      %dma_wait3A_657 = tpu.memref_slice %arg5[%mul3A_650, %dma_wait3A_656] : memref<10008x128xf32, #tpu.memory_space<vmem_shared>> -> memref<80x128xf32, #tpu.memory_space<vmem_shared>>
      tpu.wait_dma2 semaphore(%arg15 : memref<!tpu.dma_semaphore, #tpu.memory_space<semaphore_mem>>) src(%dma_wait3A_657 : memref<80x128xf32, #tpu.memory_space<vmem_shared>>) dst(%dma_wait3A_655 : memref<80x128xf32, #tpu.memory_space<hbm>>)
      %while3A_658 = arith.constant 0 : i32
      scf.yield %while3A_658 : i32
    }
    return
  }
}

module attributes {stable_mosaic.version = 14 : i64} {
  func.func @_mm_body(%arg0: i32, %arg1: memref<2000x128xf32, #tpu.memory_space<vmem>>, %arg2: memref<2000x128xf32, #tpu.memory_space<vmem>>, %arg3: memref<2000x128xf32, #tpu.memory_space<vmem>>, %arg4: memref<128x128xf32, #tpu.memory_space<vmem>>, %arg5: memref<128x128xf32, #tpu.memory_space<vmem>>, %arg6: memref<1x128xf32, #tpu.memory_space<vmem>>, %arg7: memref<2000x128xf32, #tpu.memory_space<vmem>>) attributes {dimension_semantics = [#tpu.dimension_semantics<arbitrary>], iteration_bounds = array<i64: 5>, scalar_prefetch = 0 : i64, scratch_operands = 0 : i64, tpu.core_type = #tpu.core_type<tc>, window_params = [{transform_indices = @transform_0, window_bounds = array<i64: 2000, 128>}, {transform_indices = @transform_1, window_bounds = array<i64: 2000, 128>}, {transform_indices = @transform_2, window_bounds = array<i64: 2000, 128>}, {pipeline_mode = #tpu.pipeline_mode<synchronous>, transform_indices = @transform_3, window_bounds = array<i64: 128, 128>}, {pipeline_mode = #tpu.pipeline_mode<synchronous>, transform_indices = @transform_4, window_bounds = array<i64: 128, 128>}, {pipeline_mode = #tpu.pipeline_mode<synchronous>, transform_indices = @transform_5, window_bounds = array<i64: 1, 128>}, {transform_indices = @transform_6, window_bounds = array<i64: 2000, 128>}]} {
    %get3A = arith.constant 0 : index
    %get3A_0 = arith.constant 0 : index
    %get3A_1 = vector.load %arg1[%get3A, %get3A_0] : memref<2000x128xf32, #tpu.memory_space<vmem>>, vector<2000x128xf32>
    %get3A_2 = arith.constant 0 : index
    %get3A_3 = arith.constant 0 : index
    %get3A_4 = vector.load %arg2[%get3A_2, %get3A_3] : memref<2000x128xf32, #tpu.memory_space<vmem>>, vector<2000x128xf32>
    %add3A = arith.addf %get3A_1, %get3A_4 : vector<2000x128xf32>
    %get3A_5 = arith.constant 0 : index
    %get3A_6 = arith.constant 0 : index
    %get3A_7 = vector.load %arg4[%get3A_5, %get3A_6] : memref<128x128xf32, #tpu.memory_space<vmem>>, vector<128x128xf32>
    %dot_general3A = arith.constant dense<0.000000e+00> : vector<2000x128xf32>
    %dot_general3A_8 = tpu.matmul %add3A, %get3A_7, %dot_general3A {dimension_numbers = #tpu.dot_dimension_numbers<[1], [0], [0], [1], [0, 0, 1, 1], [], []>, precision = #tpu.contract_precision<fp32>, transpose_lhs_hint = false} : vector<2000x128xf32>, vector<128x128xf32>, vector<2000x128xf32> -> vector<2000x128xf32>
    %get3A_9 = arith.constant 0 : index
    %get3A_10 = arith.constant 0 : index
    %get3A_11 = vector.load %arg3[%get3A_9, %get3A_10] : memref<2000x128xf32, #tpu.memory_space<vmem>>, vector<2000x128xf32>
    %get3A_12 = arith.constant 0 : index
    %get3A_13 = arith.constant 0 : index
    %get3A_14 = vector.load %arg5[%get3A_12, %get3A_13] : memref<128x128xf32, #tpu.memory_space<vmem>>, vector<128x128xf32>
    %dot_general3A_15 = arith.constant dense<0.000000e+00> : vector<2000x128xf32>
    %dot_general3A_16 = tpu.matmul %get3A_11, %get3A_14, %dot_general3A_15 {dimension_numbers = #tpu.dot_dimension_numbers<[1], [0], [0], [1], [0, 0, 1, 1], [], []>, precision = #tpu.contract_precision<fp32>, transpose_lhs_hint = false} : vector<2000x128xf32>, vector<128x128xf32>, vector<2000x128xf32> -> vector<2000x128xf32>
    %add3A_17 = arith.addf %dot_general3A_8, %dot_general3A_16 : vector<2000x128xf32>
    %get3A_18 = arith.constant 0 : index
    %get3A_19 = arith.constant 0 : index
    %get3A_20 = vector.load %arg6[%get3A_18, %get3A_19] : memref<1x128xf32, #tpu.memory_space<vmem>>, vector<1x128xf32>
    %add3A_21 = vector.broadcast %get3A_20 : vector<1x128xf32> to vector<2000x128xf32>
    %add3A_22 = arith.addf %add3A_17, %add3A_21 : vector<2000x128xf32>
    %max3A = arith.constant 0.000000e+00 : f32
    %max3A_23 = vector.broadcast %max3A : f32 to vector<2000x128xf32>
    %max3A_24 = arith.maximumf %add3A_22, %max3A_23 : vector<2000x128xf32>
    %swap3A = arith.constant 0 : index
    %swap3A_25 = arith.constant 0 : index
    %swap3A_26 = vector.load %arg7[%swap3A, %swap3A_25] : memref<2000x128xf32, #tpu.memory_space<vmem>>, vector<2000x128xf32>
    tpu.vector_store %arg7[%swap3A, %swap3A_25], %max3A_24 {strides = array<i32>} : memref<2000x128xf32, #tpu.memory_space<vmem>>, vector<2000x128xf32>,
    return
  }
  func.func @transform_0(%arg0: i32) -> (i32, i32) {
    %c0_i32 = arith.constant 0 : i32
    %c0_i32_0 = arith.constant 0 : i32
    return %arg0, %c0_i32 : i32, i32
  }
  func.func @transform_1(%arg0: i32) -> (i32, i32) {
    %add3A = arith.constant 5 : i32
    %add3A_0 = arith.addi %arg0, %add3A : i32
    %c0_i32 = arith.constant 0 : i32
    %c0_i32_1 = arith.constant 0 : i32
    return %add3A_0, %c0_i32 : i32, i32
  }
  func.func @transform_2(%arg0: i32) -> (i32, i32) {
    %c0_i32 = arith.constant 0 : i32
    %c0_i32_0 = arith.constant 0 : i32
    return %arg0, %c0_i32 : i32, i32
  }
  func.func @transform_3(%arg0: i32) -> (i32, i32) {
    %c0_i32 = arith.constant 0 : i32
    %c0_i32_0 = arith.constant 0 : i32
    %c0_i32_1 = arith.constant 0 : i32
    return %c0_i32, %c0_i32_0 : i32, i32
  }
  func.func @transform_4(%arg0: i32) -> (i32, i32) {
    %c0_i32 = arith.constant 0 : i32
    %c0_i32_0 = arith.constant 0 : i32
    %c0_i32_1 = arith.constant 0 : i32
    return %c0_i32, %c0_i32_0 : i32, i32
  }
  func.func @transform_5(%arg0: i32) -> (i32, i32) {
    %c0_i32 = arith.constant 0 : i32
    %c0_i32_0 = arith.constant 0 : i32
    %c0_i32_1 = arith.constant 0 : i32
    return %c0_i32, %c0_i32_0 : i32, i32
  }
  func.func @transform_6(%arg0: i32) -> (i32, i32) {
    %c0_i32 = arith.constant 0 : i32
    %c0_i32_0 = arith.constant 0 : i32
    return %arg0, %c0_i32 : i32, i32
  }
}

module attributes {stable_mosaic.version = 14 : i64} {
  func.func @_mm_body(%arg0: i32, %arg1: memref<2000x128xf32, #tpu.memory_space<vmem>>, %arg2: memref<2000x128xf32, #tpu.memory_space<vmem>>, %arg3: memref<2000x128xf32, #tpu.memory_space<vmem>>, %arg4: memref<128x128xf32, #tpu.memory_space<vmem>>, %arg5: memref<128x128xf32, #tpu.memory_space<vmem>>, %arg6: memref<1x128xf32, #tpu.memory_space<vmem>>, %arg7: memref<2000x128xf32, #tpu.memory_space<vmem>>) attributes {dimension_semantics = [#tpu.dimension_semantics<arbitrary>], iteration_bounds = array<i64: 5>, scalar_prefetch = 0 : i64, scratch_operands = 0 : i64, tpu.core_type = #tpu.core_type<tc>, window_params = [{transform_indices = @transform_0, window_bounds = array<i64: 2000, 128>}, {transform_indices = @transform_1, window_bounds = array<i64: 2000, 128>}, {transform_indices = @transform_2, window_bounds = array<i64: 2000, 128>}, {pipeline_mode = #tpu.pipeline_mode<synchronous>, transform_indices = @transform_3, window_bounds = array<i64: 128, 128>}, {pipeline_mode = #tpu.pipeline_mode<synchronous>, transform_indices = @transform_4, window_bounds = array<i64: 128, 128>}, {pipeline_mode = #tpu.pipeline_mode<synchronous>, transform_indices = @transform_5, window_bounds = array<i64: 1, 128>}, {transform_indices = @transform_6, window_bounds = array<i64: 2000, 128>}]} {
    %get3A = arith.constant 0 : index
    %get3A_0 = arith.constant 0 : index
    %get3A_1 = vector.load %arg1[%get3A, %get3A_0] : memref<2000x128xf32, #tpu.memory_space<vmem>>, vector<2000x128xf32>
    %get3A_2 = arith.constant 0 : index
    %get3A_3 = arith.constant 0 : index
    %get3A_4 = vector.load %arg2[%get3A_2, %get3A_3] : memref<2000x128xf32, #tpu.memory_space<vmem>>, vector<2000x128xf32>
    %add3A = arith.addf %get3A_1, %get3A_4 : vector<2000x128xf32>
    %get3A_5 = arith.constant 0 : index
    %get3A_6 = arith.constant 0 : index
    %get3A_7 = vector.load %arg4[%get3A_5, %get3A_6] : memref<128x128xf32, #tpu.memory_space<vmem>>, vector<128x128xf32>
    %dot_general3A = arith.constant dense<0.000000e+00> : vector<2000x128xf32>
    %dot_general3A_8 = tpu.matmul %add3A, %get3A_7, %dot_general3A {dimension_numbers = #tpu.dot_dimension_numbers<[1], [0], [0], [1], [0, 0, 1, 1], [], []>, precision = #tpu.contract_precision<fp32>, transpose_lhs_hint = false} : vector<2000x128xf32>, vector<128x128xf32>, vector<2000x128xf32> -> vector<2000x128xf32>
    %get3A_9 = arith.constant 0 : index
    %get3A_10 = arith.constant 0 : index
    %get3A_11 = vector.load %arg3[%get3A_9, %get3A_10] : memref<2000x128xf32, #tpu.memory_space<vmem>>, vector<2000x128xf32>
    %get3A_12 = arith.constant 0 : index
    %get3A_13 = arith.constant 0 : index
    %get3A_14 = vector.load %arg5[%get3A_12, %get3A_13] : memref<128x128xf32, #tpu.memory_space<vmem>>, vector<128x128xf32>
    %dot_general3A_15 = arith.constant dense<0.000000e+00> : vector<2000x128xf32>
    %dot_general3A_16 = tpu.matmul %get3A_11, %get3A_14, %dot_general3A_15 {dimension_numbers = #tpu.dot_dimension_numbers<[1], [0], [0], [1], [0, 0, 1, 1], [], []>, precision = #tpu.contract_precision<fp32>, transpose_lhs_hint = false} : vector<2000x128xf32>, vector<128x128xf32>, vector<2000x128xf32> -> vector<2000x128xf32>
    %add3A_17 = arith.addf %dot_general3A_8, %dot_general3A_16 : vector<2000x128xf32>
    %get3A_18 = arith.constant 0 : index
    %get3A_19 = arith.constant 0 : index
    %get3A_20 = vector.load %arg6[%get3A_18, %get3A_19] : memref<1x128xf32, #tpu.memory_space<vmem>>, vector<1x128xf32>
    %add3A_21 = vector.broadcast %get3A_20 : vector<1x128xf32> to vector<2000x128xf32>
    %add3A_22 = arith.addf %add3A_17, %add3A_21 : vector<2000x128xf32>
    %swap3A = arith.constant 0 : index
    %swap3A_23 = arith.constant 0 : index
    %swap3A_24 = vector.load %arg7[%swap3A, %swap3A_23] : memref<2000x128xf32, #tpu.memory_space<vmem>>, vector<2000x128xf32>
    tpu.vector_store %arg7[%swap3A, %swap3A_23], %add3A_22 {strides = array<i32>} : memref<2000x128xf32, #tpu.memory_space<vmem>>, vector<2000x128xf32>,
    return
  }
  func.func @transform_0(%arg0: i32) -> (i32, i32) {
    %c0_i32 = arith.constant 0 : i32
    %c0_i32_0 = arith.constant 0 : i32
    return %arg0, %c0_i32 : i32, i32
  }
  func.func @transform_1(%arg0: i32) -> (i32, i32) {
    %add3A = arith.constant 5 : i32
    %add3A_0 = arith.addi %arg0, %add3A : i32
    %c0_i32 = arith.constant 0 : i32
    %c0_i32_1 = arith.constant 0 : i32
    return %add3A_0, %c0_i32 : i32, i32
  }
  func.func @transform_2(%arg0: i32) -> (i32, i32) {
    %c0_i32 = arith.constant 0 : i32
    %c0_i32_0 = arith.constant 0 : i32
    return %arg0, %c0_i32 : i32, i32
  }
  func.func @transform_3(%arg0: i32) -> (i32, i32) {
    %c0_i32 = arith.constant 0 : i32
    %c0_i32_0 = arith.constant 0 : i32
    %c0_i32_1 = arith.constant 0 : i32
    return %c0_i32, %c0_i32_0 : i32, i32
  }
  func.func @transform_4(%arg0: i32) -> (i32, i32) {
    %c0_i32 = arith.constant 0 : i32
    %c0_i32_0 = arith.constant 0 : i32
    %c0_i32_1 = arith.constant 0 : i32
    return %c0_i32, %c0_i32_0 : i32, i32
  }
  func.func @transform_5(%arg0: i32) -> (i32, i32) {
    %c0_i32 = arith.constant 0 : i32
    %c0_i32_0 = arith.constant 0 : i32
    %c0_i32_1 = arith.constant 0 : i32
    return %c0_i32, %c0_i32_0 : i32, i32
  }
  func.func @transform_6(%arg0: i32) -> (i32, i32) {
    %c0_i32 = arith.constant 0 : i32
    %c0_i32_0 = arith.constant 0 : i32
    return %arg0, %c0_i32 : i32, i32
  }
}

</mosaic_0001>

<sc_bundles>
// kernel: kernel.6.cloned.1.call-start
scs
__scs_entry_jumppad:
0x0: {  	(pc) =	sbr.rel $0x88, $3  }
0x1: {  	(tag) =	ssettag $0x0;
	lr =	simm.s32 $0x1  }
0x2: {  	[smem:$0x3F99] =	sst lr;
	_ =	strace $0xD0000000  }
0x3: {  	_ = 	snop  }
0x4: {  	_ = 	snop  }
0x5: {  	_ = 	snop  }
0x6: {  	_ = 	snop  }
0x7: {  	_ = 	snop  }
__scs_overlays_trampoline_lowered:
0x8: {  	[smem:$0x3FA8] =	sst s0  }
0x9: {  	[smem:$0x3FA9] =	sst s1  }
0xa: {  	[smem:$0x3FAA] =	sst s2  }
0xb: {  	[smem:$0x3FAB] =	sst s3  }
0xc: {  	[smem:$0x3FAC] =	sst s4  }
0xd: {  	[smem:$0x3FAD] =	sst s5  }
0xe: {  	[smem:$0x3FAE] =	sst s6  }
0xf: {  	[smem:$0x3FAF] =	sst s7  }
0x10: {  	[smem:$0x3FB0] =	sst s8  }
0x11: {  	[smem:$0x3FB1] =	sst s9;
	s0 =	simm.s32 @!p0 $0x0  }
0x12: {  	s1 =	sld [smem:$0x3F97];
	s0 =	simm.s32 @p0 $0x1  }
0x13: {  	[smem:$0x3FB2] =	sst s0;
	s0 =	simm.s32 @!p1 $0x0  }
0x14: {  	s2 =	sld [smem:$0x3F96];
	s0 =	simm.s32 @p1 $0x1  }
0x15: {  	[smem:$0x3FB3] =	sst s0;
	s0 =	simm.s32 @!p2 $0x0  }
0x16: {  	s3 =	sld [smem:$0x3FDB];
	s0 =	simm.s32 @p2 $0x1  }
0x17: {  	s4 =	simm.s32 $0x1BF5;
	[smem:$0x3FB5] =	sst s0  }
0x18: {  	s0 =	sld [smem:$0x3F98];
	_ =	swait.ge [sflag:s4], $0x0  }
0x19: {  	s7 =	sld [smem:$0x3F99]  }
0x1a: {  	s8 =	sadd.s32 $0xFFFFE003, lr  }
0x1b: {  	s9 =	sadd.s32 $0xFFFFFEF7, lr;
	s5 =	simm.s32 $0xFFFFFFFF;
	p2 =	slt.u32 s8, $0xFFFFF086  }
0x1c: {  	p1 =	slt.u32 s9, $0xF7A;
	s5 =	simm.s32 @!p2 $0x0  }
0x1d: {  	s5 =	simm.s32 @p1 $0x1;
	p0 =	seq.s32 s7, s2  }
0x1e: {  	s7 =	smul.u32 @!p0 $0xF7A, s2;
	p2 =	seq.s32 @!p0 s5, $0x0  }
0x1f: {  	s9 =	smul.u32 $0xF7A, s1;
	s8 =	simm.s32 @!p0 $0x1BF5;
	p2 =	por !p2, p0  }
0x20: {  	[sflag:s8] =	ssyncset.s32 @!p0 $0xFFFFF086;
	s6 =	sadd.s32 @!p0 s3, s7;
	s7 =	simm.s32 @!p0 $0x108  }
0x21: {  	s3 =	sadd.s32 s3, s9;
	s6 =	sadd.s32 @!p0 $0x88, s6;
	s7 =	simm.s32 @p2 $0x1082  }
0x22: {  	[simem:s7], [sflag:s8] =	dma.local @!p0 [hbm:s6], $0xF7A  }
0x23: {  	s9 =	sor.u32 $0xD0000000, s2;
	s6 =	simm.s32 $0x108;
	_ =	swait.ge @!p0 [sflag:s8], $0x0  }
0x24: {  	s3 =	sadd.s32 $0x88, s3;
	s6 =	simm.s32 @!p1 $0x1082;
	[sflag:s4] =	ssyncset.s32 $0xFFFFF086  }
0x25: {  	[simem:s6], [sflag:s4] =	dma.local [hbm:s3], $0xF7A  }
0x26: {  	[smem:$0x3F99] =	sst s1;
	(tag) =	ssettag s2;
	_ =	strace s9  }
0x27: {  	s1 =	sld [smem:$0x3FA9]  }
0x28: {  	s2 =	sld [smem:$0x3FAA]  }
0x29: {  	s4 =	sld [smem:$0x3FAC]  }
0x2a: {  	p0 =	seq.s32 s5, $0x0;
	s5 =	sld [smem:$0x3FAD]  }
0x2b: {  	s6 =	sld [smem:$0x3FAE]  }
0x2c: {  	s7 =	sld [smem:$0x3FAF]  }
0x2d: {  	s3 =	simm.s32 $0x108;
	s8 =	sld [smem:$0x3FB0]  }
0x2e: {  	s3 =	simm.s32 @!p0 $0x1082;
	s9 =	sld [smem:$0x3FB1]  }
0x2f: {  	lr =	sadd.s32 s0, s3;
	s0 =	sld [smem:$0x3FA8]  }
0x30: {  	s3 =	sld [smem:$0x3FAB]  }
0x31: {  	[smem:$0x3FB4] =	sst s10  }
0x32: {  	s10 =	sld [smem:$0x3FB2];
	_ =	sdelay $0x3  }
0x33: {  	p0 =	seq.s32 s10, $0x1;
	s10 =	sld [smem:$0x3FB4];
	_ =	sdelay $0x3  }
0x34: {  	[smem:$0x3FB4] =	sst s10  }
0x35: {  	s10 =	sld [smem:$0x3FB3];
	_ =	sdelay $0x3  }
0x36: {  	p1 =	seq.s32 s10, $0x1;
	s10 =	sld [smem:$0x3FB4];
	_ =	sdelay $0x3  }
0x37: {  	[smem:$0x3FB4] =	sst s10  }
0x38: {  	s10 =	sld [smem:$0x3FB5]  }
0x39: {  	_ = 	snop;
	(pc) =	sbr.ind lr, $3  }
0x3a: {  	_ = 	snop  }
0x3b: {  	_ = 	snop  }
0x3c: {  	p2 =	seq.s32 s10, $0x1;
	s10 =	sld [smem:$0x3FB4]  }
0x3d: {  	_ =	shalt  }
0x3e: {  	_ =	shalt  }
0x3f: {  	_ =	shalt  }
0x40: {  	_ =	shalt  }
0x41: {  	_ =	shalt  }
0x42: {  	_ =	shalt  }
0x43: {  	_ =	shalt  }
0x44: {  	_ =	shalt  }
0x45: {  	_ =	shalt  }
0x46: {  	_ =	shalt  }
0x47: {  	_ =	shalt  }
0x48: {  	_ =	shalt  }
0x49: {  	_ =	shalt  }
0x4a: {  	_ =	shalt  }
0x4b: {  	_ =	shalt  }
0x4c: {  	_ =	shalt  }
0x4d: {  	_ =	shalt  }
0x4e: {  	_ =	shalt  }
0x4f: {  	_ =	shalt  }
0x50: {  	_ =	shalt  }
0x51: {  	_ =	shalt  }
0x52: {  	_ =	shalt  }
0x53: {  	_ =	shalt  }
0x54: {  	_ =	shalt  }
0x55: {  	_ =	shalt  }
0x56: {  	_ =	shalt  }
0x57: {  	_ =	shalt  }
0x58: {  	_ =	shalt  }
0x59: {  	_ =	shalt  }
0x5a: {  	_ =	shalt  }
0x5b: {  	_ =	shalt  }
0x5c: {  	_ =	shalt  }
0x5d: {  	_ =	shalt  }
0x5e: {  	_ =	shalt  }
0x5f: {  	_ =	shalt  }
0x60: {  	_ =	shalt  }
0x61: {  	_ =	shalt  }
0x62: {  	_ =	shalt  }
0x63: {  	_ =	shalt  }
0x64: {  	_ =	shalt  }
0x65: {  	_ =	shalt  }
0x66: {  	_ =	shalt  }
0x67: {  	_ =	shalt  }
0x68: {  	_ =	shalt  }
0x69: {  	_ =	shalt  }
0x6a: {  	_ =	shalt  }
0x6b: {  	_ =	shalt  }
0x6c: {  	_ =	shalt  }
0x6d: {  	_ =	shalt  }
0x6e: {  	_ =	shalt  }
0x6f: {  	_ =	shalt  }
0x70: {  	_ =	shalt  }
0x71: {  	_ =	shalt  }
0x72: {  	_ =	shalt  }
0x73: {  	_ =	shalt  }
0x74: {  	_ =	shalt  }
0x75: {  	_ =	shalt  }
0x76: {  	_ =	shalt  }
0x77: {  	_ =	shalt  }
0x78: {  	_ =	shalt  }
0x79: {  	_ =	shalt  }
0x7a: {  	_ =	shalt  }
0x7b: {  	_ =	shalt  }
0x7c: {  	_ =	shalt  }
0x7d: {  	_ =	shalt  }
0x7e: {  	_ =	shalt  }
0x7f: {  	_ =	shalt  }
0x80: {  	_ =	shalt  }
0x81: {  	_ =	shalt  }
0x82: {  	_ =	shalt  }
0x83: {  	_ =	shalt  }
0x84: {  	_ =	shalt  }
0x85: {  	_ =	shalt  }
0x86: {  	_ =	shalt  }
0x87: {  	_ =	shalt  }
.Lfunc_end0:
.L_simem_size_0:
called_computation_lowered:
.L_overlay_start_0:
0x88: {  	s2 =	sld [smem:$0x3FD9]  }
0x89: {  	s3 =	sld [smem:$0x3FFE];
	_ =	sdelay $0x1  }
0x8a: {  	s1 =	srdreg.scid  }
0x8b: {  	s0 =	sand.u32 $0x1, s1  }
0x8c: {  	s17 =	sshll.u32 s0, $0xA;
	s2 =	sadd.s32 s3, s2  }
0x8d: {  	s2 =	sadd.s32 s2, s17  }
0x8e: {  	[smem:$0x3FC0] =	sst s2  }
0x8f: {  	_ = 	snop  }
0x90: {  	s2 =	sld [smem:$0x3FC9];
	(tm) =	ssettm $0x1  }
0x91: {  	s18 =	sld [smem:$0x3FFB];
	_ =	sdelay $0x3  }
0x92: {  	_ =	strace s18  }
0x93: {  	s3 =	sld [smem:$0x3FFC];
	_ =	sdelay $0x3  }
0x94: {  	_ =	strace s3  }
0x95: {  	s3 =	sld [smem:$0x3FFD];
	_ =	sdelay $0x3  }
0x96: {  	_ =	strace s3  }
0x97: {  	_ =	strace $0x8FFFFFFF  }
0x98: {  	s19 =	sld [smem:$0x3FDB];
	_ =	sdelay $0x1  }
0x99: {  	s4 =	simm.s32 $_scs_section_size  }
0x9a: {  	s5 =	simm.s32 $_size__tile_overlayer_lowered;
	s6 =	simm.s32 $_tile_overlayer_lowered  }
0x9b: {  	s22 =	simm.s32 $0x1BFF;
	s21 =	sshll.u32 s6, $0x1;
	s3 =	sadd.s32 s4, s19  }
0x9c: {  	s7 =	simm.s32 $0x0;
	s20 =	sshll.u32 s5, $0x1;
	s5 =	sadd.s32 s21, s3  }
0x9d: {  	[timem:s7], [sflag:s22] =	dma.local [hbm:s5], s20  }
0x9e: {  	_ =	swait.ge [sflag:s22], s20  }
0x9f: {  	s4 =	ssub.s32 $0x0, s20;
	[sflag:s22] =	ssyncset.done $0x0  }
0xa0: {  	[sflag:s22] =	ssyncadd.s32 s4;
	_ =	sdelay $0x1  }
0xa1: {  	s23 =	simm.s32 $0x1B8B  }
0xa2: {  	_ =	swait.ge [sflag:s23], $0x1  }
0xa3: {  	[sflag:s23] =	ssyncset.done $0x0  }
0xa4: {  	s25 =	simm.s32 $0x1B8E;
	s24 =	sld [smem:$0x3FFE];
	[sflag:s23] =	ssyncadd.s32 $0xFFFFFFFF  }
0xa5: {  	s26 =	simm.s32 $execute0_lowered;
	[smem:$0x3FD2] =	sst s25  }
0xa6: {  	s5 =	sshll.u32 s26, $0x1;
	_ =	strace $0x80000046;
	[dreg:$0x1] =	wrdreg $0xFFFFFFFF  }
0xa7: {  	s28 =	simm.s32 $_size_execute0_lowered;
	s3 =	sadd.s32 s3, s5;
	[dreg:$0x0] =	wrdreg $0x0  }
0xa8: {  	s5 =	sshll.u32 s28, $0x1;
	[dreg:$0x2] =	wrdreg s3  }
0xa9: {  	[dreg:$0x3] =	wrdreg s5  }
0xaa: {  	[dreg:$0x4] =	wrdreg $0xC0  }
0xab: {  	_ =	task [dreg:s7], $0x5FFFF  }
0xac: {  	[dreg:$0x1] =	wrdreg $0xFFFFFFFF  }
0xad: {  	[dreg:$0x0] =	wrdreg $0x60  }
0xae: {  	[dreg:$0x2] =	wrdreg s2  }
0xaf: {  	[dreg:$0x3] =	wrdreg s24  }
0xb0: {  	[dreg:$0x4] =	wrdreg $0x0  }
0xb1: {  	[dreg:$0x5] =	wrdreg $0x9  }
0xb2: {  	_ =	task.clear_ibuf [dreg:s7], $0x6FFFF;
	_ =	strace $0x90000046  }
0xb3: {  	s29 =	simm.s32 $0x9;
	_ =	strace $0x80000048  }
0xb4: {  	_ =	swait.ge [sflag:s29], $0x1  }
0xb5: {  	[sflag:s29] =	ssyncadd.s32 $0xFFFFFFFF  }
0xb6: {  	_ =	strace $0x90000048  }
0xb7: {  	_ =	sfence  }
0xb8: {  	s30 =	sld [smem:$0x0];
	_ =	sdelay $0x2  }
0xb9: {  	s31 =	sshll.u32 s1, $0xD;
	s1 =	sshrl.u32 s1, $0x2  }
0xba: {  	s3 =	sand.u32 $0x4000, s31;
	s1 =	sadd.s32 s1, s30  }
0xbb: {  	s0 =	sor.u32 s3, s0;
	s1 =	sshll.u32 s1, $0x11  }
0xbc: {  	s0 =	sor.u32 s1, s0  }
0xbd: {  	s0 =	sadd.s32 $0x8F2B, s0  }
0xbe: {  	[sflag:s0] =	ssyncadd.remote.s32 $0x1  }
0xbf: {  	_ =	sfence.sel $0xFFFF  }
0xc0: {  	[dreg:$0x0] =	wrdreg $0xFFFFFFFF;
	(pc) =	sbr.abs _section_cstart, $3  }
0xc1: {  	[dreg:$0x1] =	wrdreg $0xFFFFFFFF  }
0xc2: {  	_ =	task.clear_ibuf [dreg:s7], $0x2FFFF;
	_ =	strace $0x9FFFFFFF  }
0xc3: {  	(tm) =	ssettm $0x7FFFFFFF  }
tec
execute0_lowered:
.L_overlay_start_1:
0x0: {  	(tag) =	ssettag $0x1  }
0x1: {  	s1 =	rddreg [dreg:$0x0]  }
0x2: {  	s0 =	rddreg [dreg:$0x1]  }
0x3: {  	s2 =	rddreg [dreg:$0x2]  }
0x4: {  	s3 =	simm.s32 $0x0;
	s4 =	srdreg.scid;
	s12 =	stileid.u32  }
0x5: {  	[smem:$0x7FF] =	sst s3;
	s4 =	sand.u32 $0x1, s4;
	s21 =	smul.u32 $0x5A, s12  }
0x6: {  	s7 =	sadd.s32 $0x1C00, s0;
	s11 =	ssub.s32 $0x8C, s12;
	s5 =	smul.u32 $0x27100, s4  }
0x7: {  	s6 =	sshll.u32 s4, $0x4;
	_ =	strace $0x80000047;
	s8 =	ssub.s32 $0x2, s4  }
0x8: {  	s18 =	sshrl.u32 s11, $0x4;
	s4 =	smul.u32 $0x5A0, s4;
	s6 =	sor.u32 s12, s6  }
0x9: {  	s10 =	sshrl.u32 s8, $0x1;
	[dreg:$0xa] =	wrdreg s18;
	s9 =	smul.u32 $0xB40, s6  }
0xa: {  	s5 =	sadd.s32 s5, s0;
	s6 =	smul.u32 $0x5A00, s6;
	s8 =	ssub.s32 s8, s10  }
0xb: {  	s0 =	sadd.s32 $0x1C20, s0;
	s4 =	sadd.s32 s21, s4;
	s16 =	smax.u32 s8, $0x1  }
0xc: {  	s4 =	sshll.u32 s4, $0x5;
	s20 =	sadd.s32 s7, s9;
	[dreg:$0x17] =	wrdreg s16  }
0xd: {  	s9 =	sadd.s32 s9, s0;
	s0 =	sadd.s32 s0, s4;
	[dreg:$0xb] =	wrdreg s20  }
0xe: {  	[dreg:$0xc] =	wrdreg s9;
	s17 =	sadd.s32 $0x180, s0  }
0xf: {  	s6 =	sshrl.u32 s6, $0x3;
	s21 =	sadd.s32 $0x140, s0;
	[dreg:$0x5] =	wrdreg s17  }
0x10: {  	s6 =	sadd.s32 s7, s6;
	s0 =	sadd.s32 $0x100, s0;
	[dreg:$0x7] =	wrdreg s21  }
0x11: {  	s22 =	sadd.s32 $0x40, s6;
	[dreg:$0x9] =	wrdreg s0  }
0x12: {  	s23 =	sadd.s32 $0x60, s6;
	[dreg:$0xd] =	wrdreg s22  }
0x13: {  	s28 =	simm.s32 $0x5;
	s24 =	sadd.s32 $0x80, s6;
	[dreg:$0xe] =	wrdreg s23  }
0x14: {  	s29 =	simm.s32 $0x176C0;
	s25 =	sadd.s32 $0xA0, s6;
	[dreg:$0xf] =	wrdreg s24  }
0x15: {  	s30 =	simm.s32 $0x1AEC0;
	s26 =	sadd.s32 $0xC0, s6;
	[dreg:$0x10] =	wrdreg s25  }
0x16: {  	s31 =	simm.s32 $0xD;
	s10 =	sadd.s32 $0xE0, s6;
	[dreg:$0x11] =	wrdreg s26  }
0x17: {  	s19 =	smul.u32 $0xA000, s12;
	s11 =	sadd.s32 $0x100, s6;
	[dreg:$0x12] =	wrdreg s10  }
0x18: {  	s8 =	simm.s32 $0x2;
	s13 =	sadd.s32 $0xAE0, s6;
	[dreg:$0x13] =	wrdreg s11  }
0x19: {  	s16 =	simm.s32 $0x8;
	s14 =	sadd.s32 $0xB00, s6;
	[dreg:$0x14] =	wrdreg s13  }
0x1a: {  	s7 =	sadd.s32 s7, s4;
	s6 =	sadd.s32 $0xB20, s6;
	[dreg:$0x15] =	wrdreg s14  }
0x1b: {  	s9 =	simm.s32 $0x0;
	s15 =	sadd.s32 $0x1C0, s7;
	[dreg:$0x16] =	wrdreg s6  }
0x1c: {  	s20 =	sadd.s32 $0x180, s7;
	s21 =	simm.s32 $0x138C0;
	[dreg:$0x4] =	wrdreg s15  }
0x1d: {  	s0 =	simm.s32 $0x1;
	s17 =	simm.s32 $0xB;
	[dreg:$0x6] =	wrdreg s20  }
0x1e: {  	s22 =	smul.u32 $0x500, s12;
	s6 =	sshrl.u32 s19, $0x2;
	s23 =	sadd.s32 $0x140, s7  }
0x1f: {  	s19 =	simm.s32 $0x13940;
	s7 =	simm.s32 $0x6;
	s10 =	simm.s32 $0x13CC0  }
0x20: {  	s11 =	simm.s32 $0x7;
	s12 =	simm.s32 $0xA;
	s13 =	simm.s32 $0x3  }
0x21: {  	s15 =	simm.s32 $0x13DC0;
	s20 =	simm.s32 $0x9;
	[dreg:$0x8] =	wrdreg s23  }
0x22: {  	s25 =	sadd.s32 s6, s2;
	s23 =	simm.s32 $0x13AC0;
	s6 =	simm.s32 $0x13BC0  }
0x23: {  	s24 =	sadd.s32 s22, s5;
	[dreg:$0x18] =	wrdreg s25;
	s22 =	simm.s32 $0x139C0  }
0x24: {  	s25 =	simm.s32 $0x70;
	s5 =	simm.s32 $0xC;
	s26 =	sadd.s32 $0x18400, s24  }
0x25: {  	v0 =	vimm.f32 $0.0e+00;
	s24 =	simm.s32 $0x4;
	[dreg:$0x19] =	wrdreg s26;
	s26 =	simm.s32 $0x13EC0  }
.LBB2_1:
0x26: {  	[dreg:$0x1a] =	wrdreg s9  }
0x27: {  	s4 =	rddreg [dreg:$0xb]  }
0x28: {  	[tilespmem:s21], [sflag:$0x4] =	stream.linear.gather [hbm4b:s4+s3], $0x100, $0x38;
	[tilespmem:$0x1E6C0] =	vst v63  }
0x29: {  	s9 =	rddreg [dreg:$0xc]  }
0x2a: {  	[tilespmem:s22], [sflag:$0x5] =	stream.linear.gather [hbm4b:s9+s3], $0x100, $0x38;
	[tilespmem:$0x1E6C0] =	vst v63  }
0x2b: {  	s14 =	rddreg [dreg:$0xd]  }
0x2c: {  	[tilespmem:s23], [sflag:$0x6] =	stream.linear.gather [hbm4b:s14+s3], $0x100, $0x38;
	[tilespmem:$0x1E6C0] =	vst v63  }
0x2d: {  	_ =	swait.ge [sflag:s24], $0x100  }
0x2e: {  	[sflag:s24] =	ssyncset.done $0x0  }
0x2f: {  	[sflag:s24] =	ssyncadd.s32 $0xFFFFFF00  }
0x30: {  	[tilespmem:s26], [sflag:$0x1] =	stream.indirect.gather [hbm4b:s1+s25], $0x80, s21, s25, $0xb8;
	[tilespmem:$0x1E6C0] =	vst v63  }
0x31: {  	_ =	swait.ge [sflag:s28], $0x100  }
0x32: {  	[sflag:s28] =	ssyncset.done $0x0  }
0x33: {  	s9 =	simm.s32 $0x0;
	s14 =	simm.s32 $0x200;
	[sflag:s28] =	ssyncadd.s32 $0xFFFFFF00  }
0x34: {  	[tilespmem:s29], [sflag:$0x2] =	stream.indirect.gather [hbm4b:s1+s25], $0x80, s22, s25, $0xb8;
	[tilespmem:$0x1E6C0] =	vst v63  }
.LBB2_2:
0x35: {  	p0 =	seq.s32 s14, $0x9E00;
	[tilespmem:s9+$0x1AF30] =	vst v0  }
0x36: {  	[tilespmem:s9+$0x1AEC0] =	vst v0  }
0x37: {  	[tilespmem:s9+$0x1AED0] =	vst v0  }
.Ltmp0:
0x38: {  	[tilespmem:s9+$0x1AEE0] =	vst v0;
	(pc) =	sbr.rel @!p0 .LBB2_2-.Ltmp0, $4  }
0x39: {  	[tilespmem:s9+$0x1AEF0] =	vst v0  }
0x3a: {  	[tilespmem:s9+$0x1AF00] =	vst v0  }
0x3b: {  	[tilespmem:s9+$0x1AF10] =	vst v0  }
0x3c: {  	[tilespmem:s9+$0x1AF20] =	vst v0;
	s9 =	sshra.s32 s14, $0x2;
	s14 =	sadd.s32 $0x200, s14  }
0x3d: {  	[tilespmem:s9+$0x1AF30] =	vst v0  }
0x3e: {  	[tilespmem:s9+$0x1AEC0] =	vst v0  }
0x3f: {  	[tilespmem:s9+$0x1AED0] =	vst v0  }
0x40: {  	[tilespmem:s9+$0x1AEE0] =	vst v0  }
0x41: {  	[tilespmem:s9+$0x1AEF0] =	vst v0  }
0x42: {  	[tilespmem:s9+$0x1AF00] =	vst v0;
	p0 =	sne.s32 s18, $0x1  }
.Ltmp1:
0x43: {  	[tilespmem:s9+$0x1AF10] =	vst v0;
	(pc) =	sbr.rel @!p0 .LBB2_5-.Ltmp1, $4  }
0x44: {  	[tilespmem:s9+$0x1AF20] =	vst v0;
	s14 =	rddreg [dreg:$0x18]  }
0x45: {  	[spmem:s14] =	stream.linear.scatter [tilespmem:s30], [sflag:$0xD], $0x2800, $0x38;
	[tilespmem:$0x1E6C0] =	vst v63  }
0x46: {  	_ =	swait.ge [sflag:s31], $0x2800  }
0x47: {  	s9 =	sadd.s32 $0xFFFFFFFF, s18;
	[sflag:s31] =	ssyncset.done $0x0  }
.LBB2_4:
0x48: {  	p1 =	sne.s32 s9, $0x1;
	[sflag:s31] =	ssyncadd.s32 $0xFFFFD800;
	s14 =	sadd.s32 $0x28000, s14  }
.Ltmp2:
0x49: {  	s9 =	sadd.s32 $0xFFFFFFFF, s9;
	(pc) =	sbr.rel @p1 .LBB2_4-.Ltmp2, $4  }
0x4a: {  	_ = 	snop  }
0x4b: {  	[spmem:s14] =	stream.linear.scatter [tilespmem:s30], [sflag:$0xD], $0x2800, $0x38;
	[tilespmem:$0x1E6C0] =	vst v63  }
0x4c: {  	_ =	swait.ge [sflag:s31], $0x2800  }
0x4d: {  	[sflag:s31] =	ssyncset.done $0x0  }
.LBB2_5:
0x4e: {  	[sflag:s31] =	ssyncadd.s32 $0xFFFFD800  }
0x4f: {  	[bflag:$0x0] =	sbarrier.arrive $0xFFFF  }
0x50: {  	_ =	swait.ge [sflag:s0], $0x3800  }
0x51: {  	[sflag:s0] =	ssyncset.done $0x0  }
0x52: {  	[sflag:s0] =	ssyncadd.s32 $0xFFFFC800  }
0x53: {  	[spmem:s2] =	stream.indirect.scatter.add.f32 [tilespmem:s26], [sflag:$0xA], $0x80, s19, s25, $0xb8;
	[tilespmem:$0x1E6C0] =	vst v63  }
0x54: {  	s9 =	simm.s32 $0x0;
	s4 =	rddreg [dreg:$0xe]  }
0x55: {  	[tilespmem:s6], [sflag:$0x7] =	stream.linear.gather [hbm4b:s4+s9], $0x100, $0x38;
	[tilespmem:$0x1E6C0] =	vst v63  }
0x56: {  	_ =	swait.ge [sflag:s7], $0x100  }
0x57: {  	[sflag:s7] =	ssyncset.done $0x0  }
0x58: {  	[sflag:s7] =	ssyncadd.s32 $0xFFFFFF00  }
0x59: {  	[tilespmem:s30], [sflag:$0x3] =	stream.indirect.gather [hbm4b:s1+s25], $0x80, s23, s25, $0xb8;
	[tilespmem:$0x1E6C0] =	vst v63  }
0x5a: {  	_ =	swait.ge [sflag:s8], $0x3800  }
0x5b: {  	[sflag:s8] =	ssyncset.done $0x0  }
0x5c: {  	s18 =	simm.s32 $0x13A40;
	[sflag:s8] =	ssyncadd.s32 $0xFFFFC800  }
0x5d: {  	[spmem:s2] =	stream.indirect.scatter.add.f32 [tilespmem:s29], [sflag:$0xB], $0x80, s18, s25, $0xb8;
	[tilespmem:$0x1E6C0] =	vst v63  }
0x5e: {  	s14 =	rddreg [dreg:$0xf]  }
0x5f: {  	[tilespmem:s10], [sflag:$0x8] =	stream.linear.gather [hbm4b:s14+s9], $0x100, $0x38;
	[tilespmem:$0x1E6C0] =	vst v63  }
0x60: {  	_ =	swait.ge [sflag:s11], $0x100  }
0x61: {  	[sflag:s11] =	ssyncset.done $0x0  }
0x62: {  	[sflag:s11] =	ssyncadd.s32 $0xFFFFFF00  }
0x63: {  	_ =	swait.ge [sflag:s12], $0x3800  }
0x64: {  	[sflag:s12] =	ssyncset.done $0x0  }
0x65: {  	[sflag:s12] =	ssyncadd.s32 $0xFFFFC800  }
0x66: {  	[tilespmem:s26], [sflag:$0x1] =	stream.indirect.gather [hbm4b:s1+s25], $0x80, s6, s25, $0xb8;
	[tilespmem:$0x1E6C0] =	vst v63  }
0x67: {  	_ =	swait.ge [sflag:s13], $0x3800  }
0x68: {  	[sflag:s13] =	ssyncset.done $0x0  }
0x69: {  	s14 =	simm.s32 $0x13B40;
	[sflag:s13] =	ssyncadd.s32 $0xFFFFC800  }
0x6a: {  	[spmem:s2] =	stream.indirect.scatter.add.f32 [tilespmem:s30], [sflag:$0xC], $0x80, s14, s25, $0xb8;
	[tilespmem:$0x1E6C0] =	vst v63  }
0x6b: {  	s18 =	rddreg [dreg:$0x10]  }
0x6c: {  	[tilespmem:s15], [sflag:$0x9] =	stream.linear.gather [hbm4b:s18+s9], $0x100, $0x38;
	[tilespmem:$0x1E6C0] =	vst v63  }
0x6d: {  	_ =	swait.ge [sflag:s16], $0x100  }
0x6e: {  	[sflag:s16] =	ssyncset.done $0x0  }
0x6f: {  	[sflag:s16] =	ssyncadd.s32 $0xFFFFFF00  }
0x70: {  	_ =	swait.ge [sflag:s17], $0x3800  }
0x71: {  	[sflag:s17] =	ssyncset.done $0x0  }
0x72: {  	[sflag:s17] =	ssyncadd.s32 $0xFFFFC800  }
0x73: {  	[tilespmem:s29], [sflag:$0x2] =	stream.indirect.gather [hbm4b:s1+s25], $0x80, s10, s25, $0xb8;
	[tilespmem:$0x1E6C0] =	vst v63  }
0x74: {  	_ =	swait.ge [sflag:s0], $0x3800  }
0x75: {  	[sflag:s0] =	ssyncset.done $0x0  }
0x76: {  	s18 =	simm.s32 $0x13C40;
	[sflag:s0] =	ssyncadd.s32 $0xFFFFC800  }
0x77: {  	[spmem:s2] =	stream.indirect.scatter.add.f32 [tilespmem:s26], [sflag:$0xA], $0x80, s18, s25, $0xb8;
	[tilespmem:$0x1E6C0] =	vst v63  }
0x78: {  	s4 =	rddreg [dreg:$0x11]  }
0x79: {  	[tilespmem:s21], [sflag:$0x4] =	stream.linear.gather [hbm4b:s4+s9], $0x100, $0x38;
	[tilespmem:$0x1E6C0] =	vst v63  }
0x7a: {  	_ =	swait.ge [sflag:s20], $0x100  }
0x7b: {  	[sflag:s20] =	ssyncset.done $0x0  }
0x7c: {  	[sflag:s20] =	ssyncadd.s32 $0xFFFFFF00  }
0x7d: {  	_ =	swait.ge [sflag:s5], $0x3800  }
0x7e: {  	[sflag:s5] =	ssyncset.done $0x0  }
0x7f: {  	[sflag:s5] =	ssyncadd.s32 $0xFFFFC800  }
0x80: {  	[tilespmem:s30], [sflag:$0x3] =	stream.indirect.gather [hbm4b:s1+s25], $0x80, s15, s25, $0xb8;
	[tilespmem:$0x1E6C0] =	vst v63  }
0x81: {  	_ =	swait.ge [sflag:s8], $0x3800  }
0x82: {  	[sflag:s8] =	ssyncset.done $0x0  }
0x83: {  	s4 =	simm.s32 $0x13D40;
	[sflag:s8] =	ssyncadd.s32 $0xFFFFC800  }
0x84: {  	[spmem:s2] =	stream.indirect.scatter.add.f32 [tilespmem:s29], [sflag:$0xB], $0x80, s4, s25, $0xb8;
	[tilespmem:$0x1E6C0] =	vst v63  }
0x85: {  	s4 =	rddreg [dreg:$0x12]  }
0x86: {  	[tilespmem:s22], [sflag:$0x5] =	stream.linear.gather [hbm4b:s4+s9], $0x100, $0x38;
	[tilespmem:$0x1E6C0] =	vst v63  }
0x87: {  	_ =	swait.ge [sflag:s24], $0x100  }
0x88: {  	[sflag:s24] =	ssyncset.done $0x0  }
0x89: {  	[sflag:s24] =	ssyncadd.s32 $0xFFFFFF00  }
0x8a: {  	_ =	swait.ge [sflag:s12], $0x3800  }
0x8b: {  	[sflag:s12] =	ssyncset.done $0x0  }
0x8c: {  	[sflag:s12] =	ssyncadd.s32 $0xFFFFC800  }
0x8d: {  	[tilespmem:s26], [sflag:$0x1] =	stream.indirect.gather [hbm4b:s1+s25], $0x80, s21, s25, $0xb8;
	[tilespmem:$0x1E6C0] =	vst v63  }
0x8e: {  	_ =	swait.ge [sflag:s13], $0x3800  }
0x8f: {  	[sflag:s13] =	ssyncset.done $0x0  }
0x90: {  	s21 =	simm.s32 $0x13E40;
	[sflag:s13] =	ssyncadd.s32 $0xFFFFC800  }
0x91: {  	[spmem:s2] =	stream.indirect.scatter.add.f32 [tilespmem:s30], [sflag:$0xC], $0x80, s21, s25, $0xb8;
	[tilespmem:$0x1E6C0] =	vst v63  }
0x92: {  	s21 =	rddreg [dreg:$0x13]  }
0x93: {  	[tilespmem:s23], [sflag:$0x6] =	stream.linear.gather [hbm4b:s21+s9], $0x100, $0x38;
	[tilespmem:$0x1E6C0] =	vst v63  }
0x94: {  	_ =	swait.ge [sflag:s28], $0x100  }
0x95: {  	[sflag:s28] =	ssyncset.done $0x0  }
0x96: {  	[sflag:s28] =	ssyncadd.s32 $0xFFFFFF00  }
0x97: {  	_ =	swait.ge [sflag:s17], $0x3800  }
0x98: {  	[sflag:s17] =	ssyncset.done $0x0  }
0x99: {  	[sflag:s17] =	ssyncadd.s32 $0xFFFFC800  }
0x9a: {  	[tilespmem:s29], [sflag:$0x2] =	stream.indirect.gather [hbm4b:s1+s25], $0x80, s22, s25, $0xb8;
	[tilespmem:$0x1E6C0] =	vst v63  }
0x9b: {  	_ =	swait.ge [sflag:s0], $0x3800  }
0x9c: {  	[sflag:s0] =	ssyncset.done $0x0  }
0x9d: {  	s22 =	rddreg [dreg:$0x9];
	[sflag:s0] =	ssyncadd.s32 $0xFFFFC800  }
0x9e: {  	[spmem:s2] =	stream.indirect.scatter.add.f32 [tilespmem:s26], [sflag:$0xA], $0x80, s19, s25, $0xb8;
	[tilespmem:$0x1E6C0] =	vst v63  }
0x9f: {  	s9 =	sadd.s32 $0x0, s22  }
0xa0: {  	[tilespmem:s6], [sflag:$0x7] =	stream.linear.gather [hbm4b:s9+s3], $0x100, $0x38;
	[tilespmem:$0x1E6C0] =	vst v63  }
0xa1: {  	_ =	swait.ge [sflag:s7], $0x100  }
0xa2: {  	[sflag:s7] =	ssyncset.done $0x0  }
0xa3: {  	[sflag:s7] =	ssyncadd.s32 $0xFFFFFF00  }
0xa4: {  	_ =	swait.ge [sflag:s5], $0x3800  }
0xa5: {  	[sflag:s5] =	ssyncset.done $0x0  }
0xa6: {  	[sflag:s5] =	ssyncadd.s32 $0xFFFFC800  }
0xa7: {  	[tilespmem:s30], [sflag:$0x3] =	stream.indirect.gather [hbm4b:s1+s25], $0x80, s23, s25, $0xb8;
	[tilespmem:$0x1E6C0] =	vst v63  }
0xa8: {  	_ =	swait.ge [sflag:s8], $0x3800  }
0xa9: {  	[sflag:s8] =	ssyncset.done $0x0  }
0xaa: {  	s21 =	simm.s32 $0x13A40;
	s23 =	rddreg [dreg:$0x8];
	[sflag:s8] =	ssyncadd.s32 $0xFFFFC800  }
0xab: {  	[spmem:s2] =	stream.indirect.scatter.add.f32 [tilespmem:s29], [sflag:$0xB], $0x80, s21, s25, $0xb8;
	[tilespmem:$0x1E6C0] =	vst v63  }
0xac: {  	s9 =	sadd.s32 $0x0, s23  }
0xad: {  	[tilespmem:s10], [sflag:$0x8] =	stream.linear.gather [hbm4b:s9+s3], $0x100, $0x38;
	[tilespmem:$0x1E6C0] =	vst v63  }
0xae: {  	_ =	swait.ge [sflag:s11], $0x100  }
0xaf: {  	[sflag:s11] =	ssyncset.done $0x0  }
0xb0: {  	[sflag:s11] =	ssyncadd.s32 $0xFFFFFF00  }
0xb1: {  	_ =	swait.ge [sflag:s12], $0x3800  }
0xb2: {  	[sflag:s12] =	ssyncset.done $0x0  }
0xb3: {  	[sflag:s12] =	ssyncadd.s32 $0xFFFFC800  }
0xb4: {  	[tilespmem:s26], [sflag:$0x1] =	stream.indirect.gather [hbm4b:s1+s25], $0x80, s6, s25, $0xb8;
	[tilespmem:$0x1E6C0] =	vst v63  }
0xb5: {  	_ =	swait.ge [sflag:s13], $0x3800  }
0xb6: {  	[sflag:s13] =	ssyncset.done $0x0  }
0xb7: {  	s6 =	rddreg [dreg:$0x7];
	[sflag:s13] =	ssyncadd.s32 $0xFFFFC800  }
0xb8: {  	[spmem:s2] =	stream.indirect.scatter.add.f32 [tilespmem:s30], [sflag:$0xC], $0x80, s14, s25, $0xb8;
	[tilespmem:$0x1E6C0] =	vst v63  }
0xb9: {  	s9 =	sadd.s32 $0x0, s6  }
0xba: {  	[tilespmem:s15], [sflag:$0x9] =	stream.linear.gather [hbm4b:s9+s3], $0x100, $0x38;
	[tilespmem:$0x1E6C0] =	vst v63  }
0xbb: {  	_ =	swait.ge [sflag:s16], $0x100  }
0xbc: {  	[sflag:s16] =	ssyncset.done $0x0  }
0xbd: {  	[sflag:s16] =	ssyncadd.s32 $0xFFFFFF00  }
0xbe: {  	_ =	swait.ge [sflag:s17], $0x3800  }
0xbf: {  	[sflag:s17] =	ssyncset.done $0x0  }
0xc0: {  	[sflag:s17] =	ssyncadd.s32 $0xFFFFC800  }
0xc1: {  	[tilespmem:s29], [sflag:$0x2] =	stream.indirect.gather [hbm4b:s1+s25], $0x80, s10, s25, $0xb8;
	[tilespmem:$0x1E6C0] =	vst v63  }
0xc2: {  	_ =	swait.ge [sflag:s0], $0x3800  }
0xc3: {  	[sflag:s0] =	ssyncset.done $0x0  }
0xc4: {  	s14 =	rddreg [dreg:$0x6];
	[sflag:s0] =	ssyncadd.s32 $0xFFFFC800  }
0xc5: {  	[spmem:s2] =	stream.indirect.scatter.add.f32 [tilespmem:s26], [sflag:$0xA], $0x80, s18, s25, $0xb8;
	[tilespmem:$0x1E6C0] =	vst v63  }
0xc6: {  	s4 =	simm.s32 $0x138C0;
	s9 =	sadd.s32 $0x0, s14  }
0xc7: {  	[tilespmem:s4], [sflag:$0x4] =	stream.linear.gather [hbm4b:s9+s3], $0x100, $0x38;
	[tilespmem:$0x1E6C0] =	vst v63  }
0xc8: {  	_ =	swait.ge [sflag:s20], $0x100  }
0xc9: {  	[sflag:s20] =	ssyncset.done $0x0  }
0xca: {  	[sflag:s20] =	ssyncadd.s32 $0xFFFFFF00  }
0xcb: {  	_ =	swait.ge [sflag:s5], $0x3800  }
0xcc: {  	[sflag:s5] =	ssyncset.done $0x0  }
0xcd: {  	[sflag:s5] =	ssyncadd.s32 $0xFFFFC800  }
0xce: {  	[tilespmem:s30], [sflag:$0x3] =	stream.indirect.gather [hbm4b:s1+s25], $0x80, s15, s25, $0xb8;
	[tilespmem:$0x1E6C0] =	vst v63  }
0xcf: {  	_ =	swait.ge [sflag:s8], $0x3800  }
0xd0: {  	[sflag:s8] =	ssyncset.done $0x0  }
0xd1: {  	s15 =	simm.s32 $0x13D40;
	s22 =	rddreg [dreg:$0x5];
	[sflag:s8] =	ssyncadd.s32 $0xFFFFC800  }
0xd2: {  	[spmem:s2] =	stream.indirect.scatter.add.f32 [tilespmem:s29], [sflag:$0xB], $0x80, s15, s25, $0xb8;
	[tilespmem:$0x1E6C0] =	vst v63  }
0xd3: {  	s23 =	simm.s32 $0x139C0;
	s9 =	sadd.s32 $0x0, s22  }
0xd4: {  	[tilespmem:s23], [sflag:$0x5] =	stream.linear.gather [hbm4b:s9+s3], $0x100, $0x38;
	[tilespmem:$0x1E6C0] =	vst v63  }
0xd5: {  	_ =	swait.ge [sflag:s24], $0x100  }
0xd6: {  	[sflag:s24] =	ssyncset.done $0x0  }
0xd7: {  	[sflag:s24] =	ssyncadd.s32 $0xFFFFFF00  }
0xd8: {  	_ =	swait.ge [sflag:s12], $0x3800  }
0xd9: {  	[sflag:s12] =	ssyncset.done $0x0  }
0xda: {  	[sflag:s12] =	ssyncadd.s32 $0xFFFFC800  }
0xdb: {  	[tilespmem:s26], [sflag:$0x1] =	stream.indirect.gather [hbm4b:s1+s25], $0x80, s4, s25, $0xb8;
	[tilespmem:$0x1E6C0] =	vst v63  }
0xdc: {  	_ =	swait.ge [sflag:s13], $0x3800  }
0xdd: {  	[sflag:s13] =	ssyncset.done $0x0  }
0xde: {  	s22 =	simm.s32 $0x13E40;
	s18 =	rddreg [dreg:$0x4];
	[sflag:s13] =	ssyncadd.s32 $0xFFFFC800  }
0xdf: {  	[spmem:s2] =	stream.indirect.scatter.add.f32 [tilespmem:s30], [sflag:$0xC], $0x80, s22, s25, $0xb8;
	[tilespmem:$0x1E6C0] =	vst v63  }
0xe0: {  	s6 =	simm.s32 $0x13AC0;
	s9 =	sadd.s32 $0x0, s18  }
0xe1: {  	[tilespmem:s6], [sflag:$0x6] =	stream.linear.gather [hbm4b:s9+s3], $0x100, $0x38;
	[tilespmem:$0x1E6C0] =	vst v63  }
0xe2: {  	_ =	swait.ge [sflag:s28], $0x100  }
0xe3: {  	[sflag:s28] =	ssyncset.done $0x0  }
0xe4: {  	[sflag:s28] =	ssyncadd.s32 $0xFFFFFF00  }
0xe5: {  	_ =	swait.ge [sflag:s17], $0x3800  }
0xe6: {  	s21 =	simm.s32 $0x13CC0;
	[sflag:s17] =	ssyncset.done $0x0  }
0xe7: {  	s10 =	simm.s32 $0x13BC0;
	s9 =	simm.s32 $0xC0;
	[sflag:s17] =	ssyncadd.s32 $0xFFFFC800  }
.LBB2_6:
0xe8: {  	[tilespmem:s29], [sflag:$0x2] =	stream.indirect.gather [hbm4b:s1+s25], $0x80, s23, s25, $0xb8;
	[tilespmem:$0x1E6C0] =	vst v63  }
0xe9: {  	_ =	swait.ge [sflag:s0], $0x3800  }
0xea: {  	[sflag:s0] =	ssyncset.done $0x0  }
0xeb: {  	s14 =	smov.u32 s9;
	s18 =	rddreg [dreg:$0x9];
	[sflag:s0] =	ssyncadd.s32 $0xFFFFC800  }
0xec: {  	[spmem:s2] =	stream.indirect.scatter.add.f32 [tilespmem:s26], [sflag:$0xA], $0x80, s19, s25, $0xb8;
	[tilespmem:$0x1E6C0] =	vst v63  }
0xed: {  	s18 =	sadd.s32 s14, s18  }
0xee: {  	[tilespmem:s10], [sflag:$0x7] =	stream.linear.gather [hbm4b:s18+s3], $0x100, $0x38;
	[tilespmem:$0x1E6C0] =	vst v63  }
0xef: {  	_ =	swait.ge [sflag:s7], $0x100  }
0xf0: {  	[sflag:s7] =	ssyncset.done $0x0  }
0xf1: {  	[sflag:s7] =	ssyncadd.s32 $0xFFFFFF00  }
0xf2: {  	_ =	swait.ge [sflag:s5], $0x3800  }
0xf3: {  	[sflag:s5] =	ssyncset.done $0x0  }
0xf4: {  	[sflag:s5] =	ssyncadd.s32 $0xFFFFC800  }
0xf5: {  	[tilespmem:s30], [sflag:$0x3] =	stream.indirect.gather [hbm4b:s1+s25], $0x80, s6, s25, $0xb8;
	[tilespmem:$0x1E6C0] =	vst v63  }
0xf6: {  	_ =	swait.ge [sflag:s8], $0x3800  }
0xf7: {  	[sflag:s8] =	ssyncset.done $0x0  }
0xf8: {  	s15 =	simm.s32 $0x13A40;
	s22 =	rddreg [dreg:$0x8];
	[sflag:s8] =	ssyncadd.s32 $0xFFFFC800  }
0xf9: {  	[spmem:s2] =	stream.indirect.scatter.add.f32 [tilespmem:s29], [sflag:$0xB], $0x80, s15, s25, $0xb8;
	[tilespmem:$0x1E6C0] =	vst v63  }
0xfa: {  	s18 =	sadd.s32 s14, s22  }
0xfb: {  	[tilespmem:s21], [sflag:$0x8] =	stream.linear.gather [hbm4b:s18+s3], $0x100, $0x38;
	[tilespmem:$0x1E6C0] =	vst v63  }
0xfc: {  	_ =	swait.ge [sflag:s11], $0x100  }
0xfd: {  	[sflag:s11] =	ssyncset.done $0x0  }
0xfe: {  	[sflag:s11] =	ssyncadd.s32 $0xFFFFFF00  }
0xff: {  	_ =	swait.ge [sflag:s12], $0x3800  }
0x100: {  	[sflag:s12] =	ssyncset.done $0x0  }
0x101: {  	[sflag:s12] =	ssyncadd.s32 $0xFFFFC800  }
0x102: {  	[tilespmem:s26], [sflag:$0x1] =	stream.indirect.gather [hbm4b:s1+s25], $0x80, s10, s25, $0xb8;
	[tilespmem:$0x1E6C0] =	vst v63  }
0x103: {  	_ =	swait.ge [sflag:s13], $0x3800  }
0x104: {  	[sflag:s13] =	ssyncset.done $0x0  }
0x105: {  	s22 =	simm.s32 $0x13B40;
	s18 =	rddreg [dreg:$0x7];
	[sflag:s13] =	ssyncadd.s32 $0xFFFFC800  }
0x106: {  	[spmem:s2] =	stream.indirect.scatter.add.f32 [tilespmem:s30], [sflag:$0xC], $0x80, s22, s25, $0xb8;
	[tilespmem:$0x1E6C0] =	vst v63  }
0x107: {  	s15 =	simm.s32 $0x13DC0;
	s18 =	sadd.s32 s14, s18  }
0x108: {  	[tilespmem:s15], [sflag:$0x9] =	stream.linear.gather [hbm4b:s18+s3], $0x100, $0x38;
	[tilespmem:$0x1E6C0] =	vst v63  }
0x109: {  	_ =	swait.ge [sflag:s16], $0x100  }
0x10a: {  	[sflag:s16] =	ssyncset.done $0x0  }
0x10b: {  	[sflag:s16] =	ssyncadd.s32 $0xFFFFFF00  }
0x10c: {  	_ =	swait.ge [sflag:s17], $0x3800  }
0x10d: {  	[sflag:s17] =	ssyncset.done $0x0  }
0x10e: {  	[sflag:s17] =	ssyncadd.s32 $0xFFFFC800  }
0x10f: {  	[tilespmem:s29], [sflag:$0x2] =	stream.indirect.gather [hbm4b:s1+s25], $0x80, s21, s25, $0xb8;
	[tilespmem:$0x1E6C0] =	vst v63  }
0x110: {  	_ =	swait.ge [sflag:s0], $0x3800  }
0x111: {  	[sflag:s0] =	ssyncset.done $0x0  }
0x112: {  	s22 =	simm.s32 $0x13C40;
	s18 =	rddreg [dreg:$0x6];
	[sflag:s0] =	ssyncadd.s32 $0xFFFFC800  }
0x113: {  	[spmem:s2] =	stream.indirect.scatter.add.f32 [tilespmem:s26], [sflag:$0xA], $0x80, s22, s25, $0xb8;
	[tilespmem:$0x1E6C0] =	vst v63  }
0x114: {  	s18 =	sadd.s32 s14, s18  }
0x115: {  	[tilespmem:s4], [sflag:$0x4] =	stream.linear.gather [hbm4b:s18+s3], $0x100, $0x38;
	[tilespmem:$0x1E6C0] =	vst v63  }
0x116: {  	_ =	swait.ge [sflag:s20], $0x100  }
0x117: {  	[sflag:s20] =	ssyncset.done $0x0  }
0x118: {  	[sflag:s20] =	ssyncadd.s32 $0xFFFFFF00  }
0x119: {  	_ =	swait.ge [sflag:s5], $0x3800  }
0x11a: {  	[sflag:s5] =	ssyncset.done $0x0  }
0x11b: {  	[sflag:s5] =	ssyncadd.s32 $0xFFFFC800  }
0x11c: {  	[tilespmem:s30], [sflag:$0x3] =	stream.indirect.gather [hbm4b:s1+s25], $0x80, s15, s25, $0xb8;
	[tilespmem:$0x1E6C0] =	vst v63  }
0x11d: {  	_ =	swait.ge [sflag:s8], $0x3800  }
0x11e: {  	[sflag:s8] =	ssyncset.done $0x0  }
0x11f: {  	s22 =	simm.s32 $0x13D40;
	s18 =	rddreg [dreg:$0x5];
	[sflag:s8] =	ssyncadd.s32 $0xFFFFC800  }
0x120: {  	[spmem:s2] =	stream.indirect.scatter.add.f32 [tilespmem:s29], [sflag:$0xB], $0x80, s22, s25, $0xb8;
	[tilespmem:$0x1E6C0] =	vst v63  }
0x121: {  	s18 =	sadd.s32 s14, s18  }
0x122: {  	[tilespmem:s23], [sflag:$0x5] =	stream.linear.gather [hbm4b:s18+s3], $0x100, $0x38;
	[tilespmem:$0x1E6C0] =	vst v63  }
0x123: {  	_ =	swait.ge [sflag:s24], $0x100  }
0x124: {  	[sflag:s24] =	ssyncset.done $0x0  }
0x125: {  	[sflag:s24] =	ssyncadd.s32 $0xFFFFFF00  }
0x126: {  	_ =	swait.ge [sflag:s12], $0x3800  }
0x127: {  	[sflag:s12] =	ssyncset.done $0x0  }
0x128: {  	[sflag:s12] =	ssyncadd.s32 $0xFFFFC800  }
0x129: {  	[tilespmem:s26], [sflag:$0x1] =	stream.indirect.gather [hbm4b:s1+s25], $0x80, s4, s25, $0xb8;
	[tilespmem:$0x1E6C0] =	vst v63  }
0x12a: {  	_ =	swait.ge [sflag:s13], $0x3800  }
0x12b: {  	[sflag:s13] =	ssyncset.done $0x0  }
0x12c: {  	s22 =	simm.s32 $0x13E40;
	s18 =	rddreg [dreg:$0x4];
	[sflag:s13] =	ssyncadd.s32 $0xFFFFC800  }
0x12d: {  	[spmem:s2] =	stream.indirect.scatter.add.f32 [tilespmem:s30], [sflag:$0xC], $0x80, s22, s25, $0xb8;
	[tilespmem:$0x1E6C0] =	vst v63  }
0x12e: {  	s14 =	sadd.s32 s14, s18  }
0x12f: {  	[tilespmem:s6], [sflag:$0x6] =	stream.linear.gather [hbm4b:s14+s3], $0x100, $0x38;
	[tilespmem:$0x1E6C0] =	vst v63  }
0x130: {  	p1 =	sne.s32 s9, $0x900;
	_ =	swait.ge [sflag:s28], $0x100  }
.Ltmp3:
0x131: {  	[sflag:s28] =	ssyncset.done $0x0;
	(pc) =	sbr.rel @p1 .LBB2_6-.Ltmp3, $4  }
0x132: {  	[sflag:s28] =	ssyncadd.s32 $0xFFFFFF00  }
0x133: {  	_ =	swait.ge [sflag:s17], $0x3800  }
0x134: {  	[sflag:s17] =	ssyncset.done $0x0  }
0x135: {  	s9 =	sadd.s32 $0xC0, s9;
	[sflag:s17] =	ssyncadd.s32 $0xFFFFC800  }
0x136: {  	[tilespmem:s29], [sflag:$0x2] =	stream.indirect.gather [hbm4b:s1+s25], $0x80, s23, s25, $0xb8;
	[tilespmem:$0x1E6C0] =	vst v63  }
0x137: {  	_ =	swait.ge [sflag:s0], $0x3800  }
0x138: {  	[sflag:s0] =	ssyncset.done $0x0  }
0x139: {  	[sflag:s0] =	ssyncadd.s32 $0xFFFFC800  }
0x13a: {  	[spmem:s2] =	stream.indirect.scatter.add.f32 [tilespmem:s26], [sflag:$0xA], $0x80, s19, s25, $0xb8;
	[tilespmem:$0x1E6C0] =	vst v63  }
0x13b: {  	s4 =	rddreg [dreg:$0x14]  }
0x13c: {  	[tilespmem:s10], [sflag:$0x7] =	stream.linear.gather [hbm4b:s4+s3], $0x100, $0x38;
	[tilespmem:$0x1E6C0] =	vst v63  }
0x13d: {  	_ =	swait.ge [sflag:s7], $0x100  }
0x13e: {  	[sflag:s7] =	ssyncset.done $0x0  }
0x13f: {  	[sflag:s7] =	ssyncadd.s32 $0xFFFFFF00  }
0x140: {  	_ =	swait.ge [sflag:s5], $0x3800  }
0x141: {  	[sflag:s5] =	ssyncset.done $0x0  }
0x142: {  	[sflag:s5] =	ssyncadd.s32 $0xFFFFC800  }
0x143: {  	[tilespmem:s30], [sflag:$0x3] =	stream.indirect.gather [hbm4b:s1+s25], $0x80, s6, s25, $0xb8;
	[tilespmem:$0x1E6C0] =	vst v63  }
0x144: {  	_ =	swait.ge [sflag:s8], $0x3800  }
0x145: {  	[sflag:s8] =	ssyncset.done $0x0  }
0x146: {  	s9 =	simm.s32 $0x13A40;
	[sflag:s8] =	ssyncadd.s32 $0xFFFFC800  }
0x147: {  	[spmem:s2] =	stream.indirect.scatter.add.f32 [tilespmem:s29], [sflag:$0xB], $0x80, s9, s25, $0xb8;
	[tilespmem:$0x1E6C0] =	vst v63  }
0x148: {  	s6 =	rddreg [dreg:$0x15]  }
0x149: {  	[tilespmem:s21], [sflag:$0x8] =	stream.linear.gather [hbm4b:s6+s3], $0x100, $0x38;
	[tilespmem:$0x1E6C0] =	vst v63  }
0x14a: {  	_ =	swait.ge [sflag:s11], $0x100  }
0x14b: {  	[sflag:s11] =	ssyncset.done $0x0  }
0x14c: {  	[sflag:s11] =	ssyncadd.s32 $0xFFFFFF00  }
0x14d: {  	_ =	swait.ge [sflag:s12], $0x3800  }
0x14e: {  	[sflag:s12] =	ssyncset.done $0x0  }
0x14f: {  	[sflag:s12] =	ssyncadd.s32 $0xFFFFC800  }
0x150: {  	[tilespmem:s26], [sflag:$0x1] =	stream.indirect.gather [hbm4b:s1+s25], $0x80, s10, s25, $0xb8;
	[tilespmem:$0x1E6C0] =	vst v63  }
0x151: {  	_ =	swait.ge [sflag:s13], $0x3800  }
0x152: {  	[sflag:s13] =	ssyncset.done $0x0  }
0x153: {  	s9 =	simm.s32 $0x13B40;
	[sflag:s13] =	ssyncadd.s32 $0xFFFFC800  }
0x154: {  	[spmem:s2] =	stream.indirect.scatter.add.f32 [tilespmem:s30], [sflag:$0xC], $0x80, s9, s25, $0xb8;
	[tilespmem:$0x1E6C0] =	vst v63  }
0x155: {  	s10 =	rddreg [dreg:$0x16]  }
0x156: {  	[tilespmem:s15], [sflag:$0x9] =	stream.linear.gather [hbm4b:s10+s3], $0x100, $0x38;
	[tilespmem:$0x1E6C0] =	vst v63  }
0x157: {  	_ =	swait.ge [sflag:s16], $0x100  }
0x158: {  	[sflag:s16] =	ssyncset.done $0x0  }
0x159: {  	[sflag:s16] =	ssyncadd.s32 $0xFFFFFF00  }
0x15a: {  	_ =	swait.ge [sflag:s17], $0x3800  }
0x15b: {  	[sflag:s17] =	ssyncset.done $0x0  }
0x15c: {  	[sflag:s17] =	ssyncadd.s32 $0xFFFFC800  }
0x15d: {  	[tilespmem:s29], [sflag:$0x2] =	stream.indirect.gather [hbm4b:s1+s25], $0x80, s21, s25, $0xb8;
	[tilespmem:$0x1E6C0] =	vst v63  }
0x15e: {  	_ =	swait.ge [sflag:s0], $0x3800  }
0x15f: {  	[sflag:s0] =	ssyncset.done $0x0  }
0x160: {  	s14 =	simm.s32 $0x13C40;
	[sflag:s0] =	ssyncadd.s32 $0xFFFFC800  }
0x161: {  	[spmem:s2] =	stream.indirect.scatter.add.f32 [tilespmem:s26], [sflag:$0xA], $0x80, s14, s25, $0xb8;
	[tilespmem:$0x1E6C0] =	vst v63  }
0x162: {  	_ =	swait.ge [sflag:s20], $0x100  }
0x163: {  	[sflag:s20] =	ssyncset.done $0x0  }
0x164: {  	[sflag:s20] =	ssyncadd.s32 $0xFFFFFF00  }
0x165: {  	_ =	swait.ge [sflag:s5], $0x3800  }
0x166: {  	[sflag:s5] =	ssyncset.done $0x0  }
0x167: {  	[sflag:s5] =	ssyncadd.s32 $0xFFFFC800  }
0x168: {  	[tilespmem:s30], [sflag:$0x3] =	stream.indirect.gather [hbm4b:s1+s25], $0x80, s15, s25, $0xb8;
	[tilespmem:$0x1E6C0] =	vst v63  }
0x169: {  	_ =	swait.ge [sflag:s8], $0x3800  }
0x16a: {  	[sflag:s8] =	ssyncset.done $0x0  }
0x16b: {  	s18 =	simm.s32 $0x13D40;
	[sflag:s8] =	ssyncadd.s32 $0xFFFFC800  }
0x16c: {  	[spmem:s2] =	stream.indirect.scatter.add.f32 [tilespmem:s29], [sflag:$0xB], $0x80, s18, s25, $0xb8;
	[tilespmem:$0x1E6C0] =	vst v63  }
0x16d: {  	_ =	swait.ge [sflag:s12], $0x3800  }
0x16e: {  	[sflag:s12] =	ssyncset.done $0x0  }
0x16f: {  	[sflag:s12] =	ssyncadd.s32 $0xFFFFC800  }
0x170: {  	_ =	swait.ge [sflag:s13], $0x3800  }
0x171: {  	[sflag:s13] =	ssyncset.done $0x0  }
0x172: {  	s19 =	simm.s32 $0x13E40;
	[sflag:s13] =	ssyncadd.s32 $0xFFFFC800  }
0x173: {  	[spmem:s2] =	stream.indirect.scatter.add.f32 [tilespmem:s30], [sflag:$0xC], $0x80, s19, s25, $0xb8;
	[tilespmem:$0x1E6C0] =	vst v63  }
0x174: {  	_ =	swait.ge [sflag:s17], $0x3800  }
0x175: {  	[sflag:s17] =	ssyncset.done $0x0  }
0x176: {  	[sflag:s17] =	ssyncadd.s32 $0xFFFFC800  }
0x177: {  	_ =	swait.ge [sflag:s5], $0x3800  }
0x178: {  	[sflag:s5] =	ssyncset.done $0x0  }
0x179: {  	[sflag:s5] =	ssyncadd.s32 $0xFFFFC800  }
0x17a: {  	s21 =	stileid.u32;
	[bflag:$0x0] =	sbarrier.arrive $0xFFFF  }
.Ltmp4:
0x17b: {  	s22 =	sshll.u32 s21, $0x6;
	s23 =	rddreg [dreg:$0x18];
	(pc) =	sbr.rel @!p0 .LBB2_9-.Ltmp4, $4  }
0x17c: {  	s9 =	sor.u32 $0x1C01, s22;
	s19 =	rddreg [dreg:$0x19];
	s14 =	sshrl.u32 s23, $0x3  }
0x17d: {  	[hbm:s19], [sflag:s9] =	dma.local [spmem:s14], $0x500  }
0x17e: {  	s6 =	simm.s32 $0x13BC0;
	s10 =	simm.s32 $0x13CC0;
	s14 =	rddreg [dreg:$0xa]  }
0x17f: {  	s18 =	sadd.s32 $0x28000, s23;
	s23 =	simm.s32 $0x13AC0;
	s14 =	sadd.s32 $0xFFFFFFFF, s14  }
.LBB2_8:
0x180: {  	p1 =	sne.s32 s14, $0x1;
	s14 =	sadd.s32 $0xFFFFFFFF, s14  }
.Ltmp5:
0x181: {  	s4 =	sshrl.u32 s18, $0x3;
	s19 =	sadd.s32 $0x5000, s19;
	(pc) =	sbr.rel @p1 .LBB2_8-.Ltmp5, $3  }
0x182: {  	[hbm:s19], [sflag:s9] =	dma.local [spmem:s4], $0x500  }
0x183: {  	_ =	sdelay $0x1  }
0x184: {  	s18 =	sadd.s32 $0x28000, s18  }
.LBB2_9:
.Ltmp6:
0x185: {  	(pc) =	sbr.rel @!p0 .LBB2_11-.Ltmp6, $4  }
0x186: {  	_ = 	snop  }
0x187: {  	_ =	swait.ge [sflag:s0], $0x500  }
0x188: {  	s18 =	rddreg [dreg:$0xa]  }
0x189: {  	s21 =	simm.s32 $0x138C0;
	[sflag:s0] =	ssyncset.done $0x0;
	s9 =	sadd.s32 $0xFFFFFFFF, s18  }
.LBB2_10:
0x18a: {  	p0 =	sne.s32 s9, $0x1;
	s9 =	sadd.s32 $0xFFFFFFFF, s9;
	[sflag:s0] =	ssyncadd.s32 $0xFFFFFB00  }
.Ltmp7:
0x18b: {  	(pc) =	sbr.rel @p0 .LBB2_10-.Ltmp7, $3  }
0x18c: {  	_ =	sdelay $0x1  }
0x18d: {  	_ =	swait.ge [sflag:s0], $0x500  }
0x18e: {  	[sflag:s0] =	ssyncset.done $0x0  }
.LBB2_11:
0x18f: {  	s9 =	rddreg [dreg:$0x1a]  }
0x190: {  	s4 =	rddreg [dreg:$0x17];
	s9 =	sadd.s32 $0x1, s9  }
0x191: {  	p0 =	sne.s32 s9, s4  }
.Ltmp8:
0x192: {  	_ = 	snop;
	(pc) =	sbr.rel @p0 .LBB2_1-.Ltmp8, $2  }
0x193: {  	_ =	sdelay $0x2  }
0x194: {  	[sflag:s0] =	ssyncadd.s32 $0xFFFFFB00;
	s19 =	simm.s32 $0x13940;
	s22 =	simm.s32 $0x139C0  }
0x195: {  	_ =	sfence.sel $0x180000  }
0x196: {  	[bflag:$0x0] =	sbarrier.arrive $0xFFFF  }
0x197: {  	_ =	strace $0x90000047  }
0x198: {  	s0 =	stileid.u32;
	[bflag:$0x2] =	sbarrier.arrive $0xFFFF  }
0x199: {  	p0 =	sne.s32 s0, $0x0;
	s0 =	rddreg [dreg:$0x3]  }
0x19a: {  	s0 =	sadd.s32 @!p0 $0x100000, s0  }
0x19b: {  	[sflag:s0] =	ssyncadd.tile.s32 @!p0 $0x1;
	_ =	shalt  }
.Lfunc_end2:
_tile_overlayer_lowered:
.L_overlay_start_2:
0x19c: {  	(tag) =	ssettag $0x2  }
0x19d: {  	s0 =	rddreg [dreg:$0x0];
	s2 =	stileid.u32  }
0x19e: {  	s1 =	rddreg [dreg:$0x1];
	p0 =	sne.s32 s2, $0x0  }
0x19f: {  	s3 =	rddreg [dreg:$0x2];
	[bflag:$0x3] =	sbarrier.arrive $0xFFFF;
	s2 =	simm.s32 @!p0 $0x1C0D  }
0x1a0: {  	[timem:s3], [sflag:s2] =	dma.local @!p0 [hbm:s0], s1  }
0x1a1: {  	s0 =	simm.s32 @!p0 $0xD  }
0x1a2: {  	_ =	swait.ge @!p0 [sflag:s0], s1  }
0x1a3: {  	s1 =	ssub.s32 @!p0 $0x0, s1;
	[sflag:s0] =	ssyncset.done @!p0 $0x0  }
0x1a4: {  	[sflag:s0] =	ssyncadd.s32 @!p0 s1  }
0x1a5: {  	[bflag:$0x3] =	sbarrier.arrive $0xFFFF  }
0x1a6: {  	_ =	shalt  }

// kernel: kernel.9.cloned.1.call-start
scs
__scs_entry_jumppad:
0x0: {  	(pc) =	sbr.rel $0x88, $3  }
0x1: {  	(tag) =	ssettag $0x0;
	lr =	simm.s32 $0x1  }
0x2: {  	[smem:$0x3F99] =	sst lr;
	_ =	strace $0xD0000000  }
0x3: {  	_ = 	snop  }
0x4: {  	_ = 	snop  }
0x5: {  	_ = 	snop  }
0x6: {  	_ = 	snop  }
0x7: {  	_ = 	snop  }
__scs_overlays_trampoline_lowered:
0x8: {  	[smem:$0x3FA8] =	sst s0  }
0x9: {  	[smem:$0x3FA9] =	sst s1  }
0xa: {  	[smem:$0x3FAA] =	sst s2  }
0xb: {  	[smem:$0x3FAB] =	sst s3  }
0xc: {  	[smem:$0x3FAC] =	sst s4  }
0xd: {  	[smem:$0x3FAD] =	sst s5  }
0xe: {  	[smem:$0x3FAE] =	sst s6  }
0xf: {  	[smem:$0x3FAF] =	sst s7  }
0x10: {  	[smem:$0x3FB0] =	sst s8  }
0x11: {  	[smem:$0x3FB1] =	sst s9;
	s0 =	simm.s32 @!p0 $0x0  }
0x12: {  	s1 =	sld [smem:$0x3F97];
	s0 =	simm.s32 @p0 $0x1  }
0x13: {  	[smem:$0x3FB2] =	sst s0;
	s0 =	simm.s32 @!p1 $0x0  }
0x14: {  	s2 =	sld [smem:$0x3F96];
	s0 =	simm.s32 @p1 $0x1  }
0x15: {  	[smem:$0x3FB3] =	sst s0;
	s0 =	simm.s32 @!p2 $0x0  }
0x16: {  	s3 =	sld [smem:$0x3FDB];
	s0 =	simm.s32 @p2 $0x1  }
0x17: {  	s4 =	simm.s32 $0x1BF5;
	[smem:$0x3FB5] =	sst s0  }
0x18: {  	s0 =	sld [smem:$0x3F98];
	_ =	swait.ge [sflag:s4], $0x0  }
0x19: {  	s7 =	sld [smem:$0x3F99]  }
0x1a: {  	s8 =	sadd.s32 $0xFFFFE003, lr  }
0x1b: {  	s9 =	sadd.s32 $0xFFFFFEF7, lr;
	s5 =	simm.s32 $0xFFFFFFFF;
	p2 =	slt.u32 s8, $0xFFFFF086  }
0x1c: {  	p1 =	slt.u32 s9, $0xF7A;
	s5 =	simm.s32 @!p2 $0x0  }
0x1d: {  	s5 =	simm.s32 @p1 $0x1;
	p0 =	seq.s32 s7, s2  }
0x1e: {  	s7 =	smul.u32 @!p0 $0xF7A, s2;
	p2 =	seq.s32 @!p0 s5, $0x0  }
0x1f: {  	s9 =	smul.u32 $0xF7A, s1;
	s8 =	simm.s32 @!p0 $0x1BF5;
	p2 =	por !p2, p0  }
0x20: {  	[sflag:s8] =	ssyncset.s32 @!p0 $0xFFFFF086;
	s6 =	sadd.s32 @!p0 s3, s7;
	s7 =	simm.s32 @!p0 $0x108  }
0x21: {  	s3 =	sadd.s32 s3, s9;
	s6 =	sadd.s32 @!p0 $0x88, s6;
	s7 =	simm.s32 @p2 $0x1082  }
0x22: {  	[simem:s7], [sflag:s8] =	dma.local @!p0 [hbm:s6], $0xF7A  }
0x23: {  	s9 =	sor.u32 $0xD0000000, s2;
	s6 =	simm.s32 $0x108;
	_ =	swait.ge @!p0 [sflag:s8], $0x0  }
0x24: {  	s3 =	sadd.s32 $0x88, s3;
	s6 =	simm.s32 @!p1 $0x1082;
	[sflag:s4] =	ssyncset.s32 $0xFFFFF086  }
0x25: {  	[simem:s6], [sflag:s4] =	dma.local [hbm:s3], $0xF7A  }
0x26: {  	[smem:$0x3F99] =	sst s1;
	(tag) =	ssettag s2;
	_ =	strace s9  }
0x27: {  	s1 =	sld [smem:$0x3FA9]  }
0x28: {  	s2 =	sld [smem:$0x3FAA]  }
0x29: {  	s4 =	sld [smem:$0x3FAC]  }
0x2a: {  	p0 =	seq.s32 s5, $0x0;
	s5 =	sld [smem:$0x3FAD]  }
0x2b: {  	s6 =	sld [smem:$0x3FAE]  }
0x2c: {  	s7 =	sld [smem:$0x3FAF]  }
0x2d: {  	s3 =	simm.s32 $0x108;
	s8 =	sld [smem:$0x3FB0]  }
0x2e: {  	s3 =	simm.s32 @!p0 $0x1082;
	s9 =	sld [smem:$0x3FB1]  }
0x2f: {  	lr =	sadd.s32 s0, s3;
	s0 =	sld [smem:$0x3FA8]  }
0x30: {  	s3 =	sld [smem:$0x3FAB]  }
0x31: {  	[smem:$0x3FB4] =	sst s10  }
0x32: {  	s10 =	sld [smem:$0x3FB2];
	_ =	sdelay $0x3  }
0x33: {  	p0 =	seq.s32 s10, $0x1;
	s10 =	sld [smem:$0x3FB4];
	_ =	sdelay $0x3  }
0x34: {  	[smem:$0x3FB4] =	sst s10  }
0x35: {  	s10 =	sld [smem:$0x3FB3];
	_ =	sdelay $0x3  }
0x36: {  	p1 =	seq.s32 s10, $0x1;
	s10 =	sld [smem:$0x3FB4];
	_ =	sdelay $0x3  }
0x37: {  	[smem:$0x3FB4] =	sst s10  }
0x38: {  	s10 =	sld [smem:$0x3FB5]  }
0x39: {  	_ = 	snop;
	(pc) =	sbr.ind lr, $3  }
0x3a: {  	_ = 	snop  }
0x3b: {  	_ = 	snop  }
0x3c: {  	p2 =	seq.s32 s10, $0x1;
	s10 =	sld [smem:$0x3FB4]  }
0x3d: {  	_ =	shalt  }
0x3e: {  	_ =	shalt  }
0x3f: {  	_ =	shalt  }
0x40: {  	_ =	shalt  }
0x41: {  	_ =	shalt  }
0x42: {  	_ =	shalt  }
0x43: {  	_ =	shalt  }
0x44: {  	_ =	shalt  }
0x45: {  	_ =	shalt  }
0x46: {  	_ =	shalt  }
0x47: {  	_ =	shalt  }
0x48: {  	_ =	shalt  }
0x49: {  	_ =	shalt  }
0x4a: {  	_ =	shalt  }
0x4b: {  	_ =	shalt  }
0x4c: {  	_ =	shalt  }
0x4d: {  	_ =	shalt  }
0x4e: {  	_ =	shalt  }
0x4f: {  	_ =	shalt  }
0x50: {  	_ =	shalt  }
0x51: {  	_ =	shalt  }
0x52: {  	_ =	shalt  }
0x53: {  	_ =	shalt  }
0x54: {  	_ =	shalt  }
0x55: {  	_ =	shalt  }
0x56: {  	_ =	shalt  }
0x57: {  	_ =	shalt  }
0x58: {  	_ =	shalt  }
0x59: {  	_ =	shalt  }
0x5a: {  	_ =	shalt  }
0x5b: {  	_ =	shalt  }
0x5c: {  	_ =	shalt  }
0x5d: {  	_ =	shalt  }
0x5e: {  	_ =	shalt  }
0x5f: {  	_ =	shalt  }
0x60: {  	_ =	shalt  }
0x61: {  	_ =	shalt  }
0x62: {  	_ =	shalt  }
0x63: {  	_ =	shalt  }
0x64: {  	_ =	shalt  }
0x65: {  	_ =	shalt  }
0x66: {  	_ =	shalt  }
0x67: {  	_ =	shalt  }
0x68: {  	_ =	shalt  }
0x69: {  	_ =	shalt  }
0x6a: {  	_ =	shalt  }
0x6b: {  	_ =	shalt  }
0x6c: {  	_ =	shalt  }
0x6d: {  	_ =	shalt  }
0x6e: {  	_ =	shalt  }
0x6f: {  	_ =	shalt  }
0x70: {  	_ =	shalt  }
0x71: {  	_ =	shalt  }
0x72: {  	_ =	shalt  }
0x73: {  	_ =	shalt  }
0x74: {  	_ =	shalt  }
0x75: {  	_ =	shalt  }
0x76: {  	_ =	shalt  }
0x77: {  	_ =	shalt  }
0x78: {  	_ =	shalt  }
0x79: {  	_ =	shalt  }
0x7a: {  	_ =	shalt  }
0x7b: {  	_ =	shalt  }
0x7c: {  	_ =	shalt  }
0x7d: {  	_ =	shalt  }
0x7e: {  	_ =	shalt  }
0x7f: {  	_ =	shalt  }
0x80: {  	_ =	shalt  }
0x81: {  	_ =	shalt  }
0x82: {  	_ =	shalt  }
0x83: {  	_ =	shalt  }
0x84: {  	_ =	shalt  }
0x85: {  	_ =	shalt  }
0x86: {  	_ =	shalt  }
0x87: {  	_ =	shalt  }
.Lfunc_end0:
.L_simem_size_0:
called_computation.1_lowered:
.L_overlay_start_0:
0x88: {  	s2 =	sld [smem:$0x3FD9]  }
0x89: {  	s3 =	sld [smem:$0x3FFE];
	_ =	sdelay $0x1  }
0x8a: {  	s1 =	srdreg.scid  }
0x8b: {  	s0 =	sand.u32 $0x1, s1  }
0x8c: {  	s17 =	sshll.u32 s0, $0xA;
	s2 =	sadd.s32 s3, s2  }
0x8d: {  	s2 =	sadd.s32 s2, s17  }
0x8e: {  	[smem:$0x3FC0] =	sst s2  }
0x8f: {  	_ = 	snop  }
0x90: {  	s2 =	sld [smem:$0x3FD0];
	(tm) =	ssettm $0x1  }
0x91: {  	s18 =	sld [smem:$0x3FFB];
	_ =	sdelay $0x3  }
0x92: {  	_ =	strace s18  }
0x93: {  	s3 =	sld [smem:$0x3FFC];
	_ =	sdelay $0x3  }
0x94: {  	_ =	strace s3  }
0x95: {  	s3 =	sld [smem:$0x3FFD];
	_ =	sdelay $0x3  }
0x96: {  	_ =	strace s3  }
0x97: {  	_ =	strace $0x8FFFFFFF  }
0x98: {  	s19 =	sld [smem:$0x3FDB];
	_ =	sdelay $0x1  }
0x99: {  	s4 =	simm.s32 $_scs_section_size  }
0x9a: {  	s5 =	simm.s32 $_size__tile_overlayer_lowered;
	s6 =	simm.s32 $_tile_overlayer_lowered  }
0x9b: {  	s22 =	simm.s32 $0x1BFF;
	s21 =	sshll.u32 s6, $0x1;
	s3 =	sadd.s32 s4, s19  }
0x9c: {  	s7 =	simm.s32 $0x0;
	s20 =	sshll.u32 s5, $0x1;
	s5 =	sadd.s32 s21, s3  }
0x9d: {  	[timem:s7], [sflag:s22] =	dma.local [hbm:s5], s20  }
0x9e: {  	_ =	swait.ge [sflag:s22], s20  }
0x9f: {  	s4 =	ssub.s32 $0x0, s20;
	[sflag:s22] =	ssyncset.done $0x0  }
0xa0: {  	[sflag:s22] =	ssyncadd.s32 s4;
	_ =	sdelay $0x1  }
0xa1: {  	s23 =	simm.s32 $0x1B8B  }
0xa2: {  	_ =	swait.ge [sflag:s23], $0x1  }
0xa3: {  	[sflag:s23] =	ssyncset.done $0x0  }
0xa4: {  	s25 =	simm.s32 $0x1B8E;
	s24 =	sld [smem:$0x3FFE];
	[sflag:s23] =	ssyncadd.s32 $0xFFFFFFFF  }
0xa5: {  	s26 =	simm.s32 $execute0_lowered;
	[smem:$0x3FD2] =	sst s25  }
0xa6: {  	s5 =	sshll.u32 s26, $0x1;
	_ =	strace $0x80000049;
	[dreg:$0x1] =	wrdreg $0xFFFFFFFF  }
0xa7: {  	s28 =	simm.s32 $_size_execute0_lowered;
	s3 =	sadd.s32 s3, s5;
	[dreg:$0x0] =	wrdreg $0x0  }
0xa8: {  	s5 =	sshll.u32 s28, $0x1;
	[dreg:$0x2] =	wrdreg s3  }
0xa9: {  	[dreg:$0x3] =	wrdreg s5  }
0xaa: {  	[dreg:$0x4] =	wrdreg $0xC0  }
0xab: {  	_ =	task [dreg:s7], $0x5FFFF  }
0xac: {  	[dreg:$0x1] =	wrdreg $0xFFFFFFFF  }
0xad: {  	[dreg:$0x0] =	wrdreg $0x60  }
0xae: {  	[dreg:$0x2] =	wrdreg s2  }
0xaf: {  	[dreg:$0x3] =	wrdreg s24  }
0xb0: {  	[dreg:$0x4] =	wrdreg $0x0  }
0xb1: {  	[dreg:$0x5] =	wrdreg $0x9  }
0xb2: {  	_ =	task.clear_ibuf [dreg:s7], $0x6FFFF;
	_ =	strace $0x90000049  }
0xb3: {  	s29 =	simm.s32 $0x9;
	_ =	strace $0x8000004B  }
0xb4: {  	_ =	swait.ge [sflag:s29], $0x1  }
0xb5: {  	[sflag:s29] =	ssyncadd.s32 $0xFFFFFFFF  }
0xb6: {  	_ =	strace $0x9000004B  }
0xb7: {  	_ =	sfence  }
0xb8: {  	s30 =	sld [smem:$0x0];
	_ =	sdelay $0x2  }
0xb9: {  	s31 =	sshll.u32 s1, $0xD;
	s1 =	sshrl.u32 s1, $0x2  }
0xba: {  	s3 =	sand.u32 $0x4000, s31;
	s1 =	sadd.s32 s1, s30  }
0xbb: {  	s0 =	sor.u32 s3, s0;
	s1 =	sshll.u32 s1, $0x11  }
0xbc: {  	s0 =	sor.u32 s1, s0  }
0xbd: {  	s0 =	sadd.s32 $0x8F2B, s0  }
0xbe: {  	[sflag:s0] =	ssyncadd.remote.s32 $0x1  }
0xbf: {  	_ =	sfence.sel $0xFFFF  }
0xc0: {  	[dreg:$0x0] =	wrdreg $0xFFFFFFFF;
	(pc) =	sbr.abs _section_cstart, $3  }
0xc1: {  	[dreg:$0x1] =	wrdreg $0xFFFFFFFF  }
0xc2: {  	_ =	task.clear_ibuf [dreg:s7], $0x2FFFF;
	_ =	strace $0x9FFFFFFF  }
0xc3: {  	(tm) =	ssettm $0x7FFFFFFF  }
tec
execute0_lowered:
.L_overlay_start_1:
0x0: {  	(tag) =	ssettag $0x1  }
0x1: {  	s1 =	rddreg [dreg:$0x0]  }
0x2: {  	s0 =	rddreg [dreg:$0x1]  }
0x3: {  	s2 =	rddreg [dreg:$0x2]  }
0x4: {  	s3 =	simm.s32 $0x0;
	s4 =	srdreg.scid;
	s12 =	stileid.u32  }
0x5: {  	[smem:$0x7FF] =	sst s3;
	s4 =	sand.u32 $0x1, s4;
	s21 =	smul.u32 $0x5A, s12  }
0x6: {  	s7 =	sadd.s32 $0x1C00, s0;
	s11 =	ssub.s32 $0x8C, s12;
	s5 =	smul.u32 $0x27100, s4  }
0x7: {  	s6 =	sshll.u32 s4, $0x4;
	_ =	strace $0x8000004A;
	s8 =	ssub.s32 $0x2, s4  }
0x8: {  	s18 =	sshrl.u32 s11, $0x4;
	s4 =	smul.u32 $0x5A0, s4;
	s6 =	sor.u32 s12, s6  }
0x9: {  	s10 =	sshrl.u32 s8, $0x1;
	[dreg:$0xa] =	wrdreg s18;
	s9 =	smul.u32 $0xB40, s6  }
0xa: {  	s5 =	sadd.s32 s5, s0;
	s6 =	smul.u32 $0x5A00, s6;
	s8 =	ssub.s32 s8, s10  }
0xb: {  	s0 =	sadd.s32 $0x1C20, s0;
	s4 =	sadd.s32 s21, s4;
	s16 =	smax.u32 s8, $0x1  }
0xc: {  	s4 =	sshll.u32 s4, $0x5;
	s20 =	sadd.s32 s7, s9;
	[dreg:$0x17] =	wrdreg s16  }
0xd: {  	s9 =	sadd.s32 s9, s0;
	s0 =	sadd.s32 s0, s4;
	[dreg:$0xb] =	wrdreg s20  }
0xe: {  	[dreg:$0xc] =	wrdreg s9;
	s17 =	sadd.s32 $0x180, s0  }
0xf: {  	s6 =	sshrl.u32 s6, $0x3;
	s21 =	sadd.s32 $0x140, s0;
	[dreg:$0x5] =	wrdreg s17  }
0x10: {  	s6 =	sadd.s32 s7, s6;
	s0 =	sadd.s32 $0x100, s0;
	[dreg:$0x7] =	wrdreg s21  }
0x11: {  	s22 =	sadd.s32 $0x40, s6;
	[dreg:$0x9] =	wrdreg s0  }
0x12: {  	s23 =	sadd.s32 $0x60, s6;
	[dreg:$0xd] =	wrdreg s22  }
0x13: {  	s28 =	simm.s32 $0x5;
	s24 =	sadd.s32 $0x80, s6;
	[dreg:$0xe] =	wrdreg s23  }
0x14: {  	s29 =	simm.s32 $0x176C0;
	s25 =	sadd.s32 $0xA0, s6;
	[dreg:$0xf] =	wrdreg s24  }
0x15: {  	s30 =	simm.s32 $0x1AEC0;
	s26 =	sadd.s32 $0xC0, s6;
	[dreg:$0x10] =	wrdreg s25  }
0x16: {  	s31 =	simm.s32 $0xD;
	s10 =	sadd.s32 $0xE0, s6;
	[dreg:$0x11] =	wrdreg s26  }
0x17: {  	s19 =	smul.u32 $0xA000, s12;
	s11 =	sadd.s32 $0x100, s6;
	[dreg:$0x12] =	wrdreg s10  }
0x18: {  	s8 =	simm.s32 $0x2;
	s13 =	sadd.s32 $0xAE0, s6;
	[dreg:$0x13] =	wrdreg s11  }
0x19: {  	s16 =	simm.s32 $0x8;
	s14 =	sadd.s32 $0xB00, s6;
	[dreg:$0x14] =	wrdreg s13  }
0x1a: {  	s7 =	sadd.s32 s7, s4;
	s6 =	sadd.s32 $0xB20, s6;
	[dreg:$0x15] =	wrdreg s14  }
0x1b: {  	s9 =	simm.s32 $0x0;
	s15 =	sadd.s32 $0x1C0, s7;
	[dreg:$0x16] =	wrdreg s6  }
0x1c: {  	s20 =	sadd.s32 $0x180, s7;
	s21 =	simm.s32 $0x138C0;
	[dreg:$0x4] =	wrdreg s15  }
0x1d: {  	s0 =	simm.s32 $0x1;
	s17 =	simm.s32 $0xB;
	[dreg:$0x6] =	wrdreg s20  }
0x1e: {  	s22 =	smul.u32 $0x500, s12;
	s6 =	sshrl.u32 s19, $0x2;
	s23 =	sadd.s32 $0x140, s7  }
0x1f: {  	s19 =	simm.s32 $0x13940;
	s7 =	simm.s32 $0x6;
	s10 =	simm.s32 $0x13CC0  }
0x20: {  	s11 =	simm.s32 $0x7;
	s12 =	simm.s32 $0xA;
	s13 =	simm.s32 $0x3  }
0x21: {  	s15 =	simm.s32 $0x13DC0;
	s20 =	simm.s32 $0x9;
	[dreg:$0x8] =	wrdreg s23  }
0x22: {  	s25 =	sadd.s32 s6, s2;
	s23 =	simm.s32 $0x13AC0;
	s6 =	simm.s32 $0x13BC0  }
0x23: {  	s24 =	sadd.s32 s22, s5;
	[dreg:$0x18] =	wrdreg s25;
	s22 =	simm.s32 $0x139C0  }
0x24: {  	s25 =	simm.s32 $0x70;
	s5 =	simm.s32 $0xC;
	s26 =	sadd.s32 $0x18400, s24  }
0x25: {  	v0 =	vimm.f32 $0.0e+00;
	s24 =	simm.s32 $0x4;
	[dreg:$0x19] =	wrdreg s26;
	s26 =	simm.s32 $0x13EC0  }
.LBB2_1:
0x26: {  	[dreg:$0x1a] =	wrdreg s9  }
0x27: {  	s4 =	rddreg [dreg:$0xb]  }
0x28: {  	[tilespmem:s21], [sflag:$0x4] =	stream.linear.gather [hbm4b:s4+s3], $0x100, $0x38;
	[tilespmem:$0x1E6C0] =	vst v63  }
0x29: {  	s9 =	rddreg [dreg:$0xc]  }
0x2a: {  	[tilespmem:s22], [sflag:$0x5] =	stream.linear.gather [hbm4b:s9+s3], $0x100, $0x38;
	[tilespmem:$0x1E6C0] =	vst v63  }
0x2b: {  	s14 =	rddreg [dreg:$0xd]  }
0x2c: {  	[tilespmem:s23], [sflag:$0x6] =	stream.linear.gather [hbm4b:s14+s3], $0x100, $0x38;
	[tilespmem:$0x1E6C0] =	vst v63  }
0x2d: {  	_ =	swait.ge [sflag:s24], $0x100  }
0x2e: {  	[sflag:s24] =	ssyncset.done $0x0  }
0x2f: {  	[sflag:s24] =	ssyncadd.s32 $0xFFFFFF00  }
0x30: {  	[tilespmem:s26], [sflag:$0x1] =	stream.indirect.gather [hbm4b:s1+s25], $0x80, s21, s25, $0xb8;
	[tilespmem:$0x1E6C0] =	vst v63  }
0x31: {  	_ =	swait.ge [sflag:s28], $0x100  }
0x32: {  	[sflag:s28] =	ssyncset.done $0x0  }
0x33: {  	s9 =	simm.s32 $0x0;
	s14 =	simm.s32 $0x200;
	[sflag:s28] =	ssyncadd.s32 $0xFFFFFF00  }
0x34: {  	[tilespmem:s29], [sflag:$0x2] =	stream.indirect.gather [hbm4b:s1+s25], $0x80, s22, s25, $0xb8;
	[tilespmem:$0x1E6C0] =	vst v63  }
.LBB2_2:
0x35: {  	p0 =	seq.s32 s14, $0x9E00;
	[tilespmem:s9+$0x1AF30] =	vst v0  }
0x36: {  	[tilespmem:s9+$0x1AEC0] =	vst v0  }
0x37: {  	[tilespmem:s9+$0x1AED0] =	vst v0  }
.Ltmp0:
0x38: {  	[tilespmem:s9+$0x1AEE0] =	vst v0;
	(pc) =	sbr.rel @!p0 .LBB2_2-.Ltmp0, $4  }
0x39: {  	[tilespmem:s9+$0x1AEF0] =	vst v0  }
0x3a: {  	[tilespmem:s9+$0x1AF00] =	vst v0  }
0x3b: {  	[tilespmem:s9+$0x1AF10] =	vst v0  }
0x3c: {  	[tilespmem:s9+$0x1AF20] =	vst v0;
	s9 =	sshra.s32 s14, $0x2;
	s14 =	sadd.s32 $0x200, s14  }
0x3d: {  	[tilespmem:s9+$0x1AF30] =	vst v0  }
0x3e: {  	[tilespmem:s9+$0x1AEC0] =	vst v0  }
0x3f: {  	[tilespmem:s9+$0x1AED0] =	vst v0  }
0x40: {  	[tilespmem:s9+$0x1AEE0] =	vst v0  }
0x41: {  	[tilespmem:s9+$0x1AEF0] =	vst v0  }
0x42: {  	[tilespmem:s9+$0x1AF00] =	vst v0;
	p0 =	sne.s32 s18, $0x1  }
.Ltmp1:
0x43: {  	[tilespmem:s9+$0x1AF10] =	vst v0;
	(pc) =	sbr.rel @!p0 .LBB2_5-.Ltmp1, $4  }
0x44: {  	[tilespmem:s9+$0x1AF20] =	vst v0;
	s14 =	rddreg [dreg:$0x18]  }
0x45: {  	[spmem:s14] =	stream.linear.scatter [tilespmem:s30], [sflag:$0xD], $0x2800, $0x38;
	[tilespmem:$0x1E6C0] =	vst v63  }
0x46: {  	_ =	swait.ge [sflag:s31], $0x2800  }
0x47: {  	s9 =	sadd.s32 $0xFFFFFFFF, s18;
	[sflag:s31] =	ssyncset.done $0x0  }
.LBB2_4:
0x48: {  	p1 =	sne.s32 s9, $0x1;
	[sflag:s31] =	ssyncadd.s32 $0xFFFFD800;
	s14 =	sadd.s32 $0x28000, s14  }
.Ltmp2:
0x49: {  	s9 =	sadd.s32 $0xFFFFFFFF, s9;
	(pc) =	sbr.rel @p1 .LBB2_4-.Ltmp2, $4  }
0x4a: {  	_ = 	snop  }
0x4b: {  	[spmem:s14] =	stream.linear.scatter [tilespmem:s30], [sflag:$0xD], $0x2800, $0x38;
	[tilespmem:$0x1E6C0] =	vst v63  }
0x4c: {  	_ =	swait.ge [sflag:s31], $0x2800  }
0x4d: {  	[sflag:s31] =	ssyncset.done $0x0  }
.LBB2_5:
0x4e: {  	[sflag:s31] =	ssyncadd.s32 $0xFFFFD800  }
0x4f: {  	[bflag:$0x0] =	sbarrier.arrive $0xFFFF  }
0x50: {  	_ =	swait.ge [sflag:s0], $0x3800  }
0x51: {  	[sflag:s0] =	ssyncset.done $0x0  }
0x52: {  	[sflag:s0] =	ssyncadd.s32 $0xFFFFC800  }
0x53: {  	[spmem:s2] =	stream.indirect.scatter.add.f32 [tilespmem:s26], [sflag:$0xA], $0x80, s19, s25, $0xb8;
	[tilespmem:$0x1E6C0] =	vst v63  }
0x54: {  	s9 =	simm.s32 $0x0;
	s4 =	rddreg [dreg:$0xe]  }
0x55: {  	[tilespmem:s6], [sflag:$0x7] =	stream.linear.gather [hbm4b:s4+s9], $0x100, $0x38;
	[tilespmem:$0x1E6C0] =	vst v63  }
0x56: {  	_ =	swait.ge [sflag:s7], $0x100  }
0x57: {  	[sflag:s7] =	ssyncset.done $0x0  }
0x58: {  	[sflag:s7] =	ssyncadd.s32 $0xFFFFFF00  }
0x59: {  	[tilespmem:s30], [sflag:$0x3] =	stream.indirect.gather [hbm4b:s1+s25], $0x80, s23, s25, $0xb8;
	[tilespmem:$0x1E6C0] =	vst v63  }
0x5a: {  	_ =	swait.ge [sflag:s8], $0x3800  }
0x5b: {  	[sflag:s8] =	ssyncset.done $0x0  }
0x5c: {  	s18 =	simm.s32 $0x13A40;
	[sflag:s8] =	ssyncadd.s32 $0xFFFFC800  }
0x5d: {  	[spmem:s2] =	stream.indirect.scatter.add.f32 [tilespmem:s29], [sflag:$0xB], $0x80, s18, s25, $0xb8;
	[tilespmem:$0x1E6C0] =	vst v63  }
0x5e: {  	s14 =	rddreg [dreg:$0xf]  }
0x5f: {  	[tilespmem:s10], [sflag:$0x8] =	stream.linear.gather [hbm4b:s14+s9], $0x100, $0x38;
	[tilespmem:$0x1E6C0] =	vst v63  }
0x60: {  	_ =	swait.ge [sflag:s11], $0x100  }
0x61: {  	[sflag:s11] =	ssyncset.done $0x0  }
0x62: {  	[sflag:s11] =	ssyncadd.s32 $0xFFFFFF00  }
0x63: {  	_ =	swait.ge [sflag:s12], $0x3800  }
0x64: {  	[sflag:s12] =	ssyncset.done $0x0  }
0x65: {  	[sflag:s12] =	ssyncadd.s32 $0xFFFFC800  }
0x66: {  	[tilespmem:s26], [sflag:$0x1] =	stream.indirect.gather [hbm4b:s1+s25], $0x80, s6, s25, $0xb8;
	[tilespmem:$0x1E6C0] =	vst v63  }
0x67: {  	_ =	swait.ge [sflag:s13], $0x3800  }
0x68: {  	[sflag:s13] =	ssyncset.done $0x0  }
0x69: {  	s14 =	simm.s32 $0x13B40;
	[sflag:s13] =	ssyncadd.s32 $0xFFFFC800  }
0x6a: {  	[spmem:s2] =	stream.indirect.scatter.add.f32 [tilespmem:s30], [sflag:$0xC], $0x80, s14, s25, $0xb8;
	[tilespmem:$0x1E6C0] =	vst v63  }
0x6b: {  	s18 =	rddreg [dreg:$0x10]  }
0x6c: {  	[tilespmem:s15], [sflag:$0x9] =	stream.linear.gather [hbm4b:s18+s9], $0x100, $0x38;
	[tilespmem:$0x1E6C0] =	vst v63  }
0x6d: {  	_ =	swait.ge [sflag:s16], $0x100  }
0x6e: {  	[sflag:s16] =	ssyncset.done $0x0  }
0x6f: {  	[sflag:s16] =	ssyncadd.s32 $0xFFFFFF00  }
0x70: {  	_ =	swait.ge [sflag:s17], $0x3800  }
0x71: {  	[sflag:s17] =	ssyncset.done $0x0  }
0x72: {  	[sflag:s17] =	ssyncadd.s32 $0xFFFFC800  }
0x73: {  	[tilespmem:s29], [sflag:$0x2] =	stream.indirect.gather [hbm4b:s1+s25], $0x80, s10, s25, $0xb8;
	[tilespmem:$0x1E6C0] =	vst v63  }
0x74: {  	_ =	swait.ge [sflag:s0], $0x3800  }
0x75: {  	[sflag:s0] =	ssyncset.done $0x0  }
0x76: {  	s18 =	simm.s32 $0x13C40;
	[sflag:s0] =	ssyncadd.s32 $0xFFFFC800  }
0x77: {  	[spmem:s2] =	stream.indirect.scatter.add.f32 [tilespmem:s26], [sflag:$0xA], $0x80, s18, s25, $0xb8;
	[tilespmem:$0x1E6C0] =	vst v63  }
0x78: {  	s4 =	rddreg [dreg:$0x11]  }
0x79: {  	[tilespmem:s21], [sflag:$0x4] =	stream.linear.gather [hbm4b:s4+s9], $0x100, $0x38;
	[tilespmem:$0x1E6C0] =	vst v63  }
0x7a: {  	_ =	swait.ge [sflag:s20], $0x100  }
0x7b: {  	[sflag:s20] =	ssyncset.done $0x0  }
0x7c: {  	[sflag:s20] =	ssyncadd.s32 $0xFFFFFF00  }
0x7d: {  	_ =	swait.ge [sflag:s5], $0x3800  }
0x7e: {  	[sflag:s5] =	ssyncset.done $0x0  }
0x7f: {  	[sflag:s5] =	ssyncadd.s32 $0xFFFFC800  }
0x80: {  	[tilespmem:s30], [sflag:$0x3] =	stream.indirect.gather [hbm4b:s1+s25], $0x80, s15, s25, $0xb8;
	[tilespmem:$0x1E6C0] =	vst v63  }
0x81: {  	_ =	swait.ge [sflag:s8], $0x3800  }
0x82: {  	[sflag:s8] =	ssyncset.done $0x0  }
0x83: {  	s4 =	simm.s32 $0x13D40;
	[sflag:s8] =	ssyncadd.s32 $0xFFFFC800  }
0x84: {  	[spmem:s2] =	stream.indirect.scatter.add.f32 [tilespmem:s29], [sflag:$0xB], $0x80, s4, s25, $0xb8;
	[tilespmem:$0x1E6C0] =	vst v63  }
0x85: {  	s4 =	rddreg [dreg:$0x12]  }
0x86: {  	[tilespmem:s22], [sflag:$0x5] =	stream.linear.gather [hbm4b:s4+s9], $0x100, $0x38;
	[tilespmem:$0x1E6C0] =	vst v63  }
0x87: {  	_ =	swait.ge [sflag:s24], $0x100  }
0x88: {  	[sflag:s24] =	ssyncset.done $0x0  }
0x89: {  	[sflag:s24] =	ssyncadd.s32 $0xFFFFFF00  }
0x8a: {  	_ =	swait.ge [sflag:s12], $0x3800  }
0x8b: {  	[sflag:s12] =	ssyncset.done $0x0  }
0x8c: {  	[sflag:s12] =	ssyncadd.s32 $0xFFFFC800  }
0x8d: {  	[tilespmem:s26], [sflag:$0x1] =	stream.indirect.gather [hbm4b:s1+s25], $0x80, s21, s25, $0xb8;
	[tilespmem:$0x1E6C0] =	vst v63  }
0x8e: {  	_ =	swait.ge [sflag:s13], $0x3800  }
0x8f: {  	[sflag:s13] =	ssyncset.done $0x0  }
0x90: {  	s21 =	simm.s32 $0x13E40;
	[sflag:s13] =	ssyncadd.s32 $0xFFFFC800  }
0x91: {  	[spmem:s2] =	stream.indirect.scatter.add.f32 [tilespmem:s30], [sflag:$0xC], $0x80, s21, s25, $0xb8;
	[tilespmem:$0x1E6C0] =	vst v63  }
0x92: {  	s21 =	rddreg [dreg:$0x13]  }
0x93: {  	[tilespmem:s23], [sflag:$0x6] =	stream.linear.gather [hbm4b:s21+s9], $0x100, $0x38;
	[tilespmem:$0x1E6C0] =	vst v63  }
0x94: {  	_ =	swait.ge [sflag:s28], $0x100  }
0x95: {  	[sflag:s28] =	ssyncset.done $0x0  }
0x96: {  	[sflag:s28] =	ssyncadd.s32 $0xFFFFFF00  }
0x97: {  	_ =	swait.ge [sflag:s17], $0x3800  }
0x98: {  	[sflag:s17] =	ssyncset.done $0x0  }
0x99: {  	[sflag:s17] =	ssyncadd.s32 $0xFFFFC800  }
0x9a: {  	[tilespmem:s29], [sflag:$0x2] =	stream.indirect.gather [hbm4b:s1+s25], $0x80, s22, s25, $0xb8;
	[tilespmem:$0x1E6C0] =	vst v63  }
0x9b: {  	_ =	swait.ge [sflag:s0], $0x3800  }
0x9c: {  	[sflag:s0] =	ssyncset.done $0x0  }
0x9d: {  	s22 =	rddreg [dreg:$0x9];
	[sflag:s0] =	ssyncadd.s32 $0xFFFFC800  }
0x9e: {  	[spmem:s2] =	stream.indirect.scatter.add.f32 [tilespmem:s26], [sflag:$0xA], $0x80, s19, s25, $0xb8;
	[tilespmem:$0x1E6C0] =	vst v63  }
0x9f: {  	s9 =	sadd.s32 $0x0, s22  }
0xa0: {  	[tilespmem:s6], [sflag:$0x7] =	stream.linear.gather [hbm4b:s9+s3], $0x100, $0x38;
	[tilespmem:$0x1E6C0] =	vst v63  }
0xa1: {  	_ =	swait.ge [sflag:s7], $0x100  }
0xa2: {  	[sflag:s7] =	ssyncset.done $0x0  }
0xa3: {  	[sflag:s7] =	ssyncadd.s32 $0xFFFFFF00  }
0xa4: {  	_ =	swait.ge [sflag:s5], $0x3800  }
0xa5: {  	[sflag:s5] =	ssyncset.done $0x0  }
0xa6: {  	[sflag:s5] =	ssyncadd.s32 $0xFFFFC800  }
0xa7: {  	[tilespmem:s30], [sflag:$0x3] =	stream.indirect.gather [hbm4b:s1+s25], $0x80, s23, s25, $0xb8;
	[tilespmem:$0x1E6C0] =	vst v63  }
0xa8: {  	_ =	swait.ge [sflag:s8], $0x3800  }
0xa9: {  	[sflag:s8] =	ssyncset.done $0x0  }
0xaa: {  	s21 =	simm.s32 $0x13A40;
	s23 =	rddreg [dreg:$0x8];
	[sflag:s8] =	ssyncadd.s32 $0xFFFFC800  }
0xab: {  	[spmem:s2] =	stream.indirect.scatter.add.f32 [tilespmem:s29], [sflag:$0xB], $0x80, s21, s25, $0xb8;
	[tilespmem:$0x1E6C0] =	vst v63  }
0xac: {  	s9 =	sadd.s32 $0x0, s23  }
0xad: {  	[tilespmem:s10], [sflag:$0x8] =	stream.linear.gather [hbm4b:s9+s3], $0x100, $0x38;
	[tilespmem:$0x1E6C0] =	vst v63  }
0xae: {  	_ =	swait.ge [sflag:s11], $0x100  }
0xaf: {  	[sflag:s11] =	ssyncset.done $0x0  }
0xb0: {  	[sflag:s11] =	ssyncadd.s32 $0xFFFFFF00  }
0xb1: {  	_ =	swait.ge [sflag:s12], $0x3800  }
0xb2: {  	[sflag:s12] =	ssyncset.done $0x0  }
0xb3: {  	[sflag:s12] =	ssyncadd.s32 $0xFFFFC800  }
0xb4: {  	[tilespmem:s26], [sflag:$0x1] =	stream.indirect.gather [hbm4b:s1+s25], $0x80, s6, s25, $0xb8;
	[tilespmem:$0x1E6C0] =	vst v63  }
0xb5: {  	_ =	swait.ge [sflag:s13], $0x3800  }
0xb6: {  	[sflag:s13] =	ssyncset.done $0x0  }
0xb7: {  	s6 =	rddreg [dreg:$0x7];
	[sflag:s13] =	ssyncadd.s32 $0xFFFFC800  }
0xb8: {  	[spmem:s2] =	stream.indirect.scatter.add.f32 [tilespmem:s30], [sflag:$0xC], $0x80, s14, s25, $0xb8;
	[tilespmem:$0x1E6C0] =	vst v63  }
0xb9: {  	s9 =	sadd.s32 $0x0, s6  }
0xba: {  	[tilespmem:s15], [sflag:$0x9] =	stream.linear.gather [hbm4b:s9+s3], $0x100, $0x38;
	[tilespmem:$0x1E6C0] =	vst v63  }
0xbb: {  	_ =	swait.ge [sflag:s16], $0x100  }
0xbc: {  	[sflag:s16] =	ssyncset.done $0x0  }
0xbd: {  	[sflag:s16] =	ssyncadd.s32 $0xFFFFFF00  }
0xbe: {  	_ =	swait.ge [sflag:s17], $0x3800  }
0xbf: {  	[sflag:s17] =	ssyncset.done $0x0  }
0xc0: {  	[sflag:s17] =	ssyncadd.s32 $0xFFFFC800  }
0xc1: {  	[tilespmem:s29], [sflag:$0x2] =	stream.indirect.gather [hbm4b:s1+s25], $0x80, s10, s25, $0xb8;
	[tilespmem:$0x1E6C0] =	vst v63  }
0xc2: {  	_ =	swait.ge [sflag:s0], $0x3800  }
0xc3: {  	[sflag:s0] =	ssyncset.done $0x0  }
0xc4: {  	s14 =	rddreg [dreg:$0x6];
	[sflag:s0] =	ssyncadd.s32 $0xFFFFC800  }
0xc5: {  	[spmem:s2] =	stream.indirect.scatter.add.f32 [tilespmem:s26], [sflag:$0xA], $0x80, s18, s25, $0xb8;
	[tilespmem:$0x1E6C0] =	vst v63  }
0xc6: {  	s4 =	simm.s32 $0x138C0;
	s9 =	sadd.s32 $0x0, s14  }
0xc7: {  	[tilespmem:s4], [sflag:$0x4] =	stream.linear.gather [hbm4b:s9+s3], $0x100, $0x38;
	[tilespmem:$0x1E6C0] =	vst v63  }
0xc8: {  	_ =	swait.ge [sflag:s20], $0x100  }
0xc9: {  	[sflag:s20] =	ssyncset.done $0x0  }
0xca: {  	[sflag:s20] =	ssyncadd.s32 $0xFFFFFF00  }
0xcb: {  	_ =	swait.ge [sflag:s5], $0x3800  }
0xcc: {  	[sflag:s5] =	ssyncset.done $0x0  }
0xcd: {  	[sflag:s5] =	ssyncadd.s32 $0xFFFFC800  }
0xce: {  	[tilespmem:s30], [sflag:$0x3] =	stream.indirect.gather [hbm4b:s1+s25], $0x80, s15, s25, $0xb8;
	[tilespmem:$0x1E6C0] =	vst v63  }
0xcf: {  	_ =	swait.ge [sflag:s8], $0x3800  }
0xd0: {  	[sflag:s8] =	ssyncset.done $0x0  }
0xd1: {  	s15 =	simm.s32 $0x13D40;
	s22 =	rddreg [dreg:$0x5];
	[sflag:s8] =	ssyncadd.s32 $0xFFFFC800  }
0xd2: {  	[spmem:s2] =	stream.indirect.scatter.add.f32 [tilespmem:s29], [sflag:$0xB], $0x80, s15, s25, $0xb8;
	[tilespmem:$0x1E6C0] =	vst v63  }
0xd3: {  	s23 =	simm.s32 $0x139C0;
	s9 =	sadd.s32 $0x0, s22  }
0xd4: {  	[tilespmem:s23], [sflag:$0x5] =	stream.linear.gather [hbm4b:s9+s3], $0x100, $0x38;
	[tilespmem:$0x1E6C0] =	vst v63  }
0xd5: {  	_ =	swait.ge [sflag:s24], $0x100  }
0xd6: {  	[sflag:s24] =	ssyncset.done $0x0  }
0xd7: {  	[sflag:s24] =	ssyncadd.s32 $0xFFFFFF00  }
0xd8: {  	_ =	swait.ge [sflag:s12], $0x3800  }
0xd9: {  	[sflag:s12] =	ssyncset.done $0x0  }
0xda: {  	[sflag:s12] =	ssyncadd.s32 $0xFFFFC800  }
0xdb: {  	[tilespmem:s26], [sflag:$0x1] =	stream.indirect.gather [hbm4b:s1+s25], $0x80, s4, s25, $0xb8;
	[tilespmem:$0x1E6C0] =	vst v63  }
0xdc: {  	_ =	swait.ge [sflag:s13], $0x3800  }
0xdd: {  	[sflag:s13] =	ssyncset.done $0x0  }
0xde: {  	s22 =	simm.s32 $0x13E40;
	s18 =	rddreg [dreg:$0x4];
	[sflag:s13] =	ssyncadd.s32 $0xFFFFC800  }
0xdf: {  	[spmem:s2] =	stream.indirect.scatter.add.f32 [tilespmem:s30], [sflag:$0xC], $0x80, s22, s25, $0xb8;
	[tilespmem:$0x1E6C0] =	vst v63  }
0xe0: {  	s6 =	simm.s32 $0x13AC0;
	s9 =	sadd.s32 $0x0, s18  }
0xe1: {  	[tilespmem:s6], [sflag:$0x6] =	stream.linear.gather [hbm4b:s9+s3], $0x100, $0x38;
	[tilespmem:$0x1E6C0] =	vst v63  }
0xe2: {  	_ =	swait.ge [sflag:s28], $0x100  }
0xe3: {  	[sflag:s28] =	ssyncset.done $0x0  }
0xe4: {  	[sflag:s28] =	ssyncadd.s32 $0xFFFFFF00  }
0xe5: {  	_ =	swait.ge [sflag:s17], $0x3800  }
0xe6: {  	s21 =	simm.s32 $0x13CC0;
	[sflag:s17] =	ssyncset.done $0x0  }
0xe7: {  	s10 =	simm.s32 $0x13BC0;
	s9 =	simm.s32 $0xC0;
	[sflag:s17] =	ssyncadd.s32 $0xFFFFC800  }
.LBB2_6:
0xe8: {  	[tilespmem:s29], [sflag:$0x2] =	stream.indirect.gather [hbm4b:s1+s25], $0x80, s23, s25, $0xb8;
	[tilespmem:$0x1E6C0] =	vst v63  }
0xe9: {  	_ =	swait.ge [sflag:s0], $0x3800  }
0xea: {  	[sflag:s0] =	ssyncset.done $0x0  }
0xeb: {  	s14 =	smov.u32 s9;
	s18 =	rddreg [dreg:$0x9];
	[sflag:s0] =	ssyncadd.s32 $0xFFFFC800  }
0xec: {  	[spmem:s2] =	stream.indirect.scatter.add.f32 [tilespmem:s26], [sflag:$0xA], $0x80, s19, s25, $0xb8;
	[tilespmem:$0x1E6C0] =	vst v63  }
0xed: {  	s18 =	sadd.s32 s14, s18  }
0xee: {  	[tilespmem:s10], [sflag:$0x7] =	stream.linear.gather [hbm4b:s18+s3], $0x100, $0x38;
	[tilespmem:$0x1E6C0] =	vst v63  }
0xef: {  	_ =	swait.ge [sflag:s7], $0x100  }
0xf0: {  	[sflag:s7] =	ssyncset.done $0x0  }
0xf1: {  	[sflag:s7] =	ssyncadd.s32 $0xFFFFFF00  }
0xf2: {  	_ =	swait.ge [sflag:s5], $0x3800  }
0xf3: {  	[sflag:s5] =	ssyncset.done $0x0  }
0xf4: {  	[sflag:s5] =	ssyncadd.s32 $0xFFFFC800  }
0xf5: {  	[tilespmem:s30], [sflag:$0x3] =	stream.indirect.gather [hbm4b:s1+s25], $0x80, s6, s25, $0xb8;
	[tilespmem:$0x1E6C0] =	vst v63  }
0xf6: {  	_ =	swait.ge [sflag:s8], $0x3800  }
0xf7: {  	[sflag:s8] =	ssyncset.done $0x0  }
0xf8: {  	s15 =	simm.s32 $0x13A40;
	s22 =	rddreg [dreg:$0x8];
	[sflag:s8] =	ssyncadd.s32 $0xFFFFC800  }
0xf9: {  	[spmem:s2] =	stream.indirect.scatter.add.f32 [tilespmem:s29], [sflag:$0xB], $0x80, s15, s25, $0xb8;
	[tilespmem:$0x1E6C0] =	vst v63  }
0xfa: {  	s18 =	sadd.s32 s14, s22  }
0xfb: {  	[tilespmem:s21], [sflag:$0x8] =	stream.linear.gather [hbm4b:s18+s3], $0x100, $0x38;
	[tilespmem:$0x1E6C0] =	vst v63  }
0xfc: {  	_ =	swait.ge [sflag:s11], $0x100  }
0xfd: {  	[sflag:s11] =	ssyncset.done $0x0  }
0xfe: {  	[sflag:s11] =	ssyncadd.s32 $0xFFFFFF00  }
0xff: {  	_ =	swait.ge [sflag:s12], $0x3800  }
0x100: {  	[sflag:s12] =	ssyncset.done $0x0  }
0x101: {  	[sflag:s12] =	ssyncadd.s32 $0xFFFFC800  }
0x102: {  	[tilespmem:s26], [sflag:$0x1] =	stream.indirect.gather [hbm4b:s1+s25], $0x80, s10, s25, $0xb8;
	[tilespmem:$0x1E6C0] =	vst v63  }
0x103: {  	_ =	swait.ge [sflag:s13], $0x3800  }
0x104: {  	[sflag:s13] =	ssyncset.done $0x0  }
0x105: {  	s22 =	simm.s32 $0x13B40;
	s18 =	rddreg [dreg:$0x7];
	[sflag:s13] =	ssyncadd.s32 $0xFFFFC800  }
0x106: {  	[spmem:s2] =	stream.indirect.scatter.add.f32 [tilespmem:s30], [sflag:$0xC], $0x80, s22, s25, $0xb8;
	[tilespmem:$0x1E6C0] =	vst v63  }
0x107: {  	s15 =	simm.s32 $0x13DC0;
	s18 =	sadd.s32 s14, s18  }
0x108: {  	[tilespmem:s15], [sflag:$0x9] =	stream.linear.gather [hbm4b:s18+s3], $0x100, $0x38;
	[tilespmem:$0x1E6C0] =	vst v63  }
0x109: {  	_ =	swait.ge [sflag:s16], $0x100  }
0x10a: {  	[sflag:s16] =	ssyncset.done $0x0  }
0x10b: {  	[sflag:s16] =	ssyncadd.s32 $0xFFFFFF00  }
0x10c: {  	_ =	swait.ge [sflag:s17], $0x3800  }
0x10d: {  	[sflag:s17] =	ssyncset.done $0x0  }
0x10e: {  	[sflag:s17] =	ssyncadd.s32 $0xFFFFC800  }
0x10f: {  	[tilespmem:s29], [sflag:$0x2] =	stream.indirect.gather [hbm4b:s1+s25], $0x80, s21, s25, $0xb8;
	[tilespmem:$0x1E6C0] =	vst v63  }
0x110: {  	_ =	swait.ge [sflag:s0], $0x3800  }
0x111: {  	[sflag:s0] =	ssyncset.done $0x0  }
0x112: {  	s22 =	simm.s32 $0x13C40;
	s18 =	rddreg [dreg:$0x6];
	[sflag:s0] =	ssyncadd.s32 $0xFFFFC800  }
0x113: {  	[spmem:s2] =	stream.indirect.scatter.add.f32 [tilespmem:s26], [sflag:$0xA], $0x80, s22, s25, $0xb8;
	[tilespmem:$0x1E6C0] =	vst v63  }
0x114: {  	s18 =	sadd.s32 s14, s18  }
0x115: {  	[tilespmem:s4], [sflag:$0x4] =	stream.linear.gather [hbm4b:s18+s3], $0x100, $0x38;
	[tilespmem:$0x1E6C0] =	vst v63  }
0x116: {  	_ =	swait.ge [sflag:s20], $0x100  }
0x117: {  	[sflag:s20] =	ssyncset.done $0x0  }
0x118: {  	[sflag:s20] =	ssyncadd.s32 $0xFFFFFF00  }
0x119: {  	_ =	swait.ge [sflag:s5], $0x3800  }
0x11a: {  	[sflag:s5] =	ssyncset.done $0x0  }
0x11b: {  	[sflag:s5] =	ssyncadd.s32 $0xFFFFC800  }
0x11c: {  	[tilespmem:s30], [sflag:$0x3] =	stream.indirect.gather [hbm4b:s1+s25], $0x80, s15, s25, $0xb8;
	[tilespmem:$0x1E6C0] =	vst v63  }
0x11d: {  	_ =	swait.ge [sflag:s8], $0x3800  }
0x11e: {  	[sflag:s8] =	ssyncset.done $0x0  }
0x11f: {  	s22 =	simm.s32 $0x13D40;
	s18 =	rddreg [dreg:$0x5];
	[sflag:s8] =	ssyncadd.s32 $0xFFFFC800  }
0x120: {  	[spmem:s2] =	stream.indirect.scatter.add.f32 [tilespmem:s29], [sflag:$0xB], $0x80, s22, s25, $0xb8;
	[tilespmem:$0x1E6C0] =	vst v63  }
0x121: {  	s18 =	sadd.s32 s14, s18  }
0x122: {  	[tilespmem:s23], [sflag:$0x5] =	stream.linear.gather [hbm4b:s18+s3], $0x100, $0x38;
	[tilespmem:$0x1E6C0] =	vst v63  }
0x123: {  	_ =	swait.ge [sflag:s24], $0x100  }
0x124: {  	[sflag:s24] =	ssyncset.done $0x0  }
0x125: {  	[sflag:s24] =	ssyncadd.s32 $0xFFFFFF00  }
0x126: {  	_ =	swait.ge [sflag:s12], $0x3800  }
0x127: {  	[sflag:s12] =	ssyncset.done $0x0  }
0x128: {  	[sflag:s12] =	ssyncadd.s32 $0xFFFFC800  }
0x129: {  	[tilespmem:s26], [sflag:$0x1] =	stream.indirect.gather [hbm4b:s1+s25], $0x80, s4, s25, $0xb8;
	[tilespmem:$0x1E6C0] =	vst v63  }
0x12a: {  	_ =	swait.ge [sflag:s13], $0x3800  }
0x12b: {  	[sflag:s13] =	ssyncset.done $0x0  }
0x12c: {  	s22 =	simm.s32 $0x13E40;
	s18 =	rddreg [dreg:$0x4];
	[sflag:s13] =	ssyncadd.s32 $0xFFFFC800  }
0x12d: {  	[spmem:s2] =	stream.indirect.scatter.add.f32 [tilespmem:s30], [sflag:$0xC], $0x80, s22, s25, $0xb8;
	[tilespmem:$0x1E6C0] =	vst v63  }
0x12e: {  	s14 =	sadd.s32 s14, s18  }
0x12f: {  	[tilespmem:s6], [sflag:$0x6] =	stream.linear.gather [hbm4b:s14+s3], $0x100, $0x38;
	[tilespmem:$0x1E6C0] =	vst v63  }
0x130: {  	p1 =	sne.s32 s9, $0x900;
	_ =	swait.ge [sflag:s28], $0x100  }
.Ltmp3:
0x131: {  	[sflag:s28] =	ssyncset.done $0x0;
	(pc) =	sbr.rel @p1 .LBB2_6-.Ltmp3, $4  }
0x132: {  	[sflag:s28] =	ssyncadd.s32 $0xFFFFFF00  }
0x133: {  	_ =	swait.ge [sflag:s17], $0x3800  }
0x134: {  	[sflag:s17] =	ssyncset.done $0x0  }
0x135: {  	s9 =	sadd.s32 $0xC0, s9;
	[sflag:s17] =	ssyncadd.s32 $0xFFFFC800  }
0x136: {  	[tilespmem:s29], [sflag:$0x2] =	stream.indirect.gather [hbm4b:s1+s25], $0x80, s23, s25, $0xb8;
	[tilespmem:$0x1E6C0] =	vst v63  }
0x137: {  	_ =	swait.ge [sflag:s0], $0x3800  }
0x138: {  	[sflag:s0] =	ssyncset.done $0x0  }
0x139: {  	[sflag:s0] =	ssyncadd.s32 $0xFFFFC800  }
0x13a: {  	[spmem:s2] =	stream.indirect.scatter.add.f32 [tilespmem:s26], [sflag:$0xA], $0x80, s19, s25, $0xb8;
	[tilespmem:$0x1E6C0] =	vst v63  }
0x13b: {  	s4 =	rddreg [dreg:$0x14]  }
0x13c: {  	[tilespmem:s10], [sflag:$0x7] =	stream.linear.gather [hbm4b:s4+s3], $0x100, $0x38;
	[tilespmem:$0x1E6C0] =	vst v63  }
0x13d: {  	_ =	swait.ge [sflag:s7], $0x100  }
0x13e: {  	[sflag:s7] =	ssyncset.done $0x0  }
0x13f: {  	[sflag:s7] =	ssyncadd.s32 $0xFFFFFF00  }
0x140: {  	_ =	swait.ge [sflag:s5], $0x3800  }
0x141: {  	[sflag:s5] =	ssyncset.done $0x0  }
0x142: {  	[sflag:s5] =	ssyncadd.s32 $0xFFFFC800  }
0x143: {  	[tilespmem:s30], [sflag:$0x3] =	stream.indirect.gather [hbm4b:s1+s25], $0x80, s6, s25, $0xb8;
	[tilespmem:$0x1E6C0] =	vst v63  }
0x144: {  	_ =	swait.ge [sflag:s8], $0x3800  }
0x145: {  	[sflag:s8] =	ssyncset.done $0x0  }
0x146: {  	s9 =	simm.s32 $0x13A40;
	[sflag:s8] =	ssyncadd.s32 $0xFFFFC800  }
0x147: {  	[spmem:s2] =	stream.indirect.scatter.add.f32 [tilespmem:s29], [sflag:$0xB], $0x80, s9, s25, $0xb8;
	[tilespmem:$0x1E6C0] =	vst v63  }
0x148: {  	s6 =	rddreg [dreg:$0x15]  }
0x149: {  	[tilespmem:s21], [sflag:$0x8] =	stream.linear.gather [hbm4b:s6+s3], $0x100, $0x38;
	[tilespmem:$0x1E6C0] =	vst v63  }
0x14a: {  	_ =	swait.ge [sflag:s11], $0x100  }
0x14b: {  	[sflag:s11] =	ssyncset.done $0x0  }
0x14c: {  	[sflag:s11] =	ssyncadd.s32 $0xFFFFFF00  }
0x14d: {  	_ =	swait.ge [sflag:s12], $0x3800  }
0x14e: {  	[sflag:s12] =	ssyncset.done $0x0  }
0x14f: {  	[sflag:s12] =	ssyncadd.s32 $0xFFFFC800  }
0x150: {  	[tilespmem:s26], [sflag:$0x1] =	stream.indirect.gather [hbm4b:s1+s25], $0x80, s10, s25, $0xb8;
	[tilespmem:$0x1E6C0] =	vst v63  }
0x151: {  	_ =	swait.ge [sflag:s13], $0x3800  }
0x152: {  	[sflag:s13] =	ssyncset.done $0x0  }
0x153: {  	s9 =	simm.s32 $0x13B40;
	[sflag:s13] =	ssyncadd.s32 $0xFFFFC800  }
0x154: {  	[spmem:s2] =	stream.indirect.scatter.add.f32 [tilespmem:s30], [sflag:$0xC], $0x80, s9, s25, $0xb8;
	[tilespmem:$0x1E6C0] =	vst v63  }
0x155: {  	s10 =	rddreg [dreg:$0x16]  }
0x156: {  	[tilespmem:s15], [sflag:$0x9] =	stream.linear.gather [hbm4b:s10+s3], $0x100, $0x38;
	[tilespmem:$0x1E6C0] =	vst v63  }
0x157: {  	_ =	swait.ge [sflag:s16], $0x100  }
0x158: {  	[sflag:s16] =	ssyncset.done $0x0  }
0x159: {  	[sflag:s16] =	ssyncadd.s32 $0xFFFFFF00  }
0x15a: {  	_ =	swait.ge [sflag:s17], $0x3800  }
0x15b: {  	[sflag:s17] =	ssyncset.done $0x0  }
0x15c: {  	[sflag:s17] =	ssyncadd.s32 $0xFFFFC800  }
0x15d: {  	[tilespmem:s29], [sflag:$0x2] =	stream.indirect.gather [hbm4b:s1+s25], $0x80, s21, s25, $0xb8;
	[tilespmem:$0x1E6C0] =	vst v63  }
0x15e: {  	_ =	swait.ge [sflag:s0], $0x3800  }
0x15f: {  	[sflag:s0] =	ssyncset.done $0x0  }
0x160: {  	s14 =	simm.s32 $0x13C40;
	[sflag:s0] =	ssyncadd.s32 $0xFFFFC800  }
0x161: {  	[spmem:s2] =	stream.indirect.scatter.add.f32 [tilespmem:s26], [sflag:$0xA], $0x80, s14, s25, $0xb8;
	[tilespmem:$0x1E6C0] =	vst v63  }
0x162: {  	_ =	swait.ge [sflag:s20], $0x100  }
0x163: {  	[sflag:s20] =	ssyncset.done $0x0  }
0x164: {  	[sflag:s20] =	ssyncadd.s32 $0xFFFFFF00  }
0x165: {  	_ =	swait.ge [sflag:s5], $0x3800  }
0x166: {  	[sflag:s5] =	ssyncset.done $0x0  }
0x167: {  	[sflag:s5] =	ssyncadd.s32 $0xFFFFC800  }
0x168: {  	[tilespmem:s30], [sflag:$0x3] =	stream.indirect.gather [hbm4b:s1+s25], $0x80, s15, s25, $0xb8;
	[tilespmem:$0x1E6C0] =	vst v63  }
0x169: {  	_ =	swait.ge [sflag:s8], $0x3800  }
0x16a: {  	[sflag:s8] =	ssyncset.done $0x0  }
0x16b: {  	s18 =	simm.s32 $0x13D40;
	[sflag:s8] =	ssyncadd.s32 $0xFFFFC800  }
0x16c: {  	[spmem:s2] =	stream.indirect.scatter.add.f32 [tilespmem:s29], [sflag:$0xB], $0x80, s18, s25, $0xb8;
	[tilespmem:$0x1E6C0] =	vst v63  }
0x16d: {  	_ =	swait.ge [sflag:s12], $0x3800  }
0x16e: {  	[sflag:s12] =	ssyncset.done $0x0  }
0x16f: {  	[sflag:s12] =	ssyncadd.s32 $0xFFFFC800  }
0x170: {  	_ =	swait.ge [sflag:s13], $0x3800  }
0x171: {  	[sflag:s13] =	ssyncset.done $0x0  }
0x172: {  	s19 =	simm.s32 $0x13E40;
	[sflag:s13] =	ssyncadd.s32 $0xFFFFC800  }
0x173: {  	[spmem:s2] =	stream.indirect.scatter.add.f32 [tilespmem:s30], [sflag:$0xC], $0x80, s19, s25, $0xb8;
	[tilespmem:$0x1E6C0] =	vst v63  }
0x174: {  	_ =	swait.ge [sflag:s17], $0x3800  }
0x175: {  	[sflag:s17] =	ssyncset.done $0x0  }
0x176: {  	[sflag:s17] =	ssyncadd.s32 $0xFFFFC800  }
0x177: {  	_ =	swait.ge [sflag:s5], $0x3800  }
0x178: {  	[sflag:s5] =	ssyncset.done $0x0  }
0x179: {  	[sflag:s5] =	ssyncadd.s32 $0xFFFFC800  }
0x17a: {  	s21 =	stileid.u32;
	[bflag:$0x0] =	sbarrier.arrive $0xFFFF  }
.Ltmp4:
0x17b: {  	s22 =	sshll.u32 s21, $0x6;
	s23 =	rddreg [dreg:$0x18];
	(pc) =	sbr.rel @!p0 .LBB2_9-.Ltmp4, $4  }
0x17c: {  	s9 =	sor.u32 $0x1C01, s22;
	s19 =	rddreg [dreg:$0x19];
	s14 =	sshrl.u32 s23, $0x3  }
0x17d: {  	[hbm:s19], [sflag:s9] =	dma.local [spmem:s14], $0x500  }
0x17e: {  	s6 =	simm.s32 $0x13BC0;
	s10 =	simm.s32 $0x13CC0;
	s14 =	rddreg [dreg:$0xa]  }
0x17f: {  	s18 =	sadd.s32 $0x28000, s23;
	s23 =	simm.s32 $0x13AC0;
	s14 =	sadd.s32 $0xFFFFFFFF, s14  }
.LBB2_8:
0x180: {  	p1 =	sne.s32 s14, $0x1;
	s14 =	sadd.s32 $0xFFFFFFFF, s14  }
.Ltmp5:
0x181: {  	s4 =	sshrl.u32 s18, $0x3;
	s19 =	sadd.s32 $0x5000, s19;
	(pc) =	sbr.rel @p1 .LBB2_8-.Ltmp5, $3  }
0x182: {  	[hbm:s19], [sflag:s9] =	dma.local [spmem:s4], $0x500  }
0x183: {  	_ =	sdelay $0x1  }
0x184: {  	s18 =	sadd.s32 $0x28000, s18  }
.LBB2_9:
.Ltmp6:
0x185: {  	(pc) =	sbr.rel @!p0 .LBB2_11-.Ltmp6, $4  }
0x186: {  	_ = 	snop  }
0x187: {  	_ =	swait.ge [sflag:s0], $0x500  }
0x188: {  	s18 =	rddreg [dreg:$0xa]  }
0x189: {  	s21 =	simm.s32 $0x138C0;
	[sflag:s0] =	ssyncset.done $0x0;
	s9 =	sadd.s32 $0xFFFFFFFF, s18  }
.LBB2_10:
0x18a: {  	p0 =	sne.s32 s9, $0x1;
	s9 =	sadd.s32 $0xFFFFFFFF, s9;
	[sflag:s0] =	ssyncadd.s32 $0xFFFFFB00  }
.Ltmp7:
0x18b: {  	(pc) =	sbr.rel @p0 .LBB2_10-.Ltmp7, $3  }
0x18c: {  	_ =	sdelay $0x1  }
0x18d: {  	_ =	swait.ge [sflag:s0], $0x500  }
0x18e: {  	[sflag:s0] =	ssyncset.done $0x0  }
.LBB2_11:
0x18f: {  	s9 =	rddreg [dreg:$0x1a]  }
0x190: {  	s4 =	rddreg [dreg:$0x17];
	s9 =	sadd.s32 $0x1, s9  }
0x191: {  	p0 =	sne.s32 s9, s4  }
.Ltmp8:
0x192: {  	_ = 	snop;
	(pc) =	sbr.rel @p0 .LBB2_1-.Ltmp8, $2  }
0x193: {  	_ =	sdelay $0x2  }
0x194: {  	[sflag:s0] =	ssyncadd.s32 $0xFFFFFB00;
	s19 =	simm.s32 $0x13940;
	s22 =	simm.s32 $0x139C0  }
0x195: {  	_ =	sfence.sel $0x180000  }
0x196: {  	[bflag:$0x0] =	sbarrier.arrive $0xFFFF  }
0x197: {  	_ =	strace $0x9000004A  }
0x198: {  	s0 =	stileid.u32;
	[bflag:$0x2] =	sbarrier.arrive $0xFFFF  }
0x199: {  	p0 =	sne.s32 s0, $0x0;
	s0 =	rddreg [dreg:$0x3]  }
0x19a: {  	s0 =	sadd.s32 @!p0 $0x100000, s0  }
0x19b: {  	[sflag:s0] =	ssyncadd.tile.s32 @!p0 $0x1;
	_ =	shalt  }
.Lfunc_end2:
_tile_overlayer_lowered:
.L_overlay_start_2:
0x19c: {  	(tag) =	ssettag $0x2  }
0x19d: {  	s0 =	rddreg [dreg:$0x0];
	s2 =	stileid.u32  }
0x19e: {  	s1 =	rddreg [dreg:$0x1];
	p0 =	sne.s32 s2, $0x0  }
0x19f: {  	s3 =	rddreg [dreg:$0x2];
	[bflag:$0x3] =	sbarrier.arrive $0xFFFF;
	s2 =	simm.s32 @!p0 $0x1C0D  }
0x1a0: {  	[timem:s3], [sflag:s2] =	dma.local @!p0 [hbm:s0], s1  }
0x1a1: {  	s0 =	simm.s32 @!p0 $0xD  }
0x1a2: {  	_ =	swait.ge @!p0 [sflag:s0], s1  }
0x1a3: {  	s1 =	ssub.s32 @!p0 $0x0, s1;
	[sflag:s0] =	ssyncset.done @!p0 $0x0  }
0x1a4: {  	[sflag:s0] =	ssyncadd.s32 @!p0 s1  }
0x1a5: {  	[bflag:$0x3] =	sbarrier.arrive $0xFFFF  }
0x1a6: {  	_ =	shalt  }

</sc_bundles>
